<compile_context>
chip_gen: v7x
topology: tpu7x:2x2x1
jax: 0.10.2.dev20260603
libtpu: 0.0.44.dev20260713+nightly
codegen_flags: <defaults>
</compile_context>

<pallas_src>
import functools

import jax
import jax.numpy as jnp
from jax import lax
from jax.experimental import pallas as pl
from jax.experimental.pallas import tpu as pltpu
from jax.experimental.pallas import tpu_sc as plsc

N = 10000
E = 320000
G = 128
EMBED_DIM = 256

NB = 1000
NGRID = N // NB
E8 = E * 16 // 128
EB = 4000

NC, NS = 2, 16
NW = NC * NS
EW = E // NW
CHUNK = 1000
NCHUNK = EW // CHUNK
RPS = 624
TAIL = N - NS * RPS



def _dot(a, b):
    return jnp.dot(a, b, preferred_element_type=jnp.float32)


def _prep_body(nf, wa, ba, ws, wd, er, bd, b2, h_o, hs_o, hd_o, t_o):
    h = _dot(nf[...], wa[...]) + ba[...]
    h_o[...] = h
    hs_o[...] = _dot(h, ws[...])
    hd_o[...] = _dot(h, wd[...])
    t_o[...] = _dot(er[...], bd[...]) + b2[...]


def _node_update_body(h, a0, a1, wnh, wna, bn, ws, wd, er, bd, b2,
                      h_o, hs_o, hd_o, t_o):
    agg = a0[...] + a1[...]
    hn = jnp.maximum(_dot(h[...], wnh[...]) + _dot(agg, wna[...]) + bn[...], 0.0)
    h_o[...] = hn
    hs_o[...] = _dot(hn, ws[...])
    hd_o[...] = _dot(hn, wd[...])
    t_o[...] = _dot(er[...], bd[...]) + b2[...]


def _readout_body(h, a0, a1, gi, wnh, wna, bn, wg, bg, wo, out_o, pooled):
    i = pl.program_id(0)

    @pl.when(i == 0)
    def _():
        pooled[...] = jnp.zeros((G, 128), jnp.float32)

    agg = a0[...] + a1[...]
    h3 = jnp.maximum(_dot(h[...], wnh[...]) + _dot(agg, wna[...]) + bn[...], 0.0)
    gi_row = gi[...].reshape(1, NB)
    oht = (lax.broadcasted_iota(jnp.int32, (G, NB), 0) == gi_row).astype(jnp.float32)
    pooled[...] += _dot(oht, h3)

    @pl.when(i == NGRID - 1)
    def _():
        g = jnp.maximum(_dot(pooled[...], wg[...]) + bg[...], 0.0)
        out_o[...] = _dot(g, wo[...])


def _const_spec(shape):
    return pl.BlockSpec(shape, lambda i: (0,) * len(shape))


_prep_call = pl.pallas_call(
    _prep_body,
    grid=(NGRID,),
    in_specs=[
        pl.BlockSpec((NB, 128), lambda i: (i, 0)),
        _const_spec((128, 128)),
        _const_spec((1, 128)),
        _const_spec((128, 16)),
        _const_spec((128, 16)),
        pl.BlockSpec((EB, 128), lambda i: (i, 0)),
        _const_spec((128, 128)),
        _const_spec((1, 128)),
    ],
    out_specs=[
        pl.BlockSpec((NB, 128), lambda i: (i, 0)),
        pl.BlockSpec((NB, 16), lambda i: (i, 0)),
        pl.BlockSpec((NB, 16), lambda i: (i, 0)),
        pl.BlockSpec((EB, 128), lambda i: (i, 0)),
    ],
    out_shape=[
        jax.ShapeDtypeStruct((N, 128), jnp.float32),
        jax.ShapeDtypeStruct((N, 16), jnp.float32),
        jax.ShapeDtypeStruct((N, 16), jnp.float32),
        jax.ShapeDtypeStruct((E8, 128), jnp.float32),
    ],
)

_node_update_call = pl.pallas_call(
    _node_update_body,
    grid=(NGRID,),
    in_specs=[
        pl.BlockSpec((NB, 128), lambda i: (i, 0)),
        pl.BlockSpec((NB, 16), lambda i: (i, 0)),
        pl.BlockSpec((NB, 16), lambda i: (i, 0)),
        _const_spec((128, 128)),
        _const_spec((16, 128)),
        _const_spec((1, 128)),
        _const_spec((128, 16)),
        _const_spec((128, 16)),
        pl.BlockSpec((EB, 128), lambda i: (i, 0)),
        _const_spec((128, 128)),
        _const_spec((1, 128)),
    ],
    out_specs=[
        pl.BlockSpec((NB, 128), lambda i: (i, 0)),
        pl.BlockSpec((NB, 16), lambda i: (i, 0)),
        pl.BlockSpec((NB, 16), lambda i: (i, 0)),
        pl.BlockSpec((EB, 128), lambda i: (i, 0)),
    ],
    out_shape=[
        jax.ShapeDtypeStruct((N, 128), jnp.float32),
        jax.ShapeDtypeStruct((N, 16), jnp.float32),
        jax.ShapeDtypeStruct((N, 16), jnp.float32),
        jax.ShapeDtypeStruct((E8, 128), jnp.float32),
    ],
)

_readout_call = pl.pallas_call(
    _readout_body,
    grid=(NGRID,),
    in_specs=[
        pl.BlockSpec((NB, 128), lambda i: (i, 0)),
        pl.BlockSpec((NB, 16), lambda i: (i, 0)),
        pl.BlockSpec((NB, 16), lambda i: (i, 0)),
        pl.BlockSpec((1, 1, NB), lambda i: (i, 0, 0)),
        _const_spec((128, 128)),
        _const_spec((16, 128)),
        _const_spec((1, 128)),
        _const_spec((128, 128)),
        _const_spec((1, 128)),
        _const_spec((128, EMBED_DIM)),
    ],
    out_specs=pl.BlockSpec((G, EMBED_DIM), lambda i: (0, 0)),
    out_shape=jax.ShapeDtypeStruct((G, EMBED_DIM), jnp.float32),
    scratch_shapes=[pltpu.VMEM((G, 128), jnp.float32)],
)



def _sc_layer_body(ei_hbm, t_hbm, hs_hbm, hd_hbm,
              e_out, agg_out,
              src_i, dst_i, s_rows, d_rows, t_v, agg_sh, hs_sh, hd_sh,
              sem_ld, sem_s, sem_d, sem_st):
    c = lax.axis_index("c")
    s = lax.axis_index("s")
    wid = s * NC + c

    stripe = pl.multiple_of(s * RPS, 8)
    pltpu.sync_copy(hs_hbm.at[pl.ds(stripe, RPS)], hs_sh.at[pl.ds(stripe, RPS)])
    pltpu.sync_copy(hd_hbm.at[pl.ds(stripe, RPS)], hd_sh.at[pl.ds(stripe, RPS)])

    def _zero(i, _):
        s_rows[0, i] = jnp.zeros((16,), jnp.float32)
        return 0
    lax.fori_loop(0, RPS + TAIL, _zero, 0)
    pltpu.sync_copy(s_rows.at[0, pl.ds(0, RPS)], agg_sh.at[pl.ds(stripe, RPS)])

    @pl.when(s == NS - 1)
    def _():
        pltpu.sync_copy(hs_hbm.at[pl.ds(NS * RPS, TAIL)],
                        hs_sh.at[pl.ds(NS * RPS, TAIL)])
        pltpu.sync_copy(hd_hbm.at[pl.ds(NS * RPS, TAIL)],
                        hd_sh.at[pl.ds(NS * RPS, TAIL)])
        pltpu.sync_copy(s_rows.at[0, pl.ds(0, TAIL)],
                        agg_sh.at[pl.ds(NS * RPS, TAIL)])
    plsc.subcore_barrier()

    def _ebase(j):
        return pl.multiple_of(wid * EW + j * CHUNK, 8)

    def _load(j):
        p = j & 1
        eb = _ebase(j)
        pltpu.async_copy(ei_hbm.at[0, pl.ds(eb, CHUNK)], src_i.at[p], sem_ld)
        pltpu.async_copy(ei_hbm.at[1, pl.ds(eb, CHUNK)], dst_i.at[p], sem_ld)
        pltpu.async_copy(t_hbm.at[pl.ds(eb, CHUNK)], t_v.at[p], sem_ld)

    def _wait_load(j):
        p = j & 1
        eb = _ebase(j)
        pltpu.make_async_copy(ei_hbm.at[0, pl.ds(eb, CHUNK)],
                              src_i.at[p], sem_ld).wait()
        pltpu.make_async_copy(ei_hbm.at[1, pl.ds(eb, CHUNK)],
                              dst_i.at[p], sem_ld).wait()
        pltpu.make_async_copy(t_hbm.at[pl.ds(eb, CHUNK)],
                              t_v.at[p], sem_ld).wait()

    def _drain_store(j):
        p = j & 1
        eb = _ebase(j)
        pltpu.make_async_copy(t_v.at[p], e_out.at[pl.ds(eb, CHUNK)],
                              sem_st).wait()

    _load(0)

    def _chunk(j, _):
        p = j & 1
        eb = _ebase(j)
        _wait_load(j)
        H1 = 504
        H2 = CHUNK - H1
        pltpu.async_copy(hs_sh.at[src_i.at[p, pl.ds(0, H1)]],
                         s_rows.at[p, pl.ds(0, H1)], sem_s)
        pltpu.async_copy(hd_sh.at[dst_i.at[p, pl.ds(0, H1)]],
                         d_rows.at[p, pl.ds(0, H1)], sem_d)
        pltpu.async_copy(hs_sh.at[src_i.at[p, pl.ds(H1, H2)]],
                         s_rows.at[p, pl.ds(H1, H2)], sem_s)
        pltpu.async_copy(hd_sh.at[dst_i.at[p, pl.ds(H1, H2)]],
                         d_rows.at[p, pl.ds(H1, H2)], sem_d)

        @pl.when(j >= 1)
        def _():
            _drain_store(j - 1)

        @pl.when(j + 1 < NCHUNK)
        def _():
            _load(j + 1)

        def _ew(i, _):
            t_v[p, i] = jnp.maximum(
                t_v[p, i] + s_rows[p, i] + d_rows[p, i], 0.0)
            return 0

        pltpu.make_async_copy(hs_sh.at[src_i.at[p, pl.ds(0, H1)]],
                              s_rows.at[p, pl.ds(0, H1)], sem_s).wait()
        pltpu.make_async_copy(hd_sh.at[dst_i.at[p, pl.ds(0, H1)]],
                              d_rows.at[p, pl.ds(0, H1)], sem_d).wait()
        lax.fori_loop(0, H1, _ew, 0, unroll=5)
        pltpu.make_async_copy(hs_sh.at[src_i.at[p, pl.ds(H1, H2)]],
                              s_rows.at[p, pl.ds(H1, H2)], sem_s).wait()
        pltpu.make_async_copy(hd_sh.at[dst_i.at[p, pl.ds(H1, H2)]],
                              d_rows.at[p, pl.ds(H1, H2)], sem_d).wait()
        lax.fori_loop(H1, CHUNK, _ew, 0, unroll=5)

        pltpu.async_copy(t_v.at[p], e_out.at[pl.ds(eb, CHUNK)], sem_st)
        pltpu.sync_copy(t_v.at[p], agg_sh.at[dst_i.at[p]], add=True)
        return 0
    lax.fori_loop(0, NCHUNK, _chunk, 0)
    _drain_store(NCHUNK - 1)

    plsc.subcore_barrier()
    stripe2 = pl.multiple_of(s * RPS, 8)
    pltpu.sync_copy(agg_sh.at[pl.ds(stripe2, RPS)],
                    agg_out.at[c, pl.ds(stripe2, RPS)])

    @pl.when(s == NS - 1)
    def _():
        pltpu.sync_copy(agg_sh.at[pl.ds(NS * RPS, TAIL)],
                        agg_out.at[c, pl.ds(NS * RPS, TAIL)])


@functools.cache
def _get_sc_layer():
    return pl.kernel(
        _sc_layer_body,
        out_type=[
            jax.ShapeDtypeStruct((E, 16), jnp.float32),
            jax.ShapeDtypeStruct((NC, N, 16), jnp.float32),
        ],
        mesh=plsc.VectorSubcoreMesh(core_axis_name="c", subcore_axis_name="s",
                                    num_cores=NC, num_subcores=NS),
        compiler_params=pltpu.CompilerParams(use_tc_tiling_on_sc=False),
        scratch_types=[
            pltpu.VMEM((2, CHUNK), jnp.int32),
            pltpu.VMEM((2, CHUNK), jnp.int32),
            pltpu.VMEM((2, CHUNK, 16), jnp.float32),
            pltpu.VMEM((2, CHUNK, 16), jnp.float32),
            pltpu.VMEM((2, CHUNK, 16), jnp.float32),
            pltpu.VMEM_SHARED((N, 16), jnp.float32),
            pltpu.VMEM_SHARED((N, 16), jnp.float32),
            pltpu.VMEM_SHARED((N, 16), jnp.float32),
            pltpu.SemaphoreType.DMA,
            pltpu.SemaphoreType.DMA,
            pltpu.SemaphoreType.DMA,
            pltpu.SemaphoreType.DMA,
        ],
    )



def kernel(node_features, edge_features, edge_index, graph_index,
           W_atom, b_atom, W_bond, b_bond, W_edge, b_edge,
           W_node, b_node, W_graph, b_graph, W_out):
    f32 = jnp.float32
    ei = edge_index.astype(jnp.int32)

    Ws = W_edge[:, :128, :]
    Wd = W_edge[:, 128:256, :]
    We = W_edge[:, 256:, :]
    eye8 = jnp.eye(8, dtype=f32)
    bd0 = jnp.kron(eye8, W_bond @ We[0])
    bb0 = jnp.tile(b_bond @ We[0] + b_edge[0], 8)[None, :]

    h, hs, hd, t = _prep_call(node_features, W_atom, b_atom[None, :],
                              Ws[0], Wd[0],
                              edge_features.reshape(E8, 128), bd0, bb0)
    sc_layer = _get_sc_layer()
    e, agg = sc_layer(ei, t.reshape(E, 16), hs, hd)

    for l in (1, 2):
        bdl = jnp.kron(eye8, We[l])
        bbl = jnp.tile(b_edge[l], 8)[None, :]
        h, hs, hd, t = _node_update_call(
            h, agg[0], agg[1], W_node[l - 1][:128], W_node[l - 1][128:],
            b_node[l - 1][None, :], Ws[l], Wd[l],
            e.reshape(E8, 128), bdl, bbl)
        e, agg = sc_layer(ei, t.reshape(E, 16), hs, hd)

    out = _readout_call(
        h, agg[0], agg[1], graph_index.astype(jnp.int32).reshape(NGRID, 1, NB),
        W_node[2][:128], W_node[2][128:], b_node[2][None, :],
        W_graph, b_graph[None, :], W_out)
    return out

# --- scband reference (transcript-rebuilt; emitter-appended) ---
"""Pipeline reference for scband-ligand-encoder-16466904613138 (READ-ONLY COPY).

The authoritative reference and input builder live on the scoring server;
editing this copy changes nothing except your own understanding.
"""

import jax, jax.numpy as jnp
import numpy as np

N = 10000
E = 320000
NF = 128   # Vocabulary.get_num_node_features()
EF = 16    # Vocabulary.get_num_edge_features()
NODE_DIM = 128
EDGE_DIM = 16
GRAPH_DIM = 128
EMBED_DIM = 256
G = 128    # number of molecules in the batch (len(molecules))
L = 3      # mpnn num_layers


def setup_inputs(seed: int = 0) -> dict:
    key = jax.random.key(seed)
    ks = jax.random.split(key, 16)
    node_features = jax.random.normal(ks[0], (N, NF), dtype=jnp.float32)
    edge_features = jax.random.normal(ks[1], (E, EF), dtype=jnp.float32)
    edge_index = jax.random.randint(ks[2], (2, E), 0, N, dtype=jnp.int64) if jax.config.jax_enable_x64 else jax.random.randint(ks[2], (2, E), 0, N, dtype=jnp.int32)
    graph_index = jnp.sort(jax.random.randint(ks[3], (N,), 0, G, dtype=jnp.int32))
    s = 0.05
    W_atom = jax.random.normal(ks[4], (NF, NODE_DIM), jnp.float32) * (1.0 / np.sqrt(NF))
    b_atom = jnp.zeros((NODE_DIM,), jnp.float32)
    W_bond = jax.random.normal(ks[5], (EF, EDGE_DIM), jnp.float32) * (1.0 / np.sqrt(EF))
    b_bond = jnp.zeros((EDGE_DIM,), jnp.float32)
    W_edge = jax.random.normal(ks[6], (L, 2 * NODE_DIM + EDGE_DIM, EDGE_DIM), jnp.float32) * (1.0 / np.sqrt(2 * NODE_DIM + EDGE_DIM))
    b_edge = jnp.zeros((L, EDGE_DIM), jnp.float32)
    W_node = jax.random.normal(ks[7], (L, NODE_DIM + EDGE_DIM, NODE_DIM), jnp.float32) * (1.0 / np.sqrt(NODE_DIM + EDGE_DIM))
    b_node = jnp.zeros((L, NODE_DIM), jnp.float32)
    W_graph = jax.random.normal(ks[8], (NODE_DIM, GRAPH_DIM), jnp.float32) * (1.0 / np.sqrt(NODE_DIM))
    b_graph = jnp.zeros((GRAPH_DIM,), jnp.float32)
    W_out = jax.random.normal(ks[9], (GRAPH_DIM, EMBED_DIM), jnp.float32) * (1.0 / np.sqrt(GRAPH_DIM))
    return {
        "node_features": node_features,
        "edge_features": edge_features,
        "edge_index": edge_index,
        "graph_index": graph_index,
        "W_atom": W_atom, "b_atom": b_atom,
        "W_bond": W_bond, "b_bond": b_bond,
        "W_edge": W_edge, "b_edge": b_edge,
        "W_node": W_node, "b_node": b_node,
        "W_graph": W_graph, "b_graph": b_graph,
        "W_out": W_out,
    }


def reference(node_features, edge_features, edge_index, graph_index,
              W_atom, b_atom, W_bond, b_bond, W_edge, b_edge,
              W_node, b_node, W_graph, b_graph, W_out):
    # atom_embedder / bond_embedder (nn.Linear)
    h = node_features @ W_atom + b_atom            # [N, NODE_DIM]
    e = edge_features @ W_bond + b_bond            # [E, EDGE_DIM]
    src = edge_index[0]
    dst = edge_index[1]
    # EdgeMessagePassingNetwork: L rounds of edge-message passing
    for l in range(L):
        msg_in = jnp.concatenate([jnp.take(h, src, axis=0),
                                  jnp.take(h, dst, axis=0), e], axis=-1)
        e = jax.nn.relu(msg_in @ W_edge[l] + b_edge[l])               # edge update
        agg = jax.ops.segment_sum(e, dst, num_segments=N)             # scatter-add to dst
        h = jax.nn.relu(jnp.concatenate([h, agg], axis=-1) @ W_node[l] + b_node[l])
    # graph readout into graph_feats (initialized to zeros in the torch module)
    graph_feats = jnp.zeros((G, GRAPH_DIM), dtype=jnp.float32)
    pooled = jax.ops.segment_sum(h, graph_index, num_segments=G)
    g = jax.nn.relu(graph_feats + pooled @ W_graph + b_graph)         # [G, GRAPH_DIM]
    # molecule_linear (bias=False)
    return g @ W_out                                                   # [G, EMBED_DIM]

if __name__ == "__main__":
    import jax
    _d = setup_inputs()
    print(jax.jit(kernel)(*tuple(_d.values())))

</pallas_src>

<mosaic_0001>
#map = affine_map<(d0, d1) -> (0, 0)>
#map1 = affine_map<(d0, d1) -> (0, 0, 0)>
module attributes {stable_mosaic.version = 14 : i64} {
  func.func @_sc_layer_body(%arg0: i32, %arg1: i32, %arg2: memref<2x320000xi32, #tpu.memory_space<hbm>>, %arg3: memref<320000x16xf32, #tpu.memory_space<hbm>>, %arg4: memref<10000x16xf32, #tpu.memory_space<hbm>>, %arg5: memref<10000x16xf32, #tpu.memory_space<hbm>>, %arg6: memref<320000x16xf32, #tpu.memory_space<hbm>>, %arg7: memref<2x10000x16xf32, #tpu.memory_space<hbm>>, %arg8: memref<2x1000xi32, #tpu.memory_space<vmem>>, %arg9: memref<2x1000xi32, #tpu.memory_space<vmem>>, %arg10: memref<2x1000x16xf32, #tpu.memory_space<vmem>>, %arg11: memref<2x1000x16xf32, #tpu.memory_space<vmem>>, %arg12: memref<2x1000x16xf32, #tpu.memory_space<vmem>>, %arg13: memref<10000x16xf32, #tpu.memory_space<vmem_shared>>, %arg14: memref<10000x16xf32, #tpu.memory_space<vmem_shared>>, %arg15: memref<10000x16xf32, #tpu.memory_space<vmem_shared>>, %arg16: memref<!tpu.dma_semaphore, #tpu.memory_space<semaphore_mem>>, %arg17: memref<!tpu.dma_semaphore, #tpu.memory_space<semaphore_mem>>, %arg18: memref<!tpu.dma_semaphore, #tpu.memory_space<semaphore_mem>>, %arg19: memref<!tpu.dma_semaphore, #tpu.memory_space<semaphore_mem>>) attributes {dimension_semantics = [#tpu.dimension_semantics<core_parallel>, #tpu.dimension_semantics<subcore_parallel>], iteration_bounds = array<i64: 2, 16>, scalar_prefetch = 0 : i64, scratch_operands = 12 : i64, tpu.core_type = #tpu.core_type<sc_vector_subcore>, window_params = [{transform_indices = #map}, {transform_indices = #map}, {transform_indices = #map}, {transform_indices = #map}, {transform_indices = #map}, {transform_indices = #map1}]} {
    %mul3A = arith.constant 2 : i32
    %mul3A_0 = arith.muli %arg1, %mul3A : i32
    %add3A = arith.addi %mul3A_0, %arg0 : i32
    %mul3A_1 = arith.constant 624 : i32
    %mul3A_2 = arith.muli %arg1, %mul3A_1 : i32
    %multiple_of3A = tpu.assume_multiple %mul3A_2, 8 : i32
    "tpu.region"() ({
      %run_scoped3A_85 = tpu.sem_alloc : memref<!tpu.dma_semaphore, #tpu.memory_space<semaphore_mem>>
      %dma_start3A_86 = arith.constant 0 : i32
      %dma_start3A_87 = tpu.memref_slice %arg14[%multiple_of3A, %dma_start3A_86] : memref<10000x16xf32, #tpu.memory_space<vmem_shared>> -> memref<624x16xf32, #tpu.memory_space<vmem_shared>>
      %dma_start3A_88 = arith.constant 0 : i32
      %dma_start3A_89 = tpu.memref_slice %arg4[%multiple_of3A, %dma_start3A_88] : memref<10000x16xf32, #tpu.memory_space<hbm>> -> memref<624x16xf32, #tpu.memory_space<hbm>>
      tpu.enqueue_dma source(%dma_start3A_89 : memref<624x16xf32, #tpu.memory_space<hbm>>) target(%dma_start3A_87 : memref<624x16xf32, #tpu.memory_space<vmem_shared>>) target_semaphore(%run_scoped3A_85 : memref<!tpu.dma_semaphore, #tpu.memory_space<semaphore_mem>>)
      %dma_wait3A_90 = arith.constant 0 : i32
      %dma_wait3A_91 = tpu.memref_slice %arg14[%multiple_of3A, %dma_wait3A_90] : memref<10000x16xf32, #tpu.memory_space<vmem_shared>> -> memref<624x16xf32, #tpu.memory_space<vmem_shared>>
      %dma_wait3A_92 = arith.constant 0 : i32
      %dma_wait3A_93 = tpu.memref_slice %arg4[%multiple_of3A, %dma_wait3A_92] : memref<10000x16xf32, #tpu.memory_space<hbm>> -> memref<624x16xf32, #tpu.memory_space<hbm>>
      tpu.wait_dma2 semaphore(%run_scoped3A_85 : memref<!tpu.dma_semaphore, #tpu.memory_space<semaphore_mem>>) src(%dma_wait3A_93 : memref<624x16xf32, #tpu.memory_space<hbm>>) dst(%dma_wait3A_91 : memref<624x16xf32, #tpu.memory_space<vmem_shared>>)
      tpu.yield
    }) : () -> ()
    "tpu.region"() ({
      %run_scoped3A_85 = tpu.sem_alloc : memref<!tpu.dma_semaphore, #tpu.memory_space<semaphore_mem>>
      %dma_start3A_86 = arith.constant 0 : i32
      %dma_start3A_87 = tpu.memref_slice %arg15[%multiple_of3A, %dma_start3A_86] : memref<10000x16xf32, #tpu.memory_space<vmem_shared>> -> memref<624x16xf32, #tpu.memory_space<vmem_shared>>
      %dma_start3A_88 = arith.constant 0 : i32
      %dma_start3A_89 = tpu.memref_slice %arg5[%multiple_of3A, %dma_start3A_88] : memref<10000x16xf32, #tpu.memory_space<hbm>> -> memref<624x16xf32, #tpu.memory_space<hbm>>
      tpu.enqueue_dma source(%dma_start3A_89 : memref<624x16xf32, #tpu.memory_space<hbm>>) target(%dma_start3A_87 : memref<624x16xf32, #tpu.memory_space<vmem_shared>>) target_semaphore(%run_scoped3A_85 : memref<!tpu.dma_semaphore, #tpu.memory_space<semaphore_mem>>)
      %dma_wait3A_90 = arith.constant 0 : i32
      %dma_wait3A_91 = tpu.memref_slice %arg15[%multiple_of3A, %dma_wait3A_90] : memref<10000x16xf32, #tpu.memory_space<vmem_shared>> -> memref<624x16xf32, #tpu.memory_space<vmem_shared>>
      %dma_wait3A_92 = arith.constant 0 : i32
      %dma_wait3A_93 = tpu.memref_slice %arg5[%multiple_of3A, %dma_wait3A_92] : memref<10000x16xf32, #tpu.memory_space<hbm>> -> memref<624x16xf32, #tpu.memory_space<hbm>>
      tpu.wait_dma2 semaphore(%run_scoped3A_85 : memref<!tpu.dma_semaphore, #tpu.memory_space<semaphore_mem>>) src(%dma_wait3A_93 : memref<624x16xf32, #tpu.memory_space<hbm>>) dst(%dma_wait3A_91 : memref<624x16xf32, #tpu.memory_space<vmem_shared>>)
      tpu.yield
    }) : () -> ()
    %scan3A = arith.constant 0 : i32
    %scan3A_3 = arith.constant 0 : i32
    %scan3A_4 = arith.constant 640 : i32
    %scan3A_5 = arith.addi %scan3A_3, %scan3A_4 : i32
    %scan3A_6 = arith.constant 1 : i32
    %scan3A_7 = scf.for %scan3A_85 = %scan3A_3 to %scan3A_5 step %scan3A_6 iter_args(%scan3A_86 = %scan3A) -> (i32)  : i32 {
      %broadcast_in_dim3A = arith.constant 0.000000e+00 : f32
      %broadcast_in_dim3A_87 = vector.broadcast %broadcast_in_dim3A : f32 to vector<16xf32>
      %swap3A = arith.constant 0 : i32
      %swap3A_88 = arith.index_cast %swap3A : i32 to index
      %swap3A_89 = arith.index_cast %scan3A_85 : i32 to index
      %swap3A_90 = arith.constant 0 : index
      %swap3A_91 = tpu.vector_load %arg10[%swap3A_88, %swap3A_89, %swap3A_90] {strides = array<i32>} : memref<2x1000x16xf32, #tpu.memory_space<vmem>>, vector<1x1x16xf32>,
      %swap3A_92 = vector.shape_cast %swap3A_91 : vector<1x1x16xf32> to vector<16xf32>
      %swap3A_93 = vector.shape_cast %broadcast_in_dim3A_87 : vector<16xf32> to vector<1x1x16xf32>
      tpu.vector_store %arg10[%swap3A_88, %swap3A_89, %swap3A_90], %swap3A_93 {strides = array<i32>} : memref<2x1000x16xf32, #tpu.memory_space<vmem>>, vector<1x1x16xf32>,
      %scan3A_94 = arith.constant 0 : i32
      scf.yield %scan3A_94 : i32
    }
    %scan3A_8 = arith.constant 640 : i32
    %run_scoped3A = arith.constant 0 : i32
    "tpu.region"() ({
      %run_scoped3A_85 = tpu.sem_alloc : memref<!tpu.dma_semaphore, #tpu.memory_space<semaphore_mem>>
      %dma_start3A_86 = arith.constant 0 : i32
      %dma_start3A_87 = arith.constant 0 : i32
      %dma_start3A_88 = tpu.memref_slice %arg10[%run_scoped3A, %dma_start3A_86, %dma_start3A_87] : memref<2x1000x16xf32, #tpu.memory_space<vmem>> -> memref<1x624x16xf32, #tpu.memory_space<vmem>>
      %dma_start3A_89 = tpu.memref_squeeze %dma_start3A_88 : memref<1x624x16xf32, #tpu.memory_space<vmem>> -> memref<624x16xf32, #tpu.memory_space<vmem>>
      %dma_start3A_90 = arith.constant 0 : i32
      %dma_start3A_91 = tpu.memref_slice %arg13[%multiple_of3A, %dma_start3A_90] : memref<10000x16xf32, #tpu.memory_space<vmem_shared>> -> memref<624x16xf32, #tpu.memory_space<vmem_shared>>
      %dma_start3A_92 = arith.constant 0 : i32
      %dma_start3A_93 = tpu.memref_slice %arg13[%multiple_of3A, %dma_start3A_92] : memref<10000x16xf32, #tpu.memory_space<vmem_shared>> -> memref<624x16xf32, #tpu.memory_space<vmem_shared>>
      %dma_start3A_94 = arith.constant 0 : i32
      %dma_start3A_95 = arith.constant 0 : i32
      %dma_start3A_96 = tpu.memref_slice %arg10[%run_scoped3A, %dma_start3A_94, %dma_start3A_95] : memref<2x1000x16xf32, #tpu.memory_space<vmem>> -> memref<1x624x16xf32, #tpu.memory_space<vmem>>
      %dma_start3A_97 = tpu.memref_squeeze %dma_start3A_96 : memref<1x624x16xf32, #tpu.memory_space<vmem>> -> memref<624x16xf32, #tpu.memory_space<vmem>>
      tpu.enqueue_dma source(%dma_start3A_97 : memref<624x16xf32, #tpu.memory_space<vmem>>) target(%dma_start3A_93 : memref<624x16xf32, #tpu.memory_space<vmem_shared>>) target_semaphore(%run_scoped3A_85 : memref<!tpu.dma_semaphore, #tpu.memory_space<semaphore_mem>>)
      %dma_wait3A_98 = arith.constant 0 : i32
      %dma_wait3A_99 = arith.constant 0 : i32
      %dma_wait3A_100 = tpu.memref_slice %arg10[%run_scoped3A, %dma_wait3A_98, %dma_wait3A_99] : memref<2x1000x16xf32, #tpu.memory_space<vmem>> -> memref<1x624x16xf32, #tpu.memory_space<vmem>>
      %dma_wait3A_101 = tpu.memref_squeeze %dma_wait3A_100 : memref<1x624x16xf32, #tpu.memory_space<vmem>> -> memref<624x16xf32, #tpu.memory_space<vmem>>
      %dma_wait3A_102 = arith.constant 0 : i32
      %dma_wait3A_103 = tpu.memref_slice %arg13[%multiple_of3A, %dma_wait3A_102] : memref<10000x16xf32, #tpu.memory_space<vmem_shared>> -> memref<624x16xf32, #tpu.memory_space<vmem_shared>>
      %dma_wait3A_104 = arith.constant 0 : i32
      %dma_wait3A_105 = tpu.memref_slice %arg13[%multiple_of3A, %dma_wait3A_104] : memref<10000x16xf32, #tpu.memory_space<vmem_shared>> -> memref<624x16xf32, #tpu.memory_space<vmem_shared>>
      %dma_wait3A_106 = arith.constant 0 : i32
      %dma_wait3A_107 = arith.constant 0 : i32
      %dma_wait3A_108 = tpu.memref_slice %arg10[%run_scoped3A, %dma_wait3A_106, %dma_wait3A_107] : memref<2x1000x16xf32, #tpu.memory_space<vmem>> -> memref<1x624x16xf32, #tpu.memory_space<vmem>>
      %dma_wait3A_109 = tpu.memref_squeeze %dma_wait3A_108 : memref<1x624x16xf32, #tpu.memory_space<vmem>> -> memref<624x16xf32, #tpu.memory_space<vmem>>
      tpu.wait_dma2 semaphore(%run_scoped3A_85 : memref<!tpu.dma_semaphore, #tpu.memory_space<semaphore_mem>>) src(%dma_wait3A_109 : memref<624x16xf32, #tpu.memory_space<vmem>>) dst(%dma_wait3A_105 : memref<624x16xf32, #tpu.memory_space<vmem_shared>>)
      tpu.yield
    }) : () -> ()
    %eq3A = arith.constant 15 : i32
    %eq3A_9 = arith.cmpi eq, %arg1, %eq3A : i32
    %convert_element_type3A = arith.extui %eq3A_9 : i1 to i32
    %cond3A = arith.constant 0 : i32
    %cond3A_10 = arith.cmpi ne, %convert_element_type3A, %cond3A : i32
    scf.if %cond3A_10 {
      "tpu.region"() ({
        %run_scoped3A_86 = tpu.sem_alloc : memref<!tpu.dma_semaphore, #tpu.memory_space<semaphore_mem>>
        %dma_start3A_87 = arith.constant 9984 : i32
        %dma_start3A_88 = arith.constant 0 : i32
        %dma_start3A_89 = tpu.memref_slice %arg14[%dma_start3A_87, %dma_start3A_88] : memref<10000x16xf32, #tpu.memory_space<vmem_shared>> -> memref<16x16xf32, #tpu.memory_space<vmem_shared>>
        %dma_start3A_90 = arith.constant 9984 : i32
        %dma_start3A_91 = arith.constant 0 : i32
        %dma_start3A_92 = tpu.memref_slice %arg4[%dma_start3A_90, %dma_start3A_91] : memref<10000x16xf32, #tpu.memory_space<hbm>> -> memref<16x16xf32, #tpu.memory_space<hbm>>
        tpu.enqueue_dma source(%dma_start3A_92 : memref<16x16xf32, #tpu.memory_space<hbm>>) target(%dma_start3A_89 : memref<16x16xf32, #tpu.memory_space<vmem_shared>>) target_semaphore(%run_scoped3A_86 : memref<!tpu.dma_semaphore, #tpu.memory_space<semaphore_mem>>)
        %dma_wait3A_93 = arith.constant 9984 : i32
        %dma_wait3A_94 = arith.constant 0 : i32
        %dma_wait3A_95 = tpu.memref_slice %arg14[%dma_wait3A_93, %dma_wait3A_94] : memref<10000x16xf32, #tpu.memory_space<vmem_shared>> -> memref<16x16xf32, #tpu.memory_space<vmem_shared>>
        %dma_wait3A_96 = arith.constant 9984 : i32
        %dma_wait3A_97 = arith.constant 0 : i32
        %dma_wait3A_98 = tpu.memref_slice %arg4[%dma_wait3A_96, %dma_wait3A_97] : memref<10000x16xf32, #tpu.memory_space<hbm>> -> memref<16x16xf32, #tpu.memory_space<hbm>>
        tpu.wait_dma2 semaphore(%run_scoped3A_86 : memref<!tpu.dma_semaphore, #tpu.memory_space<semaphore_mem>>) src(%dma_wait3A_98 : memref<16x16xf32, #tpu.memory_space<hbm>>) dst(%dma_wait3A_95 : memref<16x16xf32, #tpu.memory_space<vmem_shared>>)
        tpu.yield
      }) : () -> ()
      "tpu.region"() ({
        %run_scoped3A_86 = tpu.sem_alloc : memref<!tpu.dma_semaphore, #tpu.memory_space<semaphore_mem>>
        %dma_start3A_87 = arith.constant 9984 : i32
        %dma_start3A_88 = arith.constant 0 : i32
        %dma_start3A_89 = tpu.memref_slice %arg15[%dma_start3A_87, %dma_start3A_88] : memref<10000x16xf32, #tpu.memory_space<vmem_shared>> -> memref<16x16xf32, #tpu.memory_space<vmem_shared>>
        %dma_start3A_90 = arith.constant 9984 : i32
        %dma_start3A_91 = arith.constant 0 : i32
        %dma_start3A_92 = tpu.memref_slice %arg5[%dma_start3A_90, %dma_start3A_91] : memref<10000x16xf32, #tpu.memory_space<hbm>> -> memref<16x16xf32, #tpu.memory_space<hbm>>
        tpu.enqueue_dma source(%dma_start3A_92 : memref<16x16xf32, #tpu.memory_space<hbm>>) target(%dma_start3A_89 : memref<16x16xf32, #tpu.memory_space<vmem_shared>>) target_semaphore(%run_scoped3A_86 : memref<!tpu.dma_semaphore, #tpu.memory_space<semaphore_mem>>)
        %dma_wait3A_93 = arith.constant 9984 : i32
        %dma_wait3A_94 = arith.constant 0 : i32
        %dma_wait3A_95 = tpu.memref_slice %arg15[%dma_wait3A_93, %dma_wait3A_94] : memref<10000x16xf32, #tpu.memory_space<vmem_shared>> -> memref<16x16xf32, #tpu.memory_space<vmem_shared>>
        %dma_wait3A_96 = arith.constant 9984 : i32
        %dma_wait3A_97 = arith.constant 0 : i32
        %dma_wait3A_98 = tpu.memref_slice %arg5[%dma_wait3A_96, %dma_wait3A_97] : memref<10000x16xf32, #tpu.memory_space<hbm>> -> memref<16x16xf32, #tpu.memory_space<hbm>>
        tpu.wait_dma2 semaphore(%run_scoped3A_86 : memref<!tpu.dma_semaphore, #tpu.memory_space<semaphore_mem>>) src(%dma_wait3A_98 : memref<16x16xf32, #tpu.memory_space<hbm>>) dst(%dma_wait3A_95 : memref<16x16xf32, #tpu.memory_space<vmem_shared>>)
        tpu.yield
      }) : () -> ()
      %run_scoped3A_85 = arith.constant 0 : i32
      "tpu.region"() ({
        %run_scoped3A_86 = tpu.sem_alloc : memref<!tpu.dma_semaphore, #tpu.memory_space<semaphore_mem>>
        %dma_start3A_87 = arith.constant 0 : i32
        %dma_start3A_88 = arith.constant 0 : i32
        %dma_start3A_89 = tpu.memref_slice %arg10[%run_scoped3A_85, %dma_start3A_87, %dma_start3A_88] : memref<2x1000x16xf32, #tpu.memory_space<vmem>> -> memref<1x16x16xf32, #tpu.memory_space<vmem>>
        %dma_start3A_90 = tpu.memref_squeeze %dma_start3A_89 : memref<1x16x16xf32, #tpu.memory_space<vmem>> -> memref<16x16xf32, #tpu.memory_space<vmem>>
        %dma_start3A_91 = arith.constant 9984 : i32
        %dma_start3A_92 = arith.constant 0 : i32
        %dma_start3A_93 = tpu.memref_slice %arg13[%dma_start3A_91, %dma_start3A_92] : memref<10000x16xf32, #tpu.memory_space<vmem_shared>> -> memref<16x16xf32, #tpu.memory_space<vmem_shared>>
        %dma_start3A_94 = arith.constant 9984 : i32
        %dma_start3A_95 = arith.constant 0 : i32
        %dma_start3A_96 = tpu.memref_slice %arg13[%dma_start3A_94, %dma_start3A_95] : memref<10000x16xf32, #tpu.memory_space<vmem_shared>> -> memref<16x16xf32, #tpu.memory_space<vmem_shared>>
        %dma_start3A_97 = arith.constant 0 : i32
        %dma_start3A_98 = arith.constant 0 : i32
        %dma_start3A_99 = tpu.memref_slice %arg10[%run_scoped3A_85, %dma_start3A_97, %dma_start3A_98] : memref<2x1000x16xf32, #tpu.memory_space<vmem>> -> memref<1x16x16xf32, #tpu.memory_space<vmem>>
        %dma_start3A_100 = tpu.memref_squeeze %dma_start3A_99 : memref<1x16x16xf32, #tpu.memory_space<vmem>> -> memref<16x16xf32, #tpu.memory_space<vmem>>
        tpu.enqueue_dma source(%dma_start3A_100 : memref<16x16xf32, #tpu.memory_space<vmem>>) target(%dma_start3A_96 : memref<16x16xf32, #tpu.memory_space<vmem_shared>>) target_semaphore(%run_scoped3A_86 : memref<!tpu.dma_semaphore, #tpu.memory_space<semaphore_mem>>)
        %dma_wait3A_101 = arith.constant 0 : i32
        %dma_wait3A_102 = arith.constant 0 : i32
        %dma_wait3A_103 = tpu.memref_slice %arg10[%run_scoped3A_85, %dma_wait3A_101, %dma_wait3A_102] : memref<2x1000x16xf32, #tpu.memory_space<vmem>> -> memref<1x16x16xf32, #tpu.memory_space<vmem>>
        %dma_wait3A_104 = tpu.memref_squeeze %dma_wait3A_103 : memref<1x16x16xf32, #tpu.memory_space<vmem>> -> memref<16x16xf32, #tpu.memory_space<vmem>>
        %dma_wait3A_105 = arith.constant 9984 : i32
        %dma_wait3A_106 = arith.constant 0 : i32
        %dma_wait3A_107 = tpu.memref_slice %arg13[%dma_wait3A_105, %dma_wait3A_106] : memref<10000x16xf32, #tpu.memory_space<vmem_shared>> -> memref<16x16xf32, #tpu.memory_space<vmem_shared>>
        %dma_wait3A_108 = arith.constant 9984 : i32
        %dma_wait3A_109 = arith.constant 0 : i32
        %dma_wait3A_110 = tpu.memref_slice %arg13[%dma_wait3A_108, %dma_wait3A_109] : memref<10000x16xf32, #tpu.memory_space<vmem_shared>> -> memref<16x16xf32, #tpu.memory_space<vmem_shared>>
        %dma_wait3A_111 = arith.constant 0 : i32
        %dma_wait3A_112 = arith.constant 0 : i32
        %dma_wait3A_113 = tpu.memref_slice %arg10[%run_scoped3A_85, %dma_wait3A_111, %dma_wait3A_112] : memref<2x1000x16xf32, #tpu.memory_space<vmem>> -> memref<1x16x16xf32, #tpu.memory_space<vmem>>
        %dma_wait3A_114 = tpu.memref_squeeze %dma_wait3A_113 : memref<1x16x16xf32, #tpu.memory_space<vmem>> -> memref<16x16xf32, #tpu.memory_space<vmem>>
        tpu.wait_dma2 semaphore(%run_scoped3A_86 : memref<!tpu.dma_semaphore, #tpu.memory_space<semaphore_mem>>) src(%dma_wait3A_114 : memref<16x16xf32, #tpu.memory_space<vmem>>) dst(%dma_wait3A_110 : memref<16x16xf32, #tpu.memory_space<vmem_shared>>)
        tpu.yield
      }) : () -> ()
    } else {
    }
    %barrier3A = arith.constant 0 : index
    tpu.barrier barrier_id(%barrier3A)
    %mul3A_11 = arith.constant 10000 : i32
    %mul3A_12 = arith.muli %add3A, %mul3A_11 : i32
    %add3A_13 = arith.constant 0 : i32
    %add3A_14 = arith.addi %mul3A_12, %add3A_13 : i32
    %multiple_of3A_15 = tpu.assume_multiple %add3A_14, 8 : i32
    %dma_start3A = arith.constant 0 : i32
    %dma_start3A_16 = arith.constant 0 : i32
    %dma_start3A_17 = arith.constant 0 : i32
    %dma_start3A_18 = tpu.memref_slice %arg8[%dma_start3A_16, %dma_start3A_17] : memref<2x1000xi32, #tpu.memory_space<vmem>> -> memref<1x1000xi32, #tpu.memory_space<vmem>>
    %dma_start3A_19 = tpu.memref_squeeze %dma_start3A_18 : memref<1x1000xi32, #tpu.memory_space<vmem>> -> memref<1000xi32, #tpu.memory_space<vmem>>
    %dma_start3A_20 = tpu.memref_slice %arg2[%dma_start3A, %multiple_of3A_15] : memref<2x320000xi32, #tpu.memory_space<hbm>> -> memref<1x1000xi32, #tpu.memory_space<hbm>>
    %dma_start3A_21 = tpu.memref_squeeze %dma_start3A_20 : memref<1x1000xi32, #tpu.memory_space<hbm>> -> memref<1000xi32, #tpu.memory_space<hbm>>
    %dma_start3A_22 = arith.constant 0 : i32
    %dma_start3A_23 = tpu.memref_slice %arg8[%dma_start3A_16, %dma_start3A_22] : memref<2x1000xi32, #tpu.memory_space<vmem>> -> memref<1x1000xi32, #tpu.memory_space<vmem>>
    %dma_start3A_24 = tpu.memref_squeeze %dma_start3A_23 : memref<1x1000xi32, #tpu.memory_space<vmem>> -> memref<1000xi32, #tpu.memory_space<vmem>>
    %dma_start3A_25 = tpu.memref_slice %arg2[%dma_start3A, %multiple_of3A_15] : memref<2x320000xi32, #tpu.memory_space<hbm>> -> memref<1x1000xi32, #tpu.memory_space<hbm>>
    %dma_start3A_26 = tpu.memref_squeeze %dma_start3A_25 : memref<1x1000xi32, #tpu.memory_space<hbm>> -> memref<1000xi32, #tpu.memory_space<hbm>>
    tpu.enqueue_dma source(%dma_start3A_26 : memref<1000xi32, #tpu.memory_space<hbm>>) target(%dma_start3A_24 : memref<1000xi32, #tpu.memory_space<vmem>>) target_semaphore(%arg16 : memref<!tpu.dma_semaphore, #tpu.memory_space<semaphore_mem>>)
    %dma_start3A_27 = arith.constant 1 : i32
    %dma_start3A_28 = arith.constant 0 : i32
    %dma_start3A_29 = arith.constant 0 : i32
    %dma_start3A_30 = tpu.memref_slice %arg9[%dma_start3A_28, %dma_start3A_29] : memref<2x1000xi32, #tpu.memory_space<vmem>> -> memref<1x1000xi32, #tpu.memory_space<vmem>>
    %dma_start3A_31 = tpu.memref_squeeze %dma_start3A_30 : memref<1x1000xi32, #tpu.memory_space<vmem>> -> memref<1000xi32, #tpu.memory_space<vmem>>
    %dma_start3A_32 = tpu.memref_slice %arg2[%dma_start3A_27, %multiple_of3A_15] : memref<2x320000xi32, #tpu.memory_space<hbm>> -> memref<1x1000xi32, #tpu.memory_space<hbm>>
    %dma_start3A_33 = tpu.memref_squeeze %dma_start3A_32 : memref<1x1000xi32, #tpu.memory_space<hbm>> -> memref<1000xi32, #tpu.memory_space<hbm>>
    %dma_start3A_34 = arith.constant 0 : i32
    %dma_start3A_35 = tpu.memref_slice %arg9[%dma_start3A_28, %dma_start3A_34] : memref<2x1000xi32, #tpu.memory_space<vmem>> -> memref<1x1000xi32, #tpu.memory_space<vmem>>
    %dma_start3A_36 = tpu.memref_squeeze %dma_start3A_35 : memref<1x1000xi32, #tpu.memory_space<vmem>> -> memref<1000xi32, #tpu.memory_space<vmem>>
    %dma_start3A_37 = tpu.memref_slice %arg2[%dma_start3A_27, %multiple_of3A_15] : memref<2x320000xi32, #tpu.memory_space<hbm>> -> memref<1x1000xi32, #tpu.memory_space<hbm>>
    %dma_start3A_38 = tpu.memref_squeeze %dma_start3A_37 : memref<1x1000xi32, #tpu.memory_space<hbm>> -> memref<1000xi32, #tpu.memory_space<hbm>>
    tpu.enqueue_dma source(%dma_start3A_38 : memref<1000xi32, #tpu.memory_space<hbm>>) target(%dma_start3A_36 : memref<1000xi32, #tpu.memory_space<vmem>>) target_semaphore(%arg16 : memref<!tpu.dma_semaphore, #tpu.memory_space<semaphore_mem>>)
    %dma_start3A_39 = arith.constant 0 : i32
    %dma_start3A_40 = arith.constant 0 : i32
    %dma_start3A_41 = arith.constant 0 : i32
    %dma_start3A_42 = tpu.memref_slice %arg12[%dma_start3A_39, %dma_start3A_40, %dma_start3A_41] : memref<2x1000x16xf32, #tpu.memory_space<vmem>> -> memref<1x1000x16xf32, #tpu.memory_space<vmem>>
    %dma_start3A_43 = tpu.memref_squeeze %dma_start3A_42 : memref<1x1000x16xf32, #tpu.memory_space<vmem>> -> memref<1000x16xf32, #tpu.memory_space<vmem>>
    %dma_start3A_44 = arith.constant 0 : i32
    %dma_start3A_45 = tpu.memref_slice %arg3[%multiple_of3A_15, %dma_start3A_44] : memref<320000x16xf32, #tpu.memory_space<hbm>> -> memref<1000x16xf32, #tpu.memory_space<hbm>>
    %dma_start3A_46 = arith.constant 0 : i32
    %dma_start3A_47 = arith.constant 0 : i32
    %dma_start3A_48 = tpu.memref_slice %arg12[%dma_start3A_39, %dma_start3A_46, %dma_start3A_47] : memref<2x1000x16xf32, #tpu.memory_space<vmem>> -> memref<1x1000x16xf32, #tpu.memory_space<vmem>>
    %dma_start3A_49 = tpu.memref_squeeze %dma_start3A_48 : memref<1x1000x16xf32, #tpu.memory_space<vmem>> -> memref<1000x16xf32, #tpu.memory_space<vmem>>
    %dma_start3A_50 = arith.constant 0 : i32
    %dma_start3A_51 = tpu.memref_slice %arg3[%multiple_of3A_15, %dma_start3A_50] : memref<320000x16xf32, #tpu.memory_space<hbm>> -> memref<1000x16xf32, #tpu.memory_space<hbm>>
    tpu.enqueue_dma source(%dma_start3A_51 : memref<1000x16xf32, #tpu.memory_space<hbm>>) target(%dma_start3A_49 : memref<1000x16xf32, #tpu.memory_space<vmem>>) target_semaphore(%arg16 : memref<!tpu.dma_semaphore, #tpu.memory_space<semaphore_mem>>)
    %scan3A_52 = arith.constant 0 : i32
    %scan3A_53 = arith.constant 0 : i32
    %scan3A_54 = arith.constant 10 : i32
    %scan3A_55 = arith.addi %scan3A_53, %scan3A_54 : i32
    %scan3A_56 = arith.constant 1 : i32
    %scan3A_57 = scf.for %scan3A_85 = %scan3A_53 to %scan3A_55 step %scan3A_56 iter_args(%scan3A_86 = %scan3A_52) -> (i32)  : i32 {
      %and3A = arith.constant 1 : i32
      %and3A_87 = arith.andi %scan3A_85, %and3A : i32
      %mul3A_88 = arith.constant 10000 : i32
      %mul3A_89 = arith.muli %add3A, %mul3A_88 : i32
      %mul3A_90 = arith.constant 1000 : i32
      %mul3A_91 = arith.muli %scan3A_85, %mul3A_90 : i32
      %add3A_92 = arith.addi %mul3A_89, %mul3A_91 : i32
      %multiple_of3A_93 = tpu.assume_multiple %add3A_92, 8 : i32
      %and3A_94 = arith.constant 1 : i32
      %and3A_95 = arith.andi %scan3A_85, %and3A_94 : i32
      %mul3A_96 = arith.constant 10000 : i32
      %mul3A_97 = arith.muli %add3A, %mul3A_96 : i32
      %mul3A_98 = arith.constant 1000 : i32
      %mul3A_99 = arith.muli %scan3A_85, %mul3A_98 : i32
      %add3A_100 = arith.addi %mul3A_97, %mul3A_99 : i32
      %multiple_of3A_101 = tpu.assume_multiple %add3A_100, 8 : i32
      %dma_wait3A_102 = arith.constant 0 : i32
      %dma_wait3A_103 = arith.constant 0 : i32
      %dma_wait3A_104 = tpu.memref_slice %arg8[%and3A_95, %dma_wait3A_103] : memref<2x1000xi32, #tpu.memory_space<vmem>> -> memref<1x1000xi32, #tpu.memory_space<vmem>>
      %dma_wait3A_105 = tpu.memref_squeeze %dma_wait3A_104 : memref<1x1000xi32, #tpu.memory_space<vmem>> -> memref<1000xi32, #tpu.memory_space<vmem>>
      %dma_wait3A_106 = tpu.memref_slice %arg2[%dma_wait3A_102, %multiple_of3A_101] : memref<2x320000xi32, #tpu.memory_space<hbm>> -> memref<1x1000xi32, #tpu.memory_space<hbm>>
      %dma_wait3A_107 = tpu.memref_squeeze %dma_wait3A_106 : memref<1x1000xi32, #tpu.memory_space<hbm>> -> memref<1000xi32, #tpu.memory_space<hbm>>
      %dma_wait3A_108 = arith.constant 0 : i32
      %dma_wait3A_109 = tpu.memref_slice %arg8[%and3A_95, %dma_wait3A_108] : memref<2x1000xi32, #tpu.memory_space<vmem>> -> memref<1x1000xi32, #tpu.memory_space<vmem>>
      %dma_wait3A_110 = tpu.memref_squeeze %dma_wait3A_109 : memref<1x1000xi32, #tpu.memory_space<vmem>> -> memref<1000xi32, #tpu.memory_space<vmem>>
      %dma_wait3A_111 = tpu.memref_slice %arg2[%dma_wait3A_102, %multiple_of3A_101] : memref<2x320000xi32, #tpu.memory_space<hbm>> -> memref<1x1000xi32, #tpu.memory_space<hbm>>
      %dma_wait3A_112 = tpu.memref_squeeze %dma_wait3A_111 : memref<1x1000xi32, #tpu.memory_space<hbm>> -> memref<1000xi32, #tpu.memory_space<hbm>>
      tpu.wait_dma2 semaphore(%arg16 : memref<!tpu.dma_semaphore, #tpu.memory_space<semaphore_mem>>) src(%dma_wait3A_112 : memref<1000xi32, #tpu.memory_space<hbm>>) dst(%dma_wait3A_110 : memref<1000xi32, #tpu.memory_space<vmem>>)
      %dma_wait3A_113 = arith.constant 1 : i32
      %dma_wait3A_114 = arith.constant 0 : i32
      %dma_wait3A_115 = tpu.memref_slice %arg9[%and3A_95, %dma_wait3A_114] : memref<2x1000xi32, #tpu.memory_space<vmem>> -> memref<1x1000xi32, #tpu.memory_space<vmem>>
      %dma_wait3A_116 = tpu.memref_squeeze %dma_wait3A_115 : memref<1x1000xi32, #tpu.memory_space<vmem>> -> memref<1000xi32, #tpu.memory_space<vmem>>
      %dma_wait3A_117 = tpu.memref_slice %arg2[%dma_wait3A_113, %multiple_of3A_101] : memref<2x320000xi32, #tpu.memory_space<hbm>> -> memref<1x1000xi32, #tpu.memory_space<hbm>>
      %dma_wait3A_118 = tpu.memref_squeeze %dma_wait3A_117 : memref<1x1000xi32, #tpu.memory_space<hbm>> -> memref<1000xi32, #tpu.memory_space<hbm>>
      %dma_wait3A_119 = arith.constant 0 : i32
      %dma_wait3A_120 = tpu.memref_slice %arg9[%and3A_95, %dma_wait3A_119] : memref<2x1000xi32, #tpu.memory_space<vmem>> -> memref<1x1000xi32, #tpu.memory_space<vmem>>
      %dma_wait3A_121 = tpu.memref_squeeze %dma_wait3A_120 : memref<1x1000xi32, #tpu.memory_space<vmem>> -> memref<1000xi32, #tpu.memory_space<vmem>>
      %dma_wait3A_122 = tpu.memref_slice %arg2[%dma_wait3A_113, %multiple_of3A_101] : memref<2x320000xi32, #tpu.memory_space<hbm>> -> memref<1x1000xi32, #tpu.memory_space<hbm>>
      %dma_wait3A_123 = tpu.memref_squeeze %dma_wait3A_122 : memref<1x1000xi32, #tpu.memory_space<hbm>> -> memref<1000xi32, #tpu.memory_space<hbm>>
      tpu.wait_dma2 semaphore(%arg16 : memref<!tpu.dma_semaphore, #tpu.memory_space<semaphore_mem>>) src(%dma_wait3A_123 : memref<1000xi32, #tpu.memory_space<hbm>>) dst(%dma_wait3A_121 : memref<1000xi32, #tpu.memory_space<vmem>>)
      %dma_wait3A_124 = arith.constant 0 : i32
      %dma_wait3A_125 = arith.constant 0 : i32
      %dma_wait3A_126 = tpu.memref_slice %arg12[%and3A_95, %dma_wait3A_124, %dma_wait3A_125] : memref<2x1000x16xf32, #tpu.memory_space<vmem>> -> memref<1x1000x16xf32, #tpu.memory_space<vmem>>
      %dma_wait3A_127 = tpu.memref_squeeze %dma_wait3A_126 : memref<1x1000x16xf32, #tpu.memory_space<vmem>> -> memref<1000x16xf32, #tpu.memory_space<vmem>>
      %dma_wait3A_128 = arith.constant 0 : i32
      %dma_wait3A_129 = tpu.memref_slice %arg3[%multiple_of3A_101, %dma_wait3A_128] : memref<320000x16xf32, #tpu.memory_space<hbm>> -> memref<1000x16xf32, #tpu.memory_space<hbm>>
      %dma_wait3A_130 = arith.constant 0 : i32
      %dma_wait3A_131 = arith.constant 0 : i32
      %dma_wait3A_132 = tpu.memref_slice %arg12[%and3A_95, %dma_wait3A_130, %dma_wait3A_131] : memref<2x1000x16xf32, #tpu.memory_space<vmem>> -> memref<1x1000x16xf32, #tpu.memory_space<vmem>>
      %dma_wait3A_133 = tpu.memref_squeeze %dma_wait3A_132 : memref<1x1000x16xf32, #tpu.memory_space<vmem>> -> memref<1000x16xf32, #tpu.memory_space<vmem>>
      %dma_wait3A_134 = arith.constant 0 : i32
      %dma_wait3A_135 = tpu.memref_slice %arg3[%multiple_of3A_101, %dma_wait3A_134] : memref<320000x16xf32, #tpu.memory_space<hbm>> -> memref<1000x16xf32, #tpu.memory_space<hbm>>
      tpu.wait_dma2 semaphore(%arg16 : memref<!tpu.dma_semaphore, #tpu.memory_space<semaphore_mem>>) src(%dma_wait3A_135 : memref<1000x16xf32, #tpu.memory_space<hbm>>) dst(%dma_wait3A_133 : memref<1000x16xf32, #tpu.memory_space<vmem>>)
      %dma_start3A_136 = arith.constant 0 : i32
      %dma_start3A_137 = arith.constant 0 : i32
      %dma_start3A_138 = tpu.memref_slice %arg10[%and3A_87, %dma_start3A_136, %dma_start3A_137] : memref<2x1000x16xf32, #tpu.memory_space<vmem>> -> memref<1x504x16xf32, #tpu.memory_space<vmem>>
      %dma_start3A_139 = tpu.memref_squeeze %dma_start3A_138 : memref<1x504x16xf32, #tpu.memory_space<vmem>> -> memref<504x16xf32, #tpu.memory_space<vmem>>
      %dma_start3A_140 = arith.constant 0 : i32
      %dma_start3A_141 = tpu.memref_slice %arg8[%and3A_87, %dma_start3A_140] : memref<2x1000xi32, #tpu.memory_space<vmem>> -> memref<1x504xi32, #tpu.memory_space<vmem>>
      %dma_start3A_142 = tpu.memref_squeeze %dma_start3A_141 : memref<1x504xi32, #tpu.memory_space<vmem>> -> memref<504xi32, #tpu.memory_space<vmem>>
      %dma_start3A_143 = arith.constant 0 : i32
      %dma_start3A_144 = arith.constant 0 : i32
      %dma_start3A_145 = tpu.memref_slice %arg14[%dma_start3A_143, %dma_start3A_144] : memref<10000x16xf32, #tpu.memory_space<vmem_shared>> -> memref<10000x16xf32, #tpu.memory_space<vmem_shared>>
      tpu.enqueue_indirect_dma source(%dma_start3A_145 : memref<10000x16xf32, #tpu.memory_space<vmem_shared>>) target(%dma_start3A_139 : memref<504x16xf32, #tpu.memory_space<vmem>>) offsets(%dma_start3A_142 : memref<504xi32, #tpu.memory_space<vmem>>) semaphore(%arg17 : memref<!tpu.dma_semaphore, #tpu.memory_space<semaphore_mem>>)
      %dma_start3A_146 = arith.constant 0 : i32
      %dma_start3A_147 = arith.constant 0 : i32
      %dma_start3A_148 = tpu.memref_slice %arg11[%and3A_87, %dma_start3A_146, %dma_start3A_147] : memref<2x1000x16xf32, #tpu.memory_space<vmem>> -> memref<1x504x16xf32, #tpu.memory_space<vmem>>
      %dma_start3A_149 = tpu.memref_squeeze %dma_start3A_148 : memref<1x504x16xf32, #tpu.memory_space<vmem>> -> memref<504x16xf32, #tpu.memory_space<vmem>>
      %dma_start3A_150 = arith.constant 0 : i32
      %dma_start3A_151 = tpu.memref_slice %arg9[%and3A_87, %dma_start3A_150] : memref<2x1000xi32, #tpu.memory_space<vmem>> -> memref<1x504xi32, #tpu.memory_space<vmem>>
      %dma_start3A_152 = tpu.memref_squeeze %dma_start3A_151 : memref<1x504xi32, #tpu.memory_space<vmem>> -> memref<504xi32, #tpu.memory_space<vmem>>
      %dma_start3A_153 = arith.constant 0 : i32
      %dma_start3A_154 = arith.constant 0 : i32
      %dma_start3A_155 = tpu.memref_slice %arg15[%dma_start3A_153, %dma_start3A_154] : memref<10000x16xf32, #tpu.memory_space<vmem_shared>> -> memref<10000x16xf32, #tpu.memory_space<vmem_shared>>
      tpu.enqueue_indirect_dma source(%dma_start3A_155 : memref<10000x16xf32, #tpu.memory_space<vmem_shared>>) target(%dma_start3A_149 : memref<504x16xf32, #tpu.memory_space<vmem>>) offsets(%dma_start3A_152 : memref<504xi32, #tpu.memory_space<vmem>>) semaphore(%arg18 : memref<!tpu.dma_semaphore, #tpu.memory_space<semaphore_mem>>)
      %dma_start3A_156 = arith.constant 504 : i32
      %dma_start3A_157 = arith.constant 0 : i32
      %dma_start3A_158 = tpu.memref_slice %arg10[%and3A_87, %dma_start3A_156, %dma_start3A_157] : memref<2x1000x16xf32, #tpu.memory_space<vmem>> -> memref<1x496x16xf32, #tpu.memory_space<vmem>>
      %dma_start3A_159 = tpu.memref_squeeze %dma_start3A_158 : memref<1x496x16xf32, #tpu.memory_space<vmem>> -> memref<496x16xf32, #tpu.memory_space<vmem>>
      %dma_start3A_160 = arith.constant 504 : i32
      %dma_start3A_161 = tpu.memref_slice %arg8[%and3A_87, %dma_start3A_160] : memref<2x1000xi32, #tpu.memory_space<vmem>> -> memref<1x496xi32, #tpu.memory_space<vmem>>
      %dma_start3A_162 = tpu.memref_squeeze %dma_start3A_161 : memref<1x496xi32, #tpu.memory_space<vmem>> -> memref<496xi32, #tpu.memory_space<vmem>>
      %dma_start3A_163 = arith.constant 0 : i32
      %dma_start3A_164 = arith.constant 0 : i32
      %dma_start3A_165 = tpu.memref_slice %arg14[%dma_start3A_163, %dma_start3A_164] : memref<10000x16xf32, #tpu.memory_space<vmem_shared>> -> memref<10000x16xf32, #tpu.memory_space<vmem_shared>>
      tpu.enqueue_indirect_dma source(%dma_start3A_165 : memref<10000x16xf32, #tpu.memory_space<vmem_shared>>) target(%dma_start3A_159 : memref<496x16xf32, #tpu.memory_space<vmem>>) offsets(%dma_start3A_162 : memref<496xi32, #tpu.memory_space<vmem>>) semaphore(%arg17 : memref<!tpu.dma_semaphore, #tpu.memory_space<semaphore_mem>>)
      %dma_start3A_166 = arith.constant 504 : i32
      %dma_start3A_167 = arith.constant 0 : i32
      %dma_start3A_168 = tpu.memref_slice %arg11[%and3A_87, %dma_start3A_166, %dma_start3A_167] : memref<2x1000x16xf32, #tpu.memory_space<vmem>> -> memref<1x496x16xf32, #tpu.memory_space<vmem>>
      %dma_start3A_169 = tpu.memref_squeeze %dma_start3A_168 : memref<1x496x16xf32, #tpu.memory_space<vmem>> -> memref<496x16xf32, #tpu.memory_space<vmem>>
      %dma_start3A_170 = arith.constant 504 : i32
      %dma_start3A_171 = tpu.memref_slice %arg9[%and3A_87, %dma_start3A_170] : memref<2x1000xi32, #tpu.memory_space<vmem>> -> memref<1x496xi32, #tpu.memory_space<vmem>>
      %dma_start3A_172 = tpu.memref_squeeze %dma_start3A_171 : memref<1x496xi32, #tpu.memory_space<vmem>> -> memref<496xi32, #tpu.memory_space<vmem>>
      %dma_start3A_173 = arith.constant 0 : i32
      %dma_start3A_174 = arith.constant 0 : i32
      %dma_start3A_175 = tpu.memref_slice %arg15[%dma_start3A_173, %dma_start3A_174] : memref<10000x16xf32, #tpu.memory_space<vmem_shared>> -> memref<10000x16xf32, #tpu.memory_space<vmem_shared>>
      tpu.enqueue_indirect_dma source(%dma_start3A_175 : memref<10000x16xf32, #tpu.memory_space<vmem_shared>>) target(%dma_start3A_169 : memref<496x16xf32, #tpu.memory_space<vmem>>) offsets(%dma_start3A_172 : memref<496xi32, #tpu.memory_space<vmem>>) semaphore(%arg18 : memref<!tpu.dma_semaphore, #tpu.memory_space<semaphore_mem>>)
      %ge3A = arith.constant 1 : i32
      %ge3A_176 = arith.cmpi sge, %scan3A_85, %ge3A : i32
      %convert_element_type3A_177 = arith.extui %ge3A_176 : i1 to i32
      %cond3A_178 = arith.constant 0 : i32
      %cond3A_179 = arith.cmpi ne, %convert_element_type3A_177, %cond3A_178 : i32
      scf.if %cond3A_179 {
        %sub3A = arith.constant 1 : i32
        %sub3A_395 = arith.subi %scan3A_85, %sub3A : i32
        %and3A_396 = arith.constant 1 : i32
        %and3A_397 = arith.andi %sub3A_395, %and3A_396 : i32
        %mul3A_398 = arith.constant 10000 : i32
        %mul3A_399 = arith.muli %add3A, %mul3A_398 : i32
        %mul3A_400 = arith.constant 1000 : i32
        %mul3A_401 = arith.muli %sub3A_395, %mul3A_400 : i32
        %add3A_402 = arith.addi %mul3A_399, %mul3A_401 : i32
        %multiple_of3A_403 = tpu.assume_multiple %add3A_402, 8 : i32
        %dma_wait3A_404 = arith.constant 0 : i32
        %dma_wait3A_405 = arith.constant 0 : i32
        %dma_wait3A_406 = tpu.memref_slice %arg12[%and3A_397, %dma_wait3A_404, %dma_wait3A_405] : memref<2x1000x16xf32, #tpu.memory_space<vmem>> -> memref<1x1000x16xf32, #tpu.memory_space<vmem>>
        %dma_wait3A_407 = tpu.memref_squeeze %dma_wait3A_406 : memref<1x1000x16xf32, #tpu.memory_space<vmem>> -> memref<1000x16xf32, #tpu.memory_space<vmem>>
        %dma_wait3A_408 = arith.constant 0 : i32
        %dma_wait3A_409 = tpu.memref_slice %arg6[%multiple_of3A_403, %dma_wait3A_408] : memref<320000x16xf32, #tpu.memory_space<hbm>> -> memref<1000x16xf32, #tpu.memory_space<hbm>>
        %dma_wait3A_410 = arith.constant 0 : i32
        %dma_wait3A_411 = tpu.memref_slice %arg6[%multiple_of3A_403, %dma_wait3A_410] : memref<320000x16xf32, #tpu.memory_space<hbm>> -> memref<1000x16xf32, #tpu.memory_space<hbm>>
        %dma_wait3A_412 = arith.constant 0 : i32
        %dma_wait3A_413 = arith.constant 0 : i32
        %dma_wait3A_414 = tpu.memref_slice %arg12[%and3A_397, %dma_wait3A_412, %dma_wait3A_413] : memref<2x1000x16xf32, #tpu.memory_space<vmem>> -> memref<1x1000x16xf32, #tpu.memory_space<vmem>>
        %dma_wait3A_415 = tpu.memref_squeeze %dma_wait3A_414 : memref<1x1000x16xf32, #tpu.memory_space<vmem>> -> memref<1000x16xf32, #tpu.memory_space<vmem>>
        tpu.wait_dma2 semaphore(%arg19 : memref<!tpu.dma_semaphore, #tpu.memory_space<semaphore_mem>>) src(%dma_wait3A_415 : memref<1000x16xf32, #tpu.memory_space<vmem>>) dst(%dma_wait3A_411 : memref<1000x16xf32, #tpu.memory_space<hbm>>)
      } else {
      }
      %add3A_180 = arith.constant 1 : i32
      %add3A_181 = arith.addi %scan3A_85, %add3A_180 : i32
      %lt3A = arith.constant 10 : i32
      %lt3A_182 = arith.cmpi slt, %add3A_181, %lt3A : i32
      %convert_element_type3A_183 = arith.extui %lt3A_182 : i1 to i32
      %cond3A_184 = arith.constant 0 : i32
      %cond3A_185 = arith.cmpi ne, %convert_element_type3A_183, %cond3A_184 : i32
      scf.if %cond3A_185 {
        %add3A_395 = arith.constant 1 : i32
        %add3A_396 = arith.addi %scan3A_85, %add3A_395 : i32
        %and3A_397 = arith.constant 1 : i32
        %and3A_398 = arith.andi %add3A_396, %and3A_397 : i32
        %mul3A_399 = arith.constant 10000 : i32
        %mul3A_400 = arith.muli %add3A, %mul3A_399 : i32
        %mul3A_401 = arith.constant 1000 : i32
        %mul3A_402 = arith.muli %add3A_396, %mul3A_401 : i32
        %add3A_403 = arith.addi %mul3A_400, %mul3A_402 : i32
        %multiple_of3A_404 = tpu.assume_multiple %add3A_403, 8 : i32
        %dma_start3A_405 = arith.constant 0 : i32
        %dma_start3A_406 = arith.constant 0 : i32
        %dma_start3A_407 = tpu.memref_slice %arg8[%and3A_398, %dma_start3A_406] : memref<2x1000xi32, #tpu.memory_space<vmem>> -> memref<1x1000xi32, #tpu.memory_space<vmem>>
        %dma_start3A_408 = tpu.memref_squeeze %dma_start3A_407 : memref<1x1000xi32, #tpu.memory_space<vmem>> -> memref<1000xi32, #tpu.memory_space<vmem>>
        %dma_start3A_409 = tpu.memref_slice %arg2[%dma_start3A_405, %multiple_of3A_404] : memref<2x320000xi32, #tpu.memory_space<hbm>> -> memref<1x1000xi32, #tpu.memory_space<hbm>>
        %dma_start3A_410 = tpu.memref_squeeze %dma_start3A_409 : memref<1x1000xi32, #tpu.memory_space<hbm>> -> memref<1000xi32, #tpu.memory_space<hbm>>
        %dma_start3A_411 = arith.constant 0 : i32
        %dma_start3A_412 = tpu.memref_slice %arg8[%and3A_398, %dma_start3A_411] : memref<2x1000xi32, #tpu.memory_space<vmem>> -> memref<1x1000xi32, #tpu.memory_space<vmem>>
        %dma_start3A_413 = tpu.memref_squeeze %dma_start3A_412 : memref<1x1000xi32, #tpu.memory_space<vmem>> -> memref<1000xi32, #tpu.memory_space<vmem>>
        %dma_start3A_414 = tpu.memref_slice %arg2[%dma_start3A_405, %multiple_of3A_404] : memref<2x320000xi32, #tpu.memory_space<hbm>> -> memref<1x1000xi32, #tpu.memory_space<hbm>>
        %dma_start3A_415 = tpu.memref_squeeze %dma_start3A_414 : memref<1x1000xi32, #tpu.memory_space<hbm>> -> memref<1000xi32, #tpu.memory_space<hbm>>
        tpu.enqueue_dma source(%dma_start3A_415 : memref<1000xi32, #tpu.memory_space<hbm>>) target(%dma_start3A_413 : memref<1000xi32, #tpu.memory_space<vmem>>) target_semaphore(%arg16 : memref<!tpu.dma_semaphore, #tpu.memory_space<semaphore_mem>>)
        %dma_start3A_416 = arith.constant 1 : i32
        %dma_start3A_417 = arith.constant 0 : i32
        %dma_start3A_418 = tpu.memref_slice %arg9[%and3A_398, %dma_start3A_417] : memref<2x1000xi32, #tpu.memory_space<vmem>> -> memref<1x1000xi32, #tpu.memory_space<vmem>>
        %dma_start3A_419 = tpu.memref_squeeze %dma_start3A_418 : memref<1x1000xi32, #tpu.memory_space<vmem>> -> memref<1000xi32, #tpu.memory_space<vmem>>
        %dma_start3A_420 = tpu.memref_slice %arg2[%dma_start3A_416, %multiple_of3A_404] : memref<2x320000xi32, #tpu.memory_space<hbm>> -> memref<1x1000xi32, #tpu.memory_space<hbm>>
        %dma_start3A_421 = tpu.memref_squeeze %dma_start3A_420 : memref<1x1000xi32, #tpu.memory_space<hbm>> -> memref<1000xi32, #tpu.memory_space<hbm>>
        %dma_start3A_422 = arith.constant 0 : i32
        %dma_start3A_423 = tpu.memref_slice %arg9[%and3A_398, %dma_start3A_422] : memref<2x1000xi32, #tpu.memory_space<vmem>> -> memref<1x1000xi32, #tpu.memory_space<vmem>>
        %dma_start3A_424 = tpu.memref_squeeze %dma_start3A_423 : memref<1x1000xi32, #tpu.memory_space<vmem>> -> memref<1000xi32, #tpu.memory_space<vmem>>
        %dma_start3A_425 = tpu.memref_slice %arg2[%dma_start3A_416, %multiple_of3A_404] : memref<2x320000xi32, #tpu.memory_space<hbm>> -> memref<1x1000xi32, #tpu.memory_space<hbm>>
        %dma_start3A_426 = tpu.memref_squeeze %dma_start3A_425 : memref<1x1000xi32, #tpu.memory_space<hbm>> -> memref<1000xi32, #tpu.memory_space<hbm>>
        tpu.enqueue_dma source(%dma_start3A_426 : memref<1000xi32, #tpu.memory_space<hbm>>) target(%dma_start3A_424 : memref<1000xi32, #tpu.memory_space<vmem>>) target_semaphore(%arg16 : memref<!tpu.dma_semaphore, #tpu.memory_space<semaphore_mem>>)
        %dma_start3A_427 = arith.constant 0 : i32
        %dma_start3A_428 = arith.constant 0 : i32
        %dma_start3A_429 = tpu.memref_slice %arg12[%and3A_398, %dma_start3A_427, %dma_start3A_428] : memref<2x1000x16xf32, #tpu.memory_space<vmem>> -> memref<1x1000x16xf32, #tpu.memory_space<vmem>>
        %dma_start3A_430 = tpu.memref_squeeze %dma_start3A_429 : memref<1x1000x16xf32, #tpu.memory_space<vmem>> -> memref<1000x16xf32, #tpu.memory_space<vmem>>
        %dma_start3A_431 = arith.constant 0 : i32
        %dma_start3A_432 = tpu.memref_slice %arg3[%multiple_of3A_404, %dma_start3A_431] : memref<320000x16xf32, #tpu.memory_space<hbm>> -> memref<1000x16xf32, #tpu.memory_space<hbm>>
        %dma_start3A_433 = arith.constant 0 : i32
        %dma_start3A_434 = arith.constant 0 : i32
        %dma_start3A_435 = tpu.memref_slice %arg12[%and3A_398, %dma_start3A_433, %dma_start3A_434] : memref<2x1000x16xf32, #tpu.memory_space<vmem>> -> memref<1x1000x16xf32, #tpu.memory_space<vmem>>
        %dma_start3A_436 = tpu.memref_squeeze %dma_start3A_435 : memref<1x1000x16xf32, #tpu.memory_space<vmem>> -> memref<1000x16xf32, #tpu.memory_space<vmem>>
        %dma_start3A_437 = arith.constant 0 : i32
        %dma_start3A_438 = tpu.memref_slice %arg3[%multiple_of3A_404, %dma_start3A_437] : memref<320000x16xf32, #tpu.memory_space<hbm>> -> memref<1000x16xf32, #tpu.memory_space<hbm>>
        tpu.enqueue_dma source(%dma_start3A_438 : memref<1000x16xf32, #tpu.memory_space<hbm>>) target(%dma_start3A_436 : memref<1000x16xf32, #tpu.memory_space<vmem>>) target_semaphore(%arg16 : memref<!tpu.dma_semaphore, #tpu.memory_space<semaphore_mem>>)
      } else {
      }
      %dma_wait3A_186 = arith.constant 0 : i32
      %dma_wait3A_187 = arith.constant 0 : i32
      %dma_wait3A_188 = tpu.memref_slice %arg10[%and3A_87, %dma_wait3A_186, %dma_wait3A_187] : memref<2x1000x16xf32, #tpu.memory_space<vmem>> -> memref<1x504x16xf32, #tpu.memory_space<vmem>>
      %dma_wait3A_189 = tpu.memref_squeeze %dma_wait3A_188 : memref<1x504x16xf32, #tpu.memory_space<vmem>> -> memref<504x16xf32, #tpu.memory_space<vmem>>
      %dma_wait3A_190 = arith.constant 0 : i32
      %dma_wait3A_191 = tpu.memref_slice %arg8[%and3A_87, %dma_wait3A_190] : memref<2x1000xi32, #tpu.memory_space<vmem>> -> memref<1x504xi32, #tpu.memory_space<vmem>>
      %dma_wait3A_192 = tpu.memref_squeeze %dma_wait3A_191 : memref<1x504xi32, #tpu.memory_space<vmem>> -> memref<504xi32, #tpu.memory_space<vmem>>
      %dma_wait3A_193 = arith.constant 0 : i32
      %dma_wait3A_194 = arith.constant 0 : i32
      %dma_wait3A_195 = tpu.memref_slice %arg14[%dma_wait3A_193, %dma_wait3A_194] : memref<10000x16xf32, #tpu.memory_space<vmem_shared>> -> memref<10000x16xf32, #tpu.memory_space<vmem_shared>>
      tpu.wait_indirect_dma semaphore(%arg17 : memref<!tpu.dma_semaphore, #tpu.memory_space<semaphore_mem>>) src(%dma_wait3A_195 : memref<10000x16xf32, #tpu.memory_space<vmem_shared>>) dst(%dma_wait3A_189 : memref<504x16xf32, #tpu.memory_space<vmem>>)
      %dma_wait3A_196 = arith.constant 0 : i32
      %dma_wait3A_197 = arith.constant 0 : i32
      %dma_wait3A_198 = tpu.memref_slice %arg11[%and3A_87, %dma_wait3A_196, %dma_wait3A_197] : memref<2x1000x16xf32, #tpu.memory_space<vmem>> -> memref<1x504x16xf32, #tpu.memory_space<vmem>>
      %dma_wait3A_199 = tpu.memref_squeeze %dma_wait3A_198 : memref<1x504x16xf32, #tpu.memory_space<vmem>> -> memref<504x16xf32, #tpu.memory_space<vmem>>
      %dma_wait3A_200 = arith.constant 0 : i32
      %dma_wait3A_201 = tpu.memref_slice %arg9[%and3A_87, %dma_wait3A_200] : memref<2x1000xi32, #tpu.memory_space<vmem>> -> memref<1x504xi32, #tpu.memory_space<vmem>>
      %dma_wait3A_202 = tpu.memref_squeeze %dma_wait3A_201 : memref<1x504xi32, #tpu.memory_space<vmem>> -> memref<504xi32, #tpu.memory_space<vmem>>
      %dma_wait3A_203 = arith.constant 0 : i32
      %dma_wait3A_204 = arith.constant 0 : i32
      %dma_wait3A_205 = tpu.memref_slice %arg15[%dma_wait3A_203, %dma_wait3A_204] : memref<10000x16xf32, #tpu.memory_space<vmem_shared>> -> memref<10000x16xf32, #tpu.memory_space<vmem_shared>>
      tpu.wait_indirect_dma semaphore(%arg18 : memref<!tpu.dma_semaphore, #tpu.memory_space<semaphore_mem>>) src(%dma_wait3A_205 : memref<10000x16xf32, #tpu.memory_space<vmem_shared>>) dst(%dma_wait3A_199 : memref<504x16xf32, #tpu.memory_space<vmem>>)
      %scan3A_206 = arith.constant 0 : i32
      %scan3A_207 = arith.constant 0 : i32
      %scan3A_208 = arith.constant 500 : i32
      %scan3A_209 = arith.addi %scan3A_207, %scan3A_208 : i32
      %scan3A_210 = arith.constant 5 : i32
      %scan3A_211 = scf.for %scan3A_395 = %scan3A_207 to %scan3A_209 step %scan3A_210 iter_args(%scan3A_396 = %scan3A_206) -> (i32)  : i32 {
        %get3A_397 = arith.index_cast %and3A_87 : i32 to index
        %get3A_398 = arith.index_cast %scan3A_395 : i32 to index
        %get3A_399 = arith.constant 0 : index
        %get3A_400 = tpu.vector_load %arg12[%get3A_397, %get3A_398, %get3A_399] {strides = array<i32>} : memref<2x1000x16xf32, #tpu.memory_space<vmem>>, vector<1x1x16xf32>,
        %get3A_401 = vector.shape_cast %get3A_400 : vector<1x1x16xf32> to vector<16xf32>
        %get3A_402 = arith.index_cast %and3A_87 : i32 to index
        %get3A_403 = arith.index_cast %scan3A_395 : i32 to index
        %get3A_404 = arith.constant 0 : index
        %get3A_405 = tpu.vector_load %arg10[%get3A_402, %get3A_403, %get3A_404] {strides = array<i32>} : memref<2x1000x16xf32, #tpu.memory_space<vmem>>, vector<1x1x16xf32>,
        %get3A_406 = vector.shape_cast %get3A_405 : vector<1x1x16xf32> to vector<16xf32>
        %add3A_407 = arith.addf %get3A_401, %get3A_406 : vector<16xf32>
        %get3A_408 = arith.index_cast %and3A_87 : i32 to index
        %get3A_409 = arith.index_cast %scan3A_395 : i32 to index
        %get3A_410 = arith.constant 0 : index
        %get3A_411 = tpu.vector_load %arg11[%get3A_408, %get3A_409, %get3A_410] {strides = array<i32>} : memref<2x1000x16xf32, #tpu.memory_space<vmem>>, vector<1x1x16xf32>,
        %get3A_412 = vector.shape_cast %get3A_411 : vector<1x1x16xf32> to vector<16xf32>
        %add3A_413 = arith.addf %add3A_407, %get3A_412 : vector<16xf32>
        %max3A_414 = arith.constant 0.000000e+00 : f32
        %max3A_415 = vector.broadcast %max3A_414 : f32 to vector<16xf32>
        %max3A_416 = arith.maximumf %add3A_413, %max3A_415 : vector<16xf32>
        %swap3A_417 = arith.index_cast %and3A_87 : i32 to index
        %swap3A_418 = arith.index_cast %scan3A_395 : i32 to index
        %swap3A_419 = arith.constant 0 : index
        %swap3A_420 = tpu.vector_load %arg12[%swap3A_417, %swap3A_418, %swap3A_419] {strides = array<i32>} : memref<2x1000x16xf32, #tpu.memory_space<vmem>>, vector<1x1x16xf32>,
        %swap3A_421 = vector.shape_cast %swap3A_420 : vector<1x1x16xf32> to vector<16xf32>
        %swap3A_422 = vector.shape_cast %max3A_416 : vector<16xf32> to vector<1x1x16xf32>
        tpu.vector_store %arg12[%swap3A_417, %swap3A_418, %swap3A_419], %swap3A_422 {strides = array<i32>} : memref<2x1000x16xf32, #tpu.memory_space<vmem>>, vector<1x1x16xf32>,
        %scan3A_423 = arith.constant 0 : i32
        %scan3A_424 = arith.constant 1 : i32
        %scan3A_425 = arith.addi %scan3A_395, %scan3A_424 : i32
        %get3A_426 = arith.index_cast %and3A_87 : i32 to index
        %get3A_427 = arith.index_cast %scan3A_425 : i32 to index
        %get3A_428 = arith.constant 0 : index
        %get3A_429 = tpu.vector_load %arg12[%get3A_426, %get3A_427, %get3A_428] {strides = array<i32>} : memref<2x1000x16xf32, #tpu.memory_space<vmem>>, vector<1x1x16xf32>,
        %get3A_430 = vector.shape_cast %get3A_429 : vector<1x1x16xf32> to vector<16xf32>
        %get3A_431 = arith.index_cast %and3A_87 : i32 to index
        %get3A_432 = arith.index_cast %scan3A_425 : i32 to index
        %get3A_433 = arith.constant 0 : index
        %get3A_434 = tpu.vector_load %arg10[%get3A_431, %get3A_432, %get3A_433] {strides = array<i32>} : memref<2x1000x16xf32, #tpu.memory_space<vmem>>, vector<1x1x16xf32>,
        %get3A_435 = vector.shape_cast %get3A_434 : vector<1x1x16xf32> to vector<16xf32>
        %add3A_436 = arith.addf %get3A_430, %get3A_435 : vector<16xf32>
        %get3A_437 = arith.index_cast %and3A_87 : i32 to index
        %get3A_438 = arith.index_cast %scan3A_425 : i32 to index
        %get3A_439 = arith.constant 0 : index
        %get3A_440 = tpu.vector_load %arg11[%get3A_437, %get3A_438, %get3A_439] {strides = array<i32>} : memref<2x1000x16xf32, #tpu.memory_space<vmem>>, vector<1x1x16xf32>,
        %get3A_441 = vector.shape_cast %get3A_440 : vector<1x1x16xf32> to vector<16xf32>
        %add3A_442 = arith.addf %add3A_436, %get3A_441 : vector<16xf32>
        %max3A_443 = arith.constant 0.000000e+00 : f32
        %max3A_444 = vector.broadcast %max3A_443 : f32 to vector<16xf32>
        %max3A_445 = arith.maximumf %add3A_442, %max3A_444 : vector<16xf32>
        %swap3A_446 = arith.index_cast %and3A_87 : i32 to index
        %swap3A_447 = arith.index_cast %scan3A_425 : i32 to index
        %swap3A_448 = arith.constant 0 : index
        %swap3A_449 = tpu.vector_load %arg12[%swap3A_446, %swap3A_447, %swap3A_448] {strides = array<i32>} : memref<2x1000x16xf32, #tpu.memory_space<vmem>>, vector<1x1x16xf32>,
        %swap3A_450 = vector.shape_cast %swap3A_449 : vector<1x1x16xf32> to vector<16xf32>
        %swap3A_451 = vector.shape_cast %max3A_445 : vector<16xf32> to vector<1x1x16xf32>
        tpu.vector_store %arg12[%swap3A_446, %swap3A_447, %swap3A_448], %swap3A_451 {strides = array<i32>} : memref<2x1000x16xf32, #tpu.memory_space<vmem>>, vector<1x1x16xf32>,
        %scan3A_452 = arith.constant 0 : i32
        %scan3A_453 = arith.constant 2 : i32
        %scan3A_454 = arith.addi %scan3A_395, %scan3A_453 : i32
        %get3A_455 = arith.index_cast %and3A_87 : i32 to index
        %get3A_456 = arith.index_cast %scan3A_454 : i32 to index
        %get3A_457 = arith.constant 0 : index
        %get3A_458 = tpu.vector_load %arg12[%get3A_455, %get3A_456, %get3A_457] {strides = array<i32>} : memref<2x1000x16xf32, #tpu.memory_space<vmem>>, vector<1x1x16xf32>,
        %get3A_459 = vector.shape_cast %get3A_458 : vector<1x1x16xf32> to vector<16xf32>
        %get3A_460 = arith.index_cast %and3A_87 : i32 to index
        %get3A_461 = arith.index_cast %scan3A_454 : i32 to index
        %get3A_462 = arith.constant 0 : index
        %get3A_463 = tpu.vector_load %arg10[%get3A_460, %get3A_461, %get3A_462] {strides = array<i32>} : memref<2x1000x16xf32, #tpu.memory_space<vmem>>, vector<1x1x16xf32>,
        %get3A_464 = vector.shape_cast %get3A_463 : vector<1x1x16xf32> to vector<16xf32>
        %add3A_465 = arith.addf %get3A_459, %get3A_464 : vector<16xf32>
        %get3A_466 = arith.index_cast %and3A_87 : i32 to index
        %get3A_467 = arith.index_cast %scan3A_454 : i32 to index
        %get3A_468 = arith.constant 0 : index
        %get3A_469 = tpu.vector_load %arg11[%get3A_466, %get3A_467, %get3A_468] {strides = array<i32>} : memref<2x1000x16xf32, #tpu.memory_space<vmem>>, vector<1x1x16xf32>,
        %get3A_470 = vector.shape_cast %get3A_469 : vector<1x1x16xf32> to vector<16xf32>
        %add3A_471 = arith.addf %add3A_465, %get3A_470 : vector<16xf32>
        %max3A_472 = arith.constant 0.000000e+00 : f32
        %max3A_473 = vector.broadcast %max3A_472 : f32 to vector<16xf32>
        %max3A_474 = arith.maximumf %add3A_471, %max3A_473 : vector<16xf32>
        %swap3A_475 = arith.index_cast %and3A_87 : i32 to index
        %swap3A_476 = arith.index_cast %scan3A_454 : i32 to index
        %swap3A_477 = arith.constant 0 : index
        %swap3A_478 = tpu.vector_load %arg12[%swap3A_475, %swap3A_476, %swap3A_477] {strides = array<i32>} : memref<2x1000x16xf32, #tpu.memory_space<vmem>>, vector<1x1x16xf32>,
        %swap3A_479 = vector.shape_cast %swap3A_478 : vector<1x1x16xf32> to vector<16xf32>
        %swap3A_480 = vector.shape_cast %max3A_474 : vector<16xf32> to vector<1x1x16xf32>
        tpu.vector_store %arg12[%swap3A_475, %swap3A_476, %swap3A_477], %swap3A_480 {strides = array<i32>} : memref<2x1000x16xf32, #tpu.memory_space<vmem>>, vector<1x1x16xf32>,
        %scan3A_481 = arith.constant 0 : i32
        %scan3A_482 = arith.constant 3 : i32
        %scan3A_483 = arith.addi %scan3A_395, %scan3A_482 : i32
        %get3A_484 = arith.index_cast %and3A_87 : i32 to index
        %get3A_485 = arith.index_cast %scan3A_483 : i32 to index
        %get3A_486 = arith.constant 0 : index
        %get3A_487 = tpu.vector_load %arg12[%get3A_484, %get3A_485, %get3A_486] {strides = array<i32>} : memref<2x1000x16xf32, #tpu.memory_space<vmem>>, vector<1x1x16xf32>,
        %get3A_488 = vector.shape_cast %get3A_487 : vector<1x1x16xf32> to vector<16xf32>
        %get3A_489 = arith.index_cast %and3A_87 : i32 to index
        %get3A_490 = arith.index_cast %scan3A_483 : i32 to index
        %get3A_491 = arith.constant 0 : index
        %get3A_492 = tpu.vector_load %arg10[%get3A_489, %get3A_490, %get3A_491] {strides = array<i32>} : memref<2x1000x16xf32, #tpu.memory_space<vmem>>, vector<1x1x16xf32>,
        %get3A_493 = vector.shape_cast %get3A_492 : vector<1x1x16xf32> to vector<16xf32>
        %add3A_494 = arith.addf %get3A_488, %get3A_493 : vector<16xf32>
        %get3A_495 = arith.index_cast %and3A_87 : i32 to index
        %get3A_496 = arith.index_cast %scan3A_483 : i32 to index
        %get3A_497 = arith.constant 0 : index
        %get3A_498 = tpu.vector_load %arg11[%get3A_495, %get3A_496, %get3A_497] {strides = array<i32>} : memref<2x1000x16xf32, #tpu.memory_space<vmem>>, vector<1x1x16xf32>,
        %get3A_499 = vector.shape_cast %get3A_498 : vector<1x1x16xf32> to vector<16xf32>
        %add3A_500 = arith.addf %add3A_494, %get3A_499 : vector<16xf32>
        %max3A_501 = arith.constant 0.000000e+00 : f32
        %max3A_502 = vector.broadcast %max3A_501 : f32 to vector<16xf32>
        %max3A_503 = arith.maximumf %add3A_500, %max3A_502 : vector<16xf32>
        %swap3A_504 = arith.index_cast %and3A_87 : i32 to index
        %swap3A_505 = arith.index_cast %scan3A_483 : i32 to index
        %swap3A_506 = arith.constant 0 : index
        %swap3A_507 = tpu.vector_load %arg12[%swap3A_504, %swap3A_505, %swap3A_506] {strides = array<i32>} : memref<2x1000x16xf32, #tpu.memory_space<vmem>>, vector<1x1x16xf32>,
        %swap3A_508 = vector.shape_cast %swap3A_507 : vector<1x1x16xf32> to vector<16xf32>
        %swap3A_509 = vector.shape_cast %max3A_503 : vector<16xf32> to vector<1x1x16xf32>
        tpu.vector_store %arg12[%swap3A_504, %swap3A_505, %swap3A_506], %swap3A_509 {strides = array<i32>} : memref<2x1000x16xf32, #tpu.memory_space<vmem>>, vector<1x1x16xf32>,
        %scan3A_510 = arith.constant 0 : i32
        %scan3A_511 = arith.constant 4 : i32
        %scan3A_512 = arith.addi %scan3A_395, %scan3A_511 : i32
        %get3A_513 = arith.index_cast %and3A_87 : i32 to index
        %get3A_514 = arith.index_cast %scan3A_512 : i32 to index
        %get3A_515 = arith.constant 0 : index
        %get3A_516 = tpu.vector_load %arg12[%get3A_513, %get3A_514, %get3A_515] {strides = array<i32>} : memref<2x1000x16xf32, #tpu.memory_space<vmem>>, vector<1x1x16xf32>,
        %get3A_517 = vector.shape_cast %get3A_516 : vector<1x1x16xf32> to vector<16xf32>
        %get3A_518 = arith.index_cast %and3A_87 : i32 to index
        %get3A_519 = arith.index_cast %scan3A_512 : i32 to index
        %get3A_520 = arith.constant 0 : index
        %get3A_521 = tpu.vector_load %arg10[%get3A_518, %get3A_519, %get3A_520] {strides = array<i32>} : memref<2x1000x16xf32, #tpu.memory_space<vmem>>, vector<1x1x16xf32>,
        %get3A_522 = vector.shape_cast %get3A_521 : vector<1x1x16xf32> to vector<16xf32>
        %add3A_523 = arith.addf %get3A_517, %get3A_522 : vector<16xf32>
        %get3A_524 = arith.index_cast %and3A_87 : i32 to index
        %get3A_525 = arith.index_cast %scan3A_512 : i32 to index
        %get3A_526 = arith.constant 0 : index
        %get3A_527 = tpu.vector_load %arg11[%get3A_524, %get3A_525, %get3A_526] {strides = array<i32>} : memref<2x1000x16xf32, #tpu.memory_space<vmem>>, vector<1x1x16xf32>,
        %get3A_528 = vector.shape_cast %get3A_527 : vector<1x1x16xf32> to vector<16xf32>
        %add3A_529 = arith.addf %add3A_523, %get3A_528 : vector<16xf32>
        %max3A_530 = arith.constant 0.000000e+00 : f32
        %max3A_531 = vector.broadcast %max3A_530 : f32 to vector<16xf32>
        %max3A_532 = arith.maximumf %add3A_529, %max3A_531 : vector<16xf32>
        %swap3A_533 = arith.index_cast %and3A_87 : i32 to index
        %swap3A_534 = arith.index_cast %scan3A_512 : i32 to index
        %swap3A_535 = arith.constant 0 : index
        %swap3A_536 = tpu.vector_load %arg12[%swap3A_533, %swap3A_534, %swap3A_535] {strides = array<i32>} : memref<2x1000x16xf32, #tpu.memory_space<vmem>>, vector<1x1x16xf32>,
        %swap3A_537 = vector.shape_cast %swap3A_536 : vector<1x1x16xf32> to vector<16xf32>
        %swap3A_538 = vector.shape_cast %max3A_532 : vector<16xf32> to vector<1x1x16xf32>
        tpu.vector_store %arg12[%swap3A_533, %swap3A_534, %swap3A_535], %swap3A_538 {strides = array<i32>} : memref<2x1000x16xf32, #tpu.memory_space<vmem>>, vector<1x1x16xf32>,
        %scan3A_539 = arith.constant 0 : i32
        scf.yield %scan3A_539 : i32
      }
      %scan3A_212 = arith.constant 500 : i32
      %scan3A_213 = arith.addi %scan3A_207, %scan3A_212 : i32
      %get3A = arith.index_cast %and3A_87 : i32 to index
      %get3A_214 = arith.index_cast %scan3A_213 : i32 to index
      %get3A_215 = arith.constant 0 : index
      %get3A_216 = tpu.vector_load %arg12[%get3A, %get3A_214, %get3A_215] {strides = array<i32>} : memref<2x1000x16xf32, #tpu.memory_space<vmem>>, vector<1x1x16xf32>,
      %get3A_217 = vector.shape_cast %get3A_216 : vector<1x1x16xf32> to vector<16xf32>
      %get3A_218 = arith.index_cast %and3A_87 : i32 to index
      %get3A_219 = arith.index_cast %scan3A_213 : i32 to index
      %get3A_220 = arith.constant 0 : index
      %get3A_221 = tpu.vector_load %arg10[%get3A_218, %get3A_219, %get3A_220] {strides = array<i32>} : memref<2x1000x16xf32, #tpu.memory_space<vmem>>, vector<1x1x16xf32>,
      %get3A_222 = vector.shape_cast %get3A_221 : vector<1x1x16xf32> to vector<16xf32>
      %add3A_223 = arith.addf %get3A_217, %get3A_222 : vector<16xf32>
      %get3A_224 = arith.index_cast %and3A_87 : i32 to index
      %get3A_225 = arith.index_cast %scan3A_213 : i32 to index
      %get3A_226 = arith.constant 0 : index
      %get3A_227 = tpu.vector_load %arg11[%get3A_224, %get3A_225, %get3A_226] {strides = array<i32>} : memref<2x1000x16xf32, #tpu.memory_space<vmem>>, vector<1x1x16xf32>,
      %get3A_228 = vector.shape_cast %get3A_227 : vector<1x1x16xf32> to vector<16xf32>
      %add3A_229 = arith.addf %add3A_223, %get3A_228 : vector<16xf32>
      %max3A = arith.constant 0.000000e+00 : f32
      %max3A_230 = vector.broadcast %max3A : f32 to vector<16xf32>
      %max3A_231 = arith.maximumf %add3A_229, %max3A_230 : vector<16xf32>
      %swap3A = arith.index_cast %and3A_87 : i32 to index
      %swap3A_232 = arith.index_cast %scan3A_213 : i32 to index
      %swap3A_233 = arith.constant 0 : index
      %swap3A_234 = tpu.vector_load %arg12[%swap3A, %swap3A_232, %swap3A_233] {strides = array<i32>} : memref<2x1000x16xf32, #tpu.memory_space<vmem>>, vector<1x1x16xf32>,
      %swap3A_235 = vector.shape_cast %swap3A_234 : vector<1x1x16xf32> to vector<16xf32>
      %swap3A_236 = vector.shape_cast %max3A_231 : vector<16xf32> to vector<1x1x16xf32>
      tpu.vector_store %arg12[%swap3A, %swap3A_232, %swap3A_233], %swap3A_236 {strides = array<i32>} : memref<2x1000x16xf32, #tpu.memory_space<vmem>>, vector<1x1x16xf32>,
      %scan3A_237 = arith.constant 0 : i32
      %scan3A_238 = arith.constant 501 : i32
      %scan3A_239 = arith.addi %scan3A_207, %scan3A_238 : i32
      %get3A_240 = arith.index_cast %and3A_87 : i32 to index
      %get3A_241 = arith.index_cast %scan3A_239 : i32 to index
      %get3A_242 = arith.constant 0 : index
      %get3A_243 = tpu.vector_load %arg12[%get3A_240, %get3A_241, %get3A_242] {strides = array<i32>} : memref<2x1000x16xf32, #tpu.memory_space<vmem>>, vector<1x1x16xf32>,
      %get3A_244 = vector.shape_cast %get3A_243 : vector<1x1x16xf32> to vector<16xf32>
      %get3A_245 = arith.index_cast %and3A_87 : i32 to index
      %get3A_246 = arith.index_cast %scan3A_239 : i32 to index
      %get3A_247 = arith.constant 0 : index
      %get3A_248 = tpu.vector_load %arg10[%get3A_245, %get3A_246, %get3A_247] {strides = array<i32>} : memref<2x1000x16xf32, #tpu.memory_space<vmem>>, vector<1x1x16xf32>,
      %get3A_249 = vector.shape_cast %get3A_248 : vector<1x1x16xf32> to vector<16xf32>
      %add3A_250 = arith.addf %get3A_244, %get3A_249 : vector<16xf32>
      %get3A_251 = arith.index_cast %and3A_87 : i32 to index
      %get3A_252 = arith.index_cast %scan3A_239 : i32 to index
      %get3A_253 = arith.constant 0 : index
      %get3A_254 = tpu.vector_load %arg11[%get3A_251, %get3A_252, %get3A_253] {strides = array<i32>} : memref<2x1000x16xf32, #tpu.memory_space<vmem>>, vector<1x1x16xf32>,
      %get3A_255 = vector.shape_cast %get3A_254 : vector<1x1x16xf32> to vector<16xf32>
      %add3A_256 = arith.addf %add3A_250, %get3A_255 : vector<16xf32>
      %max3A_257 = arith.constant 0.000000e+00 : f32
      %max3A_258 = vector.broadcast %max3A_257 : f32 to vector<16xf32>
      %max3A_259 = arith.maximumf %add3A_256, %max3A_258 : vector<16xf32>
      %swap3A_260 = arith.index_cast %and3A_87 : i32 to index
      %swap3A_261 = arith.index_cast %scan3A_239 : i32 to index
      %swap3A_262 = arith.constant 0 : index
      %swap3A_263 = tpu.vector_load %arg12[%swap3A_260, %swap3A_261, %swap3A_262] {strides = array<i32>} : memref<2x1000x16xf32, #tpu.memory_space<vmem>>, vector<1x1x16xf32>,
      %swap3A_264 = vector.shape_cast %swap3A_263 : vector<1x1x16xf32> to vector<16xf32>
      %swap3A_265 = vector.shape_cast %max3A_259 : vector<16xf32> to vector<1x1x16xf32>
      tpu.vector_store %arg12[%swap3A_260, %swap3A_261, %swap3A_262], %swap3A_265 {strides = array<i32>} : memref<2x1000x16xf32, #tpu.memory_space<vmem>>, vector<1x1x16xf32>,
      %scan3A_266 = arith.constant 0 : i32
      %scan3A_267 = arith.constant 502 : i32
      %scan3A_268 = arith.addi %scan3A_207, %scan3A_267 : i32
      %get3A_269 = arith.index_cast %and3A_87 : i32 to index
      %get3A_270 = arith.index_cast %scan3A_268 : i32 to index
      %get3A_271 = arith.constant 0 : index
      %get3A_272 = tpu.vector_load %arg12[%get3A_269, %get3A_270, %get3A_271] {strides = array<i32>} : memref<2x1000x16xf32, #tpu.memory_space<vmem>>, vector<1x1x16xf32>,
      %get3A_273 = vector.shape_cast %get3A_272 : vector<1x1x16xf32> to vector<16xf32>
      %get3A_274 = arith.index_cast %and3A_87 : i32 to index
      %get3A_275 = arith.index_cast %scan3A_268 : i32 to index
      %get3A_276 = arith.constant 0 : index
      %get3A_277 = tpu.vector_load %arg10[%get3A_274, %get3A_275, %get3A_276] {strides = array<i32>} : memref<2x1000x16xf32, #tpu.memory_space<vmem>>, vector<1x1x16xf32>,
      %get3A_278 = vector.shape_cast %get3A_277 : vector<1x1x16xf32> to vector<16xf32>
      %add3A_279 = arith.addf %get3A_273, %get3A_278 : vector<16xf32>
      %get3A_280 = arith.index_cast %and3A_87 : i32 to index
      %get3A_281 = arith.index_cast %scan3A_268 : i32 to index
      %get3A_282 = arith.constant 0 : index
      %get3A_283 = tpu.vector_load %arg11[%get3A_280, %get3A_281, %get3A_282] {strides = array<i32>} : memref<2x1000x16xf32, #tpu.memory_space<vmem>>, vector<1x1x16xf32>,
      %get3A_284 = vector.shape_cast %get3A_283 : vector<1x1x16xf32> to vector<16xf32>
      %add3A_285 = arith.addf %add3A_279, %get3A_284 : vector<16xf32>
      %max3A_286 = arith.constant 0.000000e+00 : f32
      %max3A_287 = vector.broadcast %max3A_286 : f32 to vector<16xf32>
      %max3A_288 = arith.maximumf %add3A_285, %max3A_287 : vector<16xf32>
      %swap3A_289 = arith.index_cast %and3A_87 : i32 to index
      %swap3A_290 = arith.index_cast %scan3A_268 : i32 to index
      %swap3A_291 = arith.constant 0 : index
      %swap3A_292 = tpu.vector_load %arg12[%swap3A_289, %swap3A_290, %swap3A_291] {strides = array<i32>} : memref<2x1000x16xf32, #tpu.memory_space<vmem>>, vector<1x1x16xf32>,
      %swap3A_293 = vector.shape_cast %swap3A_292 : vector<1x1x16xf32> to vector<16xf32>
      %swap3A_294 = vector.shape_cast %max3A_288 : vector<16xf32> to vector<1x1x16xf32>
      tpu.vector_store %arg12[%swap3A_289, %swap3A_290, %swap3A_291], %swap3A_294 {strides = array<i32>} : memref<2x1000x16xf32, #tpu.memory_space<vmem>>, vector<1x1x16xf32>,
      %scan3A_295 = arith.constant 0 : i32
      %scan3A_296 = arith.constant 503 : i32
      %scan3A_297 = arith.addi %scan3A_207, %scan3A_296 : i32
      %get3A_298 = arith.index_cast %and3A_87 : i32 to index
      %get3A_299 = arith.index_cast %scan3A_297 : i32 to index
      %get3A_300 = arith.constant 0 : index
      %get3A_301 = tpu.vector_load %arg12[%get3A_298, %get3A_299, %get3A_300] {strides = array<i32>} : memref<2x1000x16xf32, #tpu.memory_space<vmem>>, vector<1x1x16xf32>,
      %get3A_302 = vector.shape_cast %get3A_301 : vector<1x1x16xf32> to vector<16xf32>
      %get3A_303 = arith.index_cast %and3A_87 : i32 to index
      %get3A_304 = arith.index_cast %scan3A_297 : i32 to index
      %get3A_305 = arith.constant 0 : index
      %get3A_306 = tpu.vector_load %arg10[%get3A_303, %get3A_304, %get3A_305] {strides = array<i32>} : memref<2x1000x16xf32, #tpu.memory_space<vmem>>, vector<1x1x16xf32>,
      %get3A_307 = vector.shape_cast %get3A_306 : vector<1x1x16xf32> to vector<16xf32>
      %add3A_308 = arith.addf %get3A_302, %get3A_307 : vector<16xf32>
      %get3A_309 = arith.index_cast %and3A_87 : i32 to index
      %get3A_310 = arith.index_cast %scan3A_297 : i32 to index
      %get3A_311 = arith.constant 0 : index
      %get3A_312 = tpu.vector_load %arg11[%get3A_309, %get3A_310, %get3A_311] {strides = array<i32>} : memref<2x1000x16xf32, #tpu.memory_space<vmem>>, vector<1x1x16xf32>,
      %get3A_313 = vector.shape_cast %get3A_312 : vector<1x1x16xf32> to vector<16xf32>
      %add3A_314 = arith.addf %add3A_308, %get3A_313 : vector<16xf32>
      %max3A_315 = arith.constant 0.000000e+00 : f32
      %max3A_316 = vector.broadcast %max3A_315 : f32 to vector<16xf32>
      %max3A_317 = arith.maximumf %add3A_314, %max3A_316 : vector<16xf32>
      %swap3A_318 = arith.index_cast %and3A_87 : i32 to index
      %swap3A_319 = arith.index_cast %scan3A_297 : i32 to index
      %swap3A_320 = arith.constant 0 : index
      %swap3A_321 = tpu.vector_load %arg12[%swap3A_318, %swap3A_319, %swap3A_320] {strides = array<i32>} : memref<2x1000x16xf32, #tpu.memory_space<vmem>>, vector<1x1x16xf32>,
      %swap3A_322 = vector.shape_cast %swap3A_321 : vector<1x1x16xf32> to vector<16xf32>
      %swap3A_323 = vector.shape_cast %max3A_317 : vector<16xf32> to vector<1x1x16xf32>
      tpu.vector_store %arg12[%swap3A_318, %swap3A_319, %swap3A_320], %swap3A_323 {strides = array<i32>} : memref<2x1000x16xf32, #tpu.memory_space<vmem>>, vector<1x1x16xf32>,
      %scan3A_324 = arith.constant 0 : i32
      %scan3A_325 = arith.constant 504 : i32
      %dma_wait3A_326 = arith.constant 504 : i32
      %dma_wait3A_327 = arith.constant 0 : i32
      %dma_wait3A_328 = tpu.memref_slice %arg10[%and3A_87, %dma_wait3A_326, %dma_wait3A_327] : memref<2x1000x16xf32, #tpu.memory_space<vmem>> -> memref<1x496x16xf32, #tpu.memory_space<vmem>>
      %dma_wait3A_329 = tpu.memref_squeeze %dma_wait3A_328 : memref<1x496x16xf32, #tpu.memory_space<vmem>> -> memref<496x16xf32, #tpu.memory_space<vmem>>
      %dma_wait3A_330 = arith.constant 504 : i32
      %dma_wait3A_331 = tpu.memref_slice %arg8[%and3A_87, %dma_wait3A_330] : memref<2x1000xi32, #tpu.memory_space<vmem>> -> memref<1x496xi32, #tpu.memory_space<vmem>>
      %dma_wait3A_332 = tpu.memref_squeeze %dma_wait3A_331 : memref<1x496xi32, #tpu.memory_space<vmem>> -> memref<496xi32, #tpu.memory_space<vmem>>
      %dma_wait3A_333 = arith.constant 0 : i32
      %dma_wait3A_334 = arith.constant 0 : i32
      %dma_wait3A_335 = tpu.memref_slice %arg14[%dma_wait3A_333, %dma_wait3A_334] : memref<10000x16xf32, #tpu.memory_space<vmem_shared>> -> memref<10000x16xf32, #tpu.memory_space<vmem_shared>>
      tpu.wait_indirect_dma semaphore(%arg17 : memref<!tpu.dma_semaphore, #tpu.memory_space<semaphore_mem>>) src(%dma_wait3A_335 : memref<10000x16xf32, #tpu.memory_space<vmem_shared>>) dst(%dma_wait3A_329 : memref<496x16xf32, #tpu.memory_space<vmem>>)
      %dma_wait3A_336 = arith.constant 504 : i32
      %dma_wait3A_337 = arith.constant 0 : i32
      %dma_wait3A_338 = tpu.memref_slice %arg11[%and3A_87, %dma_wait3A_336, %dma_wait3A_337] : memref<2x1000x16xf32, #tpu.memory_space<vmem>> -> memref<1x496x16xf32, #tpu.memory_space<vmem>>
      %dma_wait3A_339 = tpu.memref_squeeze %dma_wait3A_338 : memref<1x496x16xf32, #tpu.memory_space<vmem>> -> memref<496x16xf32, #tpu.memory_space<vmem>>
      %dma_wait3A_340 = arith.constant 504 : i32
      %dma_wait3A_341 = tpu.memref_slice %arg9[%and3A_87, %dma_wait3A_340] : memref<2x1000xi32, #tpu.memory_space<vmem>> -> memref<1x496xi32, #tpu.memory_space<vmem>>
      %dma_wait3A_342 = tpu.memref_squeeze %dma_wait3A_341 : memref<1x496xi32, #tpu.memory_space<vmem>> -> memref<496xi32, #tpu.memory_space<vmem>>
      %dma_wait3A_343 = arith.constant 0 : i32
      %dma_wait3A_344 = arith.constant 0 : i32
      %dma_wait3A_345 = tpu.memref_slice %arg15[%dma_wait3A_343, %dma_wait3A_344] : memref<10000x16xf32, #tpu.memory_space<vmem_shared>> -> memref<10000x16xf32, #tpu.memory_space<vmem_shared>>
      tpu.wait_indirect_dma semaphore(%arg18 : memref<!tpu.dma_semaphore, #tpu.memory_space<semaphore_mem>>) src(%dma_wait3A_345 : memref<10000x16xf32, #tpu.memory_space<vmem_shared>>) dst(%dma_wait3A_339 : memref<496x16xf32, #tpu.memory_space<vmem>>)
      %scan3A_346 = arith.constant 0 : i32
      %scan3A_347 = arith.constant 504 : i32
      %scan3A_348 = arith.constant 495 : i32
      %scan3A_349 = arith.addi %scan3A_347, %scan3A_348 : i32
      %scan3A_350 = arith.constant 5 : i32
      %scan3A_351 = scf.for %scan3A_395 = %scan3A_347 to %scan3A_349 step %scan3A_350 iter_args(%scan3A_396 = %scan3A_346) -> (i32)  : i32 {
        %get3A_397 = arith.index_cast %and3A_87 : i32 to index
        %get3A_398 = arith.index_cast %scan3A_395 : i32 to index
        %get3A_399 = arith.constant 0 : index
        %get3A_400 = tpu.vector_load %arg12[%get3A_397, %get3A_398, %get3A_399] {strides = array<i32>} : memref<2x1000x16xf32, #tpu.memory_space<vmem>>, vector<1x1x16xf32>,
        %get3A_401 = vector.shape_cast %get3A_400 : vector<1x1x16xf32> to vector<16xf32>
        %get3A_402 = arith.index_cast %and3A_87 : i32 to index
        %get3A_403 = arith.index_cast %scan3A_395 : i32 to index
        %get3A_404 = arith.constant 0 : index
        %get3A_405 = tpu.vector_load %arg10[%get3A_402, %get3A_403, %get3A_404] {strides = array<i32>} : memref<2x1000x16xf32, #tpu.memory_space<vmem>>, vector<1x1x16xf32>,
        %get3A_406 = vector.shape_cast %get3A_405 : vector<1x1x16xf32> to vector<16xf32>
        %add3A_407 = arith.addf %get3A_401, %get3A_406 : vector<16xf32>
        %get3A_408 = arith.index_cast %and3A_87 : i32 to index
        %get3A_409 = arith.index_cast %scan3A_395 : i32 to index
        %get3A_410 = arith.constant 0 : index
        %get3A_411 = tpu.vector_load %arg11[%get3A_408, %get3A_409, %get3A_410] {strides = array<i32>} : memref<2x1000x16xf32, #tpu.memory_space<vmem>>, vector<1x1x16xf32>,
        %get3A_412 = vector.shape_cast %get3A_411 : vector<1x1x16xf32> to vector<16xf32>
        %add3A_413 = arith.addf %add3A_407, %get3A_412 : vector<16xf32>
        %max3A_414 = arith.constant 0.000000e+00 : f32
        %max3A_415 = vector.broadcast %max3A_414 : f32 to vector<16xf32>
        %max3A_416 = arith.maximumf %add3A_413, %max3A_415 : vector<16xf32>
        %swap3A_417 = arith.index_cast %and3A_87 : i32 to index
        %swap3A_418 = arith.index_cast %scan3A_395 : i32 to index
        %swap3A_419 = arith.constant 0 : index
        %swap3A_420 = tpu.vector_load %arg12[%swap3A_417, %swap3A_418, %swap3A_419] {strides = array<i32>} : memref<2x1000x16xf32, #tpu.memory_space<vmem>>, vector<1x1x16xf32>,
        %swap3A_421 = vector.shape_cast %swap3A_420 : vector<1x1x16xf32> to vector<16xf32>
        %swap3A_422 = vector.shape_cast %max3A_416 : vector<16xf32> to vector<1x1x16xf32>
        tpu.vector_store %arg12[%swap3A_417, %swap3A_418, %swap3A_419], %swap3A_422 {strides = array<i32>} : memref<2x1000x16xf32, #tpu.memory_space<vmem>>, vector<1x1x16xf32>,
        %scan3A_423 = arith.constant 0 : i32
        %scan3A_424 = arith.constant 1 : i32
        %scan3A_425 = arith.addi %scan3A_395, %scan3A_424 : i32
        %get3A_426 = arith.index_cast %and3A_87 : i32 to index
        %get3A_427 = arith.index_cast %scan3A_425 : i32 to index
        %get3A_428 = arith.constant 0 : index
        %get3A_429 = tpu.vector_load %arg12[%get3A_426, %get3A_427, %get3A_428] {strides = array<i32>} : memref<2x1000x16xf32, #tpu.memory_space<vmem>>, vector<1x1x16xf32>,
        %get3A_430 = vector.shape_cast %get3A_429 : vector<1x1x16xf32> to vector<16xf32>
        %get3A_431 = arith.index_cast %and3A_87 : i32 to index
        %get3A_432 = arith.index_cast %scan3A_425 : i32 to index
        %get3A_433 = arith.constant 0 : index
        %get3A_434 = tpu.vector_load %arg10[%get3A_431, %get3A_432, %get3A_433] {strides = array<i32>} : memref<2x1000x16xf32, #tpu.memory_space<vmem>>, vector<1x1x16xf32>,
        %get3A_435 = vector.shape_cast %get3A_434 : vector<1x1x16xf32> to vector<16xf32>
        %add3A_436 = arith.addf %get3A_430, %get3A_435 : vector<16xf32>
        %get3A_437 = arith.index_cast %and3A_87 : i32 to index
        %get3A_438 = arith.index_cast %scan3A_425 : i32 to index
        %get3A_439 = arith.constant 0 : index
        %get3A_440 = tpu.vector_load %arg11[%get3A_437, %get3A_438, %get3A_439] {strides = array<i32>} : memref<2x1000x16xf32, #tpu.memory_space<vmem>>, vector<1x1x16xf32>,
        %get3A_441 = vector.shape_cast %get3A_440 : vector<1x1x16xf32> to vector<16xf32>
        %add3A_442 = arith.addf %add3A_436, %get3A_441 : vector<16xf32>
        %max3A_443 = arith.constant 0.000000e+00 : f32
        %max3A_444 = vector.broadcast %max3A_443 : f32 to vector<16xf32>
        %max3A_445 = arith.maximumf %add3A_442, %max3A_444 : vector<16xf32>
        %swap3A_446 = arith.index_cast %and3A_87 : i32 to index
        %swap3A_447 = arith.index_cast %scan3A_425 : i32 to index
        %swap3A_448 = arith.constant 0 : index
        %swap3A_449 = tpu.vector_load %arg12[%swap3A_446, %swap3A_447, %swap3A_448] {strides = array<i32>} : memref<2x1000x16xf32, #tpu.memory_space<vmem>>, vector<1x1x16xf32>,
        %swap3A_450 = vector.shape_cast %swap3A_449 : vector<1x1x16xf32> to vector<16xf32>
        %swap3A_451 = vector.shape_cast %max3A_445 : vector<16xf32> to vector<1x1x16xf32>
        tpu.vector_store %arg12[%swap3A_446, %swap3A_447, %swap3A_448], %swap3A_451 {strides = array<i32>} : memref<2x1000x16xf32, #tpu.memory_space<vmem>>, vector<1x1x16xf32>,
        %scan3A_452 = arith.constant 0 : i32
        %scan3A_453 = arith.constant 2 : i32
        %scan3A_454 = arith.addi %scan3A_395, %scan3A_453 : i32
        %get3A_455 = arith.index_cast %and3A_87 : i32 to index
        %get3A_456 = arith.index_cast %scan3A_454 : i32 to index
        %get3A_457 = arith.constant 0 : index
        %get3A_458 = tpu.vector_load %arg12[%get3A_455, %get3A_456, %get3A_457] {strides = array<i32>} : memref<2x1000x16xf32, #tpu.memory_space<vmem>>, vector<1x1x16xf32>,
        %get3A_459 = vector.shape_cast %get3A_458 : vector<1x1x16xf32> to vector<16xf32>
        %get3A_460 = arith.index_cast %and3A_87 : i32 to index
        %get3A_461 = arith.index_cast %scan3A_454 : i32 to index
        %get3A_462 = arith.constant 0 : index
        %get3A_463 = tpu.vector_load %arg10[%get3A_460, %get3A_461, %get3A_462] {strides = array<i32>} : memref<2x1000x16xf32, #tpu.memory_space<vmem>>, vector<1x1x16xf32>,
        %get3A_464 = vector.shape_cast %get3A_463 : vector<1x1x16xf32> to vector<16xf32>
        %add3A_465 = arith.addf %get3A_459, %get3A_464 : vector<16xf32>
        %get3A_466 = arith.index_cast %and3A_87 : i32 to index
        %get3A_467 = arith.index_cast %scan3A_454 : i32 to index
        %get3A_468 = arith.constant 0 : index
        %get3A_469 = tpu.vector_load %arg11[%get3A_466, %get3A_467, %get3A_468] {strides = array<i32>} : memref<2x1000x16xf32, #tpu.memory_space<vmem>>, vector<1x1x16xf32>,
        %get3A_470 = vector.shape_cast %get3A_469 : vector<1x1x16xf32> to vector<16xf32>
        %add3A_471 = arith.addf %add3A_465, %get3A_470 : vector<16xf32>
        %max3A_472 = arith.constant 0.000000e+00 : f32
        %max3A_473 = vector.broadcast %max3A_472 : f32 to vector<16xf32>
        %max3A_474 = arith.maximumf %add3A_471, %max3A_473 : vector<16xf32>
        %swap3A_475 = arith.index_cast %and3A_87 : i32 to index
        %swap3A_476 = arith.index_cast %scan3A_454 : i32 to index
        %swap3A_477 = arith.constant 0 : index
        %swap3A_478 = tpu.vector_load %arg12[%swap3A_475, %swap3A_476, %swap3A_477] {strides = array<i32>} : memref<2x1000x16xf32, #tpu.memory_space<vmem>>, vector<1x1x16xf32>,
        %swap3A_479 = vector.shape_cast %swap3A_478 : vector<1x1x16xf32> to vector<16xf32>
        %swap3A_480 = vector.shape_cast %max3A_474 : vector<16xf32> to vector<1x1x16xf32>
        tpu.vector_store %arg12[%swap3A_475, %swap3A_476, %swap3A_477], %swap3A_480 {strides = array<i32>} : memref<2x1000x16xf32, #tpu.memory_space<vmem>>, vector<1x1x16xf32>,
        %scan3A_481 = arith.constant 0 : i32
        %scan3A_482 = arith.constant 3 : i32
        %scan3A_483 = arith.addi %scan3A_395, %scan3A_482 : i32
        %get3A_484 = arith.index_cast %and3A_87 : i32 to index
        %get3A_485 = arith.index_cast %scan3A_483 : i32 to index
        %get3A_486 = arith.constant 0 : index
        %get3A_487 = tpu.vector_load %arg12[%get3A_484, %get3A_485, %get3A_486] {strides = array<i32>} : memref<2x1000x16xf32, #tpu.memory_space<vmem>>, vector<1x1x16xf32>,
        %get3A_488 = vector.shape_cast %get3A_487 : vector<1x1x16xf32> to vector<16xf32>
        %get3A_489 = arith.index_cast %and3A_87 : i32 to index
        %get3A_490 = arith.index_cast %scan3A_483 : i32 to index
        %get3A_491 = arith.constant 0 : index
        %get3A_492 = tpu.vector_load %arg10[%get3A_489, %get3A_490, %get3A_491] {strides = array<i32>} : memref<2x1000x16xf32, #tpu.memory_space<vmem>>, vector<1x1x16xf32>,
        %get3A_493 = vector.shape_cast %get3A_492 : vector<1x1x16xf32> to vector<16xf32>
        %add3A_494 = arith.addf %get3A_488, %get3A_493 : vector<16xf32>
        %get3A_495 = arith.index_cast %and3A_87 : i32 to index
        %get3A_496 = arith.index_cast %scan3A_483 : i32 to index
        %get3A_497 = arith.constant 0 : index
        %get3A_498 = tpu.vector_load %arg11[%get3A_495, %get3A_496, %get3A_497] {strides = array<i32>} : memref<2x1000x16xf32, #tpu.memory_space<vmem>>, vector<1x1x16xf32>,
        %get3A_499 = vector.shape_cast %get3A_498 : vector<1x1x16xf32> to vector<16xf32>
        %add3A_500 = arith.addf %add3A_494, %get3A_499 : vector<16xf32>
        %max3A_501 = arith.constant 0.000000e+00 : f32
        %max3A_502 = vector.broadcast %max3A_501 : f32 to vector<16xf32>
        %max3A_503 = arith.maximumf %add3A_500, %max3A_502 : vector<16xf32>
        %swap3A_504 = arith.index_cast %and3A_87 : i32 to index
        %swap3A_505 = arith.index_cast %scan3A_483 : i32 to index
        %swap3A_506 = arith.constant 0 : index
        %swap3A_507 = tpu.vector_load %arg12[%swap3A_504, %swap3A_505, %swap3A_506] {strides = array<i32>} : memref<2x1000x16xf32, #tpu.memory_space<vmem>>, vector<1x1x16xf32>,
        %swap3A_508 = vector.shape_cast %swap3A_507 : vector<1x1x16xf32> to vector<16xf32>
        %swap3A_509 = vector.shape_cast %max3A_503 : vector<16xf32> to vector<1x1x16xf32>
        tpu.vector_store %arg12[%swap3A_504, %swap3A_505, %swap3A_506], %swap3A_509 {strides = array<i32>} : memref<2x1000x16xf32, #tpu.memory_space<vmem>>, vector<1x1x16xf32>,
        %scan3A_510 = arith.constant 0 : i32
        %scan3A_511 = arith.constant 4 : i32
        %scan3A_512 = arith.addi %scan3A_395, %scan3A_511 : i32
        %get3A_513 = arith.index_cast %and3A_87 : i32 to index
        %get3A_514 = arith.index_cast %scan3A_512 : i32 to index
        %get3A_515 = arith.constant 0 : index
        %get3A_516 = tpu.vector_load %arg12[%get3A_513, %get3A_514, %get3A_515] {strides = array<i32>} : memref<2x1000x16xf32, #tpu.memory_space<vmem>>, vector<1x1x16xf32>,
        %get3A_517 = vector.shape_cast %get3A_516 : vector<1x1x16xf32> to vector<16xf32>
        %get3A_518 = arith.index_cast %and3A_87 : i32 to index
        %get3A_519 = arith.index_cast %scan3A_512 : i32 to index
        %get3A_520 = arith.constant 0 : index
        %get3A_521 = tpu.vector_load %arg10[%get3A_518, %get3A_519, %get3A_520] {strides = array<i32>} : memref<2x1000x16xf32, #tpu.memory_space<vmem>>, vector<1x1x16xf32>,
        %get3A_522 = vector.shape_cast %get3A_521 : vector<1x1x16xf32> to vector<16xf32>
        %add3A_523 = arith.addf %get3A_517, %get3A_522 : vector<16xf32>
        %get3A_524 = arith.index_cast %and3A_87 : i32 to index
        %get3A_525 = arith.index_cast %scan3A_512 : i32 to index
        %get3A_526 = arith.constant 0 : index
        %get3A_527 = tpu.vector_load %arg11[%get3A_524, %get3A_525, %get3A_526] {strides = array<i32>} : memref<2x1000x16xf32, #tpu.memory_space<vmem>>, vector<1x1x16xf32>,
        %get3A_528 = vector.shape_cast %get3A_527 : vector<1x1x16xf32> to vector<16xf32>
        %add3A_529 = arith.addf %add3A_523, %get3A_528 : vector<16xf32>
        %max3A_530 = arith.constant 0.000000e+00 : f32
        %max3A_531 = vector.broadcast %max3A_530 : f32 to vector<16xf32>
        %max3A_532 = arith.maximumf %add3A_529, %max3A_531 : vector<16xf32>
        %swap3A_533 = arith.index_cast %and3A_87 : i32 to index
        %swap3A_534 = arith.index_cast %scan3A_512 : i32 to index
        %swap3A_535 = arith.constant 0 : index
        %swap3A_536 = tpu.vector_load %arg12[%swap3A_533, %swap3A_534, %swap3A_535] {strides = array<i32>} : memref<2x1000x16xf32, #tpu.memory_space<vmem>>, vector<1x1x16xf32>,
        %swap3A_537 = vector.shape_cast %swap3A_536 : vector<1x1x16xf32> to vector<16xf32>
        %swap3A_538 = vector.shape_cast %max3A_532 : vector<16xf32> to vector<1x1x16xf32>
        tpu.vector_store %arg12[%swap3A_533, %swap3A_534, %swap3A_535], %swap3A_538 {strides = array<i32>} : memref<2x1000x16xf32, #tpu.memory_space<vmem>>, vector<1x1x16xf32>,
        %scan3A_539 = arith.constant 0 : i32
        scf.yield %scan3A_539 : i32
      }
      %scan3A_352 = arith.constant 495 : i32
      %scan3A_353 = arith.addi %scan3A_347, %scan3A_352 : i32
      %get3A_354 = arith.index_cast %and3A_87 : i32 to index
      %get3A_355 = arith.index_cast %scan3A_353 : i32 to index
      %get3A_356 = arith.constant 0 : index
      %get3A_357 = tpu.vector_load %arg12[%get3A_354, %get3A_355, %get3A_356] {strides = array<i32>} : memref<2x1000x16xf32, #tpu.memory_space<vmem>>, vector<1x1x16xf32>,
      %get3A_358 = vector.shape_cast %get3A_357 : vector<1x1x16xf32> to vector<16xf32>
      %get3A_359 = arith.index_cast %and3A_87 : i32 to index
      %get3A_360 = arith.index_cast %scan3A_353 : i32 to index
      %get3A_361 = arith.constant 0 : index
      %get3A_362 = tpu.vector_load %arg10[%get3A_359, %get3A_360, %get3A_361] {strides = array<i32>} : memref<2x1000x16xf32, #tpu.memory_space<vmem>>, vector<1x1x16xf32>,
      %get3A_363 = vector.shape_cast %get3A_362 : vector<1x1x16xf32> to vector<16xf32>
      %add3A_364 = arith.addf %get3A_358, %get3A_363 : vector<16xf32>
      %get3A_365 = arith.index_cast %and3A_87 : i32 to index
      %get3A_366 = arith.index_cast %scan3A_353 : i32 to index
      %get3A_367 = arith.constant 0 : index
      %get3A_368 = tpu.vector_load %arg11[%get3A_365, %get3A_366, %get3A_367] {strides = array<i32>} : memref<2x1000x16xf32, #tpu.memory_space<vmem>>, vector<1x1x16xf32>,
      %get3A_369 = vector.shape_cast %get3A_368 : vector<1x1x16xf32> to vector<16xf32>
      %add3A_370 = arith.addf %add3A_364, %get3A_369 : vector<16xf32>
      %max3A_371 = arith.constant 0.000000e+00 : f32
      %max3A_372 = vector.broadcast %max3A_371 : f32 to vector<16xf32>
      %max3A_373 = arith.maximumf %add3A_370, %max3A_372 : vector<16xf32>
      %swap3A_374 = arith.index_cast %and3A_87 : i32 to index
      %swap3A_375 = arith.index_cast %scan3A_353 : i32 to index
      %swap3A_376 = arith.constant 0 : index
      %swap3A_377 = tpu.vector_load %arg12[%swap3A_374, %swap3A_375, %swap3A_376] {strides = array<i32>} : memref<2x1000x16xf32, #tpu.memory_space<vmem>>, vector<1x1x16xf32>,
      %swap3A_378 = vector.shape_cast %swap3A_377 : vector<1x1x16xf32> to vector<16xf32>
      %swap3A_379 = vector.shape_cast %max3A_373 : vector<16xf32> to vector<1x1x16xf32>
      tpu.vector_store %arg12[%swap3A_374, %swap3A_375, %swap3A_376], %swap3A_379 {strides = array<i32>} : memref<2x1000x16xf32, #tpu.memory_space<vmem>>, vector<1x1x16xf32>,
      %scan3A_380 = arith.constant 0 : i32
      %scan3A_381 = arith.constant 496 : i32
      %dma_start3A_382 = arith.constant 0 : i32
      %dma_start3A_383 = arith.constant 0 : i32
      %dma_start3A_384 = tpu.memref_slice %arg12[%and3A_87, %dma_start3A_382, %dma_start3A_383] : memref<2x1000x16xf32, #tpu.memory_space<vmem>> -> memref<1x1000x16xf32, #tpu.memory_space<vmem>>
      %dma_start3A_385 = tpu.memref_squeeze %dma_start3A_384 : memref<1x1000x16xf32, #tpu.memory_space<vmem>> -> memref<1000x16xf32, #tpu.memory_space<vmem>>
      %dma_start3A_386 = arith.constant 0 : i32
      %dma_start3A_387 = tpu.memref_slice %arg6[%multiple_of3A_93, %dma_start3A_386] : memref<320000x16xf32, #tpu.memory_space<hbm>> -> memref<1000x16xf32, #tpu.memory_space<hbm>>
      %dma_start3A_388 = arith.constant 0 : i32
      %dma_start3A_389 = tpu.memref_slice %arg6[%multiple_of3A_93, %dma_start3A_388] : memref<320000x16xf32, #tpu.memory_space<hbm>> -> memref<1000x16xf32, #tpu.memory_space<hbm>>
      %dma_start3A_390 = arith.constant 0 : i32
      %dma_start3A_391 = arith.constant 0 : i32
      %dma_start3A_392 = tpu.memref_slice %arg12[%and3A_87, %dma_start3A_390, %dma_start3A_391] : memref<2x1000x16xf32, #tpu.memory_space<vmem>> -> memref<1x1000x16xf32, #tpu.memory_space<vmem>>
      %dma_start3A_393 = tpu.memref_squeeze %dma_start3A_392 : memref<1x1000x16xf32, #tpu.memory_space<vmem>> -> memref<1000x16xf32, #tpu.memory_space<vmem>>
      tpu.enqueue_dma source(%dma_start3A_393 : memref<1000x16xf32, #tpu.memory_space<vmem>>) target(%dma_start3A_389 : memref<1000x16xf32, #tpu.memory_space<hbm>>) target_semaphore(%arg19 : memref<!tpu.dma_semaphore, #tpu.memory_space<semaphore_mem>>)
      "tpu.region"() ({
        %run_scoped3A_395 = tpu.sem_alloc : memref<!tpu.dma_semaphore, #tpu.memory_space<semaphore_mem>>
        %dma_start3A_396 = arith.constant 0 : i32
        %dma_start3A_397 = arith.constant 0 : i32
        %dma_start3A_398 = tpu.memref_slice %arg12[%and3A_87, %dma_start3A_396, %dma_start3A_397] : memref<2x1000x16xf32, #tpu.memory_space<vmem>> -> memref<1x1000x16xf32, #tpu.memory_space<vmem>>
        %dma_start3A_399 = tpu.memref_squeeze %dma_start3A_398 : memref<1x1000x16xf32, #tpu.memory_space<vmem>> -> memref<1000x16xf32, #tpu.memory_space<vmem>>
        %dma_start3A_400 = arith.constant 0 : i32
        %dma_start3A_401 = tpu.memref_slice %arg9[%and3A_87, %dma_start3A_400] : memref<2x1000xi32, #tpu.memory_space<vmem>> -> memref<1x1000xi32, #tpu.memory_space<vmem>>
        %dma_start3A_402 = tpu.memref_squeeze %dma_start3A_401 : memref<1x1000xi32, #tpu.memory_space<vmem>> -> memref<1000xi32, #tpu.memory_space<vmem>>
        %dma_start3A_403 = arith.constant 0 : i32
        %dma_start3A_404 = arith.constant 0 : i32
        %dma_start3A_405 = tpu.memref_slice %arg13[%dma_start3A_403, %dma_start3A_404] : memref<10000x16xf32, #tpu.memory_space<vmem_shared>> -> memref<10000x16xf32, #tpu.memory_space<vmem_shared>>
        tpu.enqueue_indirect_dma source(%dma_start3A_399 : memref<1000x16xf32, #tpu.memory_space<vmem>>) target(%dma_start3A_405 : memref<10000x16xf32, #tpu.memory_space<vmem_shared>>) offsets(%dma_start3A_402 : memref<1000xi32, #tpu.memory_space<vmem>>) semaphore(%run_scoped3A_395 : memref<!tpu.dma_semaphore, #tpu.memory_space<semaphore_mem>>) {add = true}
        %dma_wait3A_406 = arith.constant 0 : i32
        %dma_wait3A_407 = arith.constant 0 : i32
        %dma_wait3A_408 = tpu.memref_slice %arg12[%and3A_87, %dma_wait3A_406, %dma_wait3A_407] : memref<2x1000x16xf32, #tpu.memory_space<vmem>> -> memref<1x1000x16xf32, #tpu.memory_space<vmem>>
        %dma_wait3A_409 = tpu.memref_squeeze %dma_wait3A_408 : memref<1x1000x16xf32, #tpu.memory_space<vmem>> -> memref<1000x16xf32, #tpu.memory_space<vmem>>
        %dma_wait3A_410 = arith.constant 0 : i32
        %dma_wait3A_411 = tpu.memref_slice %arg9[%and3A_87, %dma_wait3A_410] : memref<2x1000xi32, #tpu.memory_space<vmem>> -> memref<1x1000xi32, #tpu.memory_space<vmem>>
        %dma_wait3A_412 = tpu.memref_squeeze %dma_wait3A_411 : memref<1x1000xi32, #tpu.memory_space<vmem>> -> memref<1000xi32, #tpu.memory_space<vmem>>
        %dma_wait3A_413 = arith.constant 0 : i32
        %dma_wait3A_414 = arith.constant 0 : i32
        %dma_wait3A_415 = tpu.memref_slice %arg13[%dma_wait3A_413, %dma_wait3A_414] : memref<10000x16xf32, #tpu.memory_space<vmem_shared>> -> memref<10000x16xf32, #tpu.memory_space<vmem_shared>>
        tpu.wait_indirect_dma semaphore(%run_scoped3A_395 : memref<!tpu.dma_semaphore, #tpu.memory_space<semaphore_mem>>) src(%dma_wait3A_409 : memref<1000x16xf32, #tpu.memory_space<vmem>>) dst(%dma_wait3A_415 : memref<10000x16xf32, #tpu.memory_space<vmem_shared>>)
        tpu.yield
      }) : () -> ()
      %scan3A_394 = arith.constant 0 : i32
      scf.yield %scan3A_394 : i32
    }
    %scan3A_58 = arith.constant 10 : i32
    %mul3A_59 = arith.constant 10000 : i32
    %mul3A_60 = arith.muli %add3A, %mul3A_59 : i32
    %add3A_61 = arith.constant 9000 : i32
    %add3A_62 = arith.addi %mul3A_60, %add3A_61 : i32
    %multiple_of3A_63 = tpu.assume_multiple %add3A_62, 8 : i32
    %dma_wait3A = arith.constant 1 : i32
    %dma_wait3A_64 = arith.constant 0 : i32
    %dma_wait3A_65 = arith.constant 0 : i32
    %dma_wait3A_66 = tpu.memref_slice %arg12[%dma_wait3A, %dma_wait3A_64, %dma_wait3A_65] : memref<2x1000x16xf32, #tpu.memory_space<vmem>> -> memref<1x1000x16xf32, #tpu.memory_space<vmem>>
    %dma_wait3A_67 = tpu.memref_squeeze %dma_wait3A_66 : memref<1x1000x16xf32, #tpu.memory_space<vmem>> -> memref<1000x16xf32, #tpu.memory_space<vmem>>
    %dma_wait3A_68 = arith.constant 0 : i32
    %dma_wait3A_69 = tpu.memref_slice %arg6[%multiple_of3A_63, %dma_wait3A_68] : memref<320000x16xf32, #tpu.memory_space<hbm>> -> memref<1000x16xf32, #tpu.memory_space<hbm>>
    %dma_wait3A_70 = arith.constant 0 : i32
    %dma_wait3A_71 = tpu.memref_slice %arg6[%multiple_of3A_63, %dma_wait3A_70] : memref<320000x16xf32, #tpu.memory_space<hbm>> -> memref<1000x16xf32, #tpu.memory_space<hbm>>
    %dma_wait3A_72 = arith.constant 0 : i32
    %dma_wait3A_73 = arith.constant 0 : i32
    %dma_wait3A_74 = tpu.memref_slice %arg12[%dma_wait3A, %dma_wait3A_72, %dma_wait3A_73] : memref<2x1000x16xf32, #tpu.memory_space<vmem>> -> memref<1x1000x16xf32, #tpu.memory_space<vmem>>
    %dma_wait3A_75 = tpu.memref_squeeze %dma_wait3A_74 : memref<1x1000x16xf32, #tpu.memory_space<vmem>> -> memref<1000x16xf32, #tpu.memory_space<vmem>>
    tpu.wait_dma2 semaphore(%arg19 : memref<!tpu.dma_semaphore, #tpu.memory_space<semaphore_mem>>) src(%dma_wait3A_75 : memref<1000x16xf32, #tpu.memory_space<vmem>>) dst(%dma_wait3A_71 : memref<1000x16xf32, #tpu.memory_space<hbm>>)
    %barrier3A_76 = arith.constant 0 : index
    tpu.barrier barrier_id(%barrier3A_76)
    %mul3A_77 = arith.constant 624 : i32
    %mul3A_78 = arith.muli %arg1, %mul3A_77 : i32
    %multiple_of3A_79 = tpu.assume_multiple %mul3A_78, 8 : i32
    "tpu.region"() ({
      %run_scoped3A_85 = tpu.sem_alloc : memref<!tpu.dma_semaphore, #tpu.memory_space<semaphore_mem>>
      %dma_start3A_86 = arith.constant 0 : i32
      %dma_start3A_87 = tpu.memref_slice %arg7[%arg0, %multiple_of3A_79, %dma_start3A_86] : memref<2x10000x16xf32, #tpu.memory_space<hbm>> -> memref<1x624x16xf32, #tpu.memory_space<hbm>>
      %dma_start3A_88 = tpu.memref_squeeze %dma_start3A_87 : memref<1x624x16xf32, #tpu.memory_space<hbm>> -> memref<624x16xf32, #tpu.memory_space<hbm>>
      %dma_start3A_89 = arith.constant 0 : i32
      %dma_start3A_90 = tpu.memref_slice %arg13[%multiple_of3A_79, %dma_start3A_89] : memref<10000x16xf32, #tpu.memory_space<vmem_shared>> -> memref<624x16xf32, #tpu.memory_space<vmem_shared>>
      tpu.enqueue_dma source(%dma_start3A_90 : memref<624x16xf32, #tpu.memory_space<vmem_shared>>) target(%dma_start3A_88 : memref<624x16xf32, #tpu.memory_space<hbm>>) target_semaphore(%run_scoped3A_85 : memref<!tpu.dma_semaphore, #tpu.memory_space<semaphore_mem>>)
      %dma_wait3A_91 = arith.constant 0 : i32
      %dma_wait3A_92 = tpu.memref_slice %arg7[%arg0, %multiple_of3A_79, %dma_wait3A_91] : memref<2x10000x16xf32, #tpu.memory_space<hbm>> -> memref<1x624x16xf32, #tpu.memory_space<hbm>>
      %dma_wait3A_93 = tpu.memref_squeeze %dma_wait3A_92 : memref<1x624x16xf32, #tpu.memory_space<hbm>> -> memref<624x16xf32, #tpu.memory_space<hbm>>
      %dma_wait3A_94 = arith.constant 0 : i32
      %dma_wait3A_95 = tpu.memref_slice %arg13[%multiple_of3A_79, %dma_wait3A_94] : memref<10000x16xf32, #tpu.memory_space<vmem_shared>> -> memref<624x16xf32, #tpu.memory_space<vmem_shared>>
      tpu.wait_dma2 semaphore(%run_scoped3A_85 : memref<!tpu.dma_semaphore, #tpu.memory_space<semaphore_mem>>) src(%dma_wait3A_95 : memref<624x16xf32, #tpu.memory_space<vmem_shared>>) dst(%dma_wait3A_93 : memref<624x16xf32, #tpu.memory_space<hbm>>)
      tpu.yield
    }) : () -> ()
    %eq3A_80 = arith.constant 15 : i32
    %eq3A_81 = arith.cmpi eq, %arg1, %eq3A_80 : i32
    %convert_element_type3A_82 = arith.extui %eq3A_81 : i1 to i32
    %cond3A_83 = arith.constant 0 : i32
    %cond3A_84 = arith.cmpi ne, %convert_element_type3A_82, %cond3A_83 : i32
    scf.if %cond3A_84 {
      "tpu.region"() ({
        %run_scoped3A_85 = tpu.sem_alloc : memref<!tpu.dma_semaphore, #tpu.memory_space<semaphore_mem>>
        %dma_start3A_86 = arith.constant 9984 : i32
        %dma_start3A_87 = arith.constant 0 : i32
        %dma_start3A_88 = tpu.memref_slice %arg7[%arg0, %dma_start3A_86, %dma_start3A_87] : memref<2x10000x16xf32, #tpu.memory_space<hbm>> -> memref<1x16x16xf32, #tpu.memory_space<hbm>>
        %dma_start3A_89 = tpu.memref_squeeze %dma_start3A_88 : memref<1x16x16xf32, #tpu.memory_space<hbm>> -> memref<16x16xf32, #tpu.memory_space<hbm>>
        %dma_start3A_90 = arith.constant 9984 : i32
        %dma_start3A_91 = arith.constant 0 : i32
        %dma_start3A_92 = tpu.memref_slice %arg13[%dma_start3A_90, %dma_start3A_91] : memref<10000x16xf32, #tpu.memory_space<vmem_shared>> -> memref<16x16xf32, #tpu.memory_space<vmem_shared>>
        tpu.enqueue_dma source(%dma_start3A_92 : memref<16x16xf32, #tpu.memory_space<vmem_shared>>) target(%dma_start3A_89 : memref<16x16xf32, #tpu.memory_space<hbm>>) target_semaphore(%run_scoped3A_85 : memref<!tpu.dma_semaphore, #tpu.memory_space<semaphore_mem>>)
        %dma_wait3A_93 = arith.constant 9984 : i32
        %dma_wait3A_94 = arith.constant 0 : i32
        %dma_wait3A_95 = tpu.memref_slice %arg7[%arg0, %dma_wait3A_93, %dma_wait3A_94] : memref<2x10000x16xf32, #tpu.memory_space<hbm>> -> memref<1x16x16xf32, #tpu.memory_space<hbm>>
        %dma_wait3A_96 = tpu.memref_squeeze %dma_wait3A_95 : memref<1x16x16xf32, #tpu.memory_space<hbm>> -> memref<16x16xf32, #tpu.memory_space<hbm>>
        %dma_wait3A_97 = arith.constant 9984 : i32
        %dma_wait3A_98 = arith.constant 0 : i32
        %dma_wait3A_99 = tpu.memref_slice %arg13[%dma_wait3A_97, %dma_wait3A_98] : memref<10000x16xf32, #tpu.memory_space<vmem_shared>> -> memref<16x16xf32, #tpu.memory_space<vmem_shared>>
        tpu.wait_dma2 semaphore(%run_scoped3A_85 : memref<!tpu.dma_semaphore, #tpu.memory_space<semaphore_mem>>) src(%dma_wait3A_99 : memref<16x16xf32, #tpu.memory_space<vmem_shared>>) dst(%dma_wait3A_96 : memref<16x16xf32, #tpu.memory_space<hbm>>)
        tpu.yield
      }) : () -> ()
    } else {
    }
    return
  }
}

#map = affine_map<(d0, d1) -> (0, 0)>
#map1 = affine_map<(d0, d1) -> (0, 0, 0)>
module attributes {stable_mosaic.version = 14 : i64} {
  func.func @_sc_layer_body(%arg0: i32, %arg1: i32, %arg2: memref<2x320000xi32, #tpu.memory_space<hbm>>, %arg3: memref<320000x16xf32, #tpu.memory_space<hbm>>, %arg4: memref<10000x16xf32, #tpu.memory_space<hbm>>, %arg5: memref<10000x16xf32, #tpu.memory_space<hbm>>, %arg6: memref<320000x16xf32, #tpu.memory_space<hbm>>, %arg7: memref<2x10000x16xf32, #tpu.memory_space<hbm>>, %arg8: memref<2x1000xi32, #tpu.memory_space<vmem>>, %arg9: memref<2x1000xi32, #tpu.memory_space<vmem>>, %arg10: memref<2x1000x16xf32, #tpu.memory_space<vmem>>, %arg11: memref<2x1000x16xf32, #tpu.memory_space<vmem>>, %arg12: memref<2x1000x16xf32, #tpu.memory_space<vmem>>, %arg13: memref<10000x16xf32, #tpu.memory_space<vmem_shared>>, %arg14: memref<10000x16xf32, #tpu.memory_space<vmem_shared>>, %arg15: memref<10000x16xf32, #tpu.memory_space<vmem_shared>>, %arg16: memref<!tpu.dma_semaphore, #tpu.memory_space<semaphore_mem>>, %arg17: memref<!tpu.dma_semaphore, #tpu.memory_space<semaphore_mem>>, %arg18: memref<!tpu.dma_semaphore, #tpu.memory_space<semaphore_mem>>, %arg19: memref<!tpu.dma_semaphore, #tpu.memory_space<semaphore_mem>>) attributes {dimension_semantics = [#tpu.dimension_semantics<core_parallel>, #tpu.dimension_semantics<subcore_parallel>], iteration_bounds = array<i64: 2, 16>, scalar_prefetch = 0 : i64, scratch_operands = 12 : i64, tpu.core_type = #tpu.core_type<sc_vector_subcore>, window_params = [{transform_indices = #map}, {transform_indices = #map}, {transform_indices = #map}, {transform_indices = #map}, {transform_indices = #map}, {transform_indices = #map1}]} {
    %mul3A = arith.constant 2 : i32
    %mul3A_0 = arith.muli %arg1, %mul3A : i32
    %add3A = arith.addi %mul3A_0, %arg0 : i32
    %mul3A_1 = arith.constant 624 : i32
    %mul3A_2 = arith.muli %arg1, %mul3A_1 : i32
    %multiple_of3A = tpu.assume_multiple %mul3A_2, 8 : i32
    "tpu.region"() ({
      %run_scoped3A_85 = tpu.sem_alloc : memref<!tpu.dma_semaphore, #tpu.memory_space<semaphore_mem>>
      %dma_start3A_86 = arith.constant 0 : i32
      %dma_start3A_87 = tpu.memref_slice %arg14[%multiple_of3A, %dma_start3A_86] : memref<10000x16xf32, #tpu.memory_space<vmem_shared>> -> memref<624x16xf32, #tpu.memory_space<vmem_shared>>
      %dma_start3A_88 = arith.constant 0 : i32
      %dma_start3A_89 = tpu.memref_slice %arg4[%multiple_of3A, %dma_start3A_88] : memref<10000x16xf32, #tpu.memory_space<hbm>> -> memref<624x16xf32, #tpu.memory_space<hbm>>
      tpu.enqueue_dma source(%dma_start3A_89 : memref<624x16xf32, #tpu.memory_space<hbm>>) target(%dma_start3A_87 : memref<624x16xf32, #tpu.memory_space<vmem_shared>>) target_semaphore(%run_scoped3A_85 : memref<!tpu.dma_semaphore, #tpu.memory_space<semaphore_mem>>)
      %dma_wait3A_90 = arith.constant 0 : i32
      %dma_wait3A_91 = tpu.memref_slice %arg14[%multiple_of3A, %dma_wait3A_90] : memref<10000x16xf32, #tpu.memory_space<vmem_shared>> -> memref<624x16xf32, #tpu.memory_space<vmem_shared>>
      %dma_wait3A_92 = arith.constant 0 : i32
      %dma_wait3A_93 = tpu.memref_slice %arg4[%multiple_of3A, %dma_wait3A_92] : memref<10000x16xf32, #tpu.memory_space<hbm>> -> memref<624x16xf32, #tpu.memory_space<hbm>>
      tpu.wait_dma2 semaphore(%run_scoped3A_85 : memref<!tpu.dma_semaphore, #tpu.memory_space<semaphore_mem>>) src(%dma_wait3A_93 : memref<624x16xf32, #tpu.memory_space<hbm>>) dst(%dma_wait3A_91 : memref<624x16xf32, #tpu.memory_space<vmem_shared>>)
      tpu.yield
    }) : () -> ()
    "tpu.region"() ({
      %run_scoped3A_85 = tpu.sem_alloc : memref<!tpu.dma_semaphore, #tpu.memory_space<semaphore_mem>>
      %dma_start3A_86 = arith.constant 0 : i32
      %dma_start3A_87 = tpu.memref_slice %arg15[%multiple_of3A, %dma_start3A_86] : memref<10000x16xf32, #tpu.memory_space<vmem_shared>> -> memref<624x16xf32, #tpu.memory_space<vmem_shared>>
      %dma_start3A_88 = arith.constant 0 : i32
      %dma_start3A_89 = tpu.memref_slice %arg5[%multiple_of3A, %dma_start3A_88] : memref<10000x16xf32, #tpu.memory_space<hbm>> -> memref<624x16xf32, #tpu.memory_space<hbm>>
      tpu.enqueue_dma source(%dma_start3A_89 : memref<624x16xf32, #tpu.memory_space<hbm>>) target(%dma_start3A_87 : memref<624x16xf32, #tpu.memory_space<vmem_shared>>) target_semaphore(%run_scoped3A_85 : memref<!tpu.dma_semaphore, #tpu.memory_space<semaphore_mem>>)
      %dma_wait3A_90 = arith.constant 0 : i32
      %dma_wait3A_91 = tpu.memref_slice %arg15[%multiple_of3A, %dma_wait3A_90] : memref<10000x16xf32, #tpu.memory_space<vmem_shared>> -> memref<624x16xf32, #tpu.memory_space<vmem_shared>>
      %dma_wait3A_92 = arith.constant 0 : i32
      %dma_wait3A_93 = tpu.memref_slice %arg5[%multiple_of3A, %dma_wait3A_92] : memref<10000x16xf32, #tpu.memory_space<hbm>> -> memref<624x16xf32, #tpu.memory_space<hbm>>
      tpu.wait_dma2 semaphore(%run_scoped3A_85 : memref<!tpu.dma_semaphore, #tpu.memory_space<semaphore_mem>>) src(%dma_wait3A_93 : memref<624x16xf32, #tpu.memory_space<hbm>>) dst(%dma_wait3A_91 : memref<624x16xf32, #tpu.memory_space<vmem_shared>>)
      tpu.yield
    }) : () -> ()
    %scan3A = arith.constant 0 : i32
    %scan3A_3 = arith.constant 0 : i32
    %scan3A_4 = arith.constant 640 : i32
    %scan3A_5 = arith.addi %scan3A_3, %scan3A_4 : i32
    %scan3A_6 = arith.constant 1 : i32
    %scan3A_7 = scf.for %scan3A_85 = %scan3A_3 to %scan3A_5 step %scan3A_6 iter_args(%scan3A_86 = %scan3A) -> (i32)  : i32 {
      %broadcast_in_dim3A = arith.constant 0.000000e+00 : f32
      %broadcast_in_dim3A_87 = vector.broadcast %broadcast_in_dim3A : f32 to vector<16xf32>
      %swap3A = arith.constant 0 : i32
      %swap3A_88 = arith.index_cast %swap3A : i32 to index
      %swap3A_89 = arith.index_cast %scan3A_85 : i32 to index
      %swap3A_90 = arith.constant 0 : index
      %swap3A_91 = tpu.vector_load %arg10[%swap3A_88, %swap3A_89, %swap3A_90] {strides = array<i32>} : memref<2x1000x16xf32, #tpu.memory_space<vmem>>, vector<1x1x16xf32>,
      %swap3A_92 = vector.shape_cast %swap3A_91 : vector<1x1x16xf32> to vector<16xf32>
      %swap3A_93 = vector.shape_cast %broadcast_in_dim3A_87 : vector<16xf32> to vector<1x1x16xf32>
      tpu.vector_store %arg10[%swap3A_88, %swap3A_89, %swap3A_90], %swap3A_93 {strides = array<i32>} : memref<2x1000x16xf32, #tpu.memory_space<vmem>>, vector<1x1x16xf32>,
      %scan3A_94 = arith.constant 0 : i32
      scf.yield %scan3A_94 : i32
    }
    %scan3A_8 = arith.constant 640 : i32
    %run_scoped3A = arith.constant 0 : i32
    "tpu.region"() ({
      %run_scoped3A_85 = tpu.sem_alloc : memref<!tpu.dma_semaphore, #tpu.memory_space<semaphore_mem>>
      %dma_start3A_86 = arith.constant 0 : i32
      %dma_start3A_87 = arith.constant 0 : i32
      %dma_start3A_88 = tpu.memref_slice %arg10[%run_scoped3A, %dma_start3A_86, %dma_start3A_87] : memref<2x1000x16xf32, #tpu.memory_space<vmem>> -> memref<1x624x16xf32, #tpu.memory_space<vmem>>
      %dma_start3A_89 = tpu.memref_squeeze %dma_start3A_88 : memref<1x624x16xf32, #tpu.memory_space<vmem>> -> memref<624x16xf32, #tpu.memory_space<vmem>>
      %dma_start3A_90 = arith.constant 0 : i32
      %dma_start3A_91 = tpu.memref_slice %arg13[%multiple_of3A, %dma_start3A_90] : memref<10000x16xf32, #tpu.memory_space<vmem_shared>> -> memref<624x16xf32, #tpu.memory_space<vmem_shared>>
      %dma_start3A_92 = arith.constant 0 : i32
      %dma_start3A_93 = tpu.memref_slice %arg13[%multiple_of3A, %dma_start3A_92] : memref<10000x16xf32, #tpu.memory_space<vmem_shared>> -> memref<624x16xf32, #tpu.memory_space<vmem_shared>>
      %dma_start3A_94 = arith.constant 0 : i32
      %dma_start3A_95 = arith.constant 0 : i32
      %dma_start3A_96 = tpu.memref_slice %arg10[%run_scoped3A, %dma_start3A_94, %dma_start3A_95] : memref<2x1000x16xf32, #tpu.memory_space<vmem>> -> memref<1x624x16xf32, #tpu.memory_space<vmem>>
      %dma_start3A_97 = tpu.memref_squeeze %dma_start3A_96 : memref<1x624x16xf32, #tpu.memory_space<vmem>> -> memref<624x16xf32, #tpu.memory_space<vmem>>
      tpu.enqueue_dma source(%dma_start3A_97 : memref<624x16xf32, #tpu.memory_space<vmem>>) target(%dma_start3A_93 : memref<624x16xf32, #tpu.memory_space<vmem_shared>>) target_semaphore(%run_scoped3A_85 : memref<!tpu.dma_semaphore, #tpu.memory_space<semaphore_mem>>)
      %dma_wait3A_98 = arith.constant 0 : i32
      %dma_wait3A_99 = arith.constant 0 : i32
      %dma_wait3A_100 = tpu.memref_slice %arg10[%run_scoped3A, %dma_wait3A_98, %dma_wait3A_99] : memref<2x1000x16xf32, #tpu.memory_space<vmem>> -> memref<1x624x16xf32, #tpu.memory_space<vmem>>
      %dma_wait3A_101 = tpu.memref_squeeze %dma_wait3A_100 : memref<1x624x16xf32, #tpu.memory_space<vmem>> -> memref<624x16xf32, #tpu.memory_space<vmem>>
      %dma_wait3A_102 = arith.constant 0 : i32
      %dma_wait3A_103 = tpu.memref_slice %arg13[%multiple_of3A, %dma_wait3A_102] : memref<10000x16xf32, #tpu.memory_space<vmem_shared>> -> memref<624x16xf32, #tpu.memory_space<vmem_shared>>
      %dma_wait3A_104 = arith.constant 0 : i32
      %dma_wait3A_105 = tpu.memref_slice %arg13[%multiple_of3A, %dma_wait3A_104] : memref<10000x16xf32, #tpu.memory_space<vmem_shared>> -> memref<624x16xf32, #tpu.memory_space<vmem_shared>>
      %dma_wait3A_106 = arith.constant 0 : i32
      %dma_wait3A_107 = arith.constant 0 : i32
      %dma_wait3A_108 = tpu.memref_slice %arg10[%run_scoped3A, %dma_wait3A_106, %dma_wait3A_107] : memref<2x1000x16xf32, #tpu.memory_space<vmem>> -> memref<1x624x16xf32, #tpu.memory_space<vmem>>
      %dma_wait3A_109 = tpu.memref_squeeze %dma_wait3A_108 : memref<1x624x16xf32, #tpu.memory_space<vmem>> -> memref<624x16xf32, #tpu.memory_space<vmem>>
      tpu.wait_dma2 semaphore(%run_scoped3A_85 : memref<!tpu.dma_semaphore, #tpu.memory_space<semaphore_mem>>) src(%dma_wait3A_109 : memref<624x16xf32, #tpu.memory_space<vmem>>) dst(%dma_wait3A_105 : memref<624x16xf32, #tpu.memory_space<vmem_shared>>)
      tpu.yield
    }) : () -> ()
    %eq3A = arith.constant 15 : i32
    %eq3A_9 = arith.cmpi eq, %arg1, %eq3A : i32
    %convert_element_type3A = arith.extui %eq3A_9 : i1 to i32
    %cond3A = arith.constant 0 : i32
    %cond3A_10 = arith.cmpi ne, %convert_element_type3A, %cond3A : i32
    scf.if %cond3A_10 {
      "tpu.region"() ({
        %run_scoped3A_86 = tpu.sem_alloc : memref<!tpu.dma_semaphore, #tpu.memory_space<semaphore_mem>>
        %dma_start3A_87 = arith.constant 9984 : i32
        %dma_start3A_88 = arith.constant 0 : i32
        %dma_start3A_89 = tpu.memref_slice %arg14[%dma_start3A_87, %dma_start3A_88] : memref<10000x16xf32, #tpu.memory_space<vmem_shared>> -> memref<16x16xf32, #tpu.memory_space<vmem_shared>>
        %dma_start3A_90 = arith.constant 9984 : i32
        %dma_start3A_91 = arith.constant 0 : i32
        %dma_start3A_92 = tpu.memref_slice %arg4[%dma_start3A_90, %dma_start3A_91] : memref<10000x16xf32, #tpu.memory_space<hbm>> -> memref<16x16xf32, #tpu.memory_space<hbm>>
        tpu.enqueue_dma source(%dma_start3A_92 : memref<16x16xf32, #tpu.memory_space<hbm>>) target(%dma_start3A_89 : memref<16x16xf32, #tpu.memory_space<vmem_shared>>) target_semaphore(%run_scoped3A_86 : memref<!tpu.dma_semaphore, #tpu.memory_space<semaphore_mem>>)
        %dma_wait3A_93 = arith.constant 9984 : i32
        %dma_wait3A_94 = arith.constant 0 : i32
        %dma_wait3A_95 = tpu.memref_slice %arg14[%dma_wait3A_93, %dma_wait3A_94] : memref<10000x16xf32, #tpu.memory_space<vmem_shared>> -> memref<16x16xf32, #tpu.memory_space<vmem_shared>>
        %dma_wait3A_96 = arith.constant 9984 : i32
        %dma_wait3A_97 = arith.constant 0 : i32
        %dma_wait3A_98 = tpu.memref_slice %arg4[%dma_wait3A_96, %dma_wait3A_97] : memref<10000x16xf32, #tpu.memory_space<hbm>> -> memref<16x16xf32, #tpu.memory_space<hbm>>
        tpu.wait_dma2 semaphore(%run_scoped3A_86 : memref<!tpu.dma_semaphore, #tpu.memory_space<semaphore_mem>>) src(%dma_wait3A_98 : memref<16x16xf32, #tpu.memory_space<hbm>>) dst(%dma_wait3A_95 : memref<16x16xf32, #tpu.memory_space<vmem_shared>>)
        tpu.yield
      }) : () -> ()
      "tpu.region"() ({
        %run_scoped3A_86 = tpu.sem_alloc : memref<!tpu.dma_semaphore, #tpu.memory_space<semaphore_mem>>
        %dma_start3A_87 = arith.constant 9984 : i32
        %dma_start3A_88 = arith.constant 0 : i32
        %dma_start3A_89 = tpu.memref_slice %arg15[%dma_start3A_87, %dma_start3A_88] : memref<10000x16xf32, #tpu.memory_space<vmem_shared>> -> memref<16x16xf32, #tpu.memory_space<vmem_shared>>
        %dma_start3A_90 = arith.constant 9984 : i32
        %dma_start3A_91 = arith.constant 0 : i32
        %dma_start3A_92 = tpu.memref_slice %arg5[%dma_start3A_90, %dma_start3A_91] : memref<10000x16xf32, #tpu.memory_space<hbm>> -> memref<16x16xf32, #tpu.memory_space<hbm>>
        tpu.enqueue_dma source(%dma_start3A_92 : memref<16x16xf32, #tpu.memory_space<hbm>>) target(%dma_start3A_89 : memref<16x16xf32, #tpu.memory_space<vmem_shared>>) target_semaphore(%run_scoped3A_86 : memref<!tpu.dma_semaphore, #tpu.memory_space<semaphore_mem>>)
        %dma_wait3A_93 = arith.constant 9984 : i32
        %dma_wait3A_94 = arith.constant 0 : i32
        %dma_wait3A_95 = tpu.memref_slice %arg15[%dma_wait3A_93, %dma_wait3A_94] : memref<10000x16xf32, #tpu.memory_space<vmem_shared>> -> memref<16x16xf32, #tpu.memory_space<vmem_shared>>
        %dma_wait3A_96 = arith.constant 9984 : i32
        %dma_wait3A_97 = arith.constant 0 : i32
        %dma_wait3A_98 = tpu.memref_slice %arg5[%dma_wait3A_96, %dma_wait3A_97] : memref<10000x16xf32, #tpu.memory_space<hbm>> -> memref<16x16xf32, #tpu.memory_space<hbm>>
        tpu.wait_dma2 semaphore(%run_scoped3A_86 : memref<!tpu.dma_semaphore, #tpu.memory_space<semaphore_mem>>) src(%dma_wait3A_98 : memref<16x16xf32, #tpu.memory_space<hbm>>) dst(%dma_wait3A_95 : memref<16x16xf32, #tpu.memory_space<vmem_shared>>)
        tpu.yield
      }) : () -> ()
      %run_scoped3A_85 = arith.constant 0 : i32
      "tpu.region"() ({
        %run_scoped3A_86 = tpu.sem_alloc : memref<!tpu.dma_semaphore, #tpu.memory_space<semaphore_mem>>
        %dma_start3A_87 = arith.constant 0 : i32
        %dma_start3A_88 = arith.constant 0 : i32
        %dma_start3A_89 = tpu.memref_slice %arg10[%run_scoped3A_85, %dma_start3A_87, %dma_start3A_88] : memref<2x1000x16xf32, #tpu.memory_space<vmem>> -> memref<1x16x16xf32, #tpu.memory_space<vmem>>
        %dma_start3A_90 = tpu.memref_squeeze %dma_start3A_89 : memref<1x16x16xf32, #tpu.memory_space<vmem>> -> memref<16x16xf32, #tpu.memory_space<vmem>>
        %dma_start3A_91 = arith.constant 9984 : i32
        %dma_start3A_92 = arith.constant 0 : i32
        %dma_start3A_93 = tpu.memref_slice %arg13[%dma_start3A_91, %dma_start3A_92] : memref<10000x16xf32, #tpu.memory_space<vmem_shared>> -> memref<16x16xf32, #tpu.memory_space<vmem_shared>>
        %dma_start3A_94 = arith.constant 9984 : i32
        %dma_start3A_95 = arith.constant 0 : i32
        %dma_start3A_96 = tpu.memref_slice %arg13[%dma_start3A_94, %dma_start3A_95] : memref<10000x16xf32, #tpu.memory_space<vmem_shared>> -> memref<16x16xf32, #tpu.memory_space<vmem_shared>>
        %dma_start3A_97 = arith.constant 0 : i32
        %dma_start3A_98 = arith.constant 0 : i32
        %dma_start3A_99 = tpu.memref_slice %arg10[%run_scoped3A_85, %dma_start3A_97, %dma_start3A_98] : memref<2x1000x16xf32, #tpu.memory_space<vmem>> -> memref<1x16x16xf32, #tpu.memory_space<vmem>>
        %dma_start3A_100 = tpu.memref_squeeze %dma_start3A_99 : memref<1x16x16xf32, #tpu.memory_space<vmem>> -> memref<16x16xf32, #tpu.memory_space<vmem>>
        tpu.enqueue_dma source(%dma_start3A_100 : memref<16x16xf32, #tpu.memory_space<vmem>>) target(%dma_start3A_96 : memref<16x16xf32, #tpu.memory_space<vmem_shared>>) target_semaphore(%run_scoped3A_86 : memref<!tpu.dma_semaphore, #tpu.memory_space<semaphore_mem>>)
        %dma_wait3A_101 = arith.constant 0 : i32
        %dma_wait3A_102 = arith.constant 0 : i32
        %dma_wait3A_103 = tpu.memref_slice %arg10[%run_scoped3A_85, %dma_wait3A_101, %dma_wait3A_102] : memref<2x1000x16xf32, #tpu.memory_space<vmem>> -> memref<1x16x16xf32, #tpu.memory_space<vmem>>
        %dma_wait3A_104 = tpu.memref_squeeze %dma_wait3A_103 : memref<1x16x16xf32, #tpu.memory_space<vmem>> -> memref<16x16xf32, #tpu.memory_space<vmem>>
        %dma_wait3A_105 = arith.constant 9984 : i32
        %dma_wait3A_106 = arith.constant 0 : i32
        %dma_wait3A_107 = tpu.memref_slice %arg13[%dma_wait3A_105, %dma_wait3A_106] : memref<10000x16xf32, #tpu.memory_space<vmem_shared>> -> memref<16x16xf32, #tpu.memory_space<vmem_shared>>
        %dma_wait3A_108 = arith.constant 9984 : i32
        %dma_wait3A_109 = arith.constant 0 : i32
        %dma_wait3A_110 = tpu.memref_slice %arg13[%dma_wait3A_108, %dma_wait3A_109] : memref<10000x16xf32, #tpu.memory_space<vmem_shared>> -> memref<16x16xf32, #tpu.memory_space<vmem_shared>>
        %dma_wait3A_111 = arith.constant 0 : i32
        %dma_wait3A_112 = arith.constant 0 : i32
        %dma_wait3A_113 = tpu.memref_slice %arg10[%run_scoped3A_85, %dma_wait3A_111, %dma_wait3A_112] : memref<2x1000x16xf32, #tpu.memory_space<vmem>> -> memref<1x16x16xf32, #tpu.memory_space<vmem>>
        %dma_wait3A_114 = tpu.memref_squeeze %dma_wait3A_113 : memref<1x16x16xf32, #tpu.memory_space<vmem>> -> memref<16x16xf32, #tpu.memory_space<vmem>>
        tpu.wait_dma2 semaphore(%run_scoped3A_86 : memref<!tpu.dma_semaphore, #tpu.memory_space<semaphore_mem>>) src(%dma_wait3A_114 : memref<16x16xf32, #tpu.memory_space<vmem>>) dst(%dma_wait3A_110 : memref<16x16xf32, #tpu.memory_space<vmem_shared>>)
        tpu.yield
      }) : () -> ()
    } else {
    }
    %barrier3A = arith.constant 0 : index
    tpu.barrier barrier_id(%barrier3A)
    %mul3A_11 = arith.constant 10000 : i32
    %mul3A_12 = arith.muli %add3A, %mul3A_11 : i32
    %add3A_13 = arith.constant 0 : i32
    %add3A_14 = arith.addi %mul3A_12, %add3A_13 : i32
    %multiple_of3A_15 = tpu.assume_multiple %add3A_14, 8 : i32
    %dma_start3A = arith.constant 0 : i32
    %dma_start3A_16 = arith.constant 0 : i32
    %dma_start3A_17 = arith.constant 0 : i32
    %dma_start3A_18 = tpu.memref_slice %arg8[%dma_start3A_16, %dma_start3A_17] : memref<2x1000xi32, #tpu.memory_space<vmem>> -> memref<1x1000xi32, #tpu.memory_space<vmem>>
    %dma_start3A_19 = tpu.memref_squeeze %dma_start3A_18 : memref<1x1000xi32, #tpu.memory_space<vmem>> -> memref<1000xi32, #tpu.memory_space<vmem>>
    %dma_start3A_20 = tpu.memref_slice %arg2[%dma_start3A, %multiple_of3A_15] : memref<2x320000xi32, #tpu.memory_space<hbm>> -> memref<1x1000xi32, #tpu.memory_space<hbm>>
    %dma_start3A_21 = tpu.memref_squeeze %dma_start3A_20 : memref<1x1000xi32, #tpu.memory_space<hbm>> -> memref<1000xi32, #tpu.memory_space<hbm>>
    %dma_start3A_22 = arith.constant 0 : i32
    %dma_start3A_23 = tpu.memref_slice %arg8[%dma_start3A_16, %dma_start3A_22] : memref<2x1000xi32, #tpu.memory_space<vmem>> -> memref<1x1000xi32, #tpu.memory_space<vmem>>
    %dma_start3A_24 = tpu.memref_squeeze %dma_start3A_23 : memref<1x1000xi32, #tpu.memory_space<vmem>> -> memref<1000xi32, #tpu.memory_space<vmem>>
    %dma_start3A_25 = tpu.memref_slice %arg2[%dma_start3A, %multiple_of3A_15] : memref<2x320000xi32, #tpu.memory_space<hbm>> -> memref<1x1000xi32, #tpu.memory_space<hbm>>
    %dma_start3A_26 = tpu.memref_squeeze %dma_start3A_25 : memref<1x1000xi32, #tpu.memory_space<hbm>> -> memref<1000xi32, #tpu.memory_space<hbm>>
    tpu.enqueue_dma source(%dma_start3A_26 : memref<1000xi32, #tpu.memory_space<hbm>>) target(%dma_start3A_24 : memref<1000xi32, #tpu.memory_space<vmem>>) target_semaphore(%arg16 : memref<!tpu.dma_semaphore, #tpu.memory_space<semaphore_mem>>)
    %dma_start3A_27 = arith.constant 1 : i32
    %dma_start3A_28 = arith.constant 0 : i32
    %dma_start3A_29 = arith.constant 0 : i32
    %dma_start3A_30 = tpu.memref_slice %arg9[%dma_start3A_28, %dma_start3A_29] : memref<2x1000xi32, #tpu.memory_space<vmem>> -> memref<1x1000xi32, #tpu.memory_space<vmem>>
    %dma_start3A_31 = tpu.memref_squeeze %dma_start3A_30 : memref<1x1000xi32, #tpu.memory_space<vmem>> -> memref<1000xi32, #tpu.memory_space<vmem>>
    %dma_start3A_32 = tpu.memref_slice %arg2[%dma_start3A_27, %multiple_of3A_15] : memref<2x320000xi32, #tpu.memory_space<hbm>> -> memref<1x1000xi32, #tpu.memory_space<hbm>>
    %dma_start3A_33 = tpu.memref_squeeze %dma_start3A_32 : memref<1x1000xi32, #tpu.memory_space<hbm>> -> memref<1000xi32, #tpu.memory_space<hbm>>
    %dma_start3A_34 = arith.constant 0 : i32
    %dma_start3A_35 = tpu.memref_slice %arg9[%dma_start3A_28, %dma_start3A_34] : memref<2x1000xi32, #tpu.memory_space<vmem>> -> memref<1x1000xi32, #tpu.memory_space<vmem>>
    %dma_start3A_36 = tpu.memref_squeeze %dma_start3A_35 : memref<1x1000xi32, #tpu.memory_space<vmem>> -> memref<1000xi32, #tpu.memory_space<vmem>>
    %dma_start3A_37 = tpu.memref_slice %arg2[%dma_start3A_27, %multiple_of3A_15] : memref<2x320000xi32, #tpu.memory_space<hbm>> -> memref<1x1000xi32, #tpu.memory_space<hbm>>
    %dma_start3A_38 = tpu.memref_squeeze %dma_start3A_37 : memref<1x1000xi32, #tpu.memory_space<hbm>> -> memref<1000xi32, #tpu.memory_space<hbm>>
    tpu.enqueue_dma source(%dma_start3A_38 : memref<1000xi32, #tpu.memory_space<hbm>>) target(%dma_start3A_36 : memref<1000xi32, #tpu.memory_space<vmem>>) target_semaphore(%arg16 : memref<!tpu.dma_semaphore, #tpu.memory_space<semaphore_mem>>)
    %dma_start3A_39 = arith.constant 0 : i32
    %dma_start3A_40 = arith.constant 0 : i32
    %dma_start3A_41 = arith.constant 0 : i32
    %dma_start3A_42 = tpu.memref_slice %arg12[%dma_start3A_39, %dma_start3A_40, %dma_start3A_41] : memref<2x1000x16xf32, #tpu.memory_space<vmem>> -> memref<1x1000x16xf32, #tpu.memory_space<vmem>>
    %dma_start3A_43 = tpu.memref_squeeze %dma_start3A_42 : memref<1x1000x16xf32, #tpu.memory_space<vmem>> -> memref<1000x16xf32, #tpu.memory_space<vmem>>
    %dma_start3A_44 = arith.constant 0 : i32
    %dma_start3A_45 = tpu.memref_slice %arg3[%multiple_of3A_15, %dma_start3A_44] : memref<320000x16xf32, #tpu.memory_space<hbm>> -> memref<1000x16xf32, #tpu.memory_space<hbm>>
    %dma_start3A_46 = arith.constant 0 : i32
    %dma_start3A_47 = arith.constant 0 : i32
    %dma_start3A_48 = tpu.memref_slice %arg12[%dma_start3A_39, %dma_start3A_46, %dma_start3A_47] : memref<2x1000x16xf32, #tpu.memory_space<vmem>> -> memref<1x1000x16xf32, #tpu.memory_space<vmem>>
    %dma_start3A_49 = tpu.memref_squeeze %dma_start3A_48 : memref<1x1000x16xf32, #tpu.memory_space<vmem>> -> memref<1000x16xf32, #tpu.memory_space<vmem>>
    %dma_start3A_50 = arith.constant 0 : i32
    %dma_start3A_51 = tpu.memref_slice %arg3[%multiple_of3A_15, %dma_start3A_50] : memref<320000x16xf32, #tpu.memory_space<hbm>> -> memref<1000x16xf32, #tpu.memory_space<hbm>>
    tpu.enqueue_dma source(%dma_start3A_51 : memref<1000x16xf32, #tpu.memory_space<hbm>>) target(%dma_start3A_49 : memref<1000x16xf32, #tpu.memory_space<vmem>>) target_semaphore(%arg16 : memref<!tpu.dma_semaphore, #tpu.memory_space<semaphore_mem>>)
    %scan3A_52 = arith.constant 0 : i32
    %scan3A_53 = arith.constant 0 : i32
    %scan3A_54 = arith.constant 10 : i32
    %scan3A_55 = arith.addi %scan3A_53, %scan3A_54 : i32
    %scan3A_56 = arith.constant 1 : i32
    %scan3A_57 = scf.for %scan3A_85 = %scan3A_53 to %scan3A_55 step %scan3A_56 iter_args(%scan3A_86 = %scan3A_52) -> (i32)  : i32 {
      %and3A = arith.constant 1 : i32
      %and3A_87 = arith.andi %scan3A_85, %and3A : i32
      %mul3A_88 = arith.constant 10000 : i32
      %mul3A_89 = arith.muli %add3A, %mul3A_88 : i32
      %mul3A_90 = arith.constant 1000 : i32
      %mul3A_91 = arith.muli %scan3A_85, %mul3A_90 : i32
      %add3A_92 = arith.addi %mul3A_89, %mul3A_91 : i32
      %multiple_of3A_93 = tpu.assume_multiple %add3A_92, 8 : i32
      %and3A_94 = arith.constant 1 : i32
      %and3A_95 = arith.andi %scan3A_85, %and3A_94 : i32
      %mul3A_96 = arith.constant 10000 : i32
      %mul3A_97 = arith.muli %add3A, %mul3A_96 : i32
      %mul3A_98 = arith.constant 1000 : i32
      %mul3A_99 = arith.muli %scan3A_85, %mul3A_98 : i32
      %add3A_100 = arith.addi %mul3A_97, %mul3A_99 : i32
      %multiple_of3A_101 = tpu.assume_multiple %add3A_100, 8 : i32
      %dma_wait3A_102 = arith.constant 0 : i32
      %dma_wait3A_103 = arith.constant 0 : i32
      %dma_wait3A_104 = tpu.memref_slice %arg8[%and3A_95, %dma_wait3A_103] : memref<2x1000xi32, #tpu.memory_space<vmem>> -> memref<1x1000xi32, #tpu.memory_space<vmem>>
      %dma_wait3A_105 = tpu.memref_squeeze %dma_wait3A_104 : memref<1x1000xi32, #tpu.memory_space<vmem>> -> memref<1000xi32, #tpu.memory_space<vmem>>
      %dma_wait3A_106 = tpu.memref_slice %arg2[%dma_wait3A_102, %multiple_of3A_101] : memref<2x320000xi32, #tpu.memory_space<hbm>> -> memref<1x1000xi32, #tpu.memory_space<hbm>>
      %dma_wait3A_107 = tpu.memref_squeeze %dma_wait3A_106 : memref<1x1000xi32, #tpu.memory_space<hbm>> -> memref<1000xi32, #tpu.memory_space<hbm>>
      %dma_wait3A_108 = arith.constant 0 : i32
      %dma_wait3A_109 = tpu.memref_slice %arg8[%and3A_95, %dma_wait3A_108] : memref<2x1000xi32, #tpu.memory_space<vmem>> -> memref<1x1000xi32, #tpu.memory_space<vmem>>
      %dma_wait3A_110 = tpu.memref_squeeze %dma_wait3A_109 : memref<1x1000xi32, #tpu.memory_space<vmem>> -> memref<1000xi32, #tpu.memory_space<vmem>>
      %dma_wait3A_111 = tpu.memref_slice %arg2[%dma_wait3A_102, %multiple_of3A_101] : memref<2x320000xi32, #tpu.memory_space<hbm>> -> memref<1x1000xi32, #tpu.memory_space<hbm>>
      %dma_wait3A_112 = tpu.memref_squeeze %dma_wait3A_111 : memref<1x1000xi32, #tpu.memory_space<hbm>> -> memref<1000xi32, #tpu.memory_space<hbm>>
      tpu.wait_dma2 semaphore(%arg16 : memref<!tpu.dma_semaphore, #tpu.memory_space<semaphore_mem>>) src(%dma_wait3A_112 : memref<1000xi32, #tpu.memory_space<hbm>>) dst(%dma_wait3A_110 : memref<1000xi32, #tpu.memory_space<vmem>>)
      %dma_wait3A_113 = arith.constant 1 : i32
      %dma_wait3A_114 = arith.constant 0 : i32
      %dma_wait3A_115 = tpu.memref_slice %arg9[%and3A_95, %dma_wait3A_114] : memref<2x1000xi32, #tpu.memory_space<vmem>> -> memref<1x1000xi32, #tpu.memory_space<vmem>>
      %dma_wait3A_116 = tpu.memref_squeeze %dma_wait3A_115 : memref<1x1000xi32, #tpu.memory_space<vmem>> -> memref<1000xi32, #tpu.memory_space<vmem>>
      %dma_wait3A_117 = tpu.memref_slice %arg2[%dma_wait3A_113, %multiple_of3A_101] : memref<2x320000xi32, #tpu.memory_space<hbm>> -> memref<1x1000xi32, #tpu.memory_space<hbm>>
      %dma_wait3A_118 = tpu.memref_squeeze %dma_wait3A_117 : memref<1x1000xi32, #tpu.memory_space<hbm>> -> memref<1000xi32, #tpu.memory_space<hbm>>
      %dma_wait3A_119 = arith.constant 0 : i32
      %dma_wait3A_120 = tpu.memref_slice %arg9[%and3A_95, %dma_wait3A_119] : memref<2x1000xi32, #tpu.memory_space<vmem>> -> memref<1x1000xi32, #tpu.memory_space<vmem>>
      %dma_wait3A_121 = tpu.memref_squeeze %dma_wait3A_120 : memref<1x1000xi32, #tpu.memory_space<vmem>> -> memref<1000xi32, #tpu.memory_space<vmem>>
      %dma_wait3A_122 = tpu.memref_slice %arg2[%dma_wait3A_113, %multiple_of3A_101] : memref<2x320000xi32, #tpu.memory_space<hbm>> -> memref<1x1000xi32, #tpu.memory_space<hbm>>
      %dma_wait3A_123 = tpu.memref_squeeze %dma_wait3A_122 : memref<1x1000xi32, #tpu.memory_space<hbm>> -> memref<1000xi32, #tpu.memory_space<hbm>>
      tpu.wait_dma2 semaphore(%arg16 : memref<!tpu.dma_semaphore, #tpu.memory_space<semaphore_mem>>) src(%dma_wait3A_123 : memref<1000xi32, #tpu.memory_space<hbm>>) dst(%dma_wait3A_121 : memref<1000xi32, #tpu.memory_space<vmem>>)
      %dma_wait3A_124 = arith.constant 0 : i32
      %dma_wait3A_125 = arith.constant 0 : i32
      %dma_wait3A_126 = tpu.memref_slice %arg12[%and3A_95, %dma_wait3A_124, %dma_wait3A_125] : memref<2x1000x16xf32, #tpu.memory_space<vmem>> -> memref<1x1000x16xf32, #tpu.memory_space<vmem>>
      %dma_wait3A_127 = tpu.memref_squeeze %dma_wait3A_126 : memref<1x1000x16xf32, #tpu.memory_space<vmem>> -> memref<1000x16xf32, #tpu.memory_space<vmem>>
      %dma_wait3A_128 = arith.constant 0 : i32
      %dma_wait3A_129 = tpu.memref_slice %arg3[%multiple_of3A_101, %dma_wait3A_128] : memref<320000x16xf32, #tpu.memory_space<hbm>> -> memref<1000x16xf32, #tpu.memory_space<hbm>>
      %dma_wait3A_130 = arith.constant 0 : i32
      %dma_wait3A_131 = arith.constant 0 : i32
      %dma_wait3A_132 = tpu.memref_slice %arg12[%and3A_95, %dma_wait3A_130, %dma_wait3A_131] : memref<2x1000x16xf32, #tpu.memory_space<vmem>> -> memref<1x1000x16xf32, #tpu.memory_space<vmem>>
      %dma_wait3A_133 = tpu.memref_squeeze %dma_wait3A_132 : memref<1x1000x16xf32, #tpu.memory_space<vmem>> -> memref<1000x16xf32, #tpu.memory_space<vmem>>
      %dma_wait3A_134 = arith.constant 0 : i32
      %dma_wait3A_135 = tpu.memref_slice %arg3[%multiple_of3A_101, %dma_wait3A_134] : memref<320000x16xf32, #tpu.memory_space<hbm>> -> memref<1000x16xf32, #tpu.memory_space<hbm>>
      tpu.wait_dma2 semaphore(%arg16 : memref<!tpu.dma_semaphore, #tpu.memory_space<semaphore_mem>>) src(%dma_wait3A_135 : memref<1000x16xf32, #tpu.memory_space<hbm>>) dst(%dma_wait3A_133 : memref<1000x16xf32, #tpu.memory_space<vmem>>)
      %dma_start3A_136 = arith.constant 0 : i32
      %dma_start3A_137 = arith.constant 0 : i32
      %dma_start3A_138 = tpu.memref_slice %arg10[%and3A_87, %dma_start3A_136, %dma_start3A_137] : memref<2x1000x16xf32, #tpu.memory_space<vmem>> -> memref<1x504x16xf32, #tpu.memory_space<vmem>>
      %dma_start3A_139 = tpu.memref_squeeze %dma_start3A_138 : memref<1x504x16xf32, #tpu.memory_space<vmem>> -> memref<504x16xf32, #tpu.memory_space<vmem>>
      %dma_start3A_140 = arith.constant 0 : i32
      %dma_start3A_141 = tpu.memref_slice %arg8[%and3A_87, %dma_start3A_140] : memref<2x1000xi32, #tpu.memory_space<vmem>> -> memref<1x504xi32, #tpu.memory_space<vmem>>
      %dma_start3A_142 = tpu.memref_squeeze %dma_start3A_141 : memref<1x504xi32, #tpu.memory_space<vmem>> -> memref<504xi32, #tpu.memory_space<vmem>>
      %dma_start3A_143 = arith.constant 0 : i32
      %dma_start3A_144 = arith.constant 0 : i32
      %dma_start3A_145 = tpu.memref_slice %arg14[%dma_start3A_143, %dma_start3A_144] : memref<10000x16xf32, #tpu.memory_space<vmem_shared>> -> memref<10000x16xf32, #tpu.memory_space<vmem_shared>>
      tpu.enqueue_indirect_dma source(%dma_start3A_145 : memref<10000x16xf32, #tpu.memory_space<vmem_shared>>) target(%dma_start3A_139 : memref<504x16xf32, #tpu.memory_space<vmem>>) offsets(%dma_start3A_142 : memref<504xi32, #tpu.memory_space<vmem>>) semaphore(%arg17 : memref<!tpu.dma_semaphore, #tpu.memory_space<semaphore_mem>>)
      %dma_start3A_146 = arith.constant 0 : i32
      %dma_start3A_147 = arith.constant 0 : i32
      %dma_start3A_148 = tpu.memref_slice %arg11[%and3A_87, %dma_start3A_146, %dma_start3A_147] : memref<2x1000x16xf32, #tpu.memory_space<vmem>> -> memref<1x504x16xf32, #tpu.memory_space<vmem>>
      %dma_start3A_149 = tpu.memref_squeeze %dma_start3A_148 : memref<1x504x16xf32, #tpu.memory_space<vmem>> -> memref<504x16xf32, #tpu.memory_space<vmem>>
      %dma_start3A_150 = arith.constant 0 : i32
      %dma_start3A_151 = tpu.memref_slice %arg9[%and3A_87, %dma_start3A_150] : memref<2x1000xi32, #tpu.memory_space<vmem>> -> memref<1x504xi32, #tpu.memory_space<vmem>>
      %dma_start3A_152 = tpu.memref_squeeze %dma_start3A_151 : memref<1x504xi32, #tpu.memory_space<vmem>> -> memref<504xi32, #tpu.memory_space<vmem>>
      %dma_start3A_153 = arith.constant 0 : i32
      %dma_start3A_154 = arith.constant 0 : i32
      %dma_start3A_155 = tpu.memref_slice %arg15[%dma_start3A_153, %dma_start3A_154] : memref<10000x16xf32, #tpu.memory_space<vmem_shared>> -> memref<10000x16xf32, #tpu.memory_space<vmem_shared>>
      tpu.enqueue_indirect_dma source(%dma_start3A_155 : memref<10000x16xf32, #tpu.memory_space<vmem_shared>>) target(%dma_start3A_149 : memref<504x16xf32, #tpu.memory_space<vmem>>) offsets(%dma_start3A_152 : memref<504xi32, #tpu.memory_space<vmem>>) semaphore(%arg18 : memref<!tpu.dma_semaphore, #tpu.memory_space<semaphore_mem>>)
      %dma_start3A_156 = arith.constant 504 : i32
      %dma_start3A_157 = arith.constant 0 : i32
      %dma_start3A_158 = tpu.memref_slice %arg10[%and3A_87, %dma_start3A_156, %dma_start3A_157] : memref<2x1000x16xf32, #tpu.memory_space<vmem>> -> memref<1x496x16xf32, #tpu.memory_space<vmem>>
      %dma_start3A_159 = tpu.memref_squeeze %dma_start3A_158 : memref<1x496x16xf32, #tpu.memory_space<vmem>> -> memref<496x16xf32, #tpu.memory_space<vmem>>
      %dma_start3A_160 = arith.constant 504 : i32
      %dma_start3A_161 = tpu.memref_slice %arg8[%and3A_87, %dma_start3A_160] : memref<2x1000xi32, #tpu.memory_space<vmem>> -> memref<1x496xi32, #tpu.memory_space<vmem>>
      %dma_start3A_162 = tpu.memref_squeeze %dma_start3A_161 : memref<1x496xi32, #tpu.memory_space<vmem>> -> memref<496xi32, #tpu.memory_space<vmem>>
      %dma_start3A_163 = arith.constant 0 : i32
      %dma_start3A_164 = arith.constant 0 : i32
      %dma_start3A_165 = tpu.memref_slice %arg14[%dma_start3A_163, %dma_start3A_164] : memref<10000x16xf32, #tpu.memory_space<vmem_shared>> -> memref<10000x16xf32, #tpu.memory_space<vmem_shared>>
      tpu.enqueue_indirect_dma source(%dma_start3A_165 : memref<10000x16xf32, #tpu.memory_space<vmem_shared>>) target(%dma_start3A_159 : memref<496x16xf32, #tpu.memory_space<vmem>>) offsets(%dma_start3A_162 : memref<496xi32, #tpu.memory_space<vmem>>) semaphore(%arg17 : memref<!tpu.dma_semaphore, #tpu.memory_space<semaphore_mem>>)
      %dma_start3A_166 = arith.constant 504 : i32
      %dma_start3A_167 = arith.constant 0 : i32
      %dma_start3A_168 = tpu.memref_slice %arg11[%and3A_87, %dma_start3A_166, %dma_start3A_167] : memref<2x1000x16xf32, #tpu.memory_space<vmem>> -> memref<1x496x16xf32, #tpu.memory_space<vmem>>
      %dma_start3A_169 = tpu.memref_squeeze %dma_start3A_168 : memref<1x496x16xf32, #tpu.memory_space<vmem>> -> memref<496x16xf32, #tpu.memory_space<vmem>>
      %dma_start3A_170 = arith.constant 504 : i32
      %dma_start3A_171 = tpu.memref_slice %arg9[%and3A_87, %dma_start3A_170] : memref<2x1000xi32, #tpu.memory_space<vmem>> -> memref<1x496xi32, #tpu.memory_space<vmem>>
      %dma_start3A_172 = tpu.memref_squeeze %dma_start3A_171 : memref<1x496xi32, #tpu.memory_space<vmem>> -> memref<496xi32, #tpu.memory_space<vmem>>
      %dma_start3A_173 = arith.constant 0 : i32
      %dma_start3A_174 = arith.constant 0 : i32
      %dma_start3A_175 = tpu.memref_slice %arg15[%dma_start3A_173, %dma_start3A_174] : memref<10000x16xf32, #tpu.memory_space<vmem_shared>> -> memref<10000x16xf32, #tpu.memory_space<vmem_shared>>
      tpu.enqueue_indirect_dma source(%dma_start3A_175 : memref<10000x16xf32, #tpu.memory_space<vmem_shared>>) target(%dma_start3A_169 : memref<496x16xf32, #tpu.memory_space<vmem>>) offsets(%dma_start3A_172 : memref<496xi32, #tpu.memory_space<vmem>>) semaphore(%arg18 : memref<!tpu.dma_semaphore, #tpu.memory_space<semaphore_mem>>)
      %ge3A = arith.constant 1 : i32
      %ge3A_176 = arith.cmpi sge, %scan3A_85, %ge3A : i32
      %convert_element_type3A_177 = arith.extui %ge3A_176 : i1 to i32
      %cond3A_178 = arith.constant 0 : i32
      %cond3A_179 = arith.cmpi ne, %convert_element_type3A_177, %cond3A_178 : i32
      scf.if %cond3A_179 {
        %sub3A = arith.constant 1 : i32
        %sub3A_395 = arith.subi %scan3A_85, %sub3A : i32
        %and3A_396 = arith.constant 1 : i32
        %and3A_397 = arith.andi %sub3A_395, %and3A_396 : i32
        %mul3A_398 = arith.constant 10000 : i32
        %mul3A_399 = arith.muli %add3A, %mul3A_398 : i32
        %mul3A_400 = arith.constant 1000 : i32
        %mul3A_401 = arith.muli %sub3A_395, %mul3A_400 : i32
        %add3A_402 = arith.addi %mul3A_399, %mul3A_401 : i32
        %multiple_of3A_403 = tpu.assume_multiple %add3A_402, 8 : i32
        %dma_wait3A_404 = arith.constant 0 : i32
        %dma_wait3A_405 = arith.constant 0 : i32
        %dma_wait3A_406 = tpu.memref_slice %arg12[%and3A_397, %dma_wait3A_404, %dma_wait3A_405] : memref<2x1000x16xf32, #tpu.memory_space<vmem>> -> memref<1x1000x16xf32, #tpu.memory_space<vmem>>
        %dma_wait3A_407 = tpu.memref_squeeze %dma_wait3A_406 : memref<1x1000x16xf32, #tpu.memory_space<vmem>> -> memref<1000x16xf32, #tpu.memory_space<vmem>>
        %dma_wait3A_408 = arith.constant 0 : i32
        %dma_wait3A_409 = tpu.memref_slice %arg6[%multiple_of3A_403, %dma_wait3A_408] : memref<320000x16xf32, #tpu.memory_space<hbm>> -> memref<1000x16xf32, #tpu.memory_space<hbm>>
        %dma_wait3A_410 = arith.constant 0 : i32
        %dma_wait3A_411 = tpu.memref_slice %arg6[%multiple_of3A_403, %dma_wait3A_410] : memref<320000x16xf32, #tpu.memory_space<hbm>> -> memref<1000x16xf32, #tpu.memory_space<hbm>>
        %dma_wait3A_412 = arith.constant 0 : i32
        %dma_wait3A_413 = arith.constant 0 : i32
        %dma_wait3A_414 = tpu.memref_slice %arg12[%and3A_397, %dma_wait3A_412, %dma_wait3A_413] : memref<2x1000x16xf32, #tpu.memory_space<vmem>> -> memref<1x1000x16xf32, #tpu.memory_space<vmem>>
        %dma_wait3A_415 = tpu.memref_squeeze %dma_wait3A_414 : memref<1x1000x16xf32, #tpu.memory_space<vmem>> -> memref<1000x16xf32, #tpu.memory_space<vmem>>
        tpu.wait_dma2 semaphore(%arg19 : memref<!tpu.dma_semaphore, #tpu.memory_space<semaphore_mem>>) src(%dma_wait3A_415 : memref<1000x16xf32, #tpu.memory_space<vmem>>) dst(%dma_wait3A_411 : memref<1000x16xf32, #tpu.memory_space<hbm>>)
      } else {
      }
      %add3A_180 = arith.constant 1 : i32
      %add3A_181 = arith.addi %scan3A_85, %add3A_180 : i32
      %lt3A = arith.constant 10 : i32
      %lt3A_182 = arith.cmpi slt, %add3A_181, %lt3A : i32
      %convert_element_type3A_183 = arith.extui %lt3A_182 : i1 to i32
      %cond3A_184 = arith.constant 0 : i32
      %cond3A_185 = arith.cmpi ne, %convert_element_type3A_183, %cond3A_184 : i32
      scf.if %cond3A_185 {
        %add3A_395 = arith.constant 1 : i32
        %add3A_396 = arith.addi %scan3A_85, %add3A_395 : i32
        %and3A_397 = arith.constant 1 : i32
        %and3A_398 = arith.andi %add3A_396, %and3A_397 : i32
        %mul3A_399 = arith.constant 10000 : i32
        %mul3A_400 = arith.muli %add3A, %mul3A_399 : i32
        %mul3A_401 = arith.constant 1000 : i32
        %mul3A_402 = arith.muli %add3A_396, %mul3A_401 : i32
        %add3A_403 = arith.addi %mul3A_400, %mul3A_402 : i32
        %multiple_of3A_404 = tpu.assume_multiple %add3A_403, 8 : i32
        %dma_start3A_405 = arith.constant 0 : i32
        %dma_start3A_406 = arith.constant 0 : i32
        %dma_start3A_407 = tpu.memref_slice %arg8[%and3A_398, %dma_start3A_406] : memref<2x1000xi32, #tpu.memory_space<vmem>> -> memref<1x1000xi32, #tpu.memory_space<vmem>>
        %dma_start3A_408 = tpu.memref_squeeze %dma_start3A_407 : memref<1x1000xi32, #tpu.memory_space<vmem>> -> memref<1000xi32, #tpu.memory_space<vmem>>
        %dma_start3A_409 = tpu.memref_slice %arg2[%dma_start3A_405, %multiple_of3A_404] : memref<2x320000xi32, #tpu.memory_space<hbm>> -> memref<1x1000xi32, #tpu.memory_space<hbm>>
        %dma_start3A_410 = tpu.memref_squeeze %dma_start3A_409 : memref<1x1000xi32, #tpu.memory_space<hbm>> -> memref<1000xi32, #tpu.memory_space<hbm>>
        %dma_start3A_411 = arith.constant 0 : i32
        %dma_start3A_412 = tpu.memref_slice %arg8[%and3A_398, %dma_start3A_411] : memref<2x1000xi32, #tpu.memory_space<vmem>> -> memref<1x1000xi32, #tpu.memory_space<vmem>>
        %dma_start3A_413 = tpu.memref_squeeze %dma_start3A_412 : memref<1x1000xi32, #tpu.memory_space<vmem>> -> memref<1000xi32, #tpu.memory_space<vmem>>
        %dma_start3A_414 = tpu.memref_slice %arg2[%dma_start3A_405, %multiple_of3A_404] : memref<2x320000xi32, #tpu.memory_space<hbm>> -> memref<1x1000xi32, #tpu.memory_space<hbm>>
        %dma_start3A_415 = tpu.memref_squeeze %dma_start3A_414 : memref<1x1000xi32, #tpu.memory_space<hbm>> -> memref<1000xi32, #tpu.memory_space<hbm>>
        tpu.enqueue_dma source(%dma_start3A_415 : memref<1000xi32, #tpu.memory_space<hbm>>) target(%dma_start3A_413 : memref<1000xi32, #tpu.memory_space<vmem>>) target_semaphore(%arg16 : memref<!tpu.dma_semaphore, #tpu.memory_space<semaphore_mem>>)
        %dma_start3A_416 = arith.constant 1 : i32
        %dma_start3A_417 = arith.constant 0 : i32
        %dma_start3A_418 = tpu.memref_slice %arg9[%and3A_398, %dma_start3A_417] : memref<2x1000xi32, #tpu.memory_space<vmem>> -> memref<1x1000xi32, #tpu.memory_space<vmem>>
        %dma_start3A_419 = tpu.memref_squeeze %dma_start3A_418 : memref<1x1000xi32, #tpu.memory_space<vmem>> -> memref<1000xi32, #tpu.memory_space<vmem>>
        %dma_start3A_420 = tpu.memref_slice %arg2[%dma_start3A_416, %multiple_of3A_404] : memref<2x320000xi32, #tpu.memory_space<hbm>> -> memref<1x1000xi32, #tpu.memory_space<hbm>>
        %dma_start3A_421 = tpu.memref_squeeze %dma_start3A_420 : memref<1x1000xi32, #tpu.memory_space<hbm>> -> memref<1000xi32, #tpu.memory_space<hbm>>
        %dma_start3A_422 = arith.constant 0 : i32
        %dma_start3A_423 = tpu.memref_slice %arg9[%and3A_398, %dma_start3A_422] : memref<2x1000xi32, #tpu.memory_space<vmem>> -> memref<1x1000xi32, #tpu.memory_space<vmem>>
        %dma_start3A_424 = tpu.memref_squeeze %dma_start3A_423 : memref<1x1000xi32, #tpu.memory_space<vmem>> -> memref<1000xi32, #tpu.memory_space<vmem>>
        %dma_start3A_425 = tpu.memref_slice %arg2[%dma_start3A_416, %multiple_of3A_404] : memref<2x320000xi32, #tpu.memory_space<hbm>> -> memref<1x1000xi32, #tpu.memory_space<hbm>>
        %dma_start3A_426 = tpu.memref_squeeze %dma_start3A_425 : memref<1x1000xi32, #tpu.memory_space<hbm>> -> memref<1000xi32, #tpu.memory_space<hbm>>
        tpu.enqueue_dma source(%dma_start3A_426 : memref<1000xi32, #tpu.memory_space<hbm>>) target(%dma_start3A_424 : memref<1000xi32, #tpu.memory_space<vmem>>) target_semaphore(%arg16 : memref<!tpu.dma_semaphore, #tpu.memory_space<semaphore_mem>>)
        %dma_start3A_427 = arith.constant 0 : i32
        %dma_start3A_428 = arith.constant 0 : i32
        %dma_start3A_429 = tpu.memref_slice %arg12[%and3A_398, %dma_start3A_427, %dma_start3A_428] : memref<2x1000x16xf32, #tpu.memory_space<vmem>> -> memref<1x1000x16xf32, #tpu.memory_space<vmem>>
        %dma_start3A_430 = tpu.memref_squeeze %dma_start3A_429 : memref<1x1000x16xf32, #tpu.memory_space<vmem>> -> memref<1000x16xf32, #tpu.memory_space<vmem>>
        %dma_start3A_431 = arith.constant 0 : i32
        %dma_start3A_432 = tpu.memref_slice %arg3[%multiple_of3A_404, %dma_start3A_431] : memref<320000x16xf32, #tpu.memory_space<hbm>> -> memref<1000x16xf32, #tpu.memory_space<hbm>>
        %dma_start3A_433 = arith.constant 0 : i32
        %dma_start3A_434 = arith.constant 0 : i32
        %dma_start3A_435 = tpu.memref_slice %arg12[%and3A_398, %dma_start3A_433, %dma_start3A_434] : memref<2x1000x16xf32, #tpu.memory_space<vmem>> -> memref<1x1000x16xf32, #tpu.memory_space<vmem>>
        %dma_start3A_436 = tpu.memref_squeeze %dma_start3A_435 : memref<1x1000x16xf32, #tpu.memory_space<vmem>> -> memref<1000x16xf32, #tpu.memory_space<vmem>>
        %dma_start3A_437 = arith.constant 0 : i32
        %dma_start3A_438 = tpu.memref_slice %arg3[%multiple_of3A_404, %dma_start3A_437] : memref<320000x16xf32, #tpu.memory_space<hbm>> -> memref<1000x16xf32, #tpu.memory_space<hbm>>
        tpu.enqueue_dma source(%dma_start3A_438 : memref<1000x16xf32, #tpu.memory_space<hbm>>) target(%dma_start3A_436 : memref<1000x16xf32, #tpu.memory_space<vmem>>) target_semaphore(%arg16 : memref<!tpu.dma_semaphore, #tpu.memory_space<semaphore_mem>>)
      } else {
      }
      %dma_wait3A_186 = arith.constant 0 : i32
      %dma_wait3A_187 = arith.constant 0 : i32
      %dma_wait3A_188 = tpu.memref_slice %arg10[%and3A_87, %dma_wait3A_186, %dma_wait3A_187] : memref<2x1000x16xf32, #tpu.memory_space<vmem>> -> memref<1x504x16xf32, #tpu.memory_space<vmem>>
      %dma_wait3A_189 = tpu.memref_squeeze %dma_wait3A_188 : memref<1x504x16xf32, #tpu.memory_space<vmem>> -> memref<504x16xf32, #tpu.memory_space<vmem>>
      %dma_wait3A_190 = arith.constant 0 : i32
      %dma_wait3A_191 = tpu.memref_slice %arg8[%and3A_87, %dma_wait3A_190] : memref<2x1000xi32, #tpu.memory_space<vmem>> -> memref<1x504xi32, #tpu.memory_space<vmem>>
      %dma_wait3A_192 = tpu.memref_squeeze %dma_wait3A_191 : memref<1x504xi32, #tpu.memory_space<vmem>> -> memref<504xi32, #tpu.memory_space<vmem>>
      %dma_wait3A_193 = arith.constant 0 : i32
      %dma_wait3A_194 = arith.constant 0 : i32
      %dma_wait3A_195 = tpu.memref_slice %arg14[%dma_wait3A_193, %dma_wait3A_194] : memref<10000x16xf32, #tpu.memory_space<vmem_shared>> -> memref<10000x16xf32, #tpu.memory_space<vmem_shared>>
      tpu.wait_indirect_dma semaphore(%arg17 : memref<!tpu.dma_semaphore, #tpu.memory_space<semaphore_mem>>) src(%dma_wait3A_195 : memref<10000x16xf32, #tpu.memory_space<vmem_shared>>) dst(%dma_wait3A_189 : memref<504x16xf32, #tpu.memory_space<vmem>>)
      %dma_wait3A_196 = arith.constant 0 : i32
      %dma_wait3A_197 = arith.constant 0 : i32
      %dma_wait3A_198 = tpu.memref_slice %arg11[%and3A_87, %dma_wait3A_196, %dma_wait3A_197] : memref<2x1000x16xf32, #tpu.memory_space<vmem>> -> memref<1x504x16xf32, #tpu.memory_space<vmem>>
      %dma_wait3A_199 = tpu.memref_squeeze %dma_wait3A_198 : memref<1x504x16xf32, #tpu.memory_space<vmem>> -> memref<504x16xf32, #tpu.memory_space<vmem>>
      %dma_wait3A_200 = arith.constant 0 : i32
      %dma_wait3A_201 = tpu.memref_slice %arg9[%and3A_87, %dma_wait3A_200] : memref<2x1000xi32, #tpu.memory_space<vmem>> -> memref<1x504xi32, #tpu.memory_space<vmem>>
      %dma_wait3A_202 = tpu.memref_squeeze %dma_wait3A_201 : memref<1x504xi32, #tpu.memory_space<vmem>> -> memref<504xi32, #tpu.memory_space<vmem>>
      %dma_wait3A_203 = arith.constant 0 : i32
      %dma_wait3A_204 = arith.constant 0 : i32
      %dma_wait3A_205 = tpu.memref_slice %arg15[%dma_wait3A_203, %dma_wait3A_204] : memref<10000x16xf32, #tpu.memory_space<vmem_shared>> -> memref<10000x16xf32, #tpu.memory_space<vmem_shared>>
      tpu.wait_indirect_dma semaphore(%arg18 : memref<!tpu.dma_semaphore, #tpu.memory_space<semaphore_mem>>) src(%dma_wait3A_205 : memref<10000x16xf32, #tpu.memory_space<vmem_shared>>) dst(%dma_wait3A_199 : memref<504x16xf32, #tpu.memory_space<vmem>>)
      %scan3A_206 = arith.constant 0 : i32
      %scan3A_207 = arith.constant 0 : i32
      %scan3A_208 = arith.constant 500 : i32
      %scan3A_209 = arith.addi %scan3A_207, %scan3A_208 : i32
      %scan3A_210 = arith.constant 5 : i32
      %scan3A_211 = scf.for %scan3A_395 = %scan3A_207 to %scan3A_209 step %scan3A_210 iter_args(%scan3A_396 = %scan3A_206) -> (i32)  : i32 {
        %get3A_397 = arith.index_cast %and3A_87 : i32 to index
        %get3A_398 = arith.index_cast %scan3A_395 : i32 to index
        %get3A_399 = arith.constant 0 : index
        %get3A_400 = tpu.vector_load %arg12[%get3A_397, %get3A_398, %get3A_399] {strides = array<i32>} : memref<2x1000x16xf32, #tpu.memory_space<vmem>>, vector<1x1x16xf32>,
        %get3A_401 = vector.shape_cast %get3A_400 : vector<1x1x16xf32> to vector<16xf32>
        %get3A_402 = arith.index_cast %and3A_87 : i32 to index
        %get3A_403 = arith.index_cast %scan3A_395 : i32 to index
        %get3A_404 = arith.constant 0 : index
        %get3A_405 = tpu.vector_load %arg10[%get3A_402, %get3A_403, %get3A_404] {strides = array<i32>} : memref<2x1000x16xf32, #tpu.memory_space<vmem>>, vector<1x1x16xf32>,
        %get3A_406 = vector.shape_cast %get3A_405 : vector<1x1x16xf32> to vector<16xf32>
        %add3A_407 = arith.addf %get3A_401, %get3A_406 : vector<16xf32>
        %get3A_408 = arith.index_cast %and3A_87 : i32 to index
        %get3A_409 = arith.index_cast %scan3A_395 : i32 to index
        %get3A_410 = arith.constant 0 : index
        %get3A_411 = tpu.vector_load %arg11[%get3A_408, %get3A_409, %get3A_410] {strides = array<i32>} : memref<2x1000x16xf32, #tpu.memory_space<vmem>>, vector<1x1x16xf32>,
        %get3A_412 = vector.shape_cast %get3A_411 : vector<1x1x16xf32> to vector<16xf32>
        %add3A_413 = arith.addf %add3A_407, %get3A_412 : vector<16xf32>
        %max3A_414 = arith.constant 0.000000e+00 : f32
        %max3A_415 = vector.broadcast %max3A_414 : f32 to vector<16xf32>
        %max3A_416 = arith.maximumf %add3A_413, %max3A_415 : vector<16xf32>
        %swap3A_417 = arith.index_cast %and3A_87 : i32 to index
        %swap3A_418 = arith.index_cast %scan3A_395 : i32 to index
        %swap3A_419 = arith.constant 0 : index
        %swap3A_420 = tpu.vector_load %arg12[%swap3A_417, %swap3A_418, %swap3A_419] {strides = array<i32>} : memref<2x1000x16xf32, #tpu.memory_space<vmem>>, vector<1x1x16xf32>,
        %swap3A_421 = vector.shape_cast %swap3A_420 : vector<1x1x16xf32> to vector<16xf32>
        %swap3A_422 = vector.shape_cast %max3A_416 : vector<16xf32> to vector<1x1x16xf32>
        tpu.vector_store %arg12[%swap3A_417, %swap3A_418, %swap3A_419], %swap3A_422 {strides = array<i32>} : memref<2x1000x16xf32, #tpu.memory_space<vmem>>, vector<1x1x16xf32>,
        %scan3A_423 = arith.constant 0 : i32
        %scan3A_424 = arith.constant 1 : i32
        %scan3A_425 = arith.addi %scan3A_395, %scan3A_424 : i32
        %get3A_426 = arith.index_cast %and3A_87 : i32 to index
        %get3A_427 = arith.index_cast %scan3A_425 : i32 to index
        %get3A_428 = arith.constant 0 : index
        %get3A_429 = tpu.vector_load %arg12[%get3A_426, %get3A_427, %get3A_428] {strides = array<i32>} : memref<2x1000x16xf32, #tpu.memory_space<vmem>>, vector<1x1x16xf32>,
        %get3A_430 = vector.shape_cast %get3A_429 : vector<1x1x16xf32> to vector<16xf32>
        %get3A_431 = arith.index_cast %and3A_87 : i32 to index
        %get3A_432 = arith.index_cast %scan3A_425 : i32 to index
        %get3A_433 = arith.constant 0 : index
        %get3A_434 = tpu.vector_load %arg10[%get3A_431, %get3A_432, %get3A_433] {strides = array<i32>} : memref<2x1000x16xf32, #tpu.memory_space<vmem>>, vector<1x1x16xf32>,
        %get3A_435 = vector.shape_cast %get3A_434 : vector<1x1x16xf32> to vector<16xf32>
        %add3A_436 = arith.addf %get3A_430, %get3A_435 : vector<16xf32>
        %get3A_437 = arith.index_cast %and3A_87 : i32 to index
        %get3A_438 = arith.index_cast %scan3A_425 : i32 to index
        %get3A_439 = arith.constant 0 : index
        %get3A_440 = tpu.vector_load %arg11[%get3A_437, %get3A_438, %get3A_439] {strides = array<i32>} : memref<2x1000x16xf32, #tpu.memory_space<vmem>>, vector<1x1x16xf32>,
        %get3A_441 = vector.shape_cast %get3A_440 : vector<1x1x16xf32> to vector<16xf32>
        %add3A_442 = arith.addf %add3A_436, %get3A_441 : vector<16xf32>
        %max3A_443 = arith.constant 0.000000e+00 : f32
        %max3A_444 = vector.broadcast %max3A_443 : f32 to vector<16xf32>
        %max3A_445 = arith.maximumf %add3A_442, %max3A_444 : vector<16xf32>
        %swap3A_446 = arith.index_cast %and3A_87 : i32 to index
        %swap3A_447 = arith.index_cast %scan3A_425 : i32 to index
        %swap3A_448 = arith.constant 0 : index
        %swap3A_449 = tpu.vector_load %arg12[%swap3A_446, %swap3A_447, %swap3A_448] {strides = array<i32>} : memref<2x1000x16xf32, #tpu.memory_space<vmem>>, vector<1x1x16xf32>,
        %swap3A_450 = vector.shape_cast %swap3A_449 : vector<1x1x16xf32> to vector<16xf32>
        %swap3A_451 = vector.shape_cast %max3A_445 : vector<16xf32> to vector<1x1x16xf32>
        tpu.vector_store %arg12[%swap3A_446, %swap3A_447, %swap3A_448], %swap3A_451 {strides = array<i32>} : memref<2x1000x16xf32, #tpu.memory_space<vmem>>, vector<1x1x16xf32>,
        %scan3A_452 = arith.constant 0 : i32
        %scan3A_453 = arith.constant 2 : i32
        %scan3A_454 = arith.addi %scan3A_395, %scan3A_453 : i32
        %get3A_455 = arith.index_cast %and3A_87 : i32 to index
        %get3A_456 = arith.index_cast %scan3A_454 : i32 to index
        %get3A_457 = arith.constant 0 : index
        %get3A_458 = tpu.vector_load %arg12[%get3A_455, %get3A_456, %get3A_457] {strides = array<i32>} : memref<2x1000x16xf32, #tpu.memory_space<vmem>>, vector<1x1x16xf32>,
        %get3A_459 = vector.shape_cast %get3A_458 : vector<1x1x16xf32> to vector<16xf32>
        %get3A_460 = arith.index_cast %and3A_87 : i32 to index
        %get3A_461 = arith.index_cast %scan3A_454 : i32 to index
        %get3A_462 = arith.constant 0 : index
        %get3A_463 = tpu.vector_load %arg10[%get3A_460, %get3A_461, %get3A_462] {strides = array<i32>} : memref<2x1000x16xf32, #tpu.memory_space<vmem>>, vector<1x1x16xf32>,
        %get3A_464 = vector.shape_cast %get3A_463 : vector<1x1x16xf32> to vector<16xf32>
        %add3A_465 = arith.addf %get3A_459, %get3A_464 : vector<16xf32>
        %get3A_466 = arith.index_cast %and3A_87 : i32 to index
        %get3A_467 = arith.index_cast %scan3A_454 : i32 to index
        %get3A_468 = arith.constant 0 : index
        %get3A_469 = tpu.vector_load %arg11[%get3A_466, %get3A_467, %get3A_468] {strides = array<i32>} : memref<2x1000x16xf32, #tpu.memory_space<vmem>>, vector<1x1x16xf32>,
        %get3A_470 = vector.shape_cast %get3A_469 : vector<1x1x16xf32> to vector<16xf32>
        %add3A_471 = arith.addf %add3A_465, %get3A_470 : vector<16xf32>
        %max3A_472 = arith.constant 0.000000e+00 : f32
        %max3A_473 = vector.broadcast %max3A_472 : f32 to vector<16xf32>
        %max3A_474 = arith.maximumf %add3A_471, %max3A_473 : vector<16xf32>
        %swap3A_475 = arith.index_cast %and3A_87 : i32 to index
        %swap3A_476 = arith.index_cast %scan3A_454 : i32 to index
        %swap3A_477 = arith.constant 0 : index
        %swap3A_478 = tpu.vector_load %arg12[%swap3A_475, %swap3A_476, %swap3A_477] {strides = array<i32>} : memref<2x1000x16xf32, #tpu.memory_space<vmem>>, vector<1x1x16xf32>,
        %swap3A_479 = vector.shape_cast %swap3A_478 : vector<1x1x16xf32> to vector<16xf32>
        %swap3A_480 = vector.shape_cast %max3A_474 : vector<16xf32> to vector<1x1x16xf32>
        tpu.vector_store %arg12[%swap3A_475, %swap3A_476, %swap3A_477], %swap3A_480 {strides = array<i32>} : memref<2x1000x16xf32, #tpu.memory_space<vmem>>, vector<1x1x16xf32>,
        %scan3A_481 = arith.constant 0 : i32
        %scan3A_482 = arith.constant 3 : i32
        %scan3A_483 = arith.addi %scan3A_395, %scan3A_482 : i32
        %get3A_484 = arith.index_cast %and3A_87 : i32 to index
        %get3A_485 = arith.index_cast %scan3A_483 : i32 to index
        %get3A_486 = arith.constant 0 : index
        %get3A_487 = tpu.vector_load %arg12[%get3A_484, %get3A_485, %get3A_486] {strides = array<i32>} : memref<2x1000x16xf32, #tpu.memory_space<vmem>>, vector<1x1x16xf32>,
        %get3A_488 = vector.shape_cast %get3A_487 : vector<1x1x16xf32> to vector<16xf32>
        %get3A_489 = arith.index_cast %and3A_87 : i32 to index
        %get3A_490 = arith.index_cast %scan3A_483 : i32 to index
        %get3A_491 = arith.constant 0 : index
        %get3A_492 = tpu.vector_load %arg10[%get3A_489, %get3A_490, %get3A_491] {strides = array<i32>} : memref<2x1000x16xf32, #tpu.memory_space<vmem>>, vector<1x1x16xf32>,
        %get3A_493 = vector.shape_cast %get3A_492 : vector<1x1x16xf32> to vector<16xf32>
        %add3A_494 = arith.addf %get3A_488, %get3A_493 : vector<16xf32>
        %get3A_495 = arith.index_cast %and3A_87 : i32 to index
        %get3A_496 = arith.index_cast %scan3A_483 : i32 to index
        %get3A_497 = arith.constant 0 : index
        %get3A_498 = tpu.vector_load %arg11[%get3A_495, %get3A_496, %get3A_497] {strides = array<i32>} : memref<2x1000x16xf32, #tpu.memory_space<vmem>>, vector<1x1x16xf32>,
        %get3A_499 = vector.shape_cast %get3A_498 : vector<1x1x16xf32> to vector<16xf32>
        %add3A_500 = arith.addf %add3A_494, %get3A_499 : vector<16xf32>
        %max3A_501 = arith.constant 0.000000e+00 : f32
        %max3A_502 = vector.broadcast %max3A_501 : f32 to vector<16xf32>
        %max3A_503 = arith.maximumf %add3A_500, %max3A_502 : vector<16xf32>
        %swap3A_504 = arith.index_cast %and3A_87 : i32 to index
        %swap3A_505 = arith.index_cast %scan3A_483 : i32 to index
        %swap3A_506 = arith.constant 0 : index
        %swap3A_507 = tpu.vector_load %arg12[%swap3A_504, %swap3A_505, %swap3A_506] {strides = array<i32>} : memref<2x1000x16xf32, #tpu.memory_space<vmem>>, vector<1x1x16xf32>,
        %swap3A_508 = vector.shape_cast %swap3A_507 : vector<1x1x16xf32> to vector<16xf32>
        %swap3A_509 = vector.shape_cast %max3A_503 : vector<16xf32> to vector<1x1x16xf32>
        tpu.vector_store %arg12[%swap3A_504, %swap3A_505, %swap3A_506], %swap3A_509 {strides = array<i32>} : memref<2x1000x16xf32, #tpu.memory_space<vmem>>, vector<1x1x16xf32>,
        %scan3A_510 = arith.constant 0 : i32
        %scan3A_511 = arith.constant 4 : i32
        %scan3A_512 = arith.addi %scan3A_395, %scan3A_511 : i32
        %get3A_513 = arith.index_cast %and3A_87 : i32 to index
        %get3A_514 = arith.index_cast %scan3A_512 : i32 to index
        %get3A_515 = arith.constant 0 : index
        %get3A_516 = tpu.vector_load %arg12[%get3A_513, %get3A_514, %get3A_515] {strides = array<i32>} : memref<2x1000x16xf32, #tpu.memory_space<vmem>>, vector<1x1x16xf32>,
        %get3A_517 = vector.shape_cast %get3A_516 : vector<1x1x16xf32> to vector<16xf32>
        %get3A_518 = arith.index_cast %and3A_87 : i32 to index
        %get3A_519 = arith.index_cast %scan3A_512 : i32 to index
        %get3A_520 = arith.constant 0 : index
        %get3A_521 = tpu.vector_load %arg10[%get3A_518, %get3A_519, %get3A_520] {strides = array<i32>} : memref<2x1000x16xf32, #tpu.memory_space<vmem>>, vector<1x1x16xf32>,
        %get3A_522 = vector.shape_cast %get3A_521 : vector<1x1x16xf32> to vector<16xf32>
        %add3A_523 = arith.addf %get3A_517, %get3A_522 : vector<16xf32>
        %get3A_524 = arith.index_cast %and3A_87 : i32 to index
        %get3A_525 = arith.index_cast %scan3A_512 : i32 to index
        %get3A_526 = arith.constant 0 : index
        %get3A_527 = tpu.vector_load %arg11[%get3A_524, %get3A_525, %get3A_526] {strides = array<i32>} : memref<2x1000x16xf32, #tpu.memory_space<vmem>>, vector<1x1x16xf32>,
        %get3A_528 = vector.shape_cast %get3A_527 : vector<1x1x16xf32> to vector<16xf32>
        %add3A_529 = arith.addf %add3A_523, %get3A_528 : vector<16xf32>
        %max3A_530 = arith.constant 0.000000e+00 : f32
        %max3A_531 = vector.broadcast %max3A_530 : f32 to vector<16xf32>
        %max3A_532 = arith.maximumf %add3A_529, %max3A_531 : vector<16xf32>
        %swap3A_533 = arith.index_cast %and3A_87 : i32 to index
        %swap3A_534 = arith.index_cast %scan3A_512 : i32 to index
        %swap3A_535 = arith.constant 0 : index
        %swap3A_536 = tpu.vector_load %arg12[%swap3A_533, %swap3A_534, %swap3A_535] {strides = array<i32>} : memref<2x1000x16xf32, #tpu.memory_space<vmem>>, vector<1x1x16xf32>,
        %swap3A_537 = vector.shape_cast %swap3A_536 : vector<1x1x16xf32> to vector<16xf32>
        %swap3A_538 = vector.shape_cast %max3A_532 : vector<16xf32> to vector<1x1x16xf32>
        tpu.vector_store %arg12[%swap3A_533, %swap3A_534, %swap3A_535], %swap3A_538 {strides = array<i32>} : memref<2x1000x16xf32, #tpu.memory_space<vmem>>, vector<1x1x16xf32>,
        %scan3A_539 = arith.constant 0 : i32
        scf.yield %scan3A_539 : i32
      }
      %scan3A_212 = arith.constant 500 : i32
      %scan3A_213 = arith.addi %scan3A_207, %scan3A_212 : i32
      %get3A = arith.index_cast %and3A_87 : i32 to index
      %get3A_214 = arith.index_cast %scan3A_213 : i32 to index
      %get3A_215 = arith.constant 0 : index
      %get3A_216 = tpu.vector_load %arg12[%get3A, %get3A_214, %get3A_215] {strides = array<i32>} : memref<2x1000x16xf32, #tpu.memory_space<vmem>>, vector<1x1x16xf32>,
      %get3A_217 = vector.shape_cast %get3A_216 : vector<1x1x16xf32> to vector<16xf32>
      %get3A_218 = arith.index_cast %and3A_87 : i32 to index
      %get3A_219 = arith.index_cast %scan3A_213 : i32 to index
      %get3A_220 = arith.constant 0 : index
      %get3A_221 = tpu.vector_load %arg10[%get3A_218, %get3A_219, %get3A_220] {strides = array<i32>} : memref<2x1000x16xf32, #tpu.memory_space<vmem>>, vector<1x1x16xf32>,
      %get3A_222 = vector.shape_cast %get3A_221 : vector<1x1x16xf32> to vector<16xf32>
      %add3A_223 = arith.addf %get3A_217, %get3A_222 : vector<16xf32>
      %get3A_224 = arith.index_cast %and3A_87 : i32 to index
      %get3A_225 = arith.index_cast %scan3A_213 : i32 to index
      %get3A_226 = arith.constant 0 : index
      %get3A_227 = tpu.vector_load %arg11[%get3A_224, %get3A_225, %get3A_226] {strides = array<i32>} : memref<2x1000x16xf32, #tpu.memory_space<vmem>>, vector<1x1x16xf32>,
      %get3A_228 = vector.shape_cast %get3A_227 : vector<1x1x16xf32> to vector<16xf32>
      %add3A_229 = arith.addf %add3A_223, %get3A_228 : vector<16xf32>
      %max3A = arith.constant 0.000000e+00 : f32
      %max3A_230 = vector.broadcast %max3A : f32 to vector<16xf32>
      %max3A_231 = arith.maximumf %add3A_229, %max3A_230 : vector<16xf32>
      %swap3A = arith.index_cast %and3A_87 : i32 to index
      %swap3A_232 = arith.index_cast %scan3A_213 : i32 to index
      %swap3A_233 = arith.constant 0 : index
      %swap3A_234 = tpu.vector_load %arg12[%swap3A, %swap3A_232, %swap3A_233] {strides = array<i32>} : memref<2x1000x16xf32, #tpu.memory_space<vmem>>, vector<1x1x16xf32>,
      %swap3A_235 = vector.shape_cast %swap3A_234 : vector<1x1x16xf32> to vector<16xf32>
      %swap3A_236 = vector.shape_cast %max3A_231 : vector<16xf32> to vector<1x1x16xf32>
      tpu.vector_store %arg12[%swap3A, %swap3A_232, %swap3A_233], %swap3A_236 {strides = array<i32>} : memref<2x1000x16xf32, #tpu.memory_space<vmem>>, vector<1x1x16xf32>,
      %scan3A_237 = arith.constant 0 : i32
      %scan3A_238 = arith.constant 501 : i32
      %scan3A_239 = arith.addi %scan3A_207, %scan3A_238 : i32
      %get3A_240 = arith.index_cast %and3A_87 : i32 to index
      %get3A_241 = arith.index_cast %scan3A_239 : i32 to index
      %get3A_242 = arith.constant 0 : index
      %get3A_243 = tpu.vector_load %arg12[%get3A_240, %get3A_241, %get3A_242] {strides = array<i32>} : memref<2x1000x16xf32, #tpu.memory_space<vmem>>, vector<1x1x16xf32>,
      %get3A_244 = vector.shape_cast %get3A_243 : vector<1x1x16xf32> to vector<16xf32>
      %get3A_245 = arith.index_cast %and3A_87 : i32 to index
      %get3A_246 = arith.index_cast %scan3A_239 : i32 to index
      %get3A_247 = arith.constant 0 : index
      %get3A_248 = tpu.vector_load %arg10[%get3A_245, %get3A_246, %get3A_247] {strides = array<i32>} : memref<2x1000x16xf32, #tpu.memory_space<vmem>>, vector<1x1x16xf32>,
      %get3A_249 = vector.shape_cast %get3A_248 : vector<1x1x16xf32> to vector<16xf32>
      %add3A_250 = arith.addf %get3A_244, %get3A_249 : vector<16xf32>
      %get3A_251 = arith.index_cast %and3A_87 : i32 to index
      %get3A_252 = arith.index_cast %scan3A_239 : i32 to index
      %get3A_253 = arith.constant 0 : index
      %get3A_254 = tpu.vector_load %arg11[%get3A_251, %get3A_252, %get3A_253] {strides = array<i32>} : memref<2x1000x16xf32, #tpu.memory_space<vmem>>, vector<1x1x16xf32>,
      %get3A_255 = vector.shape_cast %get3A_254 : vector<1x1x16xf32> to vector<16xf32>
      %add3A_256 = arith.addf %add3A_250, %get3A_255 : vector<16xf32>
      %max3A_257 = arith.constant 0.000000e+00 : f32
      %max3A_258 = vector.broadcast %max3A_257 : f32 to vector<16xf32>
      %max3A_259 = arith.maximumf %add3A_256, %max3A_258 : vector<16xf32>
      %swap3A_260 = arith.index_cast %and3A_87 : i32 to index
      %swap3A_261 = arith.index_cast %scan3A_239 : i32 to index
      %swap3A_262 = arith.constant 0 : index
      %swap3A_263 = tpu.vector_load %arg12[%swap3A_260, %swap3A_261, %swap3A_262] {strides = array<i32>} : memref<2x1000x16xf32, #tpu.memory_space<vmem>>, vector<1x1x16xf32>,
      %swap3A_264 = vector.shape_cast %swap3A_263 : vector<1x1x16xf32> to vector<16xf32>
      %swap3A_265 = vector.shape_cast %max3A_259 : vector<16xf32> to vector<1x1x16xf32>
      tpu.vector_store %arg12[%swap3A_260, %swap3A_261, %swap3A_262], %swap3A_265 {strides = array<i32>} : memref<2x1000x16xf32, #tpu.memory_space<vmem>>, vector<1x1x16xf32>,
      %scan3A_266 = arith.constant 0 : i32
      %scan3A_267 = arith.constant 502 : i32
      %scan3A_268 = arith.addi %scan3A_207, %scan3A_267 : i32
      %get3A_269 = arith.index_cast %and3A_87 : i32 to index
      %get3A_270 = arith.index_cast %scan3A_268 : i32 to index
      %get3A_271 = arith.constant 0 : index
      %get3A_272 = tpu.vector_load %arg12[%get3A_269, %get3A_270, %get3A_271] {strides = array<i32>} : memref<2x1000x16xf32, #tpu.memory_space<vmem>>, vector<1x1x16xf32>,
      %get3A_273 = vector.shape_cast %get3A_272 : vector<1x1x16xf32> to vector<16xf32>
      %get3A_274 = arith.index_cast %and3A_87 : i32 to index
      %get3A_275 = arith.index_cast %scan3A_268 : i32 to index
      %get3A_276 = arith.constant 0 : index
      %get3A_277 = tpu.vector_load %arg10[%get3A_274, %get3A_275, %get3A_276] {strides = array<i32>} : memref<2x1000x16xf32, #tpu.memory_space<vmem>>, vector<1x1x16xf32>,
      %get3A_278 = vector.shape_cast %get3A_277 : vector<1x1x16xf32> to vector<16xf32>
      %add3A_279 = arith.addf %get3A_273, %get3A_278 : vector<16xf32>
      %get3A_280 = arith.index_cast %and3A_87 : i32 to index
      %get3A_281 = arith.index_cast %scan3A_268 : i32 to index
      %get3A_282 = arith.constant 0 : index
      %get3A_283 = tpu.vector_load %arg11[%get3A_280, %get3A_281, %get3A_282] {strides = array<i32>} : memref<2x1000x16xf32, #tpu.memory_space<vmem>>, vector<1x1x16xf32>,
      %get3A_284 = vector.shape_cast %get3A_283 : vector<1x1x16xf32> to vector<16xf32>
      %add3A_285 = arith.addf %add3A_279, %get3A_284 : vector<16xf32>
      %max3A_286 = arith.constant 0.000000e+00 : f32
      %max3A_287 = vector.broadcast %max3A_286 : f32 to vector<16xf32>
      %max3A_288 = arith.maximumf %add3A_285, %max3A_287 : vector<16xf32>
      %swap3A_289 = arith.index_cast %and3A_87 : i32 to index
      %swap3A_290 = arith.index_cast %scan3A_268 : i32 to index
      %swap3A_291 = arith.constant 0 : index
      %swap3A_292 = tpu.vector_load %arg12[%swap3A_289, %swap3A_290, %swap3A_291] {strides = array<i32>} : memref<2x1000x16xf32, #tpu.memory_space<vmem>>, vector<1x1x16xf32>,
      %swap3A_293 = vector.shape_cast %swap3A_292 : vector<1x1x16xf32> to vector<16xf32>
      %swap3A_294 = vector.shape_cast %max3A_288 : vector<16xf32> to vector<1x1x16xf32>
      tpu.vector_store %arg12[%swap3A_289, %swap3A_290, %swap3A_291], %swap3A_294 {strides = array<i32>} : memref<2x1000x16xf32, #tpu.memory_space<vmem>>, vector<1x1x16xf32>,
      %scan3A_295 = arith.constant 0 : i32
      %scan3A_296 = arith.constant 503 : i32
      %scan3A_297 = arith.addi %scan3A_207, %scan3A_296 : i32
      %get3A_298 = arith.index_cast %and3A_87 : i32 to index
      %get3A_299 = arith.index_cast %scan3A_297 : i32 to index
      %get3A_300 = arith.constant 0 : index
      %get3A_301 = tpu.vector_load %arg12[%get3A_298, %get3A_299, %get3A_300] {strides = array<i32>} : memref<2x1000x16xf32, #tpu.memory_space<vmem>>, vector<1x1x16xf32>,
      %get3A_302 = vector.shape_cast %get3A_301 : vector<1x1x16xf32> to vector<16xf32>
      %get3A_303 = arith.index_cast %and3A_87 : i32 to index
      %get3A_304 = arith.index_cast %scan3A_297 : i32 to index
      %get3A_305 = arith.constant 0 : index
      %get3A_306 = tpu.vector_load %arg10[%get3A_303, %get3A_304, %get3A_305] {strides = array<i32>} : memref<2x1000x16xf32, #tpu.memory_space<vmem>>, vector<1x1x16xf32>,
      %get3A_307 = vector.shape_cast %get3A_306 : vector<1x1x16xf32> to vector<16xf32>
      %add3A_308 = arith.addf %get3A_302, %get3A_307 : vector<16xf32>
      %get3A_309 = arith.index_cast %and3A_87 : i32 to index
      %get3A_310 = arith.index_cast %scan3A_297 : i32 to index
      %get3A_311 = arith.constant 0 : index
      %get3A_312 = tpu.vector_load %arg11[%get3A_309, %get3A_310, %get3A_311] {strides = array<i32>} : memref<2x1000x16xf32, #tpu.memory_space<vmem>>, vector<1x1x16xf32>,
      %get3A_313 = vector.shape_cast %get3A_312 : vector<1x1x16xf32> to vector<16xf32>
      %add3A_314 = arith.addf %add3A_308, %get3A_313 : vector<16xf32>
      %max3A_315 = arith.constant 0.000000e+00 : f32
      %max3A_316 = vector.broadcast %max3A_315 : f32 to vector<16xf32>
      %max3A_317 = arith.maximumf %add3A_314, %max3A_316 : vector<16xf32>
      %swap3A_318 = arith.index_cast %and3A_87 : i32 to index
      %swap3A_319 = arith.index_cast %scan3A_297 : i32 to index
      %swap3A_320 = arith.constant 0 : index
      %swap3A_321 = tpu.vector_load %arg12[%swap3A_318, %swap3A_319, %swap3A_320] {strides = array<i32>} : memref<2x1000x16xf32, #tpu.memory_space<vmem>>, vector<1x1x16xf32>,
      %swap3A_322 = vector.shape_cast %swap3A_321 : vector<1x1x16xf32> to vector<16xf32>
      %swap3A_323 = vector.shape_cast %max3A_317 : vector<16xf32> to vector<1x1x16xf32>
      tpu.vector_store %arg12[%swap3A_318, %swap3A_319, %swap3A_320], %swap3A_323 {strides = array<i32>} : memref<2x1000x16xf32, #tpu.memory_space<vmem>>, vector<1x1x16xf32>,
      %scan3A_324 = arith.constant 0 : i32
      %scan3A_325 = arith.constant 504 : i32
      %dma_wait3A_326 = arith.constant 504 : i32
      %dma_wait3A_327 = arith.constant 0 : i32
      %dma_wait3A_328 = tpu.memref_slice %arg10[%and3A_87, %dma_wait3A_326, %dma_wait3A_327] : memref<2x1000x16xf32, #tpu.memory_space<vmem>> -> memref<1x496x16xf32, #tpu.memory_space<vmem>>
      %dma_wait3A_329 = tpu.memref_squeeze %dma_wait3A_328 : memref<1x496x16xf32, #tpu.memory_space<vmem>> -> memref<496x16xf32, #tpu.memory_space<vmem>>
      %dma_wait3A_330 = arith.constant 504 : i32
      %dma_wait3A_331 = tpu.memref_slice %arg8[%and3A_87, %dma_wait3A_330] : memref<2x1000xi32, #tpu.memory_space<vmem>> -> memref<1x496xi32, #tpu.memory_space<vmem>>
      %dma_wait3A_332 = tpu.memref_squeeze %dma_wait3A_331 : memref<1x496xi32, #tpu.memory_space<vmem>> -> memref<496xi32, #tpu.memory_space<vmem>>
      %dma_wait3A_333 = arith.constant 0 : i32
      %dma_wait3A_334 = arith.constant 0 : i32
      %dma_wait3A_335 = tpu.memref_slice %arg14[%dma_wait3A_333, %dma_wait3A_334] : memref<10000x16xf32, #tpu.memory_space<vmem_shared>> -> memref<10000x16xf32, #tpu.memory_space<vmem_shared>>
      tpu.wait_indirect_dma semaphore(%arg17 : memref<!tpu.dma_semaphore, #tpu.memory_space<semaphore_mem>>) src(%dma_wait3A_335 : memref<10000x16xf32, #tpu.memory_space<vmem_shared>>) dst(%dma_wait3A_329 : memref<496x16xf32, #tpu.memory_space<vmem>>)
      %dma_wait3A_336 = arith.constant 504 : i32
      %dma_wait3A_337 = arith.constant 0 : i32
      %dma_wait3A_338 = tpu.memref_slice %arg11[%and3A_87, %dma_wait3A_336, %dma_wait3A_337] : memref<2x1000x16xf32, #tpu.memory_space<vmem>> -> memref<1x496x16xf32, #tpu.memory_space<vmem>>
      %dma_wait3A_339 = tpu.memref_squeeze %dma_wait3A_338 : memref<1x496x16xf32, #tpu.memory_space<vmem>> -> memref<496x16xf32, #tpu.memory_space<vmem>>
      %dma_wait3A_340 = arith.constant 504 : i32
      %dma_wait3A_341 = tpu.memref_slice %arg9[%and3A_87, %dma_wait3A_340] : memref<2x1000xi32, #tpu.memory_space<vmem>> -> memref<1x496xi32, #tpu.memory_space<vmem>>
      %dma_wait3A_342 = tpu.memref_squeeze %dma_wait3A_341 : memref<1x496xi32, #tpu.memory_space<vmem>> -> memref<496xi32, #tpu.memory_space<vmem>>
      %dma_wait3A_343 = arith.constant 0 : i32
      %dma_wait3A_344 = arith.constant 0 : i32
      %dma_wait3A_345 = tpu.memref_slice %arg15[%dma_wait3A_343, %dma_wait3A_344] : memref<10000x16xf32, #tpu.memory_space<vmem_shared>> -> memref<10000x16xf32, #tpu.memory_space<vmem_shared>>
      tpu.wait_indirect_dma semaphore(%arg18 : memref<!tpu.dma_semaphore, #tpu.memory_space<semaphore_mem>>) src(%dma_wait3A_345 : memref<10000x16xf32, #tpu.memory_space<vmem_shared>>) dst(%dma_wait3A_339 : memref<496x16xf32, #tpu.memory_space<vmem>>)
      %scan3A_346 = arith.constant 0 : i32
      %scan3A_347 = arith.constant 504 : i32
      %scan3A_348 = arith.constant 495 : i32
      %scan3A_349 = arith.addi %scan3A_347, %scan3A_348 : i32
      %scan3A_350 = arith.constant 5 : i32
      %scan3A_351 = scf.for %scan3A_395 = %scan3A_347 to %scan3A_349 step %scan3A_350 iter_args(%scan3A_396 = %scan3A_346) -> (i32)  : i32 {
        %get3A_397 = arith.index_cast %and3A_87 : i32 to index
        %get3A_398 = arith.index_cast %scan3A_395 : i32 to index
        %get3A_399 = arith.constant 0 : index
        %get3A_400 = tpu.vector_load %arg12[%get3A_397, %get3A_398, %get3A_399] {strides = array<i32>} : memref<2x1000x16xf32, #tpu.memory_space<vmem>>, vector<1x1x16xf32>,
        %get3A_401 = vector.shape_cast %get3A_400 : vector<1x1x16xf32> to vector<16xf32>
        %get3A_402 = arith.index_cast %and3A_87 : i32 to index
        %get3A_403 = arith.index_cast %scan3A_395 : i32 to index
        %get3A_404 = arith.constant 0 : index
        %get3A_405 = tpu.vector_load %arg10[%get3A_402, %get3A_403, %get3A_404] {strides = array<i32>} : memref<2x1000x16xf32, #tpu.memory_space<vmem>>, vector<1x1x16xf32>,
        %get3A_406 = vector.shape_cast %get3A_405 : vector<1x1x16xf32> to vector<16xf32>
        %add3A_407 = arith.addf %get3A_401, %get3A_406 : vector<16xf32>
        %get3A_408 = arith.index_cast %and3A_87 : i32 to index
        %get3A_409 = arith.index_cast %scan3A_395 : i32 to index
        %get3A_410 = arith.constant 0 : index
        %get3A_411 = tpu.vector_load %arg11[%get3A_408, %get3A_409, %get3A_410] {strides = array<i32>} : memref<2x1000x16xf32, #tpu.memory_space<vmem>>, vector<1x1x16xf32>,
        %get3A_412 = vector.shape_cast %get3A_411 : vector<1x1x16xf32> to vector<16xf32>
        %add3A_413 = arith.addf %add3A_407, %get3A_412 : vector<16xf32>
        %max3A_414 = arith.constant 0.000000e+00 : f32
        %max3A_415 = vector.broadcast %max3A_414 : f32 to vector<16xf32>
        %max3A_416 = arith.maximumf %add3A_413, %max3A_415 : vector<16xf32>
        %swap3A_417 = arith.index_cast %and3A_87 : i32 to index
        %swap3A_418 = arith.index_cast %scan3A_395 : i32 to index
        %swap3A_419 = arith.constant 0 : index
        %swap3A_420 = tpu.vector_load %arg12[%swap3A_417, %swap3A_418, %swap3A_419] {strides = array<i32>} : memref<2x1000x16xf32, #tpu.memory_space<vmem>>, vector<1x1x16xf32>,
        %swap3A_421 = vector.shape_cast %swap3A_420 : vector<1x1x16xf32> to vector<16xf32>
        %swap3A_422 = vector.shape_cast %max3A_416 : vector<16xf32> to vector<1x1x16xf32>
        tpu.vector_store %arg12[%swap3A_417, %swap3A_418, %swap3A_419], %swap3A_422 {strides = array<i32>} : memref<2x1000x16xf32, #tpu.memory_space<vmem>>, vector<1x1x16xf32>,
        %scan3A_423 = arith.constant 0 : i32
        %scan3A_424 = arith.constant 1 : i32
        %scan3A_425 = arith.addi %scan3A_395, %scan3A_424 : i32
        %get3A_426 = arith.index_cast %and3A_87 : i32 to index
        %get3A_427 = arith.index_cast %scan3A_425 : i32 to index
        %get3A_428 = arith.constant 0 : index
        %get3A_429 = tpu.vector_load %arg12[%get3A_426, %get3A_427, %get3A_428] {strides = array<i32>} : memref<2x1000x16xf32, #tpu.memory_space<vmem>>, vector<1x1x16xf32>,
        %get3A_430 = vector.shape_cast %get3A_429 : vector<1x1x16xf32> to vector<16xf32>
        %get3A_431 = arith.index_cast %and3A_87 : i32 to index
        %get3A_432 = arith.index_cast %scan3A_425 : i32 to index
        %get3A_433 = arith.constant 0 : index
        %get3A_434 = tpu.vector_load %arg10[%get3A_431, %get3A_432, %get3A_433] {strides = array<i32>} : memref<2x1000x16xf32, #tpu.memory_space<vmem>>, vector<1x1x16xf32>,
        %get3A_435 = vector.shape_cast %get3A_434 : vector<1x1x16xf32> to vector<16xf32>
        %add3A_436 = arith.addf %get3A_430, %get3A_435 : vector<16xf32>
        %get3A_437 = arith.index_cast %and3A_87 : i32 to index
        %get3A_438 = arith.index_cast %scan3A_425 : i32 to index
        %get3A_439 = arith.constant 0 : index
        %get3A_440 = tpu.vector_load %arg11[%get3A_437, %get3A_438, %get3A_439] {strides = array<i32>} : memref<2x1000x16xf32, #tpu.memory_space<vmem>>, vector<1x1x16xf32>,
        %get3A_441 = vector.shape_cast %get3A_440 : vector<1x1x16xf32> to vector<16xf32>
        %add3A_442 = arith.addf %add3A_436, %get3A_441 : vector<16xf32>
        %max3A_443 = arith.constant 0.000000e+00 : f32
        %max3A_444 = vector.broadcast %max3A_443 : f32 to vector<16xf32>
        %max3A_445 = arith.maximumf %add3A_442, %max3A_444 : vector<16xf32>
        %swap3A_446 = arith.index_cast %and3A_87 : i32 to index
        %swap3A_447 = arith.index_cast %scan3A_425 : i32 to index
        %swap3A_448 = arith.constant 0 : index
        %swap3A_449 = tpu.vector_load %arg12[%swap3A_446, %swap3A_447, %swap3A_448] {strides = array<i32>} : memref<2x1000x16xf32, #tpu.memory_space<vmem>>, vector<1x1x16xf32>,
        %swap3A_450 = vector.shape_cast %swap3A_449 : vector<1x1x16xf32> to vector<16xf32>
        %swap3A_451 = vector.shape_cast %max3A_445 : vector<16xf32> to vector<1x1x16xf32>
        tpu.vector_store %arg12[%swap3A_446, %swap3A_447, %swap3A_448], %swap3A_451 {strides = array<i32>} : memref<2x1000x16xf32, #tpu.memory_space<vmem>>, vector<1x1x16xf32>,
        %scan3A_452 = arith.constant 0 : i32
        %scan3A_453 = arith.constant 2 : i32
        %scan3A_454 = arith.addi %scan3A_395, %scan3A_453 : i32
        %get3A_455 = arith.index_cast %and3A_87 : i32 to index
        %get3A_456 = arith.index_cast %scan3A_454 : i32 to index
        %get3A_457 = arith.constant 0 : index
        %get3A_458 = tpu.vector_load %arg12[%get3A_455, %get3A_456, %get3A_457] {strides = array<i32>} : memref<2x1000x16xf32, #tpu.memory_space<vmem>>, vector<1x1x16xf32>,
        %get3A_459 = vector.shape_cast %get3A_458 : vector<1x1x16xf32> to vector<16xf32>
        %get3A_460 = arith.index_cast %and3A_87 : i32 to index
        %get3A_461 = arith.index_cast %scan3A_454 : i32 to index
        %get3A_462 = arith.constant 0 : index
        %get3A_463 = tpu.vector_load %arg10[%get3A_460, %get3A_461, %get3A_462] {strides = array<i32>} : memref<2x1000x16xf32, #tpu.memory_space<vmem>>, vector<1x1x16xf32>,
        %get3A_464 = vector.shape_cast %get3A_463 : vector<1x1x16xf32> to vector<16xf32>
        %add3A_465 = arith.addf %get3A_459, %get3A_464 : vector<16xf32>
        %get3A_466 = arith.index_cast %and3A_87 : i32 to index
        %get3A_467 = arith.index_cast %scan3A_454 : i32 to index
        %get3A_468 = arith.constant 0 : index
        %get3A_469 = tpu.vector_load %arg11[%get3A_466, %get3A_467, %get3A_468] {strides = array<i32>} : memref<2x1000x16xf32, #tpu.memory_space<vmem>>, vector<1x1x16xf32>,
        %get3A_470 = vector.shape_cast %get3A_469 : vector<1x1x16xf32> to vector<16xf32>
        %add3A_471 = arith.addf %add3A_465, %get3A_470 : vector<16xf32>
        %max3A_472 = arith.constant 0.000000e+00 : f32
        %max3A_473 = vector.broadcast %max3A_472 : f32 to vector<16xf32>
        %max3A_474 = arith.maximumf %add3A_471, %max3A_473 : vector<16xf32>
        %swap3A_475 = arith.index_cast %and3A_87 : i32 to index
        %swap3A_476 = arith.index_cast %scan3A_454 : i32 to index
        %swap3A_477 = arith.constant 0 : index
        %swap3A_478 = tpu.vector_load %arg12[%swap3A_475, %swap3A_476, %swap3A_477] {strides = array<i32>} : memref<2x1000x16xf32, #tpu.memory_space<vmem>>, vector<1x1x16xf32>,
        %swap3A_479 = vector.shape_cast %swap3A_478 : vector<1x1x16xf32> to vector<16xf32>
        %swap3A_480 = vector.shape_cast %max3A_474 : vector<16xf32> to vector<1x1x16xf32>
        tpu.vector_store %arg12[%swap3A_475, %swap3A_476, %swap3A_477], %swap3A_480 {strides = array<i32>} : memref<2x1000x16xf32, #tpu.memory_space<vmem>>, vector<1x1x16xf32>,
        %scan3A_481 = arith.constant 0 : i32
        %scan3A_482 = arith.constant 3 : i32
        %scan3A_483 = arith.addi %scan3A_395, %scan3A_482 : i32
        %get3A_484 = arith.index_cast %and3A_87 : i32 to index
        %get3A_485 = arith.index_cast %scan3A_483 : i32 to index
        %get3A_486 = arith.constant 0 : index
        %get3A_487 = tpu.vector_load %arg12[%get3A_484, %get3A_485, %get3A_486] {strides = array<i32>} : memref<2x1000x16xf32, #tpu.memory_space<vmem>>, vector<1x1x16xf32>,
        %get3A_488 = vector.shape_cast %get3A_487 : vector<1x1x16xf32> to vector<16xf32>
        %get3A_489 = arith.index_cast %and3A_87 : i32 to index
        %get3A_490 = arith.index_cast %scan3A_483 : i32 to index
        %get3A_491 = arith.constant 0 : index
        %get3A_492 = tpu.vector_load %arg10[%get3A_489, %get3A_490, %get3A_491] {strides = array<i32>} : memref<2x1000x16xf32, #tpu.memory_space<vmem>>, vector<1x1x16xf32>,
        %get3A_493 = vector.shape_cast %get3A_492 : vector<1x1x16xf32> to vector<16xf32>
        %add3A_494 = arith.addf %get3A_488, %get3A_493 : vector<16xf32>
        %get3A_495 = arith.index_cast %and3A_87 : i32 to index
        %get3A_496 = arith.index_cast %scan3A_483 : i32 to index
        %get3A_497 = arith.constant 0 : index
        %get3A_498 = tpu.vector_load %arg11[%get3A_495, %get3A_496, %get3A_497] {strides = array<i32>} : memref<2x1000x16xf32, #tpu.memory_space<vmem>>, vector<1x1x16xf32>,
        %get3A_499 = vector.shape_cast %get3A_498 : vector<1x1x16xf32> to vector<16xf32>
        %add3A_500 = arith.addf %add3A_494, %get3A_499 : vector<16xf32>
        %max3A_501 = arith.constant 0.000000e+00 : f32
        %max3A_502 = vector.broadcast %max3A_501 : f32 to vector<16xf32>
        %max3A_503 = arith.maximumf %add3A_500, %max3A_502 : vector<16xf32>
        %swap3A_504 = arith.index_cast %and3A_87 : i32 to index
        %swap3A_505 = arith.index_cast %scan3A_483 : i32 to index
        %swap3A_506 = arith.constant 0 : index
        %swap3A_507 = tpu.vector_load %arg12[%swap3A_504, %swap3A_505, %swap3A_506] {strides = array<i32>} : memref<2x1000x16xf32, #tpu.memory_space<vmem>>, vector<1x1x16xf32>,
        %swap3A_508 = vector.shape_cast %swap3A_507 : vector<1x1x16xf32> to vector<16xf32>
        %swap3A_509 = vector.shape_cast %max3A_503 : vector<16xf32> to vector<1x1x16xf32>
        tpu.vector_store %arg12[%swap3A_504, %swap3A_505, %swap3A_506], %swap3A_509 {strides = array<i32>} : memref<2x1000x16xf32, #tpu.memory_space<vmem>>, vector<1x1x16xf32>,
        %scan3A_510 = arith.constant 0 : i32
        %scan3A_511 = arith.constant 4 : i32
        %scan3A_512 = arith.addi %scan3A_395, %scan3A_511 : i32
        %get3A_513 = arith.index_cast %and3A_87 : i32 to index
        %get3A_514 = arith.index_cast %scan3A_512 : i32 to index
        %get3A_515 = arith.constant 0 : index
        %get3A_516 = tpu.vector_load %arg12[%get3A_513, %get3A_514, %get3A_515] {strides = array<i32>} : memref<2x1000x16xf32, #tpu.memory_space<vmem>>, vector<1x1x16xf32>,
        %get3A_517 = vector.shape_cast %get3A_516 : vector<1x1x16xf32> to vector<16xf32>
        %get3A_518 = arith.index_cast %and3A_87 : i32 to index
        %get3A_519 = arith.index_cast %scan3A_512 : i32 to index
        %get3A_520 = arith.constant 0 : index
        %get3A_521 = tpu.vector_load %arg10[%get3A_518, %get3A_519, %get3A_520] {strides = array<i32>} : memref<2x1000x16xf32, #tpu.memory_space<vmem>>, vector<1x1x16xf32>,
        %get3A_522 = vector.shape_cast %get3A_521 : vector<1x1x16xf32> to vector<16xf32>
        %add3A_523 = arith.addf %get3A_517, %get3A_522 : vector<16xf32>
        %get3A_524 = arith.index_cast %and3A_87 : i32 to index
        %get3A_525 = arith.index_cast %scan3A_512 : i32 to index
        %get3A_526 = arith.constant 0 : index
        %get3A_527 = tpu.vector_load %arg11[%get3A_524, %get3A_525, %get3A_526] {strides = array<i32>} : memref<2x1000x16xf32, #tpu.memory_space<vmem>>, vector<1x1x16xf32>,
        %get3A_528 = vector.shape_cast %get3A_527 : vector<1x1x16xf32> to vector<16xf32>
        %add3A_529 = arith.addf %add3A_523, %get3A_528 : vector<16xf32>
        %max3A_530 = arith.constant 0.000000e+00 : f32
        %max3A_531 = vector.broadcast %max3A_530 : f32 to vector<16xf32>
        %max3A_532 = arith.maximumf %add3A_529, %max3A_531 : vector<16xf32>
        %swap3A_533 = arith.index_cast %and3A_87 : i32 to index
        %swap3A_534 = arith.index_cast %scan3A_512 : i32 to index
        %swap3A_535 = arith.constant 0 : index
        %swap3A_536 = tpu.vector_load %arg12[%swap3A_533, %swap3A_534, %swap3A_535] {strides = array<i32>} : memref<2x1000x16xf32, #tpu.memory_space<vmem>>, vector<1x1x16xf32>,
        %swap3A_537 = vector.shape_cast %swap3A_536 : vector<1x1x16xf32> to vector<16xf32>
        %swap3A_538 = vector.shape_cast %max3A_532 : vector<16xf32> to vector<1x1x16xf32>
        tpu.vector_store %arg12[%swap3A_533, %swap3A_534, %swap3A_535], %swap3A_538 {strides = array<i32>} : memref<2x1000x16xf32, #tpu.memory_space<vmem>>, vector<1x1x16xf32>,
        %scan3A_539 = arith.constant 0 : i32
        scf.yield %scan3A_539 : i32
      }
      %scan3A_352 = arith.constant 495 : i32
      %scan3A_353 = arith.addi %scan3A_347, %scan3A_352 : i32
      %get3A_354 = arith.index_cast %and3A_87 : i32 to index
      %get3A_355 = arith.index_cast %scan3A_353 : i32 to index
      %get3A_356 = arith.constant 0 : index
      %get3A_357 = tpu.vector_load %arg12[%get3A_354, %get3A_355, %get3A_356] {strides = array<i32>} : memref<2x1000x16xf32, #tpu.memory_space<vmem>>, vector<1x1x16xf32>,
      %get3A_358 = vector.shape_cast %get3A_357 : vector<1x1x16xf32> to vector<16xf32>
      %get3A_359 = arith.index_cast %and3A_87 : i32 to index
      %get3A_360 = arith.index_cast %scan3A_353 : i32 to index
      %get3A_361 = arith.constant 0 : index
      %get3A_362 = tpu.vector_load %arg10[%get3A_359, %get3A_360, %get3A_361] {strides = array<i32>} : memref<2x1000x16xf32, #tpu.memory_space<vmem>>, vector<1x1x16xf32>,
      %get3A_363 = vector.shape_cast %get3A_362 : vector<1x1x16xf32> to vector<16xf32>
      %add3A_364 = arith.addf %get3A_358, %get3A_363 : vector<16xf32>
      %get3A_365 = arith.index_cast %and3A_87 : i32 to index
      %get3A_366 = arith.index_cast %scan3A_353 : i32 to index
      %get3A_367 = arith.constant 0 : index
      %get3A_368 = tpu.vector_load %arg11[%get3A_365, %get3A_366, %get3A_367] {strides = array<i32>} : memref<2x1000x16xf32, #tpu.memory_space<vmem>>, vector<1x1x16xf32>,
      %get3A_369 = vector.shape_cast %get3A_368 : vector<1x1x16xf32> to vector<16xf32>
      %add3A_370 = arith.addf %add3A_364, %get3A_369 : vector<16xf32>
      %max3A_371 = arith.constant 0.000000e+00 : f32
      %max3A_372 = vector.broadcast %max3A_371 : f32 to vector<16xf32>
      %max3A_373 = arith.maximumf %add3A_370, %max3A_372 : vector<16xf32>
      %swap3A_374 = arith.index_cast %and3A_87 : i32 to index
      %swap3A_375 = arith.index_cast %scan3A_353 : i32 to index
      %swap3A_376 = arith.constant 0 : index
      %swap3A_377 = tpu.vector_load %arg12[%swap3A_374, %swap3A_375, %swap3A_376] {strides = array<i32>} : memref<2x1000x16xf32, #tpu.memory_space<vmem>>, vector<1x1x16xf32>,
      %swap3A_378 = vector.shape_cast %swap3A_377 : vector<1x1x16xf32> to vector<16xf32>
      %swap3A_379 = vector.shape_cast %max3A_373 : vector<16xf32> to vector<1x1x16xf32>
      tpu.vector_store %arg12[%swap3A_374, %swap3A_375, %swap3A_376], %swap3A_379 {strides = array<i32>} : memref<2x1000x16xf32, #tpu.memory_space<vmem>>, vector<1x1x16xf32>,
      %scan3A_380 = arith.constant 0 : i32
      %scan3A_381 = arith.constant 496 : i32
      %dma_start3A_382 = arith.constant 0 : i32
      %dma_start3A_383 = arith.constant 0 : i32
      %dma_start3A_384 = tpu.memref_slice %arg12[%and3A_87, %dma_start3A_382, %dma_start3A_383] : memref<2x1000x16xf32, #tpu.memory_space<vmem>> -> memref<1x1000x16xf32, #tpu.memory_space<vmem>>
      %dma_start3A_385 = tpu.memref_squeeze %dma_start3A_384 : memref<1x1000x16xf32, #tpu.memory_space<vmem>> -> memref<1000x16xf32, #tpu.memory_space<vmem>>
      %dma_start3A_386 = arith.constant 0 : i32
      %dma_start3A_387 = tpu.memref_slice %arg6[%multiple_of3A_93, %dma_start3A_386] : memref<320000x16xf32, #tpu.memory_space<hbm>> -> memref<1000x16xf32, #tpu.memory_space<hbm>>
      %dma_start3A_388 = arith.constant 0 : i32
      %dma_start3A_389 = tpu.memref_slice %arg6[%multiple_of3A_93, %dma_start3A_388] : memref<320000x16xf32, #tpu.memory_space<hbm>> -> memref<1000x16xf32, #tpu.memory_space<hbm>>
      %dma_start3A_390 = arith.constant 0 : i32
      %dma_start3A_391 = arith.constant 0 : i32
      %dma_start3A_392 = tpu.memref_slice %arg12[%and3A_87, %dma_start3A_390, %dma_start3A_391] : memref<2x1000x16xf32, #tpu.memory_space<vmem>> -> memref<1x1000x16xf32, #tpu.memory_space<vmem>>
      %dma_start3A_393 = tpu.memref_squeeze %dma_start3A_392 : memref<1x1000x16xf32, #tpu.memory_space<vmem>> -> memref<1000x16xf32, #tpu.memory_space<vmem>>
      tpu.enqueue_dma source(%dma_start3A_393 : memref<1000x16xf32, #tpu.memory_space<vmem>>) target(%dma_start3A_389 : memref<1000x16xf32, #tpu.memory_space<hbm>>) target_semaphore(%arg19 : memref<!tpu.dma_semaphore, #tpu.memory_space<semaphore_mem>>)
      "tpu.region"() ({
        %run_scoped3A_395 = tpu.sem_alloc : memref<!tpu.dma_semaphore, #tpu.memory_space<semaphore_mem>>
        %dma_start3A_396 = arith.constant 0 : i32
        %dma_start3A_397 = arith.constant 0 : i32
        %dma_start3A_398 = tpu.memref_slice %arg12[%and3A_87, %dma_start3A_396, %dma_start3A_397] : memref<2x1000x16xf32, #tpu.memory_space<vmem>> -> memref<1x1000x16xf32, #tpu.memory_space<vmem>>
        %dma_start3A_399 = tpu.memref_squeeze %dma_start3A_398 : memref<1x1000x16xf32, #tpu.memory_space<vmem>> -> memref<1000x16xf32, #tpu.memory_space<vmem>>
        %dma_start3A_400 = arith.constant 0 : i32
        %dma_start3A_401 = tpu.memref_slice %arg9[%and3A_87, %dma_start3A_400] : memref<2x1000xi32, #tpu.memory_space<vmem>> -> memref<1x1000xi32, #tpu.memory_space<vmem>>
        %dma_start3A_402 = tpu.memref_squeeze %dma_start3A_401 : memref<1x1000xi32, #tpu.memory_space<vmem>> -> memref<1000xi32, #tpu.memory_space<vmem>>
        %dma_start3A_403 = arith.constant 0 : i32
        %dma_start3A_404 = arith.constant 0 : i32
        %dma_start3A_405 = tpu.memref_slice %arg13[%dma_start3A_403, %dma_start3A_404] : memref<10000x16xf32, #tpu.memory_space<vmem_shared>> -> memref<10000x16xf32, #tpu.memory_space<vmem_shared>>
        tpu.enqueue_indirect_dma source(%dma_start3A_399 : memref<1000x16xf32, #tpu.memory_space<vmem>>) target(%dma_start3A_405 : memref<10000x16xf32, #tpu.memory_space<vmem_shared>>) offsets(%dma_start3A_402 : memref<1000xi32, #tpu.memory_space<vmem>>) semaphore(%run_scoped3A_395 : memref<!tpu.dma_semaphore, #tpu.memory_space<semaphore_mem>>) {add = true}
        %dma_wait3A_406 = arith.constant 0 : i32
        %dma_wait3A_407 = arith.constant 0 : i32
        %dma_wait3A_408 = tpu.memref_slice %arg12[%and3A_87, %dma_wait3A_406, %dma_wait3A_407] : memref<2x1000x16xf32, #tpu.memory_space<vmem>> -> memref<1x1000x16xf32, #tpu.memory_space<vmem>>
        %dma_wait3A_409 = tpu.memref_squeeze %dma_wait3A_408 : memref<1x1000x16xf32, #tpu.memory_space<vmem>> -> memref<1000x16xf32, #tpu.memory_space<vmem>>
        %dma_wait3A_410 = arith.constant 0 : i32
        %dma_wait3A_411 = tpu.memref_slice %arg9[%and3A_87, %dma_wait3A_410] : memref<2x1000xi32, #tpu.memory_space<vmem>> -> memref<1x1000xi32, #tpu.memory_space<vmem>>
        %dma_wait3A_412 = tpu.memref_squeeze %dma_wait3A_411 : memref<1x1000xi32, #tpu.memory_space<vmem>> -> memref<1000xi32, #tpu.memory_space<vmem>>
        %dma_wait3A_413 = arith.constant 0 : i32
        %dma_wait3A_414 = arith.constant 0 : i32
        %dma_wait3A_415 = tpu.memref_slice %arg13[%dma_wait3A_413, %dma_wait3A_414] : memref<10000x16xf32, #tpu.memory_space<vmem_shared>> -> memref<10000x16xf32, #tpu.memory_space<vmem_shared>>
        tpu.wait_indirect_dma semaphore(%run_scoped3A_395 : memref<!tpu.dma_semaphore, #tpu.memory_space<semaphore_mem>>) src(%dma_wait3A_409 : memref<1000x16xf32, #tpu.memory_space<vmem>>) dst(%dma_wait3A_415 : memref<10000x16xf32, #tpu.memory_space<vmem_shared>>)
        tpu.yield
      }) : () -> ()
      %scan3A_394 = arith.constant 0 : i32
      scf.yield %scan3A_394 : i32
    }
    %scan3A_58 = arith.constant 10 : i32
    %mul3A_59 = arith.constant 10000 : i32
    %mul3A_60 = arith.muli %add3A, %mul3A_59 : i32
    %add3A_61 = arith.constant 9000 : i32
    %add3A_62 = arith.addi %mul3A_60, %add3A_61 : i32
    %multiple_of3A_63 = tpu.assume_multiple %add3A_62, 8 : i32
    %dma_wait3A = arith.constant 1 : i32
    %dma_wait3A_64 = arith.constant 0 : i32
    %dma_wait3A_65 = arith.constant 0 : i32
    %dma_wait3A_66 = tpu.memref_slice %arg12[%dma_wait3A, %dma_wait3A_64, %dma_wait3A_65] : memref<2x1000x16xf32, #tpu.memory_space<vmem>> -> memref<1x1000x16xf32, #tpu.memory_space<vmem>>
    %dma_wait3A_67 = tpu.memref_squeeze %dma_wait3A_66 : memref<1x1000x16xf32, #tpu.memory_space<vmem>> -> memref<1000x16xf32, #tpu.memory_space<vmem>>
    %dma_wait3A_68 = arith.constant 0 : i32
    %dma_wait3A_69 = tpu.memref_slice %arg6[%multiple_of3A_63, %dma_wait3A_68] : memref<320000x16xf32, #tpu.memory_space<hbm>> -> memref<1000x16xf32, #tpu.memory_space<hbm>>
    %dma_wait3A_70 = arith.constant 0 : i32
    %dma_wait3A_71 = tpu.memref_slice %arg6[%multiple_of3A_63, %dma_wait3A_70] : memref<320000x16xf32, #tpu.memory_space<hbm>> -> memref<1000x16xf32, #tpu.memory_space<hbm>>
    %dma_wait3A_72 = arith.constant 0 : i32
    %dma_wait3A_73 = arith.constant 0 : i32
    %dma_wait3A_74 = tpu.memref_slice %arg12[%dma_wait3A, %dma_wait3A_72, %dma_wait3A_73] : memref<2x1000x16xf32, #tpu.memory_space<vmem>> -> memref<1x1000x16xf32, #tpu.memory_space<vmem>>
    %dma_wait3A_75 = tpu.memref_squeeze %dma_wait3A_74 : memref<1x1000x16xf32, #tpu.memory_space<vmem>> -> memref<1000x16xf32, #tpu.memory_space<vmem>>
    tpu.wait_dma2 semaphore(%arg19 : memref<!tpu.dma_semaphore, #tpu.memory_space<semaphore_mem>>) src(%dma_wait3A_75 : memref<1000x16xf32, #tpu.memory_space<vmem>>) dst(%dma_wait3A_71 : memref<1000x16xf32, #tpu.memory_space<hbm>>)
    %barrier3A_76 = arith.constant 0 : index
    tpu.barrier barrier_id(%barrier3A_76)
    %mul3A_77 = arith.constant 624 : i32
    %mul3A_78 = arith.muli %arg1, %mul3A_77 : i32
    %multiple_of3A_79 = tpu.assume_multiple %mul3A_78, 8 : i32
    "tpu.region"() ({
      %run_scoped3A_85 = tpu.sem_alloc : memref<!tpu.dma_semaphore, #tpu.memory_space<semaphore_mem>>
      %dma_start3A_86 = arith.constant 0 : i32
      %dma_start3A_87 = tpu.memref_slice %arg7[%arg0, %multiple_of3A_79, %dma_start3A_86] : memref<2x10000x16xf32, #tpu.memory_space<hbm>> -> memref<1x624x16xf32, #tpu.memory_space<hbm>>
      %dma_start3A_88 = tpu.memref_squeeze %dma_start3A_87 : memref<1x624x16xf32, #tpu.memory_space<hbm>> -> memref<624x16xf32, #tpu.memory_space<hbm>>
      %dma_start3A_89 = arith.constant 0 : i32
      %dma_start3A_90 = tpu.memref_slice %arg13[%multiple_of3A_79, %dma_start3A_89] : memref<10000x16xf32, #tpu.memory_space<vmem_shared>> -> memref<624x16xf32, #tpu.memory_space<vmem_shared>>
      tpu.enqueue_dma source(%dma_start3A_90 : memref<624x16xf32, #tpu.memory_space<vmem_shared>>) target(%dma_start3A_88 : memref<624x16xf32, #tpu.memory_space<hbm>>) target_semaphore(%run_scoped3A_85 : memref<!tpu.dma_semaphore, #tpu.memory_space<semaphore_mem>>)
      %dma_wait3A_91 = arith.constant 0 : i32
      %dma_wait3A_92 = tpu.memref_slice %arg7[%arg0, %multiple_of3A_79, %dma_wait3A_91] : memref<2x10000x16xf32, #tpu.memory_space<hbm>> -> memref<1x624x16xf32, #tpu.memory_space<hbm>>
      %dma_wait3A_93 = tpu.memref_squeeze %dma_wait3A_92 : memref<1x624x16xf32, #tpu.memory_space<hbm>> -> memref<624x16xf32, #tpu.memory_space<hbm>>
      %dma_wait3A_94 = arith.constant 0 : i32
      %dma_wait3A_95 = tpu.memref_slice %arg13[%multiple_of3A_79, %dma_wait3A_94] : memref<10000x16xf32, #tpu.memory_space<vmem_shared>> -> memref<624x16xf32, #tpu.memory_space<vmem_shared>>
      tpu.wait_dma2 semaphore(%run_scoped3A_85 : memref<!tpu.dma_semaphore, #tpu.memory_space<semaphore_mem>>) src(%dma_wait3A_95 : memref<624x16xf32, #tpu.memory_space<vmem_shared>>) dst(%dma_wait3A_93 : memref<624x16xf32, #tpu.memory_space<hbm>>)
      tpu.yield
    }) : () -> ()
    %eq3A_80 = arith.constant 15 : i32
    %eq3A_81 = arith.cmpi eq, %arg1, %eq3A_80 : i32
    %convert_element_type3A_82 = arith.extui %eq3A_81 : i1 to i32
    %cond3A_83 = arith.constant 0 : i32
    %cond3A_84 = arith.cmpi ne, %convert_element_type3A_82, %cond3A_83 : i32
    scf.if %cond3A_84 {
      "tpu.region"() ({
        %run_scoped3A_85 = tpu.sem_alloc : memref<!tpu.dma_semaphore, #tpu.memory_space<semaphore_mem>>
        %dma_start3A_86 = arith.constant 9984 : i32
        %dma_start3A_87 = arith.constant 0 : i32
        %dma_start3A_88 = tpu.memref_slice %arg7[%arg0, %dma_start3A_86, %dma_start3A_87] : memref<2x10000x16xf32, #tpu.memory_space<hbm>> -> memref<1x16x16xf32, #tpu.memory_space<hbm>>
        %dma_start3A_89 = tpu.memref_squeeze %dma_start3A_88 : memref<1x16x16xf32, #tpu.memory_space<hbm>> -> memref<16x16xf32, #tpu.memory_space<hbm>>
        %dma_start3A_90 = arith.constant 9984 : i32
        %dma_start3A_91 = arith.constant 0 : i32
        %dma_start3A_92 = tpu.memref_slice %arg13[%dma_start3A_90, %dma_start3A_91] : memref<10000x16xf32, #tpu.memory_space<vmem_shared>> -> memref<16x16xf32, #tpu.memory_space<vmem_shared>>
        tpu.enqueue_dma source(%dma_start3A_92 : memref<16x16xf32, #tpu.memory_space<vmem_shared>>) target(%dma_start3A_89 : memref<16x16xf32, #tpu.memory_space<hbm>>) target_semaphore(%run_scoped3A_85 : memref<!tpu.dma_semaphore, #tpu.memory_space<semaphore_mem>>)
        %dma_wait3A_93 = arith.constant 9984 : i32
        %dma_wait3A_94 = arith.constant 0 : i32
        %dma_wait3A_95 = tpu.memref_slice %arg7[%arg0, %dma_wait3A_93, %dma_wait3A_94] : memref<2x10000x16xf32, #tpu.memory_space<hbm>> -> memref<1x16x16xf32, #tpu.memory_space<hbm>>
        %dma_wait3A_96 = tpu.memref_squeeze %dma_wait3A_95 : memref<1x16x16xf32, #tpu.memory_space<hbm>> -> memref<16x16xf32, #tpu.memory_space<hbm>>
        %dma_wait3A_97 = arith.constant 9984 : i32
        %dma_wait3A_98 = arith.constant 0 : i32
        %dma_wait3A_99 = tpu.memref_slice %arg13[%dma_wait3A_97, %dma_wait3A_98] : memref<10000x16xf32, #tpu.memory_space<vmem_shared>> -> memref<16x16xf32, #tpu.memory_space<vmem_shared>>
        tpu.wait_dma2 semaphore(%run_scoped3A_85 : memref<!tpu.dma_semaphore, #tpu.memory_space<semaphore_mem>>) src(%dma_wait3A_99 : memref<16x16xf32, #tpu.memory_space<vmem_shared>>) dst(%dma_wait3A_96 : memref<16x16xf32, #tpu.memory_space<hbm>>)
        tpu.yield
      }) : () -> ()
    } else {
    }
    return
  }
}

#map = affine_map<(d0, d1) -> (0, 0)>
#map1 = affine_map<(d0, d1) -> (0, 0, 0)>
module attributes {stable_mosaic.version = 14 : i64} {
  func.func @_sc_layer_body(%arg0: i32, %arg1: i32, %arg2: memref<2x320000xi32, #tpu.memory_space<hbm>>, %arg3: memref<320000x16xf32, #tpu.memory_space<hbm>>, %arg4: memref<10000x16xf32, #tpu.memory_space<hbm>>, %arg5: memref<10000x16xf32, #tpu.memory_space<hbm>>, %arg6: memref<320000x16xf32, #tpu.memory_space<hbm>>, %arg7: memref<2x10000x16xf32, #tpu.memory_space<hbm>>, %arg8: memref<2x1000xi32, #tpu.memory_space<vmem>>, %arg9: memref<2x1000xi32, #tpu.memory_space<vmem>>, %arg10: memref<2x1000x16xf32, #tpu.memory_space<vmem>>, %arg11: memref<2x1000x16xf32, #tpu.memory_space<vmem>>, %arg12: memref<2x1000x16xf32, #tpu.memory_space<vmem>>, %arg13: memref<10000x16xf32, #tpu.memory_space<vmem_shared>>, %arg14: memref<10000x16xf32, #tpu.memory_space<vmem_shared>>, %arg15: memref<10000x16xf32, #tpu.memory_space<vmem_shared>>, %arg16: memref<!tpu.dma_semaphore, #tpu.memory_space<semaphore_mem>>, %arg17: memref<!tpu.dma_semaphore, #tpu.memory_space<semaphore_mem>>, %arg18: memref<!tpu.dma_semaphore, #tpu.memory_space<semaphore_mem>>, %arg19: memref<!tpu.dma_semaphore, #tpu.memory_space<semaphore_mem>>) attributes {dimension_semantics = [#tpu.dimension_semantics<core_parallel>, #tpu.dimension_semantics<subcore_parallel>], iteration_bounds = array<i64: 2, 16>, scalar_prefetch = 0 : i64, scratch_operands = 12 : i64, tpu.core_type = #tpu.core_type<sc_vector_subcore>, window_params = [{transform_indices = #map}, {transform_indices = #map}, {transform_indices = #map}, {transform_indices = #map}, {transform_indices = #map}, {transform_indices = #map1}]} {
    %mul3A = arith.constant 2 : i32
    %mul3A_0 = arith.muli %arg1, %mul3A : i32
    %add3A = arith.addi %mul3A_0, %arg0 : i32
    %mul3A_1 = arith.constant 624 : i32
    %mul3A_2 = arith.muli %arg1, %mul3A_1 : i32
    %multiple_of3A = tpu.assume_multiple %mul3A_2, 8 : i32
    "tpu.region"() ({
      %run_scoped3A_85 = tpu.sem_alloc : memref<!tpu.dma_semaphore, #tpu.memory_space<semaphore_mem>>
      %dma_start3A_86 = arith.constant 0 : i32
      %dma_start3A_87 = tpu.memref_slice %arg14[%multiple_of3A, %dma_start3A_86] : memref<10000x16xf32, #tpu.memory_space<vmem_shared>> -> memref<624x16xf32, #tpu.memory_space<vmem_shared>>
      %dma_start3A_88 = arith.constant 0 : i32
      %dma_start3A_89 = tpu.memref_slice %arg4[%multiple_of3A, %dma_start3A_88] : memref<10000x16xf32, #tpu.memory_space<hbm>> -> memref<624x16xf32, #tpu.memory_space<hbm>>
      tpu.enqueue_dma source(%dma_start3A_89 : memref<624x16xf32, #tpu.memory_space<hbm>>) target(%dma_start3A_87 : memref<624x16xf32, #tpu.memory_space<vmem_shared>>) target_semaphore(%run_scoped3A_85 : memref<!tpu.dma_semaphore, #tpu.memory_space<semaphore_mem>>)
      %dma_wait3A_90 = arith.constant 0 : i32
      %dma_wait3A_91 = tpu.memref_slice %arg14[%multiple_of3A, %dma_wait3A_90] : memref<10000x16xf32, #tpu.memory_space<vmem_shared>> -> memref<624x16xf32, #tpu.memory_space<vmem_shared>>
      %dma_wait3A_92 = arith.constant 0 : i32
      %dma_wait3A_93 = tpu.memref_slice %arg4[%multiple_of3A, %dma_wait3A_92] : memref<10000x16xf32, #tpu.memory_space<hbm>> -> memref<624x16xf32, #tpu.memory_space<hbm>>
      tpu.wait_dma2 semaphore(%run_scoped3A_85 : memref<!tpu.dma_semaphore, #tpu.memory_space<semaphore_mem>>) src(%dma_wait3A_93 : memref<624x16xf32, #tpu.memory_space<hbm>>) dst(%dma_wait3A_91 : memref<624x16xf32, #tpu.memory_space<vmem_shared>>)
      tpu.yield
    }) : () -> ()
    "tpu.region"() ({
      %run_scoped3A_85 = tpu.sem_alloc : memref<!tpu.dma_semaphore, #tpu.memory_space<semaphore_mem>>
      %dma_start3A_86 = arith.constant 0 : i32
      %dma_start3A_87 = tpu.memref_slice %arg15[%multiple_of3A, %dma_start3A_86] : memref<10000x16xf32, #tpu.memory_space<vmem_shared>> -> memref<624x16xf32, #tpu.memory_space<vmem_shared>>
      %dma_start3A_88 = arith.constant 0 : i32
      %dma_start3A_89 = tpu.memref_slice %arg5[%multiple_of3A, %dma_start3A_88] : memref<10000x16xf32, #tpu.memory_space<hbm>> -> memref<624x16xf32, #tpu.memory_space<hbm>>
      tpu.enqueue_dma source(%dma_start3A_89 : memref<624x16xf32, #tpu.memory_space<hbm>>) target(%dma_start3A_87 : memref<624x16xf32, #tpu.memory_space<vmem_shared>>) target_semaphore(%run_scoped3A_85 : memref<!tpu.dma_semaphore, #tpu.memory_space<semaphore_mem>>)
      %dma_wait3A_90 = arith.constant 0 : i32
      %dma_wait3A_91 = tpu.memref_slice %arg15[%multiple_of3A, %dma_wait3A_90] : memref<10000x16xf32, #tpu.memory_space<vmem_shared>> -> memref<624x16xf32, #tpu.memory_space<vmem_shared>>
      %dma_wait3A_92 = arith.constant 0 : i32
      %dma_wait3A_93 = tpu.memref_slice %arg5[%multiple_of3A, %dma_wait3A_92] : memref<10000x16xf32, #tpu.memory_space<hbm>> -> memref<624x16xf32, #tpu.memory_space<hbm>>
      tpu.wait_dma2 semaphore(%run_scoped3A_85 : memref<!tpu.dma_semaphore, #tpu.memory_space<semaphore_mem>>) src(%dma_wait3A_93 : memref<624x16xf32, #tpu.memory_space<hbm>>) dst(%dma_wait3A_91 : memref<624x16xf32, #tpu.memory_space<vmem_shared>>)
      tpu.yield
    }) : () -> ()
    %scan3A = arith.constant 0 : i32
    %scan3A_3 = arith.constant 0 : i32
    %scan3A_4 = arith.constant 640 : i32
    %scan3A_5 = arith.addi %scan3A_3, %scan3A_4 : i32
    %scan3A_6 = arith.constant 1 : i32
    %scan3A_7 = scf.for %scan3A_85 = %scan3A_3 to %scan3A_5 step %scan3A_6 iter_args(%scan3A_86 = %scan3A) -> (i32)  : i32 {
      %broadcast_in_dim3A = arith.constant 0.000000e+00 : f32
      %broadcast_in_dim3A_87 = vector.broadcast %broadcast_in_dim3A : f32 to vector<16xf32>
      %swap3A = arith.constant 0 : i32
      %swap3A_88 = arith.index_cast %swap3A : i32 to index
      %swap3A_89 = arith.index_cast %scan3A_85 : i32 to index
      %swap3A_90 = arith.constant 0 : index
      %swap3A_91 = tpu.vector_load %arg10[%swap3A_88, %swap3A_89, %swap3A_90] {strides = array<i32>} : memref<2x1000x16xf32, #tpu.memory_space<vmem>>, vector<1x1x16xf32>,
      %swap3A_92 = vector.shape_cast %swap3A_91 : vector<1x1x16xf32> to vector<16xf32>
      %swap3A_93 = vector.shape_cast %broadcast_in_dim3A_87 : vector<16xf32> to vector<1x1x16xf32>
      tpu.vector_store %arg10[%swap3A_88, %swap3A_89, %swap3A_90], %swap3A_93 {strides = array<i32>} : memref<2x1000x16xf32, #tpu.memory_space<vmem>>, vector<1x1x16xf32>,
      %scan3A_94 = arith.constant 0 : i32
      scf.yield %scan3A_94 : i32
    }
    %scan3A_8 = arith.constant 640 : i32
    %run_scoped3A = arith.constant 0 : i32
    "tpu.region"() ({
      %run_scoped3A_85 = tpu.sem_alloc : memref<!tpu.dma_semaphore, #tpu.memory_space<semaphore_mem>>
      %dma_start3A_86 = arith.constant 0 : i32
      %dma_start3A_87 = arith.constant 0 : i32
      %dma_start3A_88 = tpu.memref_slice %arg10[%run_scoped3A, %dma_start3A_86, %dma_start3A_87] : memref<2x1000x16xf32, #tpu.memory_space<vmem>> -> memref<1x624x16xf32, #tpu.memory_space<vmem>>
      %dma_start3A_89 = tpu.memref_squeeze %dma_start3A_88 : memref<1x624x16xf32, #tpu.memory_space<vmem>> -> memref<624x16xf32, #tpu.memory_space<vmem>>
      %dma_start3A_90 = arith.constant 0 : i32
      %dma_start3A_91 = tpu.memref_slice %arg13[%multiple_of3A, %dma_start3A_90] : memref<10000x16xf32, #tpu.memory_space<vmem_shared>> -> memref<624x16xf32, #tpu.memory_space<vmem_shared>>
      %dma_start3A_92 = arith.constant 0 : i32
      %dma_start3A_93 = tpu.memref_slice %arg13[%multiple_of3A, %dma_start3A_92] : memref<10000x16xf32, #tpu.memory_space<vmem_shared>> -> memref<624x16xf32, #tpu.memory_space<vmem_shared>>
      %dma_start3A_94 = arith.constant 0 : i32
      %dma_start3A_95 = arith.constant 0 : i32
      %dma_start3A_96 = tpu.memref_slice %arg10[%run_scoped3A, %dma_start3A_94, %dma_start3A_95] : memref<2x1000x16xf32, #tpu.memory_space<vmem>> -> memref<1x624x16xf32, #tpu.memory_space<vmem>>
      %dma_start3A_97 = tpu.memref_squeeze %dma_start3A_96 : memref<1x624x16xf32, #tpu.memory_space<vmem>> -> memref<624x16xf32, #tpu.memory_space<vmem>>
      tpu.enqueue_dma source(%dma_start3A_97 : memref<624x16xf32, #tpu.memory_space<vmem>>) target(%dma_start3A_93 : memref<624x16xf32, #tpu.memory_space<vmem_shared>>) target_semaphore(%run_scoped3A_85 : memref<!tpu.dma_semaphore, #tpu.memory_space<semaphore_mem>>)
      %dma_wait3A_98 = arith.constant 0 : i32
      %dma_wait3A_99 = arith.constant 0 : i32
      %dma_wait3A_100 = tpu.memref_slice %arg10[%run_scoped3A, %dma_wait3A_98, %dma_wait3A_99] : memref<2x1000x16xf32, #tpu.memory_space<vmem>> -> memref<1x624x16xf32, #tpu.memory_space<vmem>>
      %dma_wait3A_101 = tpu.memref_squeeze %dma_wait3A_100 : memref<1x624x16xf32, #tpu.memory_space<vmem>> -> memref<624x16xf32, #tpu.memory_space<vmem>>
      %dma_wait3A_102 = arith.constant 0 : i32
      %dma_wait3A_103 = tpu.memref_slice %arg13[%multiple_of3A, %dma_wait3A_102] : memref<10000x16xf32, #tpu.memory_space<vmem_shared>> -> memref<624x16xf32, #tpu.memory_space<vmem_shared>>
      %dma_wait3A_104 = arith.constant 0 : i32
      %dma_wait3A_105 = tpu.memref_slice %arg13[%multiple_of3A, %dma_wait3A_104] : memref<10000x16xf32, #tpu.memory_space<vmem_shared>> -> memref<624x16xf32, #tpu.memory_space<vmem_shared>>
      %dma_wait3A_106 = arith.constant 0 : i32
      %dma_wait3A_107 = arith.constant 0 : i32
      %dma_wait3A_108 = tpu.memref_slice %arg10[%run_scoped3A, %dma_wait3A_106, %dma_wait3A_107] : memref<2x1000x16xf32, #tpu.memory_space<vmem>> -> memref<1x624x16xf32, #tpu.memory_space<vmem>>
      %dma_wait3A_109 = tpu.memref_squeeze %dma_wait3A_108 : memref<1x624x16xf32, #tpu.memory_space<vmem>> -> memref<624x16xf32, #tpu.memory_space<vmem>>
      tpu.wait_dma2 semaphore(%run_scoped3A_85 : memref<!tpu.dma_semaphore, #tpu.memory_space<semaphore_mem>>) src(%dma_wait3A_109 : memref<624x16xf32, #tpu.memory_space<vmem>>) dst(%dma_wait3A_105 : memref<624x16xf32, #tpu.memory_space<vmem_shared>>)
      tpu.yield
    }) : () -> ()
    %eq3A = arith.constant 15 : i32
    %eq3A_9 = arith.cmpi eq, %arg1, %eq3A : i32
    %convert_element_type3A = arith.extui %eq3A_9 : i1 to i32
    %cond3A = arith.constant 0 : i32
    %cond3A_10 = arith.cmpi ne, %convert_element_type3A, %cond3A : i32
    scf.if %cond3A_10 {
      "tpu.region"() ({
        %run_scoped3A_86 = tpu.sem_alloc : memref<!tpu.dma_semaphore, #tpu.memory_space<semaphore_mem>>
        %dma_start3A_87 = arith.constant 9984 : i32
        %dma_start3A_88 = arith.constant 0 : i32
        %dma_start3A_89 = tpu.memref_slice %arg14[%dma_start3A_87, %dma_start3A_88] : memref<10000x16xf32, #tpu.memory_space<vmem_shared>> -> memref<16x16xf32, #tpu.memory_space<vmem_shared>>
        %dma_start3A_90 = arith.constant 9984 : i32
        %dma_start3A_91 = arith.constant 0 : i32
        %dma_start3A_92 = tpu.memref_slice %arg4[%dma_start3A_90, %dma_start3A_91] : memref<10000x16xf32, #tpu.memory_space<hbm>> -> memref<16x16xf32, #tpu.memory_space<hbm>>
        tpu.enqueue_dma source(%dma_start3A_92 : memref<16x16xf32, #tpu.memory_space<hbm>>) target(%dma_start3A_89 : memref<16x16xf32, #tpu.memory_space<vmem_shared>>) target_semaphore(%run_scoped3A_86 : memref<!tpu.dma_semaphore, #tpu.memory_space<semaphore_mem>>)
        %dma_wait3A_93 = arith.constant 9984 : i32
        %dma_wait3A_94 = arith.constant 0 : i32
        %dma_wait3A_95 = tpu.memref_slice %arg14[%dma_wait3A_93, %dma_wait3A_94] : memref<10000x16xf32, #tpu.memory_space<vmem_shared>> -> memref<16x16xf32, #tpu.memory_space<vmem_shared>>
        %dma_wait3A_96 = arith.constant 9984 : i32
        %dma_wait3A_97 = arith.constant 0 : i32
        %dma_wait3A_98 = tpu.memref_slice %arg4[%dma_wait3A_96, %dma_wait3A_97] : memref<10000x16xf32, #tpu.memory_space<hbm>> -> memref<16x16xf32, #tpu.memory_space<hbm>>
        tpu.wait_dma2 semaphore(%run_scoped3A_86 : memref<!tpu.dma_semaphore, #tpu.memory_space<semaphore_mem>>) src(%dma_wait3A_98 : memref<16x16xf32, #tpu.memory_space<hbm>>) dst(%dma_wait3A_95 : memref<16x16xf32, #tpu.memory_space<vmem_shared>>)
        tpu.yield
      }) : () -> ()
      "tpu.region"() ({
        %run_scoped3A_86 = tpu.sem_alloc : memref<!tpu.dma_semaphore, #tpu.memory_space<semaphore_mem>>
        %dma_start3A_87 = arith.constant 9984 : i32
        %dma_start3A_88 = arith.constant 0 : i32
        %dma_start3A_89 = tpu.memref_slice %arg15[%dma_start3A_87, %dma_start3A_88] : memref<10000x16xf32, #tpu.memory_space<vmem_shared>> -> memref<16x16xf32, #tpu.memory_space<vmem_shared>>
        %dma_start3A_90 = arith.constant 9984 : i32
        %dma_start3A_91 = arith.constant 0 : i32
        %dma_start3A_92 = tpu.memref_slice %arg5[%dma_start3A_90, %dma_start3A_91] : memref<10000x16xf32, #tpu.memory_space<hbm>> -> memref<16x16xf32, #tpu.memory_space<hbm>>
        tpu.enqueue_dma source(%dma_start3A_92 : memref<16x16xf32, #tpu.memory_space<hbm>>) target(%dma_start3A_89 : memref<16x16xf32, #tpu.memory_space<vmem_shared>>) target_semaphore(%run_scoped3A_86 : memref<!tpu.dma_semaphore, #tpu.memory_space<semaphore_mem>>)
        %dma_wait3A_93 = arith.constant 9984 : i32
        %dma_wait3A_94 = arith.constant 0 : i32
        %dma_wait3A_95 = tpu.memref_slice %arg15[%dma_wait3A_93, %dma_wait3A_94] : memref<10000x16xf32, #tpu.memory_space<vmem_shared>> -> memref<16x16xf32, #tpu.memory_space<vmem_shared>>
        %dma_wait3A_96 = arith.constant 9984 : i32
        %dma_wait3A_97 = arith.constant 0 : i32
        %dma_wait3A_98 = tpu.memref_slice %arg5[%dma_wait3A_96, %dma_wait3A_97] : memref<10000x16xf32, #tpu.memory_space<hbm>> -> memref<16x16xf32, #tpu.memory_space<hbm>>
        tpu.wait_dma2 semaphore(%run_scoped3A_86 : memref<!tpu.dma_semaphore, #tpu.memory_space<semaphore_mem>>) src(%dma_wait3A_98 : memref<16x16xf32, #tpu.memory_space<hbm>>) dst(%dma_wait3A_95 : memref<16x16xf32, #tpu.memory_space<vmem_shared>>)
        tpu.yield
      }) : () -> ()
      %run_scoped3A_85 = arith.constant 0 : i32
      "tpu.region"() ({
        %run_scoped3A_86 = tpu.sem_alloc : memref<!tpu.dma_semaphore, #tpu.memory_space<semaphore_mem>>
        %dma_start3A_87 = arith.constant 0 : i32
        %dma_start3A_88 = arith.constant 0 : i32
        %dma_start3A_89 = tpu.memref_slice %arg10[%run_scoped3A_85, %dma_start3A_87, %dma_start3A_88] : memref<2x1000x16xf32, #tpu.memory_space<vmem>> -> memref<1x16x16xf32, #tpu.memory_space<vmem>>
        %dma_start3A_90 = tpu.memref_squeeze %dma_start3A_89 : memref<1x16x16xf32, #tpu.memory_space<vmem>> -> memref<16x16xf32, #tpu.memory_space<vmem>>
        %dma_start3A_91 = arith.constant 9984 : i32
        %dma_start3A_92 = arith.constant 0 : i32
        %dma_start3A_93 = tpu.memref_slice %arg13[%dma_start3A_91, %dma_start3A_92] : memref<10000x16xf32, #tpu.memory_space<vmem_shared>> -> memref<16x16xf32, #tpu.memory_space<vmem_shared>>
        %dma_start3A_94 = arith.constant 9984 : i32
        %dma_start3A_95 = arith.constant 0 : i32
        %dma_start3A_96 = tpu.memref_slice %arg13[%dma_start3A_94, %dma_start3A_95] : memref<10000x16xf32, #tpu.memory_space<vmem_shared>> -> memref<16x16xf32, #tpu.memory_space<vmem_shared>>
        %dma_start3A_97 = arith.constant 0 : i32
        %dma_start3A_98 = arith.constant 0 : i32
        %dma_start3A_99 = tpu.memref_slice %arg10[%run_scoped3A_85, %dma_start3A_97, %dma_start3A_98] : memref<2x1000x16xf32, #tpu.memory_space<vmem>> -> memref<1x16x16xf32, #tpu.memory_space<vmem>>
        %dma_start3A_100 = tpu.memref_squeeze %dma_start3A_99 : memref<1x16x16xf32, #tpu.memory_space<vmem>> -> memref<16x16xf32, #tpu.memory_space<vmem>>
        tpu.enqueue_dma source(%dma_start3A_100 : memref<16x16xf32, #tpu.memory_space<vmem>>) target(%dma_start3A_96 : memref<16x16xf32, #tpu.memory_space<vmem_shared>>) target_semaphore(%run_scoped3A_86 : memref<!tpu.dma_semaphore, #tpu.memory_space<semaphore_mem>>)
        %dma_wait3A_101 = arith.constant 0 : i32
        %dma_wait3A_102 = arith.constant 0 : i32
        %dma_wait3A_103 = tpu.memref_slice %arg10[%run_scoped3A_85, %dma_wait3A_101, %dma_wait3A_102] : memref<2x1000x16xf32, #tpu.memory_space<vmem>> -> memref<1x16x16xf32, #tpu.memory_space<vmem>>
        %dma_wait3A_104 = tpu.memref_squeeze %dma_wait3A_103 : memref<1x16x16xf32, #tpu.memory_space<vmem>> -> memref<16x16xf32, #tpu.memory_space<vmem>>
        %dma_wait3A_105 = arith.constant 9984 : i32
        %dma_wait3A_106 = arith.constant 0 : i32
        %dma_wait3A_107 = tpu.memref_slice %arg13[%dma_wait3A_105, %dma_wait3A_106] : memref<10000x16xf32, #tpu.memory_space<vmem_shared>> -> memref<16x16xf32, #tpu.memory_space<vmem_shared>>
        %dma_wait3A_108 = arith.constant 9984 : i32
        %dma_wait3A_109 = arith.constant 0 : i32
        %dma_wait3A_110 = tpu.memref_slice %arg13[%dma_wait3A_108, %dma_wait3A_109] : memref<10000x16xf32, #tpu.memory_space<vmem_shared>> -> memref<16x16xf32, #tpu.memory_space<vmem_shared>>
        %dma_wait3A_111 = arith.constant 0 : i32
        %dma_wait3A_112 = arith.constant 0 : i32
        %dma_wait3A_113 = tpu.memref_slice %arg10[%run_scoped3A_85, %dma_wait3A_111, %dma_wait3A_112] : memref<2x1000x16xf32, #tpu.memory_space<vmem>> -> memref<1x16x16xf32, #tpu.memory_space<vmem>>
        %dma_wait3A_114 = tpu.memref_squeeze %dma_wait3A_113 : memref<1x16x16xf32, #tpu.memory_space<vmem>> -> memref<16x16xf32, #tpu.memory_space<vmem>>
        tpu.wait_dma2 semaphore(%run_scoped3A_86 : memref<!tpu.dma_semaphore, #tpu.memory_space<semaphore_mem>>) src(%dma_wait3A_114 : memref<16x16xf32, #tpu.memory_space<vmem>>) dst(%dma_wait3A_110 : memref<16x16xf32, #tpu.memory_space<vmem_shared>>)
        tpu.yield
      }) : () -> ()
    } else {
    }
    %barrier3A = arith.constant 0 : index
    tpu.barrier barrier_id(%barrier3A)
    %mul3A_11 = arith.constant 10000 : i32
    %mul3A_12 = arith.muli %add3A, %mul3A_11 : i32
    %add3A_13 = arith.constant 0 : i32
    %add3A_14 = arith.addi %mul3A_12, %add3A_13 : i32
    %multiple_of3A_15 = tpu.assume_multiple %add3A_14, 8 : i32
    %dma_start3A = arith.constant 0 : i32
    %dma_start3A_16 = arith.constant 0 : i32
    %dma_start3A_17 = arith.constant 0 : i32
    %dma_start3A_18 = tpu.memref_slice %arg8[%dma_start3A_16, %dma_start3A_17] : memref<2x1000xi32, #tpu.memory_space<vmem>> -> memref<1x1000xi32, #tpu.memory_space<vmem>>
    %dma_start3A_19 = tpu.memref_squeeze %dma_start3A_18 : memref<1x1000xi32, #tpu.memory_space<vmem>> -> memref<1000xi32, #tpu.memory_space<vmem>>
    %dma_start3A_20 = tpu.memref_slice %arg2[%dma_start3A, %multiple_of3A_15] : memref<2x320000xi32, #tpu.memory_space<hbm>> -> memref<1x1000xi32, #tpu.memory_space<hbm>>
    %dma_start3A_21 = tpu.memref_squeeze %dma_start3A_20 : memref<1x1000xi32, #tpu.memory_space<hbm>> -> memref<1000xi32, #tpu.memory_space<hbm>>
    %dma_start3A_22 = arith.constant 0 : i32
    %dma_start3A_23 = tpu.memref_slice %arg8[%dma_start3A_16, %dma_start3A_22] : memref<2x1000xi32, #tpu.memory_space<vmem>> -> memref<1x1000xi32, #tpu.memory_space<vmem>>
    %dma_start3A_24 = tpu.memref_squeeze %dma_start3A_23 : memref<1x1000xi32, #tpu.memory_space<vmem>> -> memref<1000xi32, #tpu.memory_space<vmem>>
    %dma_start3A_25 = tpu.memref_slice %arg2[%dma_start3A, %multiple_of3A_15] : memref<2x320000xi32, #tpu.memory_space<hbm>> -> memref<1x1000xi32, #tpu.memory_space<hbm>>
    %dma_start3A_26 = tpu.memref_squeeze %dma_start3A_25 : memref<1x1000xi32, #tpu.memory_space<hbm>> -> memref<1000xi32, #tpu.memory_space<hbm>>
    tpu.enqueue_dma source(%dma_start3A_26 : memref<1000xi32, #tpu.memory_space<hbm>>) target(%dma_start3A_24 : memref<1000xi32, #tpu.memory_space<vmem>>) target_semaphore(%arg16 : memref<!tpu.dma_semaphore, #tpu.memory_space<semaphore_mem>>)
    %dma_start3A_27 = arith.constant 1 : i32
    %dma_start3A_28 = arith.constant 0 : i32
    %dma_start3A_29 = arith.constant 0 : i32
    %dma_start3A_30 = tpu.memref_slice %arg9[%dma_start3A_28, %dma_start3A_29] : memref<2x1000xi32, #tpu.memory_space<vmem>> -> memref<1x1000xi32, #tpu.memory_space<vmem>>
    %dma_start3A_31 = tpu.memref_squeeze %dma_start3A_30 : memref<1x1000xi32, #tpu.memory_space<vmem>> -> memref<1000xi32, #tpu.memory_space<vmem>>
    %dma_start3A_32 = tpu.memref_slice %arg2[%dma_start3A_27, %multiple_of3A_15] : memref<2x320000xi32, #tpu.memory_space<hbm>> -> memref<1x1000xi32, #tpu.memory_space<hbm>>
    %dma_start3A_33 = tpu.memref_squeeze %dma_start3A_32 : memref<1x1000xi32, #tpu.memory_space<hbm>> -> memref<1000xi32, #tpu.memory_space<hbm>>
    %dma_start3A_34 = arith.constant 0 : i32
    %dma_start3A_35 = tpu.memref_slice %arg9[%dma_start3A_28, %dma_start3A_34] : memref<2x1000xi32, #tpu.memory_space<vmem>> -> memref<1x1000xi32, #tpu.memory_space<vmem>>
    %dma_start3A_36 = tpu.memref_squeeze %dma_start3A_35 : memref<1x1000xi32, #tpu.memory_space<vmem>> -> memref<1000xi32, #tpu.memory_space<vmem>>
    %dma_start3A_37 = tpu.memref_slice %arg2[%dma_start3A_27, %multiple_of3A_15] : memref<2x320000xi32, #tpu.memory_space<hbm>> -> memref<1x1000xi32, #tpu.memory_space<hbm>>
    %dma_start3A_38 = tpu.memref_squeeze %dma_start3A_37 : memref<1x1000xi32, #tpu.memory_space<hbm>> -> memref<1000xi32, #tpu.memory_space<hbm>>
    tpu.enqueue_dma source(%dma_start3A_38 : memref<1000xi32, #tpu.memory_space<hbm>>) target(%dma_start3A_36 : memref<1000xi32, #tpu.memory_space<vmem>>) target_semaphore(%arg16 : memref<!tpu.dma_semaphore, #tpu.memory_space<semaphore_mem>>)
    %dma_start3A_39 = arith.constant 0 : i32
    %dma_start3A_40 = arith.constant 0 : i32
    %dma_start3A_41 = arith.constant 0 : i32
    %dma_start3A_42 = tpu.memref_slice %arg12[%dma_start3A_39, %dma_start3A_40, %dma_start3A_41] : memref<2x1000x16xf32, #tpu.memory_space<vmem>> -> memref<1x1000x16xf32, #tpu.memory_space<vmem>>
    %dma_start3A_43 = tpu.memref_squeeze %dma_start3A_42 : memref<1x1000x16xf32, #tpu.memory_space<vmem>> -> memref<1000x16xf32, #tpu.memory_space<vmem>>
    %dma_start3A_44 = arith.constant 0 : i32
    %dma_start3A_45 = tpu.memref_slice %arg3[%multiple_of3A_15, %dma_start3A_44] : memref<320000x16xf32, #tpu.memory_space<hbm>> -> memref<1000x16xf32, #tpu.memory_space<hbm>>
    %dma_start3A_46 = arith.constant 0 : i32
    %dma_start3A_47 = arith.constant 0 : i32
    %dma_start3A_48 = tpu.memref_slice %arg12[%dma_start3A_39, %dma_start3A_46, %dma_start3A_47] : memref<2x1000x16xf32, #tpu.memory_space<vmem>> -> memref<1x1000x16xf32, #tpu.memory_space<vmem>>
    %dma_start3A_49 = tpu.memref_squeeze %dma_start3A_48 : memref<1x1000x16xf32, #tpu.memory_space<vmem>> -> memref<1000x16xf32, #tpu.memory_space<vmem>>
    %dma_start3A_50 = arith.constant 0 : i32
    %dma_start3A_51 = tpu.memref_slice %arg3[%multiple_of3A_15, %dma_start3A_50] : memref<320000x16xf32, #tpu.memory_space<hbm>> -> memref<1000x16xf32, #tpu.memory_space<hbm>>
    tpu.enqueue_dma source(%dma_start3A_51 : memref<1000x16xf32, #tpu.memory_space<hbm>>) target(%dma_start3A_49 : memref<1000x16xf32, #tpu.memory_space<vmem>>) target_semaphore(%arg16 : memref<!tpu.dma_semaphore, #tpu.memory_space<semaphore_mem>>)
    %scan3A_52 = arith.constant 0 : i32
    %scan3A_53 = arith.constant 0 : i32
    %scan3A_54 = arith.constant 10 : i32
    %scan3A_55 = arith.addi %scan3A_53, %scan3A_54 : i32
    %scan3A_56 = arith.constant 1 : i32
    %scan3A_57 = scf.for %scan3A_85 = %scan3A_53 to %scan3A_55 step %scan3A_56 iter_args(%scan3A_86 = %scan3A_52) -> (i32)  : i32 {
      %and3A = arith.constant 1 : i32
      %and3A_87 = arith.andi %scan3A_85, %and3A : i32
      %mul3A_88 = arith.constant 10000 : i32
      %mul3A_89 = arith.muli %add3A, %mul3A_88 : i32
      %mul3A_90 = arith.constant 1000 : i32
      %mul3A_91 = arith.muli %scan3A_85, %mul3A_90 : i32
      %add3A_92 = arith.addi %mul3A_89, %mul3A_91 : i32
      %multiple_of3A_93 = tpu.assume_multiple %add3A_92, 8 : i32
      %and3A_94 = arith.constant 1 : i32
      %and3A_95 = arith.andi %scan3A_85, %and3A_94 : i32
      %mul3A_96 = arith.constant 10000 : i32
      %mul3A_97 = arith.muli %add3A, %mul3A_96 : i32
      %mul3A_98 = arith.constant 1000 : i32
      %mul3A_99 = arith.muli %scan3A_85, %mul3A_98 : i32
      %add3A_100 = arith.addi %mul3A_97, %mul3A_99 : i32
      %multiple_of3A_101 = tpu.assume_multiple %add3A_100, 8 : i32
      %dma_wait3A_102 = arith.constant 0 : i32
      %dma_wait3A_103 = arith.constant 0 : i32
      %dma_wait3A_104 = tpu.memref_slice %arg8[%and3A_95, %dma_wait3A_103] : memref<2x1000xi32, #tpu.memory_space<vmem>> -> memref<1x1000xi32, #tpu.memory_space<vmem>>
      %dma_wait3A_105 = tpu.memref_squeeze %dma_wait3A_104 : memref<1x1000xi32, #tpu.memory_space<vmem>> -> memref<1000xi32, #tpu.memory_space<vmem>>
      %dma_wait3A_106 = tpu.memref_slice %arg2[%dma_wait3A_102, %multiple_of3A_101] : memref<2x320000xi32, #tpu.memory_space<hbm>> -> memref<1x1000xi32, #tpu.memory_space<hbm>>
      %dma_wait3A_107 = tpu.memref_squeeze %dma_wait3A_106 : memref<1x1000xi32, #tpu.memory_space<hbm>> -> memref<1000xi32, #tpu.memory_space<hbm>>
      %dma_wait3A_108 = arith.constant 0 : i32
      %dma_wait3A_109 = tpu.memref_slice %arg8[%and3A_95, %dma_wait3A_108] : memref<2x1000xi32, #tpu.memory_space<vmem>> -> memref<1x1000xi32, #tpu.memory_space<vmem>>
      %dma_wait3A_110 = tpu.memref_squeeze %dma_wait3A_109 : memref<1x1000xi32, #tpu.memory_space<vmem>> -> memref<1000xi32, #tpu.memory_space<vmem>>
      %dma_wait3A_111 = tpu.memref_slice %arg2[%dma_wait3A_102, %multiple_of3A_101] : memref<2x320000xi32, #tpu.memory_space<hbm>> -> memref<1x1000xi32, #tpu.memory_space<hbm>>
      %dma_wait3A_112 = tpu.memref_squeeze %dma_wait3A_111 : memref<1x1000xi32, #tpu.memory_space<hbm>> -> memref<1000xi32, #tpu.memory_space<hbm>>
      tpu.wait_dma2 semaphore(%arg16 : memref<!tpu.dma_semaphore, #tpu.memory_space<semaphore_mem>>) src(%dma_wait3A_112 : memref<1000xi32, #tpu.memory_space<hbm>>) dst(%dma_wait3A_110 : memref<1000xi32, #tpu.memory_space<vmem>>)
      %dma_wait3A_113 = arith.constant 1 : i32
      %dma_wait3A_114 = arith.constant 0 : i32
      %dma_wait3A_115 = tpu.memref_slice %arg9[%and3A_95, %dma_wait3A_114] : memref<2x1000xi32, #tpu.memory_space<vmem>> -> memref<1x1000xi32, #tpu.memory_space<vmem>>
      %dma_wait3A_116 = tpu.memref_squeeze %dma_wait3A_115 : memref<1x1000xi32, #tpu.memory_space<vmem>> -> memref<1000xi32, #tpu.memory_space<vmem>>
      %dma_wait3A_117 = tpu.memref_slice %arg2[%dma_wait3A_113, %multiple_of3A_101] : memref<2x320000xi32, #tpu.memory_space<hbm>> -> memref<1x1000xi32, #tpu.memory_space<hbm>>
      %dma_wait3A_118 = tpu.memref_squeeze %dma_wait3A_117 : memref<1x1000xi32, #tpu.memory_space<hbm>> -> memref<1000xi32, #tpu.memory_space<hbm>>
      %dma_wait3A_119 = arith.constant 0 : i32
      %dma_wait3A_120 = tpu.memref_slice %arg9[%and3A_95, %dma_wait3A_119] : memref<2x1000xi32, #tpu.memory_space<vmem>> -> memref<1x1000xi32, #tpu.memory_space<vmem>>
      %dma_wait3A_121 = tpu.memref_squeeze %dma_wait3A_120 : memref<1x1000xi32, #tpu.memory_space<vmem>> -> memref<1000xi32, #tpu.memory_space<vmem>>
      %dma_wait3A_122 = tpu.memref_slice %arg2[%dma_wait3A_113, %multiple_of3A_101] : memref<2x320000xi32, #tpu.memory_space<hbm>> -> memref<1x1000xi32, #tpu.memory_space<hbm>>
      %dma_wait3A_123 = tpu.memref_squeeze %dma_wait3A_122 : memref<1x1000xi32, #tpu.memory_space<hbm>> -> memref<1000xi32, #tpu.memory_space<hbm>>
      tpu.wait_dma2 semaphore(%arg16 : memref<!tpu.dma_semaphore, #tpu.memory_space<semaphore_mem>>) src(%dma_wait3A_123 : memref<1000xi32, #tpu.memory_space<hbm>>) dst(%dma_wait3A_121 : memref<1000xi32, #tpu.memory_space<vmem>>)
      %dma_wait3A_124 = arith.constant 0 : i32
      %dma_wait3A_125 = arith.constant 0 : i32
      %dma_wait3A_126 = tpu.memref_slice %arg12[%and3A_95, %dma_wait3A_124, %dma_wait3A_125] : memref<2x1000x16xf32, #tpu.memory_space<vmem>> -> memref<1x1000x16xf32, #tpu.memory_space<vmem>>
      %dma_wait3A_127 = tpu.memref_squeeze %dma_wait3A_126 : memref<1x1000x16xf32, #tpu.memory_space<vmem>> -> memref<1000x16xf32, #tpu.memory_space<vmem>>
      %dma_wait3A_128 = arith.constant 0 : i32
      %dma_wait3A_129 = tpu.memref_slice %arg3[%multiple_of3A_101, %dma_wait3A_128] : memref<320000x16xf32, #tpu.memory_space<hbm>> -> memref<1000x16xf32, #tpu.memory_space<hbm>>
      %dma_wait3A_130 = arith.constant 0 : i32
      %dma_wait3A_131 = arith.constant 0 : i32
      %dma_wait3A_132 = tpu.memref_slice %arg12[%and3A_95, %dma_wait3A_130, %dma_wait3A_131] : memref<2x1000x16xf32, #tpu.memory_space<vmem>> -> memref<1x1000x16xf32, #tpu.memory_space<vmem>>
      %dma_wait3A_133 = tpu.memref_squeeze %dma_wait3A_132 : memref<1x1000x16xf32, #tpu.memory_space<vmem>> -> memref<1000x16xf32, #tpu.memory_space<vmem>>
      %dma_wait3A_134 = arith.constant 0 : i32
      %dma_wait3A_135 = tpu.memref_slice %arg3[%multiple_of3A_101, %dma_wait3A_134] : memref<320000x16xf32, #tpu.memory_space<hbm>> -> memref<1000x16xf32, #tpu.memory_space<hbm>>
      tpu.wait_dma2 semaphore(%arg16 : memref<!tpu.dma_semaphore, #tpu.memory_space<semaphore_mem>>) src(%dma_wait3A_135 : memref<1000x16xf32, #tpu.memory_space<hbm>>) dst(%dma_wait3A_133 : memref<1000x16xf32, #tpu.memory_space<vmem>>)
      %dma_start3A_136 = arith.constant 0 : i32
      %dma_start3A_137 = arith.constant 0 : i32
      %dma_start3A_138 = tpu.memref_slice %arg10[%and3A_87, %dma_start3A_136, %dma_start3A_137] : memref<2x1000x16xf32, #tpu.memory_space<vmem>> -> memref<1x504x16xf32, #tpu.memory_space<vmem>>
      %dma_start3A_139 = tpu.memref_squeeze %dma_start3A_138 : memref<1x504x16xf32, #tpu.memory_space<vmem>> -> memref<504x16xf32, #tpu.memory_space<vmem>>
      %dma_start3A_140 = arith.constant 0 : i32
      %dma_start3A_141 = tpu.memref_slice %arg8[%and3A_87, %dma_start3A_140] : memref<2x1000xi32, #tpu.memory_space<vmem>> -> memref<1x504xi32, #tpu.memory_space<vmem>>
      %dma_start3A_142 = tpu.memref_squeeze %dma_start3A_141 : memref<1x504xi32, #tpu.memory_space<vmem>> -> memref<504xi32, #tpu.memory_space<vmem>>
      %dma_start3A_143 = arith.constant 0 : i32
      %dma_start3A_144 = arith.constant 0 : i32
      %dma_start3A_145 = tpu.memref_slice %arg14[%dma_start3A_143, %dma_start3A_144] : memref<10000x16xf32, #tpu.memory_space<vmem_shared>> -> memref<10000x16xf32, #tpu.memory_space<vmem_shared>>
      tpu.enqueue_indirect_dma source(%dma_start3A_145 : memref<10000x16xf32, #tpu.memory_space<vmem_shared>>) target(%dma_start3A_139 : memref<504x16xf32, #tpu.memory_space<vmem>>) offsets(%dma_start3A_142 : memref<504xi32, #tpu.memory_space<vmem>>) semaphore(%arg17 : memref<!tpu.dma_semaphore, #tpu.memory_space<semaphore_mem>>)
      %dma_start3A_146 = arith.constant 0 : i32
      %dma_start3A_147 = arith.constant 0 : i32
      %dma_start3A_148 = tpu.memref_slice %arg11[%and3A_87, %dma_start3A_146, %dma_start3A_147] : memref<2x1000x16xf32, #tpu.memory_space<vmem>> -> memref<1x504x16xf32, #tpu.memory_space<vmem>>
      %dma_start3A_149 = tpu.memref_squeeze %dma_start3A_148 : memref<1x504x16xf32, #tpu.memory_space<vmem>> -> memref<504x16xf32, #tpu.memory_space<vmem>>
      %dma_start3A_150 = arith.constant 0 : i32
      %dma_start3A_151 = tpu.memref_slice %arg9[%and3A_87, %dma_start3A_150] : memref<2x1000xi32, #tpu.memory_space<vmem>> -> memref<1x504xi32, #tpu.memory_space<vmem>>
      %dma_start3A_152 = tpu.memref_squeeze %dma_start3A_151 : memref<1x504xi32, #tpu.memory_space<vmem>> -> memref<504xi32, #tpu.memory_space<vmem>>
      %dma_start3A_153 = arith.constant 0 : i32
      %dma_start3A_154 = arith.constant 0 : i32
      %dma_start3A_155 = tpu.memref_slice %arg15[%dma_start3A_153, %dma_start3A_154] : memref<10000x16xf32, #tpu.memory_space<vmem_shared>> -> memref<10000x16xf32, #tpu.memory_space<vmem_shared>>
      tpu.enqueue_indirect_dma source(%dma_start3A_155 : memref<10000x16xf32, #tpu.memory_space<vmem_shared>>) target(%dma_start3A_149 : memref<504x16xf32, #tpu.memory_space<vmem>>) offsets(%dma_start3A_152 : memref<504xi32, #tpu.memory_space<vmem>>) semaphore(%arg18 : memref<!tpu.dma_semaphore, #tpu.memory_space<semaphore_mem>>)
      %dma_start3A_156 = arith.constant 504 : i32
      %dma_start3A_157 = arith.constant 0 : i32
      %dma_start3A_158 = tpu.memref_slice %arg10[%and3A_87, %dma_start3A_156, %dma_start3A_157] : memref<2x1000x16xf32, #tpu.memory_space<vmem>> -> memref<1x496x16xf32, #tpu.memory_space<vmem>>
      %dma_start3A_159 = tpu.memref_squeeze %dma_start3A_158 : memref<1x496x16xf32, #tpu.memory_space<vmem>> -> memref<496x16xf32, #tpu.memory_space<vmem>>
      %dma_start3A_160 = arith.constant 504 : i32
      %dma_start3A_161 = tpu.memref_slice %arg8[%and3A_87, %dma_start3A_160] : memref<2x1000xi32, #tpu.memory_space<vmem>> -> memref<1x496xi32, #tpu.memory_space<vmem>>
      %dma_start3A_162 = tpu.memref_squeeze %dma_start3A_161 : memref<1x496xi32, #tpu.memory_space<vmem>> -> memref<496xi32, #tpu.memory_space<vmem>>
      %dma_start3A_163 = arith.constant 0 : i32
      %dma_start3A_164 = arith.constant 0 : i32
      %dma_start3A_165 = tpu.memref_slice %arg14[%dma_start3A_163, %dma_start3A_164] : memref<10000x16xf32, #tpu.memory_space<vmem_shared>> -> memref<10000x16xf32, #tpu.memory_space<vmem_shared>>
      tpu.enqueue_indirect_dma source(%dma_start3A_165 : memref<10000x16xf32, #tpu.memory_space<vmem_shared>>) target(%dma_start3A_159 : memref<496x16xf32, #tpu.memory_space<vmem>>) offsets(%dma_start3A_162 : memref<496xi32, #tpu.memory_space<vmem>>) semaphore(%arg17 : memref<!tpu.dma_semaphore, #tpu.memory_space<semaphore_mem>>)
      %dma_start3A_166 = arith.constant 504 : i32
      %dma_start3A_167 = arith.constant 0 : i32
      %dma_start3A_168 = tpu.memref_slice %arg11[%and3A_87, %dma_start3A_166, %dma_start3A_167] : memref<2x1000x16xf32, #tpu.memory_space<vmem>> -> memref<1x496x16xf32, #tpu.memory_space<vmem>>
      %dma_start3A_169 = tpu.memref_squeeze %dma_start3A_168 : memref<1x496x16xf32, #tpu.memory_space<vmem>> -> memref<496x16xf32, #tpu.memory_space<vmem>>
      %dma_start3A_170 = arith.constant 504 : i32
      %dma_start3A_171 = tpu.memref_slice %arg9[%and3A_87, %dma_start3A_170] : memref<2x1000xi32, #tpu.memory_space<vmem>> -> memref<1x496xi32, #tpu.memory_space<vmem>>
      %dma_start3A_172 = tpu.memref_squeeze %dma_start3A_171 : memref<1x496xi32, #tpu.memory_space<vmem>> -> memref<496xi32, #tpu.memory_space<vmem>>
      %dma_start3A_173 = arith.constant 0 : i32
      %dma_start3A_174 = arith.constant 0 : i32
      %dma_start3A_175 = tpu.memref_slice %arg15[%dma_start3A_173, %dma_start3A_174] : memref<10000x16xf32, #tpu.memory_space<vmem_shared>> -> memref<10000x16xf32, #tpu.memory_space<vmem_shared>>
      tpu.enqueue_indirect_dma source(%dma_start3A_175 : memref<10000x16xf32, #tpu.memory_space<vmem_shared>>) target(%dma_start3A_169 : memref<496x16xf32, #tpu.memory_space<vmem>>) offsets(%dma_start3A_172 : memref<496xi32, #tpu.memory_space<vmem>>) semaphore(%arg18 : memref<!tpu.dma_semaphore, #tpu.memory_space<semaphore_mem>>)
      %ge3A = arith.constant 1 : i32
      %ge3A_176 = arith.cmpi sge, %scan3A_85, %ge3A : i32
      %convert_element_type3A_177 = arith.extui %ge3A_176 : i1 to i32
      %cond3A_178 = arith.constant 0 : i32
      %cond3A_179 = arith.cmpi ne, %convert_element_type3A_177, %cond3A_178 : i32
      scf.if %cond3A_179 {
        %sub3A = arith.constant 1 : i32
        %sub3A_395 = arith.subi %scan3A_85, %sub3A : i32
        %and3A_396 = arith.constant 1 : i32
        %and3A_397 = arith.andi %sub3A_395, %and3A_396 : i32
        %mul3A_398 = arith.constant 10000 : i32
        %mul3A_399 = arith.muli %add3A, %mul3A_398 : i32
        %mul3A_400 = arith.constant 1000 : i32
        %mul3A_401 = arith.muli %sub3A_395, %mul3A_400 : i32
        %add3A_402 = arith.addi %mul3A_399, %mul3A_401 : i32
        %multiple_of3A_403 = tpu.assume_multiple %add3A_402, 8 : i32
        %dma_wait3A_404 = arith.constant 0 : i32
        %dma_wait3A_405 = arith.constant 0 : i32
        %dma_wait3A_406 = tpu.memref_slice %arg12[%and3A_397, %dma_wait3A_404, %dma_wait3A_405] : memref<2x1000x16xf32, #tpu.memory_space<vmem>> -> memref<1x1000x16xf32, #tpu.memory_space<vmem>>
        %dma_wait3A_407 = tpu.memref_squeeze %dma_wait3A_406 : memref<1x1000x16xf32, #tpu.memory_space<vmem>> -> memref<1000x16xf32, #tpu.memory_space<vmem>>
        %dma_wait3A_408 = arith.constant 0 : i32
        %dma_wait3A_409 = tpu.memref_slice %arg6[%multiple_of3A_403, %dma_wait3A_408] : memref<320000x16xf32, #tpu.memory_space<hbm>> -> memref<1000x16xf32, #tpu.memory_space<hbm>>
        %dma_wait3A_410 = arith.constant 0 : i32
        %dma_wait3A_411 = tpu.memref_slice %arg6[%multiple_of3A_403, %dma_wait3A_410] : memref<320000x16xf32, #tpu.memory_space<hbm>> -> memref<1000x16xf32, #tpu.memory_space<hbm>>
        %dma_wait3A_412 = arith.constant 0 : i32
        %dma_wait3A_413 = arith.constant 0 : i32
        %dma_wait3A_414 = tpu.memref_slice %arg12[%and3A_397, %dma_wait3A_412, %dma_wait3A_413] : memref<2x1000x16xf32, #tpu.memory_space<vmem>> -> memref<1x1000x16xf32, #tpu.memory_space<vmem>>
        %dma_wait3A_415 = tpu.memref_squeeze %dma_wait3A_414 : memref<1x1000x16xf32, #tpu.memory_space<vmem>> -> memref<1000x16xf32, #tpu.memory_space<vmem>>
        tpu.wait_dma2 semaphore(%arg19 : memref<!tpu.dma_semaphore, #tpu.memory_space<semaphore_mem>>) src(%dma_wait3A_415 : memref<1000x16xf32, #tpu.memory_space<vmem>>) dst(%dma_wait3A_411 : memref<1000x16xf32, #tpu.memory_space<hbm>>)
      } else {
      }
      %add3A_180 = arith.constant 1 : i32
      %add3A_181 = arith.addi %scan3A_85, %add3A_180 : i32
      %lt3A = arith.constant 10 : i32
      %lt3A_182 = arith.cmpi slt, %add3A_181, %lt3A : i32
      %convert_element_type3A_183 = arith.extui %lt3A_182 : i1 to i32
      %cond3A_184 = arith.constant 0 : i32
      %cond3A_185 = arith.cmpi ne, %convert_element_type3A_183, %cond3A_184 : i32
      scf.if %cond3A_185 {
        %add3A_395 = arith.constant 1 : i32
        %add3A_396 = arith.addi %scan3A_85, %add3A_395 : i32
        %and3A_397 = arith.constant 1 : i32
        %and3A_398 = arith.andi %add3A_396, %and3A_397 : i32
        %mul3A_399 = arith.constant 10000 : i32
        %mul3A_400 = arith.muli %add3A, %mul3A_399 : i32
        %mul3A_401 = arith.constant 1000 : i32
        %mul3A_402 = arith.muli %add3A_396, %mul3A_401 : i32
        %add3A_403 = arith.addi %mul3A_400, %mul3A_402 : i32
        %multiple_of3A_404 = tpu.assume_multiple %add3A_403, 8 : i32
        %dma_start3A_405 = arith.constant 0 : i32
        %dma_start3A_406 = arith.constant 0 : i32
        %dma_start3A_407 = tpu.memref_slice %arg8[%and3A_398, %dma_start3A_406] : memref<2x1000xi32, #tpu.memory_space<vmem>> -> memref<1x1000xi32, #tpu.memory_space<vmem>>
        %dma_start3A_408 = tpu.memref_squeeze %dma_start3A_407 : memref<1x1000xi32, #tpu.memory_space<vmem>> -> memref<1000xi32, #tpu.memory_space<vmem>>
        %dma_start3A_409 = tpu.memref_slice %arg2[%dma_start3A_405, %multiple_of3A_404] : memref<2x320000xi32, #tpu.memory_space<hbm>> -> memref<1x1000xi32, #tpu.memory_space<hbm>>
        %dma_start3A_410 = tpu.memref_squeeze %dma_start3A_409 : memref<1x1000xi32, #tpu.memory_space<hbm>> -> memref<1000xi32, #tpu.memory_space<hbm>>
        %dma_start3A_411 = arith.constant 0 : i32
        %dma_start3A_412 = tpu.memref_slice %arg8[%and3A_398, %dma_start3A_411] : memref<2x1000xi32, #tpu.memory_space<vmem>> -> memref<1x1000xi32, #tpu.memory_space<vmem>>
        %dma_start3A_413 = tpu.memref_squeeze %dma_start3A_412 : memref<1x1000xi32, #tpu.memory_space<vmem>> -> memref<1000xi32, #tpu.memory_space<vmem>>
        %dma_start3A_414 = tpu.memref_slice %arg2[%dma_start3A_405, %multiple_of3A_404] : memref<2x320000xi32, #tpu.memory_space<hbm>> -> memref<1x1000xi32, #tpu.memory_space<hbm>>
        %dma_start3A_415 = tpu.memref_squeeze %dma_start3A_414 : memref<1x1000xi32, #tpu.memory_space<hbm>> -> memref<1000xi32, #tpu.memory_space<hbm>>
        tpu.enqueue_dma source(%dma_start3A_415 : memref<1000xi32, #tpu.memory_space<hbm>>) target(%dma_start3A_413 : memref<1000xi32, #tpu.memory_space<vmem>>) target_semaphore(%arg16 : memref<!tpu.dma_semaphore, #tpu.memory_space<semaphore_mem>>)
        %dma_start3A_416 = arith.constant 1 : i32
        %dma_start3A_417 = arith.constant 0 : i32
        %dma_start3A_418 = tpu.memref_slice %arg9[%and3A_398, %dma_start3A_417] : memref<2x1000xi32, #tpu.memory_space<vmem>> -> memref<1x1000xi32, #tpu.memory_space<vmem>>
        %dma_start3A_419 = tpu.memref_squeeze %dma_start3A_418 : memref<1x1000xi32, #tpu.memory_space<vmem>> -> memref<1000xi32, #tpu.memory_space<vmem>>
        %dma_start3A_420 = tpu.memref_slice %arg2[%dma_start3A_416, %multiple_of3A_404] : memref<2x320000xi32, #tpu.memory_space<hbm>> -> memref<1x1000xi32, #tpu.memory_space<hbm>>
        %dma_start3A_421 = tpu.memref_squeeze %dma_start3A_420 : memref<1x1000xi32, #tpu.memory_space<hbm>> -> memref<1000xi32, #tpu.memory_space<hbm>>
        %dma_start3A_422 = arith.constant 0 : i32
        %dma_start3A_423 = tpu.memref_slice %arg9[%and3A_398, %dma_start3A_422] : memref<2x1000xi32, #tpu.memory_space<vmem>> -> memref<1x1000xi32, #tpu.memory_space<vmem>>
        %dma_start3A_424 = tpu.memref_squeeze %dma_start3A_423 : memref<1x1000xi32, #tpu.memory_space<vmem>> -> memref<1000xi32, #tpu.memory_space<vmem>>
        %dma_start3A_425 = tpu.memref_slice %arg2[%dma_start3A_416, %multiple_of3A_404] : memref<2x320000xi32, #tpu.memory_space<hbm>> -> memref<1x1000xi32, #tpu.memory_space<hbm>>
        %dma_start3A_426 = tpu.memref_squeeze %dma_start3A_425 : memref<1x1000xi32, #tpu.memory_space<hbm>> -> memref<1000xi32, #tpu.memory_space<hbm>>
        tpu.enqueue_dma source(%dma_start3A_426 : memref<1000xi32, #tpu.memory_space<hbm>>) target(%dma_start3A_424 : memref<1000xi32, #tpu.memory_space<vmem>>) target_semaphore(%arg16 : memref<!tpu.dma_semaphore, #tpu.memory_space<semaphore_mem>>)
        %dma_start3A_427 = arith.constant 0 : i32
        %dma_start3A_428 = arith.constant 0 : i32
        %dma_start3A_429 = tpu.memref_slice %arg12[%and3A_398, %dma_start3A_427, %dma_start3A_428] : memref<2x1000x16xf32, #tpu.memory_space<vmem>> -> memref<1x1000x16xf32, #tpu.memory_space<vmem>>
        %dma_start3A_430 = tpu.memref_squeeze %dma_start3A_429 : memref<1x1000x16xf32, #tpu.memory_space<vmem>> -> memref<1000x16xf32, #tpu.memory_space<vmem>>
        %dma_start3A_431 = arith.constant 0 : i32
        %dma_start3A_432 = tpu.memref_slice %arg3[%multiple_of3A_404, %dma_start3A_431] : memref<320000x16xf32, #tpu.memory_space<hbm>> -> memref<1000x16xf32, #tpu.memory_space<hbm>>
        %dma_start3A_433 = arith.constant 0 : i32
        %dma_start3A_434 = arith.constant 0 : i32
        %dma_start3A_435 = tpu.memref_slice %arg12[%and3A_398, %dma_start3A_433, %dma_start3A_434] : memref<2x1000x16xf32, #tpu.memory_space<vmem>> -> memref<1x1000x16xf32, #tpu.memory_space<vmem>>
        %dma_start3A_436 = tpu.memref_squeeze %dma_start3A_435 : memref<1x1000x16xf32, #tpu.memory_space<vmem>> -> memref<1000x16xf32, #tpu.memory_space<vmem>>
        %dma_start3A_437 = arith.constant 0 : i32
        %dma_start3A_438 = tpu.memref_slice %arg3[%multiple_of3A_404, %dma_start3A_437] : memref<320000x16xf32, #tpu.memory_space<hbm>> -> memref<1000x16xf32, #tpu.memory_space<hbm>>
        tpu.enqueue_dma source(%dma_start3A_438 : memref<1000x16xf32, #tpu.memory_space<hbm>>) target(%dma_start3A_436 : memref<1000x16xf32, #tpu.memory_space<vmem>>) target_semaphore(%arg16 : memref<!tpu.dma_semaphore, #tpu.memory_space<semaphore_mem>>)
      } else {
      }
      %dma_wait3A_186 = arith.constant 0 : i32
      %dma_wait3A_187 = arith.constant 0 : i32
      %dma_wait3A_188 = tpu.memref_slice %arg10[%and3A_87, %dma_wait3A_186, %dma_wait3A_187] : memref<2x1000x16xf32, #tpu.memory_space<vmem>> -> memref<1x504x16xf32, #tpu.memory_space<vmem>>
      %dma_wait3A_189 = tpu.memref_squeeze %dma_wait3A_188 : memref<1x504x16xf32, #tpu.memory_space<vmem>> -> memref<504x16xf32, #tpu.memory_space<vmem>>
      %dma_wait3A_190 = arith.constant 0 : i32
      %dma_wait3A_191 = tpu.memref_slice %arg8[%and3A_87, %dma_wait3A_190] : memref<2x1000xi32, #tpu.memory_space<vmem>> -> memref<1x504xi32, #tpu.memory_space<vmem>>
      %dma_wait3A_192 = tpu.memref_squeeze %dma_wait3A_191 : memref<1x504xi32, #tpu.memory_space<vmem>> -> memref<504xi32, #tpu.memory_space<vmem>>
      %dma_wait3A_193 = arith.constant 0 : i32
      %dma_wait3A_194 = arith.constant 0 : i32
      %dma_wait3A_195 = tpu.memref_slice %arg14[%dma_wait3A_193, %dma_wait3A_194] : memref<10000x16xf32, #tpu.memory_space<vmem_shared>> -> memref<10000x16xf32, #tpu.memory_space<vmem_shared>>
      tpu.wait_indirect_dma semaphore(%arg17 : memref<!tpu.dma_semaphore, #tpu.memory_space<semaphore_mem>>) src(%dma_wait3A_195 : memref<10000x16xf32, #tpu.memory_space<vmem_shared>>) dst(%dma_wait3A_189 : memref<504x16xf32, #tpu.memory_space<vmem>>)
      %dma_wait3A_196 = arith.constant 0 : i32
      %dma_wait3A_197 = arith.constant 0 : i32
      %dma_wait3A_198 = tpu.memref_slice %arg11[%and3A_87, %dma_wait3A_196, %dma_wait3A_197] : memref<2x1000x16xf32, #tpu.memory_space<vmem>> -> memref<1x504x16xf32, #tpu.memory_space<vmem>>
      %dma_wait3A_199 = tpu.memref_squeeze %dma_wait3A_198 : memref<1x504x16xf32, #tpu.memory_space<vmem>> -> memref<504x16xf32, #tpu.memory_space<vmem>>
      %dma_wait3A_200 = arith.constant 0 : i32
      %dma_wait3A_201 = tpu.memref_slice %arg9[%and3A_87, %dma_wait3A_200] : memref<2x1000xi32, #tpu.memory_space<vmem>> -> memref<1x504xi32, #tpu.memory_space<vmem>>
      %dma_wait3A_202 = tpu.memref_squeeze %dma_wait3A_201 : memref<1x504xi32, #tpu.memory_space<vmem>> -> memref<504xi32, #tpu.memory_space<vmem>>
      %dma_wait3A_203 = arith.constant 0 : i32
      %dma_wait3A_204 = arith.constant 0 : i32
      %dma_wait3A_205 = tpu.memref_slice %arg15[%dma_wait3A_203, %dma_wait3A_204] : memref<10000x16xf32, #tpu.memory_space<vmem_shared>> -> memref<10000x16xf32, #tpu.memory_space<vmem_shared>>
      tpu.wait_indirect_dma semaphore(%arg18 : memref<!tpu.dma_semaphore, #tpu.memory_space<semaphore_mem>>) src(%dma_wait3A_205 : memref<10000x16xf32, #tpu.memory_space<vmem_shared>>) dst(%dma_wait3A_199 : memref<504x16xf32, #tpu.memory_space<vmem>>)
      %scan3A_206 = arith.constant 0 : i32
      %scan3A_207 = arith.constant 0 : i32
      %scan3A_208 = arith.constant 500 : i32
      %scan3A_209 = arith.addi %scan3A_207, %scan3A_208 : i32
      %scan3A_210 = arith.constant 5 : i32
      %scan3A_211 = scf.for %scan3A_395 = %scan3A_207 to %scan3A_209 step %scan3A_210 iter_args(%scan3A_396 = %scan3A_206) -> (i32)  : i32 {
        %get3A_397 = arith.index_cast %and3A_87 : i32 to index
        %get3A_398 = arith.index_cast %scan3A_395 : i32 to index
        %get3A_399 = arith.constant 0 : index
        %get3A_400 = tpu.vector_load %arg12[%get3A_397, %get3A_398, %get3A_399] {strides = array<i32>} : memref<2x1000x16xf32, #tpu.memory_space<vmem>>, vector<1x1x16xf32>,
        %get3A_401 = vector.shape_cast %get3A_400 : vector<1x1x16xf32> to vector<16xf32>
        %get3A_402 = arith.index_cast %and3A_87 : i32 to index
        %get3A_403 = arith.index_cast %scan3A_395 : i32 to index
        %get3A_404 = arith.constant 0 : index
        %get3A_405 = tpu.vector_load %arg10[%get3A_402, %get3A_403, %get3A_404] {strides = array<i32>} : memref<2x1000x16xf32, #tpu.memory_space<vmem>>, vector<1x1x16xf32>,
        %get3A_406 = vector.shape_cast %get3A_405 : vector<1x1x16xf32> to vector<16xf32>
        %add3A_407 = arith.addf %get3A_401, %get3A_406 : vector<16xf32>
        %get3A_408 = arith.index_cast %and3A_87 : i32 to index
        %get3A_409 = arith.index_cast %scan3A_395 : i32 to index
        %get3A_410 = arith.constant 0 : index
        %get3A_411 = tpu.vector_load %arg11[%get3A_408, %get3A_409, %get3A_410] {strides = array<i32>} : memref<2x1000x16xf32, #tpu.memory_space<vmem>>, vector<1x1x16xf32>,
        %get3A_412 = vector.shape_cast %get3A_411 : vector<1x1x16xf32> to vector<16xf32>
        %add3A_413 = arith.addf %add3A_407, %get3A_412 : vector<16xf32>
        %max3A_414 = arith.constant 0.000000e+00 : f32
        %max3A_415 = vector.broadcast %max3A_414 : f32 to vector<16xf32>
        %max3A_416 = arith.maximumf %add3A_413, %max3A_415 : vector<16xf32>
        %swap3A_417 = arith.index_cast %and3A_87 : i32 to index
        %swap3A_418 = arith.index_cast %scan3A_395 : i32 to index
        %swap3A_419 = arith.constant 0 : index
        %swap3A_420 = tpu.vector_load %arg12[%swap3A_417, %swap3A_418, %swap3A_419] {strides = array<i32>} : memref<2x1000x16xf32, #tpu.memory_space<vmem>>, vector<1x1x16xf32>,
        %swap3A_421 = vector.shape_cast %swap3A_420 : vector<1x1x16xf32> to vector<16xf32>
        %swap3A_422 = vector.shape_cast %max3A_416 : vector<16xf32> to vector<1x1x16xf32>
        tpu.vector_store %arg12[%swap3A_417, %swap3A_418, %swap3A_419], %swap3A_422 {strides = array<i32>} : memref<2x1000x16xf32, #tpu.memory_space<vmem>>, vector<1x1x16xf32>,
        %scan3A_423 = arith.constant 0 : i32
        %scan3A_424 = arith.constant 1 : i32
        %scan3A_425 = arith.addi %scan3A_395, %scan3A_424 : i32
        %get3A_426 = arith.index_cast %and3A_87 : i32 to index
        %get3A_427 = arith.index_cast %scan3A_425 : i32 to index
        %get3A_428 = arith.constant 0 : index
        %get3A_429 = tpu.vector_load %arg12[%get3A_426, %get3A_427, %get3A_428] {strides = array<i32>} : memref<2x1000x16xf32, #tpu.memory_space<vmem>>, vector<1x1x16xf32>,
        %get3A_430 = vector.shape_cast %get3A_429 : vector<1x1x16xf32> to vector<16xf32>
        %get3A_431 = arith.index_cast %and3A_87 : i32 to index
        %get3A_432 = arith.index_cast %scan3A_425 : i32 to index
        %get3A_433 = arith.constant 0 : index
        %get3A_434 = tpu.vector_load %arg10[%get3A_431, %get3A_432, %get3A_433] {strides = array<i32>} : memref<2x1000x16xf32, #tpu.memory_space<vmem>>, vector<1x1x16xf32>,
        %get3A_435 = vector.shape_cast %get3A_434 : vector<1x1x16xf32> to vector<16xf32>
        %add3A_436 = arith.addf %get3A_430, %get3A_435 : vector<16xf32>
        %get3A_437 = arith.index_cast %and3A_87 : i32 to index
        %get3A_438 = arith.index_cast %scan3A_425 : i32 to index
        %get3A_439 = arith.constant 0 : index
        %get3A_440 = tpu.vector_load %arg11[%get3A_437, %get3A_438, %get3A_439] {strides = array<i32>} : memref<2x1000x16xf32, #tpu.memory_space<vmem>>, vector<1x1x16xf32>,
        %get3A_441 = vector.shape_cast %get3A_440 : vector<1x1x16xf32> to vector<16xf32>
        %add3A_442 = arith.addf %add3A_436, %get3A_441 : vector<16xf32>
        %max3A_443 = arith.constant 0.000000e+00 : f32
        %max3A_444 = vector.broadcast %max3A_443 : f32 to vector<16xf32>
        %max3A_445 = arith.maximumf %add3A_442, %max3A_444 : vector<16xf32>
        %swap3A_446 = arith.index_cast %and3A_87 : i32 to index
        %swap3A_447 = arith.index_cast %scan3A_425 : i32 to index
        %swap3A_448 = arith.constant 0 : index
        %swap3A_449 = tpu.vector_load %arg12[%swap3A_446, %swap3A_447, %swap3A_448] {strides = array<i32>} : memref<2x1000x16xf32, #tpu.memory_space<vmem>>, vector<1x1x16xf32>,
        %swap3A_450 = vector.shape_cast %swap3A_449 : vector<1x1x16xf32> to vector<16xf32>
        %swap3A_451 = vector.shape_cast %max3A_445 : vector<16xf32> to vector<1x1x16xf32>
        tpu.vector_store %arg12[%swap3A_446, %swap3A_447, %swap3A_448], %swap3A_451 {strides = array<i32>} : memref<2x1000x16xf32, #tpu.memory_space<vmem>>, vector<1x1x16xf32>,
        %scan3A_452 = arith.constant 0 : i32
        %scan3A_453 = arith.constant 2 : i32
        %scan3A_454 = arith.addi %scan3A_395, %scan3A_453 : i32
        %get3A_455 = arith.index_cast %and3A_87 : i32 to index
        %get3A_456 = arith.index_cast %scan3A_454 : i32 to index
        %get3A_457 = arith.constant 0 : index
        %get3A_458 = tpu.vector_load %arg12[%get3A_455, %get3A_456, %get3A_457] {strides = array<i32>} : memref<2x1000x16xf32, #tpu.memory_space<vmem>>, vector<1x1x16xf32>,
        %get3A_459 = vector.shape_cast %get3A_458 : vector<1x1x16xf32> to vector<16xf32>
        %get3A_460 = arith.index_cast %and3A_87 : i32 to index
        %get3A_461 = arith.index_cast %scan3A_454 : i32 to index
        %get3A_462 = arith.constant 0 : index
        %get3A_463 = tpu.vector_load %arg10[%get3A_460, %get3A_461, %get3A_462] {strides = array<i32>} : memref<2x1000x16xf32, #tpu.memory_space<vmem>>, vector<1x1x16xf32>,
        %get3A_464 = vector.shape_cast %get3A_463 : vector<1x1x16xf32> to vector<16xf32>
        %add3A_465 = arith.addf %get3A_459, %get3A_464 : vector<16xf32>
        %get3A_466 = arith.index_cast %and3A_87 : i32 to index
        %get3A_467 = arith.index_cast %scan3A_454 : i32 to index
        %get3A_468 = arith.constant 0 : index
        %get3A_469 = tpu.vector_load %arg11[%get3A_466, %get3A_467, %get3A_468] {strides = array<i32>} : memref<2x1000x16xf32, #tpu.memory_space<vmem>>, vector<1x1x16xf32>,
        %get3A_470 = vector.shape_cast %get3A_469 : vector<1x1x16xf32> to vector<16xf32>
        %add3A_471 = arith.addf %add3A_465, %get3A_470 : vector<16xf32>
        %max3A_472 = arith.constant 0.000000e+00 : f32
        %max3A_473 = vector.broadcast %max3A_472 : f32 to vector<16xf32>
        %max3A_474 = arith.maximumf %add3A_471, %max3A_473 : vector<16xf32>
        %swap3A_475 = arith.index_cast %and3A_87 : i32 to index
        %swap3A_476 = arith.index_cast %scan3A_454 : i32 to index
        %swap3A_477 = arith.constant 0 : index
        %swap3A_478 = tpu.vector_load %arg12[%swap3A_475, %swap3A_476, %swap3A_477] {strides = array<i32>} : memref<2x1000x16xf32, #tpu.memory_space<vmem>>, vector<1x1x16xf32>,
        %swap3A_479 = vector.shape_cast %swap3A_478 : vector<1x1x16xf32> to vector<16xf32>
        %swap3A_480 = vector.shape_cast %max3A_474 : vector<16xf32> to vector<1x1x16xf32>
        tpu.vector_store %arg12[%swap3A_475, %swap3A_476, %swap3A_477], %swap3A_480 {strides = array<i32>} : memref<2x1000x16xf32, #tpu.memory_space<vmem>>, vector<1x1x16xf32>,
        %scan3A_481 = arith.constant 0 : i32
        %scan3A_482 = arith.constant 3 : i32
        %scan3A_483 = arith.addi %scan3A_395, %scan3A_482 : i32
        %get3A_484 = arith.index_cast %and3A_87 : i32 to index
        %get3A_485 = arith.index_cast %scan3A_483 : i32 to index
        %get3A_486 = arith.constant 0 : index
        %get3A_487 = tpu.vector_load %arg12[%get3A_484, %get3A_485, %get3A_486] {strides = array<i32>} : memref<2x1000x16xf32, #tpu.memory_space<vmem>>, vector<1x1x16xf32>,
        %get3A_488 = vector.shape_cast %get3A_487 : vector<1x1x16xf32> to vector<16xf32>
        %get3A_489 = arith.index_cast %and3A_87 : i32 to index
        %get3A_490 = arith.index_cast %scan3A_483 : i32 to index
        %get3A_491 = arith.constant 0 : index
        %get3A_492 = tpu.vector_load %arg10[%get3A_489, %get3A_490, %get3A_491] {strides = array<i32>} : memref<2x1000x16xf32, #tpu.memory_space<vmem>>, vector<1x1x16xf32>,
        %get3A_493 = vector.shape_cast %get3A_492 : vector<1x1x16xf32> to vector<16xf32>
        %add3A_494 = arith.addf %get3A_488, %get3A_493 : vector<16xf32>
        %get3A_495 = arith.index_cast %and3A_87 : i32 to index
        %get3A_496 = arith.index_cast %scan3A_483 : i32 to index
        %get3A_497 = arith.constant 0 : index
        %get3A_498 = tpu.vector_load %arg11[%get3A_495, %get3A_496, %get3A_497] {strides = array<i32>} : memref<2x1000x16xf32, #tpu.memory_space<vmem>>, vector<1x1x16xf32>,
        %get3A_499 = vector.shape_cast %get3A_498 : vector<1x1x16xf32> to vector<16xf32>
        %add3A_500 = arith.addf %add3A_494, %get3A_499 : vector<16xf32>
        %max3A_501 = arith.constant 0.000000e+00 : f32
        %max3A_502 = vector.broadcast %max3A_501 : f32 to vector<16xf32>
        %max3A_503 = arith.maximumf %add3A_500, %max3A_502 : vector<16xf32>
        %swap3A_504 = arith.index_cast %and3A_87 : i32 to index
        %swap3A_505 = arith.index_cast %scan3A_483 : i32 to index
        %swap3A_506 = arith.constant 0 : index
        %swap3A_507 = tpu.vector_load %arg12[%swap3A_504, %swap3A_505, %swap3A_506] {strides = array<i32>} : memref<2x1000x16xf32, #tpu.memory_space<vmem>>, vector<1x1x16xf32>,
        %swap3A_508 = vector.shape_cast %swap3A_507 : vector<1x1x16xf32> to vector<16xf32>
        %swap3A_509 = vector.shape_cast %max3A_503 : vector<16xf32> to vector<1x1x16xf32>
        tpu.vector_store %arg12[%swap3A_504, %swap3A_505, %swap3A_506], %swap3A_509 {strides = array<i32>} : memref<2x1000x16xf32, #tpu.memory_space<vmem>>, vector<1x1x16xf32>,
        %scan3A_510 = arith.constant 0 : i32
        %scan3A_511 = arith.constant 4 : i32
        %scan3A_512 = arith.addi %scan3A_395, %scan3A_511 : i32
        %get3A_513 = arith.index_cast %and3A_87 : i32 to index
        %get3A_514 = arith.index_cast %scan3A_512 : i32 to index
        %get3A_515 = arith.constant 0 : index
        %get3A_516 = tpu.vector_load %arg12[%get3A_513, %get3A_514, %get3A_515] {strides = array<i32>} : memref<2x1000x16xf32, #tpu.memory_space<vmem>>, vector<1x1x16xf32>,
        %get3A_517 = vector.shape_cast %get3A_516 : vector<1x1x16xf32> to vector<16xf32>
        %get3A_518 = arith.index_cast %and3A_87 : i32 to index
        %get3A_519 = arith.index_cast %scan3A_512 : i32 to index
        %get3A_520 = arith.constant 0 : index
        %get3A_521 = tpu.vector_load %arg10[%get3A_518, %get3A_519, %get3A_520] {strides = array<i32>} : memref<2x1000x16xf32, #tpu.memory_space<vmem>>, vector<1x1x16xf32>,
        %get3A_522 = vector.shape_cast %get3A_521 : vector<1x1x16xf32> to vector<16xf32>
        %add3A_523 = arith.addf %get3A_517, %get3A_522 : vector<16xf32>
        %get3A_524 = arith.index_cast %and3A_87 : i32 to index
        %get3A_525 = arith.index_cast %scan3A_512 : i32 to index
        %get3A_526 = arith.constant 0 : index
        %get3A_527 = tpu.vector_load %arg11[%get3A_524, %get3A_525, %get3A_526] {strides = array<i32>} : memref<2x1000x16xf32, #tpu.memory_space<vmem>>, vector<1x1x16xf32>,
        %get3A_528 = vector.shape_cast %get3A_527 : vector<1x1x16xf32> to vector<16xf32>
        %add3A_529 = arith.addf %add3A_523, %get3A_528 : vector<16xf32>
        %max3A_530 = arith.constant 0.000000e+00 : f32
        %max3A_531 = vector.broadcast %max3A_530 : f32 to vector<16xf32>
        %max3A_532 = arith.maximumf %add3A_529, %max3A_531 : vector<16xf32>
        %swap3A_533 = arith.index_cast %and3A_87 : i32 to index
        %swap3A_534 = arith.index_cast %scan3A_512 : i32 to index
        %swap3A_535 = arith.constant 0 : index
        %swap3A_536 = tpu.vector_load %arg12[%swap3A_533, %swap3A_534, %swap3A_535] {strides = array<i32>} : memref<2x1000x16xf32, #tpu.memory_space<vmem>>, vector<1x1x16xf32>,
        %swap3A_537 = vector.shape_cast %swap3A_536 : vector<1x1x16xf32> to vector<16xf32>
        %swap3A_538 = vector.shape_cast %max3A_532 : vector<16xf32> to vector<1x1x16xf32>
        tpu.vector_store %arg12[%swap3A_533, %swap3A_534, %swap3A_535], %swap3A_538 {strides = array<i32>} : memref<2x1000x16xf32, #tpu.memory_space<vmem>>, vector<1x1x16xf32>,
        %scan3A_539 = arith.constant 0 : i32
        scf.yield %scan3A_539 : i32
      }
      %scan3A_212 = arith.constant 500 : i32
      %scan3A_213 = arith.addi %scan3A_207, %scan3A_212 : i32
      %get3A = arith.index_cast %and3A_87 : i32 to index
      %get3A_214 = arith.index_cast %scan3A_213 : i32 to index
      %get3A_215 = arith.constant 0 : index
      %get3A_216 = tpu.vector_load %arg12[%get3A, %get3A_214, %get3A_215] {strides = array<i32>} : memref<2x1000x16xf32, #tpu.memory_space<vmem>>, vector<1x1x16xf32>,
      %get3A_217 = vector.shape_cast %get3A_216 : vector<1x1x16xf32> to vector<16xf32>
      %get3A_218 = arith.index_cast %and3A_87 : i32 to index
      %get3A_219 = arith.index_cast %scan3A_213 : i32 to index
      %get3A_220 = arith.constant 0 : index
      %get3A_221 = tpu.vector_load %arg10[%get3A_218, %get3A_219, %get3A_220] {strides = array<i32>} : memref<2x1000x16xf32, #tpu.memory_space<vmem>>, vector<1x1x16xf32>,
      %get3A_222 = vector.shape_cast %get3A_221 : vector<1x1x16xf32> to vector<16xf32>
      %add3A_223 = arith.addf %get3A_217, %get3A_222 : vector<16xf32>
      %get3A_224 = arith.index_cast %and3A_87 : i32 to index
      %get3A_225 = arith.index_cast %scan3A_213 : i32 to index
      %get3A_226 = arith.constant 0 : index
      %get3A_227 = tpu.vector_load %arg11[%get3A_224, %get3A_225, %get3A_226] {strides = array<i32>} : memref<2x1000x16xf32, #tpu.memory_space<vmem>>, vector<1x1x16xf32>,
      %get3A_228 = vector.shape_cast %get3A_227 : vector<1x1x16xf32> to vector<16xf32>
      %add3A_229 = arith.addf %add3A_223, %get3A_228 : vector<16xf32>
      %max3A = arith.constant 0.000000e+00 : f32
      %max3A_230 = vector.broadcast %max3A : f32 to vector<16xf32>
      %max3A_231 = arith.maximumf %add3A_229, %max3A_230 : vector<16xf32>
      %swap3A = arith.index_cast %and3A_87 : i32 to index
      %swap3A_232 = arith.index_cast %scan3A_213 : i32 to index
      %swap3A_233 = arith.constant 0 : index
      %swap3A_234 = tpu.vector_load %arg12[%swap3A, %swap3A_232, %swap3A_233] {strides = array<i32>} : memref<2x1000x16xf32, #tpu.memory_space<vmem>>, vector<1x1x16xf32>,
      %swap3A_235 = vector.shape_cast %swap3A_234 : vector<1x1x16xf32> to vector<16xf32>
      %swap3A_236 = vector.shape_cast %max3A_231 : vector<16xf32> to vector<1x1x16xf32>
      tpu.vector_store %arg12[%swap3A, %swap3A_232, %swap3A_233], %swap3A_236 {strides = array<i32>} : memref<2x1000x16xf32, #tpu.memory_space<vmem>>, vector<1x1x16xf32>,
      %scan3A_237 = arith.constant 0 : i32
      %scan3A_238 = arith.constant 501 : i32
      %scan3A_239 = arith.addi %scan3A_207, %scan3A_238 : i32
      %get3A_240 = arith.index_cast %and3A_87 : i32 to index
      %get3A_241 = arith.index_cast %scan3A_239 : i32 to index
      %get3A_242 = arith.constant 0 : index
      %get3A_243 = tpu.vector_load %arg12[%get3A_240, %get3A_241, %get3A_242] {strides = array<i32>} : memref<2x1000x16xf32, #tpu.memory_space<vmem>>, vector<1x1x16xf32>,
      %get3A_244 = vector.shape_cast %get3A_243 : vector<1x1x16xf32> to vector<16xf32>
      %get3A_245 = arith.index_cast %and3A_87 : i32 to index
      %get3A_246 = arith.index_cast %scan3A_239 : i32 to index
      %get3A_247 = arith.constant 0 : index
      %get3A_248 = tpu.vector_load %arg10[%get3A_245, %get3A_246, %get3A_247] {strides = array<i32>} : memref<2x1000x16xf32, #tpu.memory_space<vmem>>, vector<1x1x16xf32>,
      %get3A_249 = vector.shape_cast %get3A_248 : vector<1x1x16xf32> to vector<16xf32>
      %add3A_250 = arith.addf %get3A_244, %get3A_249 : vector<16xf32>
      %get3A_251 = arith.index_cast %and3A_87 : i32 to index
      %get3A_252 = arith.index_cast %scan3A_239 : i32 to index
      %get3A_253 = arith.constant 0 : index
      %get3A_254 = tpu.vector_load %arg11[%get3A_251, %get3A_252, %get3A_253] {strides = array<i32>} : memref<2x1000x16xf32, #tpu.memory_space<vmem>>, vector<1x1x16xf32>,
      %get3A_255 = vector.shape_cast %get3A_254 : vector<1x1x16xf32> to vector<16xf32>
      %add3A_256 = arith.addf %add3A_250, %get3A_255 : vector<16xf32>
      %max3A_257 = arith.constant 0.000000e+00 : f32
      %max3A_258 = vector.broadcast %max3A_257 : f32 to vector<16xf32>
      %max3A_259 = arith.maximumf %add3A_256, %max3A_258 : vector<16xf32>
      %swap3A_260 = arith.index_cast %and3A_87 : i32 to index
      %swap3A_261 = arith.index_cast %scan3A_239 : i32 to index
      %swap3A_262 = arith.constant 0 : index
      %swap3A_263 = tpu.vector_load %arg12[%swap3A_260, %swap3A_261, %swap3A_262] {strides = array<i32>} : memref<2x1000x16xf32, #tpu.memory_space<vmem>>, vector<1x1x16xf32>,
      %swap3A_264 = vector.shape_cast %swap3A_263 : vector<1x1x16xf32> to vector<16xf32>
      %swap3A_265 = vector.shape_cast %max3A_259 : vector<16xf32> to vector<1x1x16xf32>
      tpu.vector_store %arg12[%swap3A_260, %swap3A_261, %swap3A_262], %swap3A_265 {strides = array<i32>} : memref<2x1000x16xf32, #tpu.memory_space<vmem>>, vector<1x1x16xf32>,
      %scan3A_266 = arith.constant 0 : i32
      %scan3A_267 = arith.constant 502 : i32
      %scan3A_268 = arith.addi %scan3A_207, %scan3A_267 : i32
      %get3A_269 = arith.index_cast %and3A_87 : i32 to index
      %get3A_270 = arith.index_cast %scan3A_268 : i32 to index
      %get3A_271 = arith.constant 0 : index
      %get3A_272 = tpu.vector_load %arg12[%get3A_269, %get3A_270, %get3A_271] {strides = array<i32>} : memref<2x1000x16xf32, #tpu.memory_space<vmem>>, vector<1x1x16xf32>,
      %get3A_273 = vector.shape_cast %get3A_272 : vector<1x1x16xf32> to vector<16xf32>
      %get3A_274 = arith.index_cast %and3A_87 : i32 to index
      %get3A_275 = arith.index_cast %scan3A_268 : i32 to index
      %get3A_276 = arith.constant 0 : index
      %get3A_277 = tpu.vector_load %arg10[%get3A_274, %get3A_275, %get3A_276] {strides = array<i32>} : memref<2x1000x16xf32, #tpu.memory_space<vmem>>, vector<1x1x16xf32>,
      %get3A_278 = vector.shape_cast %get3A_277 : vector<1x1x16xf32> to vector<16xf32>
      %add3A_279 = arith.addf %get3A_273, %get3A_278 : vector<16xf32>
      %get3A_280 = arith.index_cast %and3A_87 : i32 to index
      %get3A_281 = arith.index_cast %scan3A_268 : i32 to index
      %get3A_282 = arith.constant 0 : index
      %get3A_283 = tpu.vector_load %arg11[%get3A_280, %get3A_281, %get3A_282] {strides = array<i32>} : memref<2x1000x16xf32, #tpu.memory_space<vmem>>, vector<1x1x16xf32>,
      %get3A_284 = vector.shape_cast %get3A_283 : vector<1x1x16xf32> to vector<16xf32>
      %add3A_285 = arith.addf %add3A_279, %get3A_284 : vector<16xf32>
      %max3A_286 = arith.constant 0.000000e+00 : f32
      %max3A_287 = vector.broadcast %max3A_286 : f32 to vector<16xf32>
      %max3A_288 = arith.maximumf %add3A_285, %max3A_287 : vector<16xf32>
      %swap3A_289 = arith.index_cast %and3A_87 : i32 to index
      %swap3A_290 = arith.index_cast %scan3A_268 : i32 to index
      %swap3A_291 = arith.constant 0 : index
      %swap3A_292 = tpu.vector_load %arg12[%swap3A_289, %swap3A_290, %swap3A_291] {strides = array<i32>} : memref<2x1000x16xf32, #tpu.memory_space<vmem>>, vector<1x1x16xf32>,
      %swap3A_293 = vector.shape_cast %swap3A_292 : vector<1x1x16xf32> to vector<16xf32>
      %swap3A_294 = vector.shape_cast %max3A_288 : vector<16xf32> to vector<1x1x16xf32>
      tpu.vector_store %arg12[%swap3A_289, %swap3A_290, %swap3A_291], %swap3A_294 {strides = array<i32>} : memref<2x1000x16xf32, #tpu.memory_space<vmem>>, vector<1x1x16xf32>,
      %scan3A_295 = arith.constant 0 : i32
      %scan3A_296 = arith.constant 503 : i32
      %scan3A_297 = arith.addi %scan3A_207, %scan3A_296 : i32
      %get3A_298 = arith.index_cast %and3A_87 : i32 to index
      %get3A_299 = arith.index_cast %scan3A_297 : i32 to index
      %get3A_300 = arith.constant 0 : index
      %get3A_301 = tpu.vector_load %arg12[%get3A_298, %get3A_299, %get3A_300] {strides = array<i32>} : memref<2x1000x16xf32, #tpu.memory_space<vmem>>, vector<1x1x16xf32>,
      %get3A_302 = vector.shape_cast %get3A_301 : vector<1x1x16xf32> to vector<16xf32>
      %get3A_303 = arith.index_cast %and3A_87 : i32 to index
      %get3A_304 = arith.index_cast %scan3A_297 : i32 to index
      %get3A_305 = arith.constant 0 : index
      %get3A_306 = tpu.vector_load %arg10[%get3A_303, %get3A_304, %get3A_305] {strides = array<i32>} : memref<2x1000x16xf32, #tpu.memory_space<vmem>>, vector<1x1x16xf32>,
      %get3A_307 = vector.shape_cast %get3A_306 : vector<1x1x16xf32> to vector<16xf32>
      %add3A_308 = arith.addf %get3A_302, %get3A_307 : vector<16xf32>
      %get3A_309 = arith.index_cast %and3A_87 : i32 to index
      %get3A_310 = arith.index_cast %scan3A_297 : i32 to index
      %get3A_311 = arith.constant 0 : index
      %get3A_312 = tpu.vector_load %arg11[%get3A_309, %get3A_310, %get3A_311] {strides = array<i32>} : memref<2x1000x16xf32, #tpu.memory_space<vmem>>, vector<1x1x16xf32>,
      %get3A_313 = vector.shape_cast %get3A_312 : vector<1x1x16xf32> to vector<16xf32>
      %add3A_314 = arith.addf %add3A_308, %get3A_313 : vector<16xf32>
      %max3A_315 = arith.constant 0.000000e+00 : f32
      %max3A_316 = vector.broadcast %max3A_315 : f32 to vector<16xf32>
      %max3A_317 = arith.maximumf %add3A_314, %max3A_316 : vector<16xf32>
      %swap3A_318 = arith.index_cast %and3A_87 : i32 to index
      %swap3A_319 = arith.index_cast %scan3A_297 : i32 to index
      %swap3A_320 = arith.constant 0 : index
      %swap3A_321 = tpu.vector_load %arg12[%swap3A_318, %swap3A_319, %swap3A_320] {strides = array<i32>} : memref<2x1000x16xf32, #tpu.memory_space<vmem>>, vector<1x1x16xf32>,
      %swap3A_322 = vector.shape_cast %swap3A_321 : vector<1x1x16xf32> to vector<16xf32>
      %swap3A_323 = vector.shape_cast %max3A_317 : vector<16xf32> to vector<1x1x16xf32>
      tpu.vector_store %arg12[%swap3A_318, %swap3A_319, %swap3A_320], %swap3A_323 {strides = array<i32>} : memref<2x1000x16xf32, #tpu.memory_space<vmem>>, vector<1x1x16xf32>,
      %scan3A_324 = arith.constant 0 : i32
      %scan3A_325 = arith.constant 504 : i32
      %dma_wait3A_326 = arith.constant 504 : i32
      %dma_wait3A_327 = arith.constant 0 : i32
      %dma_wait3A_328 = tpu.memref_slice %arg10[%and3A_87, %dma_wait3A_326, %dma_wait3A_327] : memref<2x1000x16xf32, #tpu.memory_space<vmem>> -> memref<1x496x16xf32, #tpu.memory_space<vmem>>
      %dma_wait3A_329 = tpu.memref_squeeze %dma_wait3A_328 : memref<1x496x16xf32, #tpu.memory_space<vmem>> -> memref<496x16xf32, #tpu.memory_space<vmem>>
      %dma_wait3A_330 = arith.constant 504 : i32
      %dma_wait3A_331 = tpu.memref_slice %arg8[%and3A_87, %dma_wait3A_330] : memref<2x1000xi32, #tpu.memory_space<vmem>> -> memref<1x496xi32, #tpu.memory_space<vmem>>
      %dma_wait3A_332 = tpu.memref_squeeze %dma_wait3A_331 : memref<1x496xi32, #tpu.memory_space<vmem>> -> memref<496xi32, #tpu.memory_space<vmem>>
      %dma_wait3A_333 = arith.constant 0 : i32
      %dma_wait3A_334 = arith.constant 0 : i32
      %dma_wait3A_335 = tpu.memref_slice %arg14[%dma_wait3A_333, %dma_wait3A_334] : memref<10000x16xf32, #tpu.memory_space<vmem_shared>> -> memref<10000x16xf32, #tpu.memory_space<vmem_shared>>
      tpu.wait_indirect_dma semaphore(%arg17 : memref<!tpu.dma_semaphore, #tpu.memory_space<semaphore_mem>>) src(%dma_wait3A_335 : memref<10000x16xf32, #tpu.memory_space<vmem_shared>>) dst(%dma_wait3A_329 : memref<496x16xf32, #tpu.memory_space<vmem>>)
      %dma_wait3A_336 = arith.constant 504 : i32
      %dma_wait3A_337 = arith.constant 0 : i32
      %dma_wait3A_338 = tpu.memref_slice %arg11[%and3A_87, %dma_wait3A_336, %dma_wait3A_337] : memref<2x1000x16xf32, #tpu.memory_space<vmem>> -> memref<1x496x16xf32, #tpu.memory_space<vmem>>
      %dma_wait3A_339 = tpu.memref_squeeze %dma_wait3A_338 : memref<1x496x16xf32, #tpu.memory_space<vmem>> -> memref<496x16xf32, #tpu.memory_space<vmem>>
      %dma_wait3A_340 = arith.constant 504 : i32
      %dma_wait3A_341 = tpu.memref_slice %arg9[%and3A_87, %dma_wait3A_340] : memref<2x1000xi32, #tpu.memory_space<vmem>> -> memref<1x496xi32, #tpu.memory_space<vmem>>
      %dma_wait3A_342 = tpu.memref_squeeze %dma_wait3A_341 : memref<1x496xi32, #tpu.memory_space<vmem>> -> memref<496xi32, #tpu.memory_space<vmem>>
      %dma_wait3A_343 = arith.constant 0 : i32
      %dma_wait3A_344 = arith.constant 0 : i32
      %dma_wait3A_345 = tpu.memref_slice %arg15[%dma_wait3A_343, %dma_wait3A_344] : memref<10000x16xf32, #tpu.memory_space<vmem_shared>> -> memref<10000x16xf32, #tpu.memory_space<vmem_shared>>
      tpu.wait_indirect_dma semaphore(%arg18 : memref<!tpu.dma_semaphore, #tpu.memory_space<semaphore_mem>>) src(%dma_wait3A_345 : memref<10000x16xf32, #tpu.memory_space<vmem_shared>>) dst(%dma_wait3A_339 : memref<496x16xf32, #tpu.memory_space<vmem>>)
      %scan3A_346 = arith.constant 0 : i32
      %scan3A_347 = arith.constant 504 : i32
      %scan3A_348 = arith.constant 495 : i32
      %scan3A_349 = arith.addi %scan3A_347, %scan3A_348 : i32
      %scan3A_350 = arith.constant 5 : i32
      %scan3A_351 = scf.for %scan3A_395 = %scan3A_347 to %scan3A_349 step %scan3A_350 iter_args(%scan3A_396 = %scan3A_346) -> (i32)  : i32 {
        %get3A_397 = arith.index_cast %and3A_87 : i32 to index
        %get3A_398 = arith.index_cast %scan3A_395 : i32 to index
        %get3A_399 = arith.constant 0 : index
        %get3A_400 = tpu.vector_load %arg12[%get3A_397, %get3A_398, %get3A_399] {strides = array<i32>} : memref<2x1000x16xf32, #tpu.memory_space<vmem>>, vector<1x1x16xf32>,
        %get3A_401 = vector.shape_cast %get3A_400 : vector<1x1x16xf32> to vector<16xf32>
        %get3A_402 = arith.index_cast %and3A_87 : i32 to index
        %get3A_403 = arith.index_cast %scan3A_395 : i32 to index
        %get3A_404 = arith.constant 0 : index
        %get3A_405 = tpu.vector_load %arg10[%get3A_402, %get3A_403, %get3A_404] {strides = array<i32>} : memref<2x1000x16xf32, #tpu.memory_space<vmem>>, vector<1x1x16xf32>,
        %get3A_406 = vector.shape_cast %get3A_405 : vector<1x1x16xf32> to vector<16xf32>
        %add3A_407 = arith.addf %get3A_401, %get3A_406 : vector<16xf32>
        %get3A_408 = arith.index_cast %and3A_87 : i32 to index
        %get3A_409 = arith.index_cast %scan3A_395 : i32 to index
        %get3A_410 = arith.constant 0 : index
        %get3A_411 = tpu.vector_load %arg11[%get3A_408, %get3A_409, %get3A_410] {strides = array<i32>} : memref<2x1000x16xf32, #tpu.memory_space<vmem>>, vector<1x1x16xf32>,
        %get3A_412 = vector.shape_cast %get3A_411 : vector<1x1x16xf32> to vector<16xf32>
        %add3A_413 = arith.addf %add3A_407, %get3A_412 : vector<16xf32>
        %max3A_414 = arith.constant 0.000000e+00 : f32
        %max3A_415 = vector.broadcast %max3A_414 : f32 to vector<16xf32>
        %max3A_416 = arith.maximumf %add3A_413, %max3A_415 : vector<16xf32>
        %swap3A_417 = arith.index_cast %and3A_87 : i32 to index
        %swap3A_418 = arith.index_cast %scan3A_395 : i32 to index
        %swap3A_419 = arith.constant 0 : index
        %swap3A_420 = tpu.vector_load %arg12[%swap3A_417, %swap3A_418, %swap3A_419] {strides = array<i32>} : memref<2x1000x16xf32, #tpu.memory_space<vmem>>, vector<1x1x16xf32>,
        %swap3A_421 = vector.shape_cast %swap3A_420 : vector<1x1x16xf32> to vector<16xf32>
        %swap3A_422 = vector.shape_cast %max3A_416 : vector<16xf32> to vector<1x1x16xf32>
        tpu.vector_store %arg12[%swap3A_417, %swap3A_418, %swap3A_419], %swap3A_422 {strides = array<i32>} : memref<2x1000x16xf32, #tpu.memory_space<vmem>>, vector<1x1x16xf32>,
        %scan3A_423 = arith.constant 0 : i32
        %scan3A_424 = arith.constant 1 : i32
        %scan3A_425 = arith.addi %scan3A_395, %scan3A_424 : i32
        %get3A_426 = arith.index_cast %and3A_87 : i32 to index
        %get3A_427 = arith.index_cast %scan3A_425 : i32 to index
        %get3A_428 = arith.constant 0 : index
        %get3A_429 = tpu.vector_load %arg12[%get3A_426, %get3A_427, %get3A_428] {strides = array<i32>} : memref<2x1000x16xf32, #tpu.memory_space<vmem>>, vector<1x1x16xf32>,
        %get3A_430 = vector.shape_cast %get3A_429 : vector<1x1x16xf32> to vector<16xf32>
        %get3A_431 = arith.index_cast %and3A_87 : i32 to index
        %get3A_432 = arith.index_cast %scan3A_425 : i32 to index
        %get3A_433 = arith.constant 0 : index
        %get3A_434 = tpu.vector_load %arg10[%get3A_431, %get3A_432, %get3A_433] {strides = array<i32>} : memref<2x1000x16xf32, #tpu.memory_space<vmem>>, vector<1x1x16xf32>,
        %get3A_435 = vector.shape_cast %get3A_434 : vector<1x1x16xf32> to vector<16xf32>
        %add3A_436 = arith.addf %get3A_430, %get3A_435 : vector<16xf32>
        %get3A_437 = arith.index_cast %and3A_87 : i32 to index
        %get3A_438 = arith.index_cast %scan3A_425 : i32 to index
        %get3A_439 = arith.constant 0 : index
        %get3A_440 = tpu.vector_load %arg11[%get3A_437, %get3A_438, %get3A_439] {strides = array<i32>} : memref<2x1000x16xf32, #tpu.memory_space<vmem>>, vector<1x1x16xf32>,
        %get3A_441 = vector.shape_cast %get3A_440 : vector<1x1x16xf32> to vector<16xf32>
        %add3A_442 = arith.addf %add3A_436, %get3A_441 : vector<16xf32>
        %max3A_443 = arith.constant 0.000000e+00 : f32
        %max3A_444 = vector.broadcast %max3A_443 : f32 to vector<16xf32>
        %max3A_445 = arith.maximumf %add3A_442, %max3A_444 : vector<16xf32>
        %swap3A_446 = arith.index_cast %and3A_87 : i32 to index
        %swap3A_447 = arith.index_cast %scan3A_425 : i32 to index
        %swap3A_448 = arith.constant 0 : index
        %swap3A_449 = tpu.vector_load %arg12[%swap3A_446, %swap3A_447, %swap3A_448] {strides = array<i32>} : memref<2x1000x16xf32, #tpu.memory_space<vmem>>, vector<1x1x16xf32>,
        %swap3A_450 = vector.shape_cast %swap3A_449 : vector<1x1x16xf32> to vector<16xf32>
        %swap3A_451 = vector.shape_cast %max3A_445 : vector<16xf32> to vector<1x1x16xf32>
        tpu.vector_store %arg12[%swap3A_446, %swap3A_447, %swap3A_448], %swap3A_451 {strides = array<i32>} : memref<2x1000x16xf32, #tpu.memory_space<vmem>>, vector<1x1x16xf32>,
        %scan3A_452 = arith.constant 0 : i32
        %scan3A_453 = arith.constant 2 : i32
        %scan3A_454 = arith.addi %scan3A_395, %scan3A_453 : i32
        %get3A_455 = arith.index_cast %and3A_87 : i32 to index
        %get3A_456 = arith.index_cast %scan3A_454 : i32 to index
        %get3A_457 = arith.constant 0 : index
        %get3A_458 = tpu.vector_load %arg12[%get3A_455, %get3A_456, %get3A_457] {strides = array<i32>} : memref<2x1000x16xf32, #tpu.memory_space<vmem>>, vector<1x1x16xf32>,
        %get3A_459 = vector.shape_cast %get3A_458 : vector<1x1x16xf32> to vector<16xf32>
        %get3A_460 = arith.index_cast %and3A_87 : i32 to index
        %get3A_461 = arith.index_cast %scan3A_454 : i32 to index
        %get3A_462 = arith.constant 0 : index
        %get3A_463 = tpu.vector_load %arg10[%get3A_460, %get3A_461, %get3A_462] {strides = array<i32>} : memref<2x1000x16xf32, #tpu.memory_space<vmem>>, vector<1x1x16xf32>,
        %get3A_464 = vector.shape_cast %get3A_463 : vector<1x1x16xf32> to vector<16xf32>
        %add3A_465 = arith.addf %get3A_459, %get3A_464 : vector<16xf32>
        %get3A_466 = arith.index_cast %and3A_87 : i32 to index
        %get3A_467 = arith.index_cast %scan3A_454 : i32 to index
        %get3A_468 = arith.constant 0 : index
        %get3A_469 = tpu.vector_load %arg11[%get3A_466, %get3A_467, %get3A_468] {strides = array<i32>} : memref<2x1000x16xf32, #tpu.memory_space<vmem>>, vector<1x1x16xf32>,
        %get3A_470 = vector.shape_cast %get3A_469 : vector<1x1x16xf32> to vector<16xf32>
        %add3A_471 = arith.addf %add3A_465, %get3A_470 : vector<16xf32>
        %max3A_472 = arith.constant 0.000000e+00 : f32
        %max3A_473 = vector.broadcast %max3A_472 : f32 to vector<16xf32>
        %max3A_474 = arith.maximumf %add3A_471, %max3A_473 : vector<16xf32>
        %swap3A_475 = arith.index_cast %and3A_87 : i32 to index
        %swap3A_476 = arith.index_cast %scan3A_454 : i32 to index
        %swap3A_477 = arith.constant 0 : index
        %swap3A_478 = tpu.vector_load %arg12[%swap3A_475, %swap3A_476, %swap3A_477] {strides = array<i32>} : memref<2x1000x16xf32, #tpu.memory_space<vmem>>, vector<1x1x16xf32>,
        %swap3A_479 = vector.shape_cast %swap3A_478 : vector<1x1x16xf32> to vector<16xf32>
        %swap3A_480 = vector.shape_cast %max3A_474 : vector<16xf32> to vector<1x1x16xf32>
        tpu.vector_store %arg12[%swap3A_475, %swap3A_476, %swap3A_477], %swap3A_480 {strides = array<i32>} : memref<2x1000x16xf32, #tpu.memory_space<vmem>>, vector<1x1x16xf32>,
        %scan3A_481 = arith.constant 0 : i32
        %scan3A_482 = arith.constant 3 : i32
        %scan3A_483 = arith.addi %scan3A_395, %scan3A_482 : i32
        %get3A_484 = arith.index_cast %and3A_87 : i32 to index
        %get3A_485 = arith.index_cast %scan3A_483 : i32 to index
        %get3A_486 = arith.constant 0 : index
        %get3A_487 = tpu.vector_load %arg12[%get3A_484, %get3A_485, %get3A_486] {strides = array<i32>} : memref<2x1000x16xf32, #tpu.memory_space<vmem>>, vector<1x1x16xf32>,
        %get3A_488 = vector.shape_cast %get3A_487 : vector<1x1x16xf32> to vector<16xf32>
        %get3A_489 = arith.index_cast %and3A_87 : i32 to index
        %get3A_490 = arith.index_cast %scan3A_483 : i32 to index
        %get3A_491 = arith.constant 0 : index
        %get3A_492 = tpu.vector_load %arg10[%get3A_489, %get3A_490, %get3A_491] {strides = array<i32>} : memref<2x1000x16xf32, #tpu.memory_space<vmem>>, vector<1x1x16xf32>,
        %get3A_493 = vector.shape_cast %get3A_492 : vector<1x1x16xf32> to vector<16xf32>
        %add3A_494 = arith.addf %get3A_488, %get3A_493 : vector<16xf32>
        %get3A_495 = arith.index_cast %and3A_87 : i32 to index
        %get3A_496 = arith.index_cast %scan3A_483 : i32 to index
        %get3A_497 = arith.constant 0 : index
        %get3A_498 = tpu.vector_load %arg11[%get3A_495, %get3A_496, %get3A_497] {strides = array<i32>} : memref<2x1000x16xf32, #tpu.memory_space<vmem>>, vector<1x1x16xf32>,
        %get3A_499 = vector.shape_cast %get3A_498 : vector<1x1x16xf32> to vector<16xf32>
        %add3A_500 = arith.addf %add3A_494, %get3A_499 : vector<16xf32>
        %max3A_501 = arith.constant 0.000000e+00 : f32
        %max3A_502 = vector.broadcast %max3A_501 : f32 to vector<16xf32>
        %max3A_503 = arith.maximumf %add3A_500, %max3A_502 : vector<16xf32>
        %swap3A_504 = arith.index_cast %and3A_87 : i32 to index
        %swap3A_505 = arith.index_cast %scan3A_483 : i32 to index
        %swap3A_506 = arith.constant 0 : index
        %swap3A_507 = tpu.vector_load %arg12[%swap3A_504, %swap3A_505, %swap3A_506] {strides = array<i32>} : memref<2x1000x16xf32, #tpu.memory_space<vmem>>, vector<1x1x16xf32>,
        %swap3A_508 = vector.shape_cast %swap3A_507 : vector<1x1x16xf32> to vector<16xf32>
        %swap3A_509 = vector.shape_cast %max3A_503 : vector<16xf32> to vector<1x1x16xf32>
        tpu.vector_store %arg12[%swap3A_504, %swap3A_505, %swap3A_506], %swap3A_509 {strides = array<i32>} : memref<2x1000x16xf32, #tpu.memory_space<vmem>>, vector<1x1x16xf32>,
        %scan3A_510 = arith.constant 0 : i32
        %scan3A_511 = arith.constant 4 : i32
        %scan3A_512 = arith.addi %scan3A_395, %scan3A_511 : i32
        %get3A_513 = arith.index_cast %and3A_87 : i32 to index
        %get3A_514 = arith.index_cast %scan3A_512 : i32 to index
        %get3A_515 = arith.constant 0 : index
        %get3A_516 = tpu.vector_load %arg12[%get3A_513, %get3A_514, %get3A_515] {strides = array<i32>} : memref<2x1000x16xf32, #tpu.memory_space<vmem>>, vector<1x1x16xf32>,
        %get3A_517 = vector.shape_cast %get3A_516 : vector<1x1x16xf32> to vector<16xf32>
        %get3A_518 = arith.index_cast %and3A_87 : i32 to index
        %get3A_519 = arith.index_cast %scan3A_512 : i32 to index
        %get3A_520 = arith.constant 0 : index
        %get3A_521 = tpu.vector_load %arg10[%get3A_518, %get3A_519, %get3A_520] {strides = array<i32>} : memref<2x1000x16xf32, #tpu.memory_space<vmem>>, vector<1x1x16xf32>,
        %get3A_522 = vector.shape_cast %get3A_521 : vector<1x1x16xf32> to vector<16xf32>
        %add3A_523 = arith.addf %get3A_517, %get3A_522 : vector<16xf32>
        %get3A_524 = arith.index_cast %and3A_87 : i32 to index
        %get3A_525 = arith.index_cast %scan3A_512 : i32 to index
        %get3A_526 = arith.constant 0 : index
        %get3A_527 = tpu.vector_load %arg11[%get3A_524, %get3A_525, %get3A_526] {strides = array<i32>} : memref<2x1000x16xf32, #tpu.memory_space<vmem>>, vector<1x1x16xf32>,
        %get3A_528 = vector.shape_cast %get3A_527 : vector<1x1x16xf32> to vector<16xf32>
        %add3A_529 = arith.addf %add3A_523, %get3A_528 : vector<16xf32>
        %max3A_530 = arith.constant 0.000000e+00 : f32
        %max3A_531 = vector.broadcast %max3A_530 : f32 to vector<16xf32>
        %max3A_532 = arith.maximumf %add3A_529, %max3A_531 : vector<16xf32>
        %swap3A_533 = arith.index_cast %and3A_87 : i32 to index
        %swap3A_534 = arith.index_cast %scan3A_512 : i32 to index
        %swap3A_535 = arith.constant 0 : index
        %swap3A_536 = tpu.vector_load %arg12[%swap3A_533, %swap3A_534, %swap3A_535] {strides = array<i32>} : memref<2x1000x16xf32, #tpu.memory_space<vmem>>, vector<1x1x16xf32>,
        %swap3A_537 = vector.shape_cast %swap3A_536 : vector<1x1x16xf32> to vector<16xf32>
        %swap3A_538 = vector.shape_cast %max3A_532 : vector<16xf32> to vector<1x1x16xf32>
        tpu.vector_store %arg12[%swap3A_533, %swap3A_534, %swap3A_535], %swap3A_538 {strides = array<i32>} : memref<2x1000x16xf32, #tpu.memory_space<vmem>>, vector<1x1x16xf32>,
        %scan3A_539 = arith.constant 0 : i32
        scf.yield %scan3A_539 : i32
      }
      %scan3A_352 = arith.constant 495 : i32
      %scan3A_353 = arith.addi %scan3A_347, %scan3A_352 : i32
      %get3A_354 = arith.index_cast %and3A_87 : i32 to index
      %get3A_355 = arith.index_cast %scan3A_353 : i32 to index
      %get3A_356 = arith.constant 0 : index
      %get3A_357 = tpu.vector_load %arg12[%get3A_354, %get3A_355, %get3A_356] {strides = array<i32>} : memref<2x1000x16xf32, #tpu.memory_space<vmem>>, vector<1x1x16xf32>,
      %get3A_358 = vector.shape_cast %get3A_357 : vector<1x1x16xf32> to vector<16xf32>
      %get3A_359 = arith.index_cast %and3A_87 : i32 to index
      %get3A_360 = arith.index_cast %scan3A_353 : i32 to index
      %get3A_361 = arith.constant 0 : index
      %get3A_362 = tpu.vector_load %arg10[%get3A_359, %get3A_360, %get3A_361] {strides = array<i32>} : memref<2x1000x16xf32, #tpu.memory_space<vmem>>, vector<1x1x16xf32>,
      %get3A_363 = vector.shape_cast %get3A_362 : vector<1x1x16xf32> to vector<16xf32>
      %add3A_364 = arith.addf %get3A_358, %get3A_363 : vector<16xf32>
      %get3A_365 = arith.index_cast %and3A_87 : i32 to index
      %get3A_366 = arith.index_cast %scan3A_353 : i32 to index
      %get3A_367 = arith.constant 0 : index
      %get3A_368 = tpu.vector_load %arg11[%get3A_365, %get3A_366, %get3A_367] {strides = array<i32>} : memref<2x1000x16xf32, #tpu.memory_space<vmem>>, vector<1x1x16xf32>,
      %get3A_369 = vector.shape_cast %get3A_368 : vector<1x1x16xf32> to vector<16xf32>
      %add3A_370 = arith.addf %add3A_364, %get3A_369 : vector<16xf32>
      %max3A_371 = arith.constant 0.000000e+00 : f32
      %max3A_372 = vector.broadcast %max3A_371 : f32 to vector<16xf32>
      %max3A_373 = arith.maximumf %add3A_370, %max3A_372 : vector<16xf32>
      %swap3A_374 = arith.index_cast %and3A_87 : i32 to index
      %swap3A_375 = arith.index_cast %scan3A_353 : i32 to index
      %swap3A_376 = arith.constant 0 : index
      %swap3A_377 = tpu.vector_load %arg12[%swap3A_374, %swap3A_375, %swap3A_376] {strides = array<i32>} : memref<2x1000x16xf32, #tpu.memory_space<vmem>>, vector<1x1x16xf32>,
      %swap3A_378 = vector.shape_cast %swap3A_377 : vector<1x1x16xf32> to vector<16xf32>
      %swap3A_379 = vector.shape_cast %max3A_373 : vector<16xf32> to vector<1x1x16xf32>
      tpu.vector_store %arg12[%swap3A_374, %swap3A_375, %swap3A_376], %swap3A_379 {strides = array<i32>} : memref<2x1000x16xf32, #tpu.memory_space<vmem>>, vector<1x1x16xf32>,
      %scan3A_380 = arith.constant 0 : i32
      %scan3A_381 = arith.constant 496 : i32
      %dma_start3A_382 = arith.constant 0 : i32
      %dma_start3A_383 = arith.constant 0 : i32
      %dma_start3A_384 = tpu.memref_slice %arg12[%and3A_87, %dma_start3A_382, %dma_start3A_383] : memref<2x1000x16xf32, #tpu.memory_space<vmem>> -> memref<1x1000x16xf32, #tpu.memory_space<vmem>>
      %dma_start3A_385 = tpu.memref_squeeze %dma_start3A_384 : memref<1x1000x16xf32, #tpu.memory_space<vmem>> -> memref<1000x16xf32, #tpu.memory_space<vmem>>
      %dma_start3A_386 = arith.constant 0 : i32
      %dma_start3A_387 = tpu.memref_slice %arg6[%multiple_of3A_93, %dma_start3A_386] : memref<320000x16xf32, #tpu.memory_space<hbm>> -> memref<1000x16xf32, #tpu.memory_space<hbm>>
      %dma_start3A_388 = arith.constant 0 : i32
      %dma_start3A_389 = tpu.memref_slice %arg6[%multiple_of3A_93, %dma_start3A_388] : memref<320000x16xf32, #tpu.memory_space<hbm>> -> memref<1000x16xf32, #tpu.memory_space<hbm>>
      %dma_start3A_390 = arith.constant 0 : i32
      %dma_start3A_391 = arith.constant 0 : i32
      %dma_start3A_392 = tpu.memref_slice %arg12[%and3A_87, %dma_start3A_390, %dma_start3A_391] : memref<2x1000x16xf32, #tpu.memory_space<vmem>> -> memref<1x1000x16xf32, #tpu.memory_space<vmem>>
      %dma_start3A_393 = tpu.memref_squeeze %dma_start3A_392 : memref<1x1000x16xf32, #tpu.memory_space<vmem>> -> memref<1000x16xf32, #tpu.memory_space<vmem>>
      tpu.enqueue_dma source(%dma_start3A_393 : memref<1000x16xf32, #tpu.memory_space<vmem>>) target(%dma_start3A_389 : memref<1000x16xf32, #tpu.memory_space<hbm>>) target_semaphore(%arg19 : memref<!tpu.dma_semaphore, #tpu.memory_space<semaphore_mem>>)
      "tpu.region"() ({
        %run_scoped3A_395 = tpu.sem_alloc : memref<!tpu.dma_semaphore, #tpu.memory_space<semaphore_mem>>
        %dma_start3A_396 = arith.constant 0 : i32
        %dma_start3A_397 = arith.constant 0 : i32
        %dma_start3A_398 = tpu.memref_slice %arg12[%and3A_87, %dma_start3A_396, %dma_start3A_397] : memref<2x1000x16xf32, #tpu.memory_space<vmem>> -> memref<1x1000x16xf32, #tpu.memory_space<vmem>>
        %dma_start3A_399 = tpu.memref_squeeze %dma_start3A_398 : memref<1x1000x16xf32, #tpu.memory_space<vmem>> -> memref<1000x16xf32, #tpu.memory_space<vmem>>
        %dma_start3A_400 = arith.constant 0 : i32
        %dma_start3A_401 = tpu.memref_slice %arg9[%and3A_87, %dma_start3A_400] : memref<2x1000xi32, #tpu.memory_space<vmem>> -> memref<1x1000xi32, #tpu.memory_space<vmem>>
        %dma_start3A_402 = tpu.memref_squeeze %dma_start3A_401 : memref<1x1000xi32, #tpu.memory_space<vmem>> -> memref<1000xi32, #tpu.memory_space<vmem>>
        %dma_start3A_403 = arith.constant 0 : i32
        %dma_start3A_404 = arith.constant 0 : i32
        %dma_start3A_405 = tpu.memref_slice %arg13[%dma_start3A_403, %dma_start3A_404] : memref<10000x16xf32, #tpu.memory_space<vmem_shared>> -> memref<10000x16xf32, #tpu.memory_space<vmem_shared>>
        tpu.enqueue_indirect_dma source(%dma_start3A_399 : memref<1000x16xf32, #tpu.memory_space<vmem>>) target(%dma_start3A_405 : memref<10000x16xf32, #tpu.memory_space<vmem_shared>>) offsets(%dma_start3A_402 : memref<1000xi32, #tpu.memory_space<vmem>>) semaphore(%run_scoped3A_395 : memref<!tpu.dma_semaphore, #tpu.memory_space<semaphore_mem>>) {add = true}
        %dma_wait3A_406 = arith.constant 0 : i32
        %dma_wait3A_407 = arith.constant 0 : i32
        %dma_wait3A_408 = tpu.memref_slice %arg12[%and3A_87, %dma_wait3A_406, %dma_wait3A_407] : memref<2x1000x16xf32, #tpu.memory_space<vmem>> -> memref<1x1000x16xf32, #tpu.memory_space<vmem>>
        %dma_wait3A_409 = tpu.memref_squeeze %dma_wait3A_408 : memref<1x1000x16xf32, #tpu.memory_space<vmem>> -> memref<1000x16xf32, #tpu.memory_space<vmem>>
        %dma_wait3A_410 = arith.constant 0 : i32
        %dma_wait3A_411 = tpu.memref_slice %arg9[%and3A_87, %dma_wait3A_410] : memref<2x1000xi32, #tpu.memory_space<vmem>> -> memref<1x1000xi32, #tpu.memory_space<vmem>>
        %dma_wait3A_412 = tpu.memref_squeeze %dma_wait3A_411 : memref<1x1000xi32, #tpu.memory_space<vmem>> -> memref<1000xi32, #tpu.memory_space<vmem>>
        %dma_wait3A_413 = arith.constant 0 : i32
        %dma_wait3A_414 = arith.constant 0 : i32
        %dma_wait3A_415 = tpu.memref_slice %arg13[%dma_wait3A_413, %dma_wait3A_414] : memref<10000x16xf32, #tpu.memory_space<vmem_shared>> -> memref<10000x16xf32, #tpu.memory_space<vmem_shared>>
        tpu.wait_indirect_dma semaphore(%run_scoped3A_395 : memref<!tpu.dma_semaphore, #tpu.memory_space<semaphore_mem>>) src(%dma_wait3A_409 : memref<1000x16xf32, #tpu.memory_space<vmem>>) dst(%dma_wait3A_415 : memref<10000x16xf32, #tpu.memory_space<vmem_shared>>)
        tpu.yield
      }) : () -> ()
      %scan3A_394 = arith.constant 0 : i32
      scf.yield %scan3A_394 : i32
    }
    %scan3A_58 = arith.constant 10 : i32
    %mul3A_59 = arith.constant 10000 : i32
    %mul3A_60 = arith.muli %add3A, %mul3A_59 : i32
    %add3A_61 = arith.constant 9000 : i32
    %add3A_62 = arith.addi %mul3A_60, %add3A_61 : i32
    %multiple_of3A_63 = tpu.assume_multiple %add3A_62, 8 : i32
    %dma_wait3A = arith.constant 1 : i32
    %dma_wait3A_64 = arith.constant 0 : i32
    %dma_wait3A_65 = arith.constant 0 : i32
    %dma_wait3A_66 = tpu.memref_slice %arg12[%dma_wait3A, %dma_wait3A_64, %dma_wait3A_65] : memref<2x1000x16xf32, #tpu.memory_space<vmem>> -> memref<1x1000x16xf32, #tpu.memory_space<vmem>>
    %dma_wait3A_67 = tpu.memref_squeeze %dma_wait3A_66 : memref<1x1000x16xf32, #tpu.memory_space<vmem>> -> memref<1000x16xf32, #tpu.memory_space<vmem>>
    %dma_wait3A_68 = arith.constant 0 : i32
    %dma_wait3A_69 = tpu.memref_slice %arg6[%multiple_of3A_63, %dma_wait3A_68] : memref<320000x16xf32, #tpu.memory_space<hbm>> -> memref<1000x16xf32, #tpu.memory_space<hbm>>
    %dma_wait3A_70 = arith.constant 0 : i32
    %dma_wait3A_71 = tpu.memref_slice %arg6[%multiple_of3A_63, %dma_wait3A_70] : memref<320000x16xf32, #tpu.memory_space<hbm>> -> memref<1000x16xf32, #tpu.memory_space<hbm>>
    %dma_wait3A_72 = arith.constant 0 : i32
    %dma_wait3A_73 = arith.constant 0 : i32
    %dma_wait3A_74 = tpu.memref_slice %arg12[%dma_wait3A, %dma_wait3A_72, %dma_wait3A_73] : memref<2x1000x16xf32, #tpu.memory_space<vmem>> -> memref<1x1000x16xf32, #tpu.memory_space<vmem>>
    %dma_wait3A_75 = tpu.memref_squeeze %dma_wait3A_74 : memref<1x1000x16xf32, #tpu.memory_space<vmem>> -> memref<1000x16xf32, #tpu.memory_space<vmem>>
    tpu.wait_dma2 semaphore(%arg19 : memref<!tpu.dma_semaphore, #tpu.memory_space<semaphore_mem>>) src(%dma_wait3A_75 : memref<1000x16xf32, #tpu.memory_space<vmem>>) dst(%dma_wait3A_71 : memref<1000x16xf32, #tpu.memory_space<hbm>>)
    %barrier3A_76 = arith.constant 0 : index
    tpu.barrier barrier_id(%barrier3A_76)
    %mul3A_77 = arith.constant 624 : i32
    %mul3A_78 = arith.muli %arg1, %mul3A_77 : i32
    %multiple_of3A_79 = tpu.assume_multiple %mul3A_78, 8 : i32
    "tpu.region"() ({
      %run_scoped3A_85 = tpu.sem_alloc : memref<!tpu.dma_semaphore, #tpu.memory_space<semaphore_mem>>
      %dma_start3A_86 = arith.constant 0 : i32
      %dma_start3A_87 = tpu.memref_slice %arg7[%arg0, %multiple_of3A_79, %dma_start3A_86] : memref<2x10000x16xf32, #tpu.memory_space<hbm>> -> memref<1x624x16xf32, #tpu.memory_space<hbm>>
      %dma_start3A_88 = tpu.memref_squeeze %dma_start3A_87 : memref<1x624x16xf32, #tpu.memory_space<hbm>> -> memref<624x16xf32, #tpu.memory_space<hbm>>
      %dma_start3A_89 = arith.constant 0 : i32
      %dma_start3A_90 = tpu.memref_slice %arg13[%multiple_of3A_79, %dma_start3A_89] : memref<10000x16xf32, #tpu.memory_space<vmem_shared>> -> memref<624x16xf32, #tpu.memory_space<vmem_shared>>
      tpu.enqueue_dma source(%dma_start3A_90 : memref<624x16xf32, #tpu.memory_space<vmem_shared>>) target(%dma_start3A_88 : memref<624x16xf32, #tpu.memory_space<hbm>>) target_semaphore(%run_scoped3A_85 : memref<!tpu.dma_semaphore, #tpu.memory_space<semaphore_mem>>)
      %dma_wait3A_91 = arith.constant 0 : i32
      %dma_wait3A_92 = tpu.memref_slice %arg7[%arg0, %multiple_of3A_79, %dma_wait3A_91] : memref<2x10000x16xf32, #tpu.memory_space<hbm>> -> memref<1x624x16xf32, #tpu.memory_space<hbm>>
      %dma_wait3A_93 = tpu.memref_squeeze %dma_wait3A_92 : memref<1x624x16xf32, #tpu.memory_space<hbm>> -> memref<624x16xf32, #tpu.memory_space<hbm>>
      %dma_wait3A_94 = arith.constant 0 : i32
      %dma_wait3A_95 = tpu.memref_slice %arg13[%multiple_of3A_79, %dma_wait3A_94] : memref<10000x16xf32, #tpu.memory_space<vmem_shared>> -> memref<624x16xf32, #tpu.memory_space<vmem_shared>>
      tpu.wait_dma2 semaphore(%run_scoped3A_85 : memref<!tpu.dma_semaphore, #tpu.memory_space<semaphore_mem>>) src(%dma_wait3A_95 : memref<624x16xf32, #tpu.memory_space<vmem_shared>>) dst(%dma_wait3A_93 : memref<624x16xf32, #tpu.memory_space<hbm>>)
      tpu.yield
    }) : () -> ()
    %eq3A_80 = arith.constant 15 : i32
    %eq3A_81 = arith.cmpi eq, %arg1, %eq3A_80 : i32
    %convert_element_type3A_82 = arith.extui %eq3A_81 : i1 to i32
    %cond3A_83 = arith.constant 0 : i32
    %cond3A_84 = arith.cmpi ne, %convert_element_type3A_82, %cond3A_83 : i32
    scf.if %cond3A_84 {
      "tpu.region"() ({
        %run_scoped3A_85 = tpu.sem_alloc : memref<!tpu.dma_semaphore, #tpu.memory_space<semaphore_mem>>
        %dma_start3A_86 = arith.constant 9984 : i32
        %dma_start3A_87 = arith.constant 0 : i32
        %dma_start3A_88 = tpu.memref_slice %arg7[%arg0, %dma_start3A_86, %dma_start3A_87] : memref<2x10000x16xf32, #tpu.memory_space<hbm>> -> memref<1x16x16xf32, #tpu.memory_space<hbm>>
        %dma_start3A_89 = tpu.memref_squeeze %dma_start3A_88 : memref<1x16x16xf32, #tpu.memory_space<hbm>> -> memref<16x16xf32, #tpu.memory_space<hbm>>
        %dma_start3A_90 = arith.constant 9984 : i32
        %dma_start3A_91 = arith.constant 0 : i32
        %dma_start3A_92 = tpu.memref_slice %arg13[%dma_start3A_90, %dma_start3A_91] : memref<10000x16xf32, #tpu.memory_space<vmem_shared>> -> memref<16x16xf32, #tpu.memory_space<vmem_shared>>
        tpu.enqueue_dma source(%dma_start3A_92 : memref<16x16xf32, #tpu.memory_space<vmem_shared>>) target(%dma_start3A_89 : memref<16x16xf32, #tpu.memory_space<hbm>>) target_semaphore(%run_scoped3A_85 : memref<!tpu.dma_semaphore, #tpu.memory_space<semaphore_mem>>)
        %dma_wait3A_93 = arith.constant 9984 : i32
        %dma_wait3A_94 = arith.constant 0 : i32
        %dma_wait3A_95 = tpu.memref_slice %arg7[%arg0, %dma_wait3A_93, %dma_wait3A_94] : memref<2x10000x16xf32, #tpu.memory_space<hbm>> -> memref<1x16x16xf32, #tpu.memory_space<hbm>>
        %dma_wait3A_96 = tpu.memref_squeeze %dma_wait3A_95 : memref<1x16x16xf32, #tpu.memory_space<hbm>> -> memref<16x16xf32, #tpu.memory_space<hbm>>
        %dma_wait3A_97 = arith.constant 9984 : i32
        %dma_wait3A_98 = arith.constant 0 : i32
        %dma_wait3A_99 = tpu.memref_slice %arg13[%dma_wait3A_97, %dma_wait3A_98] : memref<10000x16xf32, #tpu.memory_space<vmem_shared>> -> memref<16x16xf32, #tpu.memory_space<vmem_shared>>
        tpu.wait_dma2 semaphore(%run_scoped3A_85 : memref<!tpu.dma_semaphore, #tpu.memory_space<semaphore_mem>>) src(%dma_wait3A_99 : memref<16x16xf32, #tpu.memory_space<vmem_shared>>) dst(%dma_wait3A_96 : memref<16x16xf32, #tpu.memory_space<hbm>>)
        tpu.yield
      }) : () -> ()
    } else {
    }
    return
  }
}

module attributes {stable_mosaic.version = 14 : i64} {
  func.func @_prep_body(%arg0: i32, %arg1: memref<1000x128xf32, #tpu.memory_space<vmem>>, %arg2: memref<128x128xf32, #tpu.memory_space<vmem>>, %arg3: memref<1x128xf32, #tpu.memory_space<vmem>>, %arg4: memref<128x16xf32, #tpu.memory_space<vmem>>, %arg5: memref<128x16xf32, #tpu.memory_space<vmem>>, %arg6: memref<4000x128xf32, #tpu.memory_space<vmem>>, %arg7: memref<128x128xf32, #tpu.memory_space<vmem>>, %arg8: memref<1x128xf32, #tpu.memory_space<vmem>>, %arg9: memref<1000x128xf32, #tpu.memory_space<vmem>>, %arg10: memref<1000x16xf32, #tpu.memory_space<vmem>>, %arg11: memref<1000x16xf32, #tpu.memory_space<vmem>>, %arg12: memref<4000x128xf32, #tpu.memory_space<vmem>>) attributes {dimension_semantics = [#tpu.dimension_semantics<arbitrary>], iteration_bounds = array<i64: 10>, scalar_prefetch = 0 : i64, scratch_operands = 0 : i64, tpu.core_type = #tpu.core_type<tc>, window_params = [{transform_indices = @transform_0, window_bounds = array<i64: 1000, 128>}, {pipeline_mode = #tpu.pipeline_mode<synchronous>, transform_indices = @transform_1, window_bounds = array<i64: 128, 128>}, {pipeline_mode = #tpu.pipeline_mode<synchronous>, transform_indices = @transform_2, window_bounds = array<i64: 1, 128>}, {pipeline_mode = #tpu.pipeline_mode<synchronous>, transform_indices = @transform_3, window_bounds = array<i64: 128, 16>}, {pipeline_mode = #tpu.pipeline_mode<synchronous>, transform_indices = @transform_4, window_bounds = array<i64: 128, 16>}, {transform_indices = @transform_5, window_bounds = array<i64: 4000, 128>}, {pipeline_mode = #tpu.pipeline_mode<synchronous>, transform_indices = @transform_6, window_bounds = array<i64: 128, 128>}, {pipeline_mode = #tpu.pipeline_mode<synchronous>, transform_indices = @transform_7, window_bounds = array<i64: 1, 128>}, {transform_indices = @transform_8, window_bounds = array<i64: 1000, 128>}, {transform_indices = @transform_9, window_bounds = array<i64: 1000, 16>}, {transform_indices = @transform_10, window_bounds = array<i64: 1000, 16>}, {transform_indices = @transform_11, window_bounds = array<i64: 4000, 128>}]} {
    %get3A = arith.constant 0 : index
    %get3A_0 = arith.constant 0 : index
    %get3A_1 = vector.load %arg1[%get3A, %get3A_0] : memref<1000x128xf32, #tpu.memory_space<vmem>>, vector<1000x128xf32>
    %get3A_2 = arith.constant 0 : index
    %get3A_3 = arith.constant 0 : index
    %get3A_4 = vector.load %arg2[%get3A_2, %get3A_3] : memref<128x128xf32, #tpu.memory_space<vmem>>, vector<128x128xf32>
    %dot_general3A = arith.constant dense<0.000000e+00> : vector<1000x128xf32>
    %dot_general3A_5 = tpu.matmul %get3A_1, %get3A_4, %dot_general3A {dimension_numbers = #tpu.dot_dimension_numbers<[1], [0], [0], [1], [0, 0, 1, 1], [], []>, transpose_lhs_hint = false} : vector<1000x128xf32>, vector<128x128xf32>, vector<1000x128xf32> -> vector<1000x128xf32>
    %get3A_6 = arith.constant 0 : index
    %get3A_7 = arith.constant 0 : index
    %get3A_8 = vector.load %arg3[%get3A_6, %get3A_7] : memref<1x128xf32, #tpu.memory_space<vmem>>, vector<1x128xf32>
    %add3A = vector.broadcast %get3A_8 : vector<1x128xf32> to vector<1000x128xf32>
    %add3A_9 = arith.addf %dot_general3A_5, %add3A : vector<1000x128xf32>
    %swap3A = arith.constant 0 : index
    %swap3A_10 = arith.constant 0 : index
    %swap3A_11 = vector.load %arg9[%swap3A, %swap3A_10] : memref<1000x128xf32, #tpu.memory_space<vmem>>, vector<1000x128xf32>
    tpu.vector_store %arg9[%swap3A, %swap3A_10], %add3A_9 {strides = array<i32>} : memref<1000x128xf32, #tpu.memory_space<vmem>>, vector<1000x128xf32>,
    %get3A_12 = arith.constant 0 : index
    %get3A_13 = arith.constant 0 : index
    %get3A_14 = vector.load %arg4[%get3A_12, %get3A_13] : memref<128x16xf32, #tpu.memory_space<vmem>>, vector<128x16xf32>
    %dot_general3A_15 = arith.constant dense<0.000000e+00> : vector<1000x16xf32>
    %dot_general3A_16 = tpu.matmul %add3A_9, %get3A_14, %dot_general3A_15 {dimension_numbers = #tpu.dot_dimension_numbers<[1], [0], [0], [1], [0, 0, 1, 1], [], []>, transpose_lhs_hint = false} : vector<1000x128xf32>, vector<128x16xf32>, vector<1000x16xf32> -> vector<1000x16xf32>
    %swap3A_17 = arith.constant 0 : index
    %swap3A_18 = arith.constant 0 : index
    %swap3A_19 = vector.load %arg10[%swap3A_17, %swap3A_18] : memref<1000x16xf32, #tpu.memory_space<vmem>>, vector<1000x16xf32>
    tpu.vector_store %arg10[%swap3A_17, %swap3A_18], %dot_general3A_16 {strides = array<i32>} : memref<1000x16xf32, #tpu.memory_space<vmem>>, vector<1000x16xf32>,
    %get3A_20 = arith.constant 0 : index
    %get3A_21 = arith.constant 0 : index
    %get3A_22 = vector.load %arg5[%get3A_20, %get3A_21] : memref<128x16xf32, #tpu.memory_space<vmem>>, vector<128x16xf32>
    %dot_general3A_23 = arith.constant dense<0.000000e+00> : vector<1000x16xf32>
    %dot_general3A_24 = tpu.matmul %add3A_9, %get3A_22, %dot_general3A_23 {dimension_numbers = #tpu.dot_dimension_numbers<[1], [0], [0], [1], [0, 0, 1, 1], [], []>, transpose_lhs_hint = false} : vector<1000x128xf32>, vector<128x16xf32>, vector<1000x16xf32> -> vector<1000x16xf32>
    %swap3A_25 = arith.constant 0 : index
    %swap3A_26 = arith.constant 0 : index
    %swap3A_27 = vector.load %arg11[%swap3A_25, %swap3A_26] : memref<1000x16xf32, #tpu.memory_space<vmem>>, vector<1000x16xf32>
    tpu.vector_store %arg11[%swap3A_25, %swap3A_26], %dot_general3A_24 {strides = array<i32>} : memref<1000x16xf32, #tpu.memory_space<vmem>>, vector<1000x16xf32>,
    %get3A_28 = arith.constant 0 : index
    %get3A_29 = arith.constant 0 : index
    %get3A_30 = vector.load %arg6[%get3A_28, %get3A_29] : memref<4000x128xf32, #tpu.memory_space<vmem>>, vector<4000x128xf32>
    %get3A_31 = arith.constant 0 : index
    %get3A_32 = arith.constant 0 : index
    %get3A_33 = vector.load %arg7[%get3A_31, %get3A_32] : memref<128x128xf32, #tpu.memory_space<vmem>>, vector<128x128xf32>
    %dot_general3A_34 = arith.constant dense<0.000000e+00> : vector<4000x128xf32>
    %dot_general3A_35 = tpu.matmul %get3A_30, %get3A_33, %dot_general3A_34 {dimension_numbers = #tpu.dot_dimension_numbers<[1], [0], [0], [1], [0, 0, 1, 1], [], []>, transpose_lhs_hint = false} : vector<4000x128xf32>, vector<128x128xf32>, vector<4000x128xf32> -> vector<4000x128xf32>
    %get3A_36 = arith.constant 0 : index
    %get3A_37 = arith.constant 0 : index
    %get3A_38 = vector.load %arg8[%get3A_36, %get3A_37] : memref<1x128xf32, #tpu.memory_space<vmem>>, vector<1x128xf32>
    %add3A_39 = vector.broadcast %get3A_38 : vector<1x128xf32> to vector<4000x128xf32>
    %add3A_40 = arith.addf %dot_general3A_35, %add3A_39 : vector<4000x128xf32>
    %swap3A_41 = arith.constant 0 : index
    %swap3A_42 = arith.constant 0 : index
    %swap3A_43 = vector.load %arg12[%swap3A_41, %swap3A_42] : memref<4000x128xf32, #tpu.memory_space<vmem>>, vector<4000x128xf32>
    tpu.vector_store %arg12[%swap3A_41, %swap3A_42], %add3A_40 {strides = array<i32>} : memref<4000x128xf32, #tpu.memory_space<vmem>>, vector<4000x128xf32>,
    return
  }
  func.func @transform_0(%arg0: i32) -> (i32, i32) {
    %c0_i32 = arith.constant 0 : i32
    %c0_i32_0 = arith.constant 0 : i32
    return %arg0, %c0_i32 : i32, i32
  }
  func.func @transform_1(%arg0: i32) -> (i32, i32) {
    %c0_i32 = arith.constant 0 : i32
    %c0_i32_0 = arith.constant 0 : i32
    %c0_i32_1 = arith.constant 0 : i32
    return %c0_i32, %c0_i32_0 : i32, i32
  }
  func.func @transform_2(%arg0: i32) -> (i32, i32) {
    %c0_i32 = arith.constant 0 : i32
    %c0_i32_0 = arith.constant 0 : i32
    %c0_i32_1 = arith.constant 0 : i32
    return %c0_i32, %c0_i32_0 : i32, i32
  }
  func.func @transform_3(%arg0: i32) -> (i32, i32) {
    %c0_i32 = arith.constant 0 : i32
    %c0_i32_0 = arith.constant 0 : i32
    %c0_i32_1 = arith.constant 0 : i32
    return %c0_i32, %c0_i32_0 : i32, i32
  }
  func.func @transform_4(%arg0: i32) -> (i32, i32) {
    %c0_i32 = arith.constant 0 : i32
    %c0_i32_0 = arith.constant 0 : i32
    %c0_i32_1 = arith.constant 0 : i32
    return %c0_i32, %c0_i32_0 : i32, i32
  }
  func.func @transform_5(%arg0: i32) -> (i32, i32) {
    %c0_i32 = arith.constant 0 : i32
    %c0_i32_0 = arith.constant 0 : i32
    return %arg0, %c0_i32 : i32, i32
  }
  func.func @transform_6(%arg0: i32) -> (i32, i32) {
    %c0_i32 = arith.constant 0 : i32
    %c0_i32_0 = arith.constant 0 : i32
    %c0_i32_1 = arith.constant 0 : i32
    return %c0_i32, %c0_i32_0 : i32, i32
  }
  func.func @transform_7(%arg0: i32) -> (i32, i32) {
    %c0_i32 = arith.constant 0 : i32
    %c0_i32_0 = arith.constant 0 : i32
    %c0_i32_1 = arith.constant 0 : i32
    return %c0_i32, %c0_i32_0 : i32, i32
  }
  func.func @transform_8(%arg0: i32) -> (i32, i32) {
    %c0_i32 = arith.constant 0 : i32
    %c0_i32_0 = arith.constant 0 : i32
    return %arg0, %c0_i32 : i32, i32
  }
  func.func @transform_9(%arg0: i32) -> (i32, i32) {
    %c0_i32 = arith.constant 0 : i32
    %c0_i32_0 = arith.constant 0 : i32
    return %arg0, %c0_i32 : i32, i32
  }
  func.func @transform_10(%arg0: i32) -> (i32, i32) {
    %c0_i32 = arith.constant 0 : i32
    %c0_i32_0 = arith.constant 0 : i32
    return %arg0, %c0_i32 : i32, i32
  }
  func.func @transform_11(%arg0: i32) -> (i32, i32) {
    %c0_i32 = arith.constant 0 : i32
    %c0_i32_0 = arith.constant 0 : i32
    return %arg0, %c0_i32 : i32, i32
  }
}

module attributes {stable_mosaic.version = 14 : i64} {
  func.func @_node_update_body(%arg0: i32, %arg1: memref<1000x128xf32, #tpu.memory_space<vmem>>, %arg2: memref<1000x16xf32, #tpu.memory_space<vmem>>, %arg3: memref<1000x16xf32, #tpu.memory_space<vmem>>, %arg4: memref<128x128xf32, #tpu.memory_space<vmem>>, %arg5: memref<16x128xf32, #tpu.memory_space<vmem>>, %arg6: memref<1x128xf32, #tpu.memory_space<vmem>>, %arg7: memref<128x16xf32, #tpu.memory_space<vmem>>, %arg8: memref<128x16xf32, #tpu.memory_space<vmem>>, %arg9: memref<4000x128xf32, #tpu.memory_space<vmem>>, %arg10: memref<128x128xf32, #tpu.memory_space<vmem>>, %arg11: memref<1x128xf32, #tpu.memory_space<vmem>>, %arg12: memref<1000x128xf32, #tpu.memory_space<vmem>>, %arg13: memref<1000x16xf32, #tpu.memory_space<vmem>>, %arg14: memref<1000x16xf32, #tpu.memory_space<vmem>>, %arg15: memref<4000x128xf32, #tpu.memory_space<vmem>>) attributes {dimension_semantics = [#tpu.dimension_semantics<arbitrary>], iteration_bounds = array<i64: 10>, scalar_prefetch = 0 : i64, scratch_operands = 0 : i64, tpu.core_type = #tpu.core_type<tc>, window_params = [{transform_indices = @transform_0, window_bounds = array<i64: 1000, 128>}, {transform_indices = @transform_1, window_bounds = array<i64: 1000, 16>}, {transform_indices = @transform_2, window_bounds = array<i64: 1000, 16>}, {pipeline_mode = #tpu.pipeline_mode<synchronous>, transform_indices = @transform_3, window_bounds = array<i64: 128, 128>}, {pipeline_mode = #tpu.pipeline_mode<synchronous>, transform_indices = @transform_4, window_bounds = array<i64: 16, 128>}, {pipeline_mode = #tpu.pipeline_mode<synchronous>, transform_indices = @transform_5, window_bounds = array<i64: 1, 128>}, {pipeline_mode = #tpu.pipeline_mode<synchronous>, transform_indices = @transform_6, window_bounds = array<i64: 128, 16>}, {pipeline_mode = #tpu.pipeline_mode<synchronous>, transform_indices = @transform_7, window_bounds = array<i64: 128, 16>}, {transform_indices = @transform_8, window_bounds = array<i64: 4000, 128>}, {pipeline_mode = #tpu.pipeline_mode<synchronous>, transform_indices = @transform_9, window_bounds = array<i64: 128, 128>}, {pipeline_mode = #tpu.pipeline_mode<synchronous>, transform_indices = @transform_10, window_bounds = array<i64: 1, 128>}, {transform_indices = @transform_11, window_bounds = array<i64: 1000, 128>}, {transform_indices = @transform_12, window_bounds = array<i64: 1000, 16>}, {transform_indices = @transform_13, window_bounds = array<i64: 1000, 16>}, {transform_indices = @transform_14, window_bounds = array<i64: 4000, 128>}]} {
    %get3A = arith.constant 0 : index
    %get3A_0 = arith.constant 0 : index
    %get3A_1 = vector.load %arg2[%get3A, %get3A_0] : memref<1000x16xf32, #tpu.memory_space<vmem>>, vector<1000x16xf32>
    %get3A_2 = arith.constant 0 : index
    %get3A_3 = arith.constant 0 : index
    %get3A_4 = vector.load %arg3[%get3A_2, %get3A_3] : memref<1000x16xf32, #tpu.memory_space<vmem>>, vector<1000x16xf32>
    %add3A = arith.addf %get3A_1, %get3A_4 : vector<1000x16xf32>
    %get3A_5 = arith.constant 0 : index
    %get3A_6 = arith.constant 0 : index
    %get3A_7 = vector.load %arg1[%get3A_5, %get3A_6] : memref<1000x128xf32, #tpu.memory_space<vmem>>, vector<1000x128xf32>
    %get3A_8 = arith.constant 0 : index
    %get3A_9 = arith.constant 0 : index
    %get3A_10 = vector.load %arg4[%get3A_8, %get3A_9] : memref<128x128xf32, #tpu.memory_space<vmem>>, vector<128x128xf32>
    %dot_general3A = arith.constant dense<0.000000e+00> : vector<1000x128xf32>
    %dot_general3A_11 = tpu.matmul %get3A_7, %get3A_10, %dot_general3A {dimension_numbers = #tpu.dot_dimension_numbers<[1], [0], [0], [1], [0, 0, 1, 1], [], []>, transpose_lhs_hint = false} : vector<1000x128xf32>, vector<128x128xf32>, vector<1000x128xf32> -> vector<1000x128xf32>
    %get3A_12 = arith.constant 0 : index
    %get3A_13 = arith.constant 0 : index
    %get3A_14 = vector.load %arg5[%get3A_12, %get3A_13] : memref<16x128xf32, #tpu.memory_space<vmem>>, vector<16x128xf32>
    %dot_general3A_15 = arith.constant dense<0.000000e+00> : vector<1000x128xf32>
    %dot_general3A_16 = tpu.matmul %add3A, %get3A_14, %dot_general3A_15 {dimension_numbers = #tpu.dot_dimension_numbers<[1], [0], [0], [1], [0, 0, 1, 1], [], []>, transpose_lhs_hint = false} : vector<1000x16xf32>, vector<16x128xf32>, vector<1000x128xf32> -> vector<1000x128xf32>
    %add3A_17 = arith.addf %dot_general3A_11, %dot_general3A_16 : vector<1000x128xf32>
    %get3A_18 = arith.constant 0 : index
    %get3A_19 = arith.constant 0 : index
    %get3A_20 = vector.load %arg6[%get3A_18, %get3A_19] : memref<1x128xf32, #tpu.memory_space<vmem>>, vector<1x128xf32>
    %add3A_21 = vector.broadcast %get3A_20 : vector<1x128xf32> to vector<1000x128xf32>
    %add3A_22 = arith.addf %add3A_17, %add3A_21 : vector<1000x128xf32>
    %max3A = arith.constant 0.000000e+00 : f32
    %max3A_23 = vector.broadcast %max3A : f32 to vector<1000x128xf32>
    %max3A_24 = arith.maximumf %add3A_22, %max3A_23 : vector<1000x128xf32>
    %swap3A = arith.constant 0 : index
    %swap3A_25 = arith.constant 0 : index
    %swap3A_26 = vector.load %arg12[%swap3A, %swap3A_25] : memref<1000x128xf32, #tpu.memory_space<vmem>>, vector<1000x128xf32>
    tpu.vector_store %arg12[%swap3A, %swap3A_25], %max3A_24 {strides = array<i32>} : memref<1000x128xf32, #tpu.memory_space<vmem>>, vector<1000x128xf32>,
    %get3A_27 = arith.constant 0 : index
    %get3A_28 = arith.constant 0 : index
    %get3A_29 = vector.load %arg7[%get3A_27, %get3A_28] : memref<128x16xf32, #tpu.memory_space<vmem>>, vector<128x16xf32>
    %dot_general3A_30 = arith.constant dense<0.000000e+00> : vector<1000x16xf32>
    %dot_general3A_31 = tpu.matmul %max3A_24, %get3A_29, %dot_general3A_30 {dimension_numbers = #tpu.dot_dimension_numbers<[1], [0], [0], [1], [0, 0, 1, 1], [], []>, transpose_lhs_hint = false} : vector<1000x128xf32>, vector<128x16xf32>, vector<1000x16xf32> -> vector<1000x16xf32>
    %swap3A_32 = arith.constant 0 : index
    %swap3A_33 = arith.constant 0 : index
    %swap3A_34 = vector.load %arg13[%swap3A_32, %swap3A_33] : memref<1000x16xf32, #tpu.memory_space<vmem>>, vector<1000x16xf32>
    tpu.vector_store %arg13[%swap3A_32, %swap3A_33], %dot_general3A_31 {strides = array<i32>} : memref<1000x16xf32, #tpu.memory_space<vmem>>, vector<1000x16xf32>,
    %get3A_35 = arith.constant 0 : index
    %get3A_36 = arith.constant 0 : index
    %get3A_37 = vector.load %arg8[%get3A_35, %get3A_36] : memref<128x16xf32, #tpu.memory_space<vmem>>, vector<128x16xf32>
    %dot_general3A_38 = arith.constant dense<0.000000e+00> : vector<1000x16xf32>
    %dot_general3A_39 = tpu.matmul %max3A_24, %get3A_37, %dot_general3A_38 {dimension_numbers = #tpu.dot_dimension_numbers<[1], [0], [0], [1], [0, 0, 1, 1], [], []>, transpose_lhs_hint = false} : vector<1000x128xf32>, vector<128x16xf32>, vector<1000x16xf32> -> vector<1000x16xf32>
    %swap3A_40 = arith.constant 0 : index
    %swap3A_41 = arith.constant 0 : index
    %swap3A_42 = vector.load %arg14[%swap3A_40, %swap3A_41] : memref<1000x16xf32, #tpu.memory_space<vmem>>, vector<1000x16xf32>
    tpu.vector_store %arg14[%swap3A_40, %swap3A_41], %dot_general3A_39 {strides = array<i32>} : memref<1000x16xf32, #tpu.memory_space<vmem>>, vector<1000x16xf32>,
    %get3A_43 = arith.constant 0 : index
    %get3A_44 = arith.constant 0 : index
    %get3A_45 = vector.load %arg9[%get3A_43, %get3A_44] : memref<4000x128xf32, #tpu.memory_space<vmem>>, vector<4000x128xf32>
    %get3A_46 = arith.constant 0 : index
    %get3A_47 = arith.constant 0 : index
    %get3A_48 = vector.load %arg10[%get3A_46, %get3A_47] : memref<128x128xf32, #tpu.memory_space<vmem>>, vector<128x128xf32>
    %dot_general3A_49 = arith.constant dense<0.000000e+00> : vector<4000x128xf32>
    %dot_general3A_50 = tpu.matmul %get3A_45, %get3A_48, %dot_general3A_49 {dimension_numbers = #tpu.dot_dimension_numbers<[1], [0], [0], [1], [0, 0, 1, 1], [], []>, transpose_lhs_hint = false} : vector<4000x128xf32>, vector<128x128xf32>, vector<4000x128xf32> -> vector<4000x128xf32>
    %get3A_51 = arith.constant 0 : index
    %get3A_52 = arith.constant 0 : index
    %get3A_53 = vector.load %arg11[%get3A_51, %get3A_52] : memref<1x128xf32, #tpu.memory_space<vmem>>, vector<1x128xf32>
    %add3A_54 = vector.broadcast %get3A_53 : vector<1x128xf32> to vector<4000x128xf32>
    %add3A_55 = arith.addf %dot_general3A_50, %add3A_54 : vector<4000x128xf32>
    %swap3A_56 = arith.constant 0 : index
    %swap3A_57 = arith.constant 0 : index
    %swap3A_58 = vector.load %arg15[%swap3A_56, %swap3A_57] : memref<4000x128xf32, #tpu.memory_space<vmem>>, vector<4000x128xf32>
    tpu.vector_store %arg15[%swap3A_56, %swap3A_57], %add3A_55 {strides = array<i32>} : memref<4000x128xf32, #tpu.memory_space<vmem>>, vector<4000x128xf32>,
    return
  }
  func.func @transform_0(%arg0: i32) -> (i32, i32) {
    %c0_i32 = arith.constant 0 : i32
    %c0_i32_0 = arith.constant 0 : i32
    return %arg0, %c0_i32 : i32, i32
  }
  func.func @transform_1(%arg0: i32) -> (i32, i32) {
    %c0_i32 = arith.constant 0 : i32
    %c0_i32_0 = arith.constant 0 : i32
    return %arg0, %c0_i32 : i32, i32
  }
  func.func @transform_2(%arg0: i32) -> (i32, i32) {
    %c0_i32 = arith.constant 0 : i32
    %c0_i32_0 = arith.constant 0 : i32
    return %arg0, %c0_i32 : i32, i32
  }
  func.func @transform_3(%arg0: i32) -> (i32, i32) {
    %c0_i32 = arith.constant 0 : i32
    %c0_i32_0 = arith.constant 0 : i32
    %c0_i32_1 = arith.constant 0 : i32
    return %c0_i32, %c0_i32_0 : i32, i32
  }
  func.func @transform_4(%arg0: i32) -> (i32, i32) {
    %c0_i32 = arith.constant 0 : i32
    %c0_i32_0 = arith.constant 0 : i32
    %c0_i32_1 = arith.constant 0 : i32
    return %c0_i32, %c0_i32_0 : i32, i32
  }
  func.func @transform_5(%arg0: i32) -> (i32, i32) {
    %c0_i32 = arith.constant 0 : i32
    %c0_i32_0 = arith.constant 0 : i32
    %c0_i32_1 = arith.constant 0 : i32
    return %c0_i32, %c0_i32_0 : i32, i32
  }
  func.func @transform_6(%arg0: i32) -> (i32, i32) {
    %c0_i32 = arith.constant 0 : i32
    %c0_i32_0 = arith.constant 0 : i32
    %c0_i32_1 = arith.constant 0 : i32
    return %c0_i32, %c0_i32_0 : i32, i32
  }
  func.func @transform_7(%arg0: i32) -> (i32, i32) {
    %c0_i32 = arith.constant 0 : i32
    %c0_i32_0 = arith.constant 0 : i32
    %c0_i32_1 = arith.constant 0 : i32
    return %c0_i32, %c0_i32_0 : i32, i32
  }
  func.func @transform_8(%arg0: i32) -> (i32, i32) {
    %c0_i32 = arith.constant 0 : i32
    %c0_i32_0 = arith.constant 0 : i32
    return %arg0, %c0_i32 : i32, i32
  }
  func.func @transform_9(%arg0: i32) -> (i32, i32) {
    %c0_i32 = arith.constant 0 : i32
    %c0_i32_0 = arith.constant 0 : i32
    %c0_i32_1 = arith.constant 0 : i32
    return %c0_i32, %c0_i32_0 : i32, i32
  }
  func.func @transform_10(%arg0: i32) -> (i32, i32) {
    %c0_i32 = arith.constant 0 : i32
    %c0_i32_0 = arith.constant 0 : i32
    %c0_i32_1 = arith.constant 0 : i32
    return %c0_i32, %c0_i32_0 : i32, i32
  }
  func.func @transform_11(%arg0: i32) -> (i32, i32) {
    %c0_i32 = arith.constant 0 : i32
    %c0_i32_0 = arith.constant 0 : i32
    return %arg0, %c0_i32 : i32, i32
  }
  func.func @transform_12(%arg0: i32) -> (i32, i32) {
    %c0_i32 = arith.constant 0 : i32
    %c0_i32_0 = arith.constant 0 : i32
    return %arg0, %c0_i32 : i32, i32
  }
  func.func @transform_13(%arg0: i32) -> (i32, i32) {
    %c0_i32 = arith.constant 0 : i32
    %c0_i32_0 = arith.constant 0 : i32
    return %arg0, %c0_i32 : i32, i32
  }
  func.func @transform_14(%arg0: i32) -> (i32, i32) {
    %c0_i32 = arith.constant 0 : i32
    %c0_i32_0 = arith.constant 0 : i32
    return %arg0, %c0_i32 : i32, i32
  }
}

module attributes {stable_mosaic.version = 14 : i64} {
  func.func @_readout_body(%arg0: i32, %arg1: memref<1000x128xf32, #tpu.memory_space<vmem>>, %arg2: memref<1000x16xf32, #tpu.memory_space<vmem>>, %arg3: memref<1000x16xf32, #tpu.memory_space<vmem>>, %arg4: memref<1x1x1000xi32, #tpu.memory_space<vmem>>, %arg5: memref<128x128xf32, #tpu.memory_space<vmem>>, %arg6: memref<16x128xf32, #tpu.memory_space<vmem>>, %arg7: memref<1x128xf32, #tpu.memory_space<vmem>>, %arg8: memref<128x128xf32, #tpu.memory_space<vmem>>, %arg9: memref<1x128xf32, #tpu.memory_space<vmem>>, %arg10: memref<128x256xf32, #tpu.memory_space<vmem>>, %arg11: memref<128x256xf32, #tpu.memory_space<vmem>>, %arg12: memref<128x128xf32, #tpu.memory_space<vmem>>) attributes {dimension_semantics = [#tpu.dimension_semantics<arbitrary>], iteration_bounds = array<i64: 10>, scalar_prefetch = 0 : i64, scratch_operands = 1 : i64, tpu.core_type = #tpu.core_type<tc>, window_params = [{transform_indices = @transform_0, window_bounds = array<i64: 1000, 128>}, {transform_indices = @transform_1, window_bounds = array<i64: 1000, 16>}, {transform_indices = @transform_2, window_bounds = array<i64: 1000, 16>}, {transform_indices = @transform_3, window_bounds = array<i64: 1, 1, 1000>}, {pipeline_mode = #tpu.pipeline_mode<synchronous>, transform_indices = @transform_4, window_bounds = array<i64: 128, 128>}, {pipeline_mode = #tpu.pipeline_mode<synchronous>, transform_indices = @transform_5, window_bounds = array<i64: 16, 128>}, {pipeline_mode = #tpu.pipeline_mode<synchronous>, transform_indices = @transform_6, window_bounds = array<i64: 1, 128>}, {pipeline_mode = #tpu.pipeline_mode<synchronous>, transform_indices = @transform_7, window_bounds = array<i64: 128, 128>}, {pipeline_mode = #tpu.pipeline_mode<synchronous>, transform_indices = @transform_8, window_bounds = array<i64: 1, 128>}, {pipeline_mode = #tpu.pipeline_mode<synchronous>, transform_indices = @transform_9, window_bounds = array<i64: 128, 256>}, {pipeline_mode = #tpu.pipeline_mode<synchronous>, transform_indices = @transform_10, window_bounds = array<i64: 128, 256>}]} {
    %eq3A = arith.constant 0 : i32
    %eq3A_0 = arith.cmpi eq, %arg0, %eq3A : i32
    %convert_element_type3A = arith.extui %eq3A_0 : i1 to i32
    %cond3A = arith.constant 0 : i32
    %cond3A_1 = arith.cmpi ne, %convert_element_type3A, %cond3A : i32
    scf.if %cond3A_1 {
      %broadcast_in_dim3A = arith.constant 0.000000e+00 : f32
      %broadcast_in_dim3A_48 = vector.broadcast %broadcast_in_dim3A : f32 to vector<128x128xf32>
      %swap3A_49 = arith.constant 0 : index
      %swap3A_50 = arith.constant 0 : index
      %swap3A_51 = vector.load %arg12[%swap3A_49, %swap3A_50] : memref<128x128xf32, #tpu.memory_space<vmem>>, vector<128x128xf32>
      tpu.vector_store %arg12[%swap3A_49, %swap3A_50], %broadcast_in_dim3A_48 {strides = array<i32>} : memref<128x128xf32, #tpu.memory_space<vmem>>, vector<128x128xf32>,
    } else {
    }
    %get3A = arith.constant 0 : index
    %get3A_2 = arith.constant 0 : index
    %get3A_3 = vector.load %arg2[%get3A, %get3A_2] : memref<1000x16xf32, #tpu.memory_space<vmem>>, vector<1000x16xf32>
    %get3A_4 = arith.constant 0 : index
    %get3A_5 = arith.constant 0 : index
    %get3A_6 = vector.load %arg3[%get3A_4, %get3A_5] : memref<1000x16xf32, #tpu.memory_space<vmem>>, vector<1000x16xf32>
    %add3A = arith.addf %get3A_3, %get3A_6 : vector<1000x16xf32>
    %get3A_7 = arith.constant 0 : index
    %get3A_8 = arith.constant 0 : index
    %get3A_9 = vector.load %arg1[%get3A_7, %get3A_8] : memref<1000x128xf32, #tpu.memory_space<vmem>>, vector<1000x128xf32>
    %get3A_10 = arith.constant 0 : index
    %get3A_11 = arith.constant 0 : index
    %get3A_12 = vector.load %arg5[%get3A_10, %get3A_11] : memref<128x128xf32, #tpu.memory_space<vmem>>, vector<128x128xf32>
    %dot_general3A = arith.constant dense<0.000000e+00> : vector<1000x128xf32>
    %dot_general3A_13 = tpu.matmul %get3A_9, %get3A_12, %dot_general3A {dimension_numbers = #tpu.dot_dimension_numbers<[1], [0], [0], [1], [0, 0, 1, 1], [], []>, transpose_lhs_hint = false} : vector<1000x128xf32>, vector<128x128xf32>, vector<1000x128xf32> -> vector<1000x128xf32>
    %get3A_14 = arith.constant 0 : index
    %get3A_15 = arith.constant 0 : index
    %get3A_16 = vector.load %arg6[%get3A_14, %get3A_15] : memref<16x128xf32, #tpu.memory_space<vmem>>, vector<16x128xf32>
    %dot_general3A_17 = arith.constant dense<0.000000e+00> : vector<1000x128xf32>
    %dot_general3A_18 = tpu.matmul %add3A, %get3A_16, %dot_general3A_17 {dimension_numbers = #tpu.dot_dimension_numbers<[1], [0], [0], [1], [0, 0, 1, 1], [], []>, transpose_lhs_hint = false} : vector<1000x16xf32>, vector<16x128xf32>, vector<1000x128xf32> -> vector<1000x128xf32>
    %add3A_19 = arith.addf %dot_general3A_13, %dot_general3A_18 : vector<1000x128xf32>
    %get3A_20 = arith.constant 0 : index
    %get3A_21 = arith.constant 0 : index
    %get3A_22 = vector.load %arg7[%get3A_20, %get3A_21] : memref<1x128xf32, #tpu.memory_space<vmem>>, vector<1x128xf32>
    %add3A_23 = vector.broadcast %get3A_22 : vector<1x128xf32> to vector<1000x128xf32>
    %add3A_24 = arith.addf %add3A_19, %add3A_23 : vector<1000x128xf32>
    %max3A = arith.constant 0.000000e+00 : f32
    %max3A_25 = vector.broadcast %max3A : f32 to vector<1000x128xf32>
    %max3A_26 = arith.maximumf %add3A_24, %max3A_25 : vector<1000x128xf32>
    %get3A_27 = arith.constant 0 : index
    %get3A_28 = arith.constant 0 : index
    %get3A_29 = arith.constant 0 : index
    %get3A_30 = vector.load %arg4[%get3A_27, %get3A_28, %get3A_29] : memref<1x1x1000xi32, #tpu.memory_space<vmem>>, vector<1x1x1000xi32>
    %reshape3A = vector.shape_cast %get3A_30 : vector<1x1x1000xi32> to vector<1x1000xi32>
    %iota3A = tpu.iota {dimensions = array<i32: 0>} : vector<128x1000xi32>
    %eq3A_31 = vector.broadcast %reshape3A : vector<1x1000xi32> to vector<128x1000xi32>
    %eq3A_32 = arith.cmpi eq, %iota3A, %eq3A_31 : vector<128x1000xi32>
    %convert_element_type3A_33 = arith.extui %eq3A_32 : vector<128x1000xi1> to vector<128x1000xi32>
    %convert_element_type3A_34 = arith.sitofp %convert_element_type3A_33 : vector<128x1000xi32> to vector<128x1000xf32>
    %get3A_35 = arith.constant 0 : index
    %get3A_36 = arith.constant 0 : index
    %get3A_37 = vector.load %arg12[%get3A_35, %get3A_36] : memref<128x128xf32, #tpu.memory_space<vmem>>, vector<128x128xf32>
    %dot_general3A_38 = arith.constant dense<0.000000e+00> : vector<128x128xf32>
    %dot_general3A_39 = tpu.matmul %convert_element_type3A_34, %max3A_26, %dot_general3A_38 {dimension_numbers = #tpu.dot_dimension_numbers<[1], [0], [0], [1], [0, 0, 1, 1], [], []>, transpose_lhs_hint = false} : vector<128x1000xf32>, vector<1000x128xf32>, vector<128x128xf32> -> vector<128x128xf32>
    %add3A_40 = arith.addf %get3A_37, %dot_general3A_39 : vector<128x128xf32>
    %swap3A = arith.constant 0 : index
    %swap3A_41 = arith.constant 0 : index
    %swap3A_42 = vector.load %arg12[%swap3A, %swap3A_41] : memref<128x128xf32, #tpu.memory_space<vmem>>, vector<128x128xf32>
    tpu.vector_store %arg12[%swap3A, %swap3A_41], %add3A_40 {strides = array<i32>} : memref<128x128xf32, #tpu.memory_space<vmem>>, vector<128x128xf32>,
    %eq3A_43 = arith.constant 9 : i32
    %eq3A_44 = arith.cmpi eq, %arg0, %eq3A_43 : i32
    %convert_element_type3A_45 = arith.extui %eq3A_44 : i1 to i32
    %cond3A_46 = arith.constant 0 : i32
    %cond3A_47 = arith.cmpi ne, %convert_element_type3A_45, %cond3A_46 : i32
    scf.if %cond3A_47 {
      %get3A_48 = arith.constant 0 : index
      %get3A_49 = arith.constant 0 : index
      %get3A_50 = vector.load %arg12[%get3A_48, %get3A_49] : memref<128x128xf32, #tpu.memory_space<vmem>>, vector<128x128xf32>
      %get3A_51 = arith.constant 0 : index
      %get3A_52 = arith.constant 0 : index
      %get3A_53 = vector.load %arg8[%get3A_51, %get3A_52] : memref<128x128xf32, #tpu.memory_space<vmem>>, vector<128x128xf32>
      %dot_general3A_54 = arith.constant dense<0.000000e+00> : vector<128x128xf32>
      %dot_general3A_55 = tpu.matmul %get3A_50, %get3A_53, %dot_general3A_54 {dimension_numbers = #tpu.dot_dimension_numbers<[1], [0], [0], [1], [0, 0, 1, 1], [], []>, transpose_lhs_hint = false} : vector<128x128xf32>, vector<128x128xf32>, vector<128x128xf32> -> vector<128x128xf32>
      %get3A_56 = arith.constant 0 : index
      %get3A_57 = arith.constant 0 : index
      %get3A_58 = vector.load %arg9[%get3A_56, %get3A_57] : memref<1x128xf32, #tpu.memory_space<vmem>>, vector<1x128xf32>
      %add3A_59 = vector.broadcast %get3A_58 : vector<1x128xf32> to vector<128x128xf32>
      %add3A_60 = arith.addf %dot_general3A_55, %add3A_59 : vector<128x128xf32>
      %max3A_61 = arith.constant 0.000000e+00 : f32
      %max3A_62 = vector.broadcast %max3A_61 : f32 to vector<128x128xf32>
      %max3A_63 = arith.maximumf %add3A_60, %max3A_62 : vector<128x128xf32>
      %get3A_64 = arith.constant 0 : index
      %get3A_65 = arith.constant 0 : index
      %get3A_66 = vector.load %arg10[%get3A_64, %get3A_65] : memref<128x256xf32, #tpu.memory_space<vmem>>, vector<128x256xf32>
      %dot_general3A_67 = arith.constant dense<0.000000e+00> : vector<128x256xf32>
      %dot_general3A_68 = tpu.matmul %max3A_63, %get3A_66, %dot_general3A_67 {dimension_numbers = #tpu.dot_dimension_numbers<[1], [0], [0], [1], [0, 0, 1, 1], [], []>, transpose_lhs_hint = false} : vector<128x128xf32>, vector<128x256xf32>, vector<128x256xf32> -> vector<128x256xf32>
      %swap3A_69 = arith.constant 0 : index
      %swap3A_70 = arith.constant 0 : index
      %swap3A_71 = vector.load %arg11[%swap3A_69, %swap3A_70] : memref<128x256xf32, #tpu.memory_space<vmem>>, vector<128x256xf32>
      tpu.vector_store %arg11[%swap3A_69, %swap3A_70], %dot_general3A_68 {strides = array<i32>} : memref<128x256xf32, #tpu.memory_space<vmem>>, vector<128x256xf32>,
    } else {
    }
    return
  }
  func.func @transform_0(%arg0: i32) -> (i32, i32) {
    %c0_i32 = arith.constant 0 : i32
    %c0_i32_0 = arith.constant 0 : i32
    return %arg0, %c0_i32 : i32, i32
  }
  func.func @transform_1(%arg0: i32) -> (i32, i32) {
    %c0_i32 = arith.constant 0 : i32
    %c0_i32_0 = arith.constant 0 : i32
    return %arg0, %c0_i32 : i32, i32
  }
  func.func @transform_2(%arg0: i32) -> (i32, i32) {
    %c0_i32 = arith.constant 0 : i32
    %c0_i32_0 = arith.constant 0 : i32
    return %arg0, %c0_i32 : i32, i32
  }
  func.func @transform_3(%arg0: i32) -> (i32, i32, i32) {
    %c0_i32 = arith.constant 0 : i32
    %c0_i32_0 = arith.constant 0 : i32
    %c0_i32_1 = arith.constant 0 : i32
    return %arg0, %c0_i32, %c0_i32_0 : i32, i32, i32
  }
  func.func @transform_4(%arg0: i32) -> (i32, i32) {
    %c0_i32 = arith.constant 0 : i32
    %c0_i32_0 = arith.constant 0 : i32
    %c0_i32_1 = arith.constant 0 : i32
    return %c0_i32, %c0_i32_0 : i32, i32
  }
  func.func @transform_5(%arg0: i32) -> (i32, i32) {
    %c0_i32 = arith.constant 0 : i32
    %c0_i32_0 = arith.constant 0 : i32
    %c0_i32_1 = arith.constant 0 : i32
    return %c0_i32, %c0_i32_0 : i32, i32
  }
  func.func @transform_6(%arg0: i32) -> (i32, i32) {
    %c0_i32 = arith.constant 0 : i32
    %c0_i32_0 = arith.constant 0 : i32
    %c0_i32_1 = arith.constant 0 : i32
    return %c0_i32, %c0_i32_0 : i32, i32
  }
  func.func @transform_7(%arg0: i32) -> (i32, i32) {
    %c0_i32 = arith.constant 0 : i32
    %c0_i32_0 = arith.constant 0 : i32
    %c0_i32_1 = arith.constant 0 : i32
    return %c0_i32, %c0_i32_0 : i32, i32
  }
  func.func @transform_8(%arg0: i32) -> (i32, i32) {
    %c0_i32 = arith.constant 0 : i32
    %c0_i32_0 = arith.constant 0 : i32
    %c0_i32_1 = arith.constant 0 : i32
    return %c0_i32, %c0_i32_0 : i32, i32
  }
  func.func @transform_9(%arg0: i32) -> (i32, i32) {
    %c0_i32 = arith.constant 0 : i32
    %c0_i32_0 = arith.constant 0 : i32
    %c0_i32_1 = arith.constant 0 : i32
    return %c0_i32, %c0_i32_0 : i32, i32
  }
  func.func @transform_10(%arg0: i32) -> (i32, i32) {
    %c0_i32 = arith.constant 0 : i32
    %c0_i32_0 = arith.constant 0 : i32
    %c0_i32_1 = arith.constant 0 : i32
    return %c0_i32, %c0_i32_0 : i32, i32
  }
}

</mosaic_0001>

<sc_bundles>
// kernel: kernel.12.cloned.1.call-start
scs
__scs_entry_jumppad:
0x0: {  	(pc) =	sbr.rel $0x88, $3  }
0x1: {  	(tag) =	ssettag $0x0;
	lr =	simm.s32 $0x1  }
0x2: {  	[smem:$0x3F92] =	sst lr;
	_ =	strace $0xD0000000  }
0x3: {  	_ = 	snop  }
0x4: {  	_ = 	snop  }
0x5: {  	_ = 	snop  }
0x6: {  	_ = 	snop  }
0x7: {  	_ = 	snop  }
__scs_overlays_trampoline_lowered:
0x8: {  	[smem:$0x3FA1] =	sst s0  }
0x9: {  	[smem:$0x3FA2] =	sst s1  }
0xa: {  	[smem:$0x3FA3] =	sst s2  }
0xb: {  	[smem:$0x3FA4] =	sst s3  }
0xc: {  	[smem:$0x3FA5] =	sst s4  }
0xd: {  	[smem:$0x3FA6] =	sst s5  }
0xe: {  	[smem:$0x3FA7] =	sst s6  }
0xf: {  	[smem:$0x3FA8] =	sst s7  }
0x10: {  	[smem:$0x3FA9] =	sst s8  }
0x11: {  	[smem:$0x3FAA] =	sst s9;
	s0 =	simm.s32 @!p0 $0x0  }
0x12: {  	s1 =	sld [smem:$0x3F90];
	s0 =	simm.s32 @p0 $0x1  }
0x13: {  	[smem:$0x3FAB] =	sst s0;
	s0 =	simm.s32 @!p1 $0x0  }
0x14: {  	s2 =	sld [smem:$0x3F8F];
	s0 =	simm.s32 @p1 $0x1  }
0x15: {  	[smem:$0x3FAC] =	sst s0;
	s0 =	simm.s32 @!p2 $0x0  }
0x16: {  	s3 =	sld [smem:$0x3FDB];
	s0 =	simm.s32 @p2 $0x1  }
0x17: {  	s4 =	simm.s32 $0x1BF5;
	[smem:$0x3FAE] =	sst s0  }
0x18: {  	s0 =	sld [smem:$0x3F91];
	_ =	swait.ge [sflag:s4], $0x0  }
0x19: {  	s7 =	sld [smem:$0x3F92]  }
0x1a: {  	s8 =	sadd.s32 $0xFFFFE003, lr  }
0x1b: {  	s9 =	sadd.s32 $0xFFFFFEF7, lr;
	s5 =	simm.s32 $0xFFFFFFFF;
	p2 =	slt.u32 s8, $0xFFFFF086  }
0x1c: {  	p1 =	slt.u32 s9, $0xF7A;
	s5 =	simm.s32 @!p2 $0x0  }
0x1d: {  	s5 =	simm.s32 @p1 $0x1;
	p0 =	seq.s32 s7, s2  }
0x1e: {  	s7 =	smul.u32 @!p0 $0xF7A, s2;
	p2 =	seq.s32 @!p0 s5, $0x0  }
0x1f: {  	s9 =	smul.u32 $0xF7A, s1;
	s8 =	simm.s32 @!p0 $0x1BF5;
	p2 =	por !p2, p0  }
0x20: {  	[sflag:s8] =	ssyncset.s32 @!p0 $0xFFFFF086;
	s6 =	sadd.s32 @!p0 s3, s7;
	s7 =	simm.s32 @!p0 $0x108  }
0x21: {  	s3 =	sadd.s32 s3, s9;
	s6 =	sadd.s32 @!p0 $0x88, s6;
	s7 =	simm.s32 @p2 $0x1082  }
0x22: {  	[simem:s7], [sflag:s8] =	dma.local @!p0 [hbm:s6], $0xF7A  }
0x23: {  	s9 =	sor.u32 $0xD0000000, s2;
	s6 =	simm.s32 $0x108;
	_ =	swait.ge @!p0 [sflag:s8], $0x0  }
0x24: {  	s3 =	sadd.s32 $0x88, s3;
	s6 =	simm.s32 @!p1 $0x1082;
	[sflag:s4] =	ssyncset.s32 $0xFFFFF086  }
0x25: {  	[simem:s6], [sflag:s4] =	dma.local [hbm:s3], $0xF7A  }
0x26: {  	[smem:$0x3F92] =	sst s1;
	(tag) =	ssettag s2;
	_ =	strace s9  }
0x27: {  	s1 =	sld [smem:$0x3FA2]  }
0x28: {  	s2 =	sld [smem:$0x3FA3]  }
0x29: {  	s4 =	sld [smem:$0x3FA5]  }
0x2a: {  	p0 =	seq.s32 s5, $0x0;
	s5 =	sld [smem:$0x3FA6]  }
0x2b: {  	s6 =	sld [smem:$0x3FA7]  }
0x2c: {  	s7 =	sld [smem:$0x3FA8]  }
0x2d: {  	s3 =	simm.s32 $0x108;
	s8 =	sld [smem:$0x3FA9]  }
0x2e: {  	s3 =	simm.s32 @!p0 $0x1082;
	s9 =	sld [smem:$0x3FAA]  }
0x2f: {  	lr =	sadd.s32 s0, s3;
	s0 =	sld [smem:$0x3FA1]  }
0x30: {  	s3 =	sld [smem:$0x3FA4]  }
0x31: {  	[smem:$0x3FAD] =	sst s10  }
0x32: {  	s10 =	sld [smem:$0x3FAB];
	_ =	sdelay $0x3  }
0x33: {  	p0 =	seq.s32 s10, $0x1;
	s10 =	sld [smem:$0x3FAD];
	_ =	sdelay $0x3  }
0x34: {  	[smem:$0x3FAD] =	sst s10  }
0x35: {  	s10 =	sld [smem:$0x3FAC];
	_ =	sdelay $0x3  }
0x36: {  	p1 =	seq.s32 s10, $0x1;
	s10 =	sld [smem:$0x3FAD];
	_ =	sdelay $0x3  }
0x37: {  	[smem:$0x3FAD] =	sst s10  }
0x38: {  	s10 =	sld [smem:$0x3FAE]  }
0x39: {  	_ = 	snop;
	(pc) =	sbr.ind lr, $3  }
0x3a: {  	_ = 	snop  }
0x3b: {  	_ = 	snop  }
0x3c: {  	p2 =	seq.s32 s10, $0x1;
	s10 =	sld [smem:$0x3FAD]  }
0x3d: {  	_ =	shalt  }
0x3e: {  	_ =	shalt  }
0x3f: {  	_ =	shalt  }
0x40: {  	_ =	shalt  }
0x41: {  	_ =	shalt  }
0x42: {  	_ =	shalt  }
0x43: {  	_ =	shalt  }
0x44: {  	_ =	shalt  }
0x45: {  	_ =	shalt  }
0x46: {  	_ =	shalt  }
0x47: {  	_ =	shalt  }
0x48: {  	_ =	shalt  }
0x49: {  	_ =	shalt  }
0x4a: {  	_ =	shalt  }
0x4b: {  	_ =	shalt  }
0x4c: {  	_ =	shalt  }
0x4d: {  	_ =	shalt  }
0x4e: {  	_ =	shalt  }
0x4f: {  	_ =	shalt  }
0x50: {  	_ =	shalt  }
0x51: {  	_ =	shalt  }
0x52: {  	_ =	shalt  }
0x53: {  	_ =	shalt  }
0x54: {  	_ =	shalt  }
0x55: {  	_ =	shalt  }
0x56: {  	_ =	shalt  }
0x57: {  	_ =	shalt  }
0x58: {  	_ =	shalt  }
0x59: {  	_ =	shalt  }
0x5a: {  	_ =	shalt  }
0x5b: {  	_ =	shalt  }
0x5c: {  	_ =	shalt  }
0x5d: {  	_ =	shalt  }
0x5e: {  	_ =	shalt  }
0x5f: {  	_ =	shalt  }
0x60: {  	_ =	shalt  }
0x61: {  	_ =	shalt  }
0x62: {  	_ =	shalt  }
0x63: {  	_ =	shalt  }
0x64: {  	_ =	shalt  }
0x65: {  	_ =	shalt  }
0x66: {  	_ =	shalt  }
0x67: {  	_ =	shalt  }
0x68: {  	_ =	shalt  }
0x69: {  	_ =	shalt  }
0x6a: {  	_ =	shalt  }
0x6b: {  	_ =	shalt  }
0x6c: {  	_ =	shalt  }
0x6d: {  	_ =	shalt  }
0x6e: {  	_ =	shalt  }
0x6f: {  	_ =	shalt  }
0x70: {  	_ =	shalt  }
0x71: {  	_ =	shalt  }
0x72: {  	_ =	shalt  }
0x73: {  	_ =	shalt  }
0x74: {  	_ =	shalt  }
0x75: {  	_ =	shalt  }
0x76: {  	_ =	shalt  }
0x77: {  	_ =	shalt  }
0x78: {  	_ =	shalt  }
0x79: {  	_ =	shalt  }
0x7a: {  	_ =	shalt  }
0x7b: {  	_ =	shalt  }
0x7c: {  	_ =	shalt  }
0x7d: {  	_ =	shalt  }
0x7e: {  	_ =	shalt  }
0x7f: {  	_ =	shalt  }
0x80: {  	_ =	shalt  }
0x81: {  	_ =	shalt  }
0x82: {  	_ =	shalt  }
0x83: {  	_ =	shalt  }
0x84: {  	_ =	shalt  }
0x85: {  	_ =	shalt  }
0x86: {  	_ =	shalt  }
0x87: {  	_ =	shalt  }
.Lfunc_end0:
.L_simem_size_0:
called_computation.1_lowered:
.L_overlay_start_0:
0x88: {  	s2 =	sld [smem:$0x3FD9]  }
0x89: {  	s3 =	sld [smem:$0x3FFE];
	_ =	sdelay $0x1  }
0x8a: {  	s1 =	srdreg.scid  }
0x8b: {  	s0 =	sand.u32 $0x1, s1  }
0x8c: {  	s16 =	sshll.u32 s0, $0xA;
	s2 =	sadd.s32 s3, s2  }
0x8d: {  	s2 =	sadd.s32 s2, s16  }
0x8e: {  	[smem:$0x3FB9] =	sst s2  }
0x8f: {  	_ = 	snop  }
0x90: {  	(tm) =	ssettm $0x1  }
0x91: {  	s17 =	sld [smem:$0x3FFB];
	_ =	sdelay $0x3  }
0x92: {  	_ =	strace s17  }
0x93: {  	s2 =	sld [smem:$0x3FFC];
	_ =	sdelay $0x3  }
0x94: {  	_ =	strace s2  }
0x95: {  	s2 =	sld [smem:$0x3FFD];
	_ =	sdelay $0x3  }
0x96: {  	_ =	strace s2  }
0x97: {  	_ =	strace $0x8FFFFFFF  }
0x98: {  	s18 =	sld [smem:$0x3FDB];
	_ =	sdelay $0x1  }
0x99: {  	s19 =	simm.s32 $_scs_section_size  }
0x9a: {  	s4 =	simm.s32 $_size__tile_overlayer_lowered;
	s5 =	simm.s32 $_tile_overlayer_lowered  }
0x9b: {  	s22 =	simm.s32 $0x1BFF;
	s21 =	sshll.u32 s5, $0x1;
	s2 =	sadd.s32 s19, s18  }
0x9c: {  	s6 =	simm.s32 $0x0;
	s20 =	sshll.u32 s4, $0x1;
	s4 =	sadd.s32 s21, s2  }
0x9d: {  	[timem:s6], [sflag:s22] =	dma.local [hbm:s4], s20  }
0x9e: {  	_ =	swait.ge [sflag:s22], s20  }
0x9f: {  	s3 =	ssub.s32 $0x0, s20;
	[sflag:s22] =	ssyncset.done $0x0  }
0xa0: {  	[sflag:s22] =	ssyncadd.s32 s3;
	_ =	sdelay $0x1  }
0xa1: {  	s23 =	simm.s32 $0x1B8B  }
0xa2: {  	_ =	swait.ge [sflag:s23], $0x1  }
0xa3: {  	[sflag:s23] =	ssyncset.done $0x0  }
0xa4: {  	s25 =	simm.s32 $0x1B8E;
	s24 =	sld [smem:$0x3FFE];
	[sflag:s23] =	ssyncadd.s32 $0xFFFFFFFF  }
0xa5: {  	s26 =	simm.s32 $execute0_lowered;
	[smem:$0x3FD2] =	sst s25  }
0xa6: {  	s4 =	sshll.u32 s26, $0x1;
	_ =	strace $0x80000049;
	[dreg:$0x1] =	wrdreg $0xFFFFFFFF  }
0xa7: {  	s28 =	simm.s32 $_size_execute0_lowered;
	s2 =	sadd.s32 s2, s4;
	[dreg:$0x0] =	wrdreg $0x0  }
0xa8: {  	s4 =	sshll.u32 s28, $0x1;
	[dreg:$0x2] =	wrdreg s2  }
0xa9: {  	[dreg:$0x3] =	wrdreg s4  }
0xaa: {  	[dreg:$0x4] =	wrdreg $0xC0  }
0xab: {  	_ =	task [dreg:s6], $0x5FFFF  }
0xac: {  	[dreg:$0x1] =	wrdreg $0xFFFFFFFF  }
0xad: {  	[dreg:$0x0] =	wrdreg $0x60  }
0xae: {  	[dreg:$0x2] =	wrdreg s24  }
0xaf: {  	[dreg:$0x3] =	wrdreg $0x1ADB00  }
0xb0: {  	[dreg:$0x4] =	wrdreg $0x1D4C00  }
0xb1: {  	[dreg:$0x5] =	wrdreg $0x186A00  }
0xb2: {  	[dreg:$0x6] =	wrdreg $0x9  }
0xb3: {  	_ =	task.clear_ibuf [dreg:s6], $0x7FFFF;
	_ =	strace $0x90000049  }
0xb4: {  	s29 =	simm.s32 $0x9;
	_ =	strace $0x8000004B  }
0xb5: {  	_ =	swait.ge [sflag:s29], $0x1  }
0xb6: {  	[sflag:s29] =	ssyncadd.s32 $0xFFFFFFFF  }
0xb7: {  	_ =	strace $0x9000004B  }
0xb8: {  	_ =	sfence  }
0xb9: {  	s30 =	sld [smem:$0x0];
	_ =	sdelay $0x2  }
0xba: {  	s31 =	sshll.u32 s1, $0xD;
	s1 =	sshrl.u32 s1, $0x2  }
0xbb: {  	s3 =	sand.u32 $0x4000, s31;
	s1 =	sadd.s32 s1, s30  }
0xbc: {  	s0 =	sor.u32 s3, s0;
	s1 =	sshll.u32 s1, $0x11  }
0xbd: {  	s0 =	sor.u32 s1, s0  }
0xbe: {  	s0 =	sadd.s32 $0x8F2B, s0  }
0xbf: {  	[sflag:s0] =	ssyncadd.remote.s32 $0x1  }
0xc0: {  	_ =	sfence.sel $0xFFFF  }
0xc1: {  	[dreg:$0x0] =	wrdreg $0xFFFFFFFF;
	(pc) =	sbr.abs _section_cstart, $3  }
0xc2: {  	[dreg:$0x1] =	wrdreg $0xFFFFFFFF  }
0xc3: {  	_ =	task.clear_ibuf [dreg:s6], $0x2FFFF;
	_ =	strace $0x9FFFFFFF  }
0xc4: {  	(tm) =	ssettm $0x7FFFFFFF  }
0xc5: {  	_ =	shalt  }
tec
execute0_lowered:
.L_overlay_start_1:
0x0: {  	(tag) =	ssettag $0x1  }
0x1: {  	s0 =	rddreg [dreg:$0x0]  }
0x2: {  	s1 =	rddreg [dreg:$0x1]  }
0x3: {  	s3 =	rddreg [dreg:$0x2]  }
0x4: {  	s4 =	rddreg [dreg:$0x3]  }
0x5: {  	s5 =	simm.s32 $0x0;
	s21 =	stileid.u32;
	s8 =	srdreg.scid  }
0x6: {  	s28 =	simm.s32 $0x5;
	s29 =	simm.s32 $0x1F0;
	s30 =	simm.s32 $0x2  }
0x7: {  	s31 =	simm.s32 $0x3;
	[smem:$0x7FF] =	sst s5;
	s2 =	smul.u32 $0x2700, s21  }
0x8: {  	s6 =	sadd.s32 $0x5A00, s0;
	s7 =	sadd.s32 $0x165A00, s0;
	s11 =	sand.u32 $0x1, s8  }
0x9: {  	s8 =	sadd.s32 $0x2D200, s0;
	s14 =	sadd.s32 $0x23400, s0;
	s13 =	sshll.u32 s21, $0x1  }
0xa: {  	s23 =	sshll.u32 s21, $0x6;
	s17 =	sadd.s32 $0x1E200, s0;
	s20 =	sadd.s32 $0x27000, s3  }
0xb: {  	_ =	strace $0x8000004A;
	s10 =	ssub.s32 $0x2, s11;
	s16 =	sor.u32 s11, s13  }
0xc: {  	s25 =	smul.u32 $0x27100, s11;
	[dreg:$0x7] =	wrdreg s17;
	s9 =	sshrl.u32 s2, $0x3  }
0xd: {  	s12 =	sshrl.u32 s10, $0x1;
	s18 =	sadd.s32 s2, s1;
	s19 =	sadd.s32 s2, s3  }
0xe: {  	s13 =	smul.u32 $0x2710, s16;
	s9 =	sadd.s32 s9, s0;
	s15 =	ssub.s32 s10, s12  }
0xf: {  	s12 =	sadd.s32 s2, s4;
	s2 =	sadd.s32 s2, s25;
	s0 =	sadd.s32 $0x23200, s0  }
0x10: {  	s22 =	sshrl.u32 s25, $0x3;
	s25 =	sshrl.u32 s18, $0x3;
	[dreg:$0x8] =	wrdreg s0  }
0x11: {  	s16 =	smul.u32 $0x4E20, s16;
	s24 =	sadd.s32 $0x19400, s9;
	[dreg:$0xe] =	wrdreg s25  }
0x12: {  	s10 =	sor.u32 $0x1C05, s23;
	s9 =	sadd.s32 $0x1E400, s9;
	[dreg:$0x5] =	wrdreg s24  }
0x13: {  	s2 =	sshrl.u32 s2, $0x3;
	s23 =	sadd.s32 s7, s16;
	[dreg:$0x6] =	wrdreg s9  }
0x14: {  	p0 =	sne.s32 s21, $0xF;
	s2 =	sadd.s32 s14, s2;
	[dreg:$0xb] =	wrdreg s23  }
0x15: {  	s26 =	sshrl.u32 s13, $0x3;
	s24 =	smax.u32 s15, $0x1;
	[dreg:$0x9] =	wrdreg s2  }
0x16: {  	s0 =	sadd.s32 s6, s26;
	s26 =	sshrl.u32 s19, $0x3;
	[dreg:$0xd] =	wrdreg s24  }
0x17: {  	s11 =	sadd.s32 $0x27000, s1;
	s17 =	sadd.s32 $0x27000, s4;
	[dreg:$0xf] =	wrdreg s26  }
0x18: {  	s2 =	sadd.s32 s14, s22;
	[dreg:$0xa] =	wrdreg s0;
	s0 =	sadd.s32 $0x9C40, s0  }
0x19: {  	s9 =	simm.s32 $0x3E8;
	s2 =	sadd.s32 $0x4E00, s2;
	[dreg:$0x12] =	wrdreg s0  }
0x1a: {  	s14 =	simm.s32 $0x0;
	[dreg:$0xc] =	wrdreg s2;
	s2 =	sshrl.u32 @!p0 s11, $0x3  }
0x1b: {  	s0 =	simm.s32 $0x1;
	[dreg:$0x10] =	wrdreg s2;
	s2 =	sshrl.u32 @!p0 s20, $0x3  }
0x1c: {  	v0 =	vimm.f32 $0.0e+00;
	s11 =	simm.s32 $0x4;
	[dreg:$0x11] =	wrdreg s2;
	s2 =	simm.s32 $0x1F8  }
.LBB2_1:
0x1d: {  	s15 =	rddreg [dreg:$0x5]  }
0x1e: {  	s16 =	rddreg [dreg:$0xe]  }
0x1f: {  	[spmem:s16], [sflag:s10] =	dma.local [hbm:s15], $0x4E0  }
0x20: {  	_ =	swait.ge [sflag:s28], $0x4E0  }
0x21: {  	[sflag:s28] =	ssyncset.done $0x0;
	s25 =	rddreg [dreg:$0x6]  }
0x22: {  	s26 =	rddreg [dreg:$0xf];
	[sflag:s28] =	ssyncadd.s32 $0xFFFFFB20  }
0x23: {  	[spmem:s26], [sflag:s10] =	dma.local [hbm:s25], $0x4E0  }
0x24: {  	_ =	swait.ge [sflag:s28], $0x4E0  }
0x25: {  	[sflag:s28] =	ssyncset.done $0x0  }
0x26: {  	s15 =	simm.s32 $0x40;
	s16 =	simm.s32 $0x0;
	[sflag:s28] =	ssyncadd.s32 $0xFFFFFB20  }
.LBB2_2:
0x27: {  	p1 =	sne.s32 s15, $0x9FC0;
	[tilespmem:s16+$0xFA0] =	vst v0;
	s16 =	smov.u32 s15;
	s15 =	sadd.s32 $0x40, s15  }
.Ltmp0:
0x28: {  	(pc) =	sbr.rel @p1 .LBB2_2-.Ltmp0, $2  }
0x29: {  	_ =	sdelay $0x2  }
0x2a: {  	s16 =	sshra.s32 s16, $0x2  }
0x2b: {  	[tilespmem:s16+$0xFA0] =	vst v0;
	s15 =	simm.s32 $0xFA0  }
0x2c: {  	[spmem:s12] =	stream.linear.scatter [tilespmem:s15], [sflag:$0x5], $0x2700, $0x38;
	[tilespmem:$0x1FBD0] =	vst v63  }
0x2d: {  	_ =	swait.ge [sflag:s28], $0x2700  }
0x2e: {  	[sflag:s28] =	ssyncset.done $0x0;
	s15 =	rddreg [dreg:$0x7]  }
0x2f: {  	s16 =	rddreg [dreg:$0x10];
	[sflag:s28] =	ssyncadd.s32 $0xFFFFD900  }
0x30: {  	[spmem:s16], [sflag:s10] =	dma.local @!p0 [hbm:s15], $0x20  }
0x31: {  	s15 =	simm.s32 @!p0 $0x5  }
0x32: {  	_ =	swait.ge @!p0 [sflag:s15], $0x20  }
0x33: {  	[sflag:s15] =	ssyncset.done @!p0 $0x0;
	s16 =	rddreg [dreg:$0x8]  }
0x34: {  	s18 =	rddreg [dreg:$0x11];
	[sflag:s15] =	ssyncadd.s32 @!p0 $0xFFFFFFE0  }
0x35: {  	[spmem:s18], [sflag:s10] =	dma.local @!p0 [hbm:s16], $0x20  }
0x36: {  	_ =	swait.ge @!p0 [sflag:s15], $0x20  }
0x37: {  	[sflag:s15] =	ssyncset.done @!p0 $0x0  }
0x38: {  	s16 =	simm.s32 @!p0 $0xFA0;
	[sflag:s15] =	ssyncadd.s32 @!p0 $0xFFFFFFE0  }
0x39: {  	[spmem:s17] =	stream.linear.scatter @!p0 [tilespmem:s16], [sflag:$0x5], $0x100, $0x38;
	[tilespmem:$0x1FBD0] =	vst v63  }
0x3a: {  	_ =	swait.ge @!p0 [sflag:s15], $0x100  }
0x3b: {  	[sflag:s15] =	ssyncset.done @!p0 $0x0  }
0x3c: {  	[sflag:s15] =	ssyncadd.s32 @!p0 $0xFFFFFF00  }
0x3d: {  	[bflag:$0x0] =	sbarrier.arrive $0xFFFF  }
0x3e: {  	s20 =	simm.s32 $0x0;
	s22 =	rddreg [dreg:$0xa]  }
0x3f: {  	[tilespmem:s20], [sflag:$0x1] =	stream.linear.gather [hbm4b:s22+s20], $0x3E8, $0x38;
	[tilespmem:$0x1FBD0] =	vst v63  }
0x40: {  	s24 =	simm.s32 $0x7D0;
	s23 =	rddreg [dreg:$0x12]  }
0x41: {  	[tilespmem:s24], [sflag:$0x1] =	stream.linear.gather [hbm4b:s23+s20], $0x3E8, $0x38;
	[tilespmem:$0x1FBD0] =	vst v63  }
0x42: {  	s26 =	simm.s32 $0x109A0;
	s25 =	rddreg [dreg:$0xb]  }
0x43: {  	[tilespmem:s26], [sflag:$0x1] =	stream.linear.gather [hbm4b:s25+s20], $0x3E80, $0x38;
	[tilespmem:$0x1FBD0] =	vst v63  }
.LBB2_4:
0x44: {  	_ =	swait.ge [sflag:s0], $0x3E8  }
0x45: {  	[sflag:s0] =	ssyncset.done $0x0  }
0x46: {  	[sflag:s0] =	ssyncadd.s32 $0xFFFFFC18  }
0x47: {  	_ =	swait.ge [sflag:s0], $0x3E8  }
0x48: {  	[sflag:s0] =	ssyncset.done $0x0  }
0x49: {  	s18 =	sand.u32 $0x1, s20;
	[sflag:s0] =	ssyncadd.s32 $0xFFFFFC18  }
0x4a: {  	s15 =	smul.u32 $0x3E80, s18;
	_ =	swait.ge [sflag:s0], $0x3E80  }
0x4b: {  	s19 =	smul.u32 $0x3E8, s18;
	[sflag:s0] =	ssyncset.done $0x0  }
0x4c: {  	s16 =	sadd.s32 $0xFA0, s15;
	[sflag:s0] =	ssyncadd.s32 $0xFFFFC180  }
0x4d: {  	[tilespmem:s16], [sflag:$0x2] =	stream.indirect.gather [spmem:s1], $0x10, s19, s2, $0xb8;
	[tilespmem:$0x1FBD0] =	vst v63  }
0x4e: {  	p1 =	seq.s32 s20, $0x0;
	s21 =	sadd.s32 $0x8CA0, s15;
	s16 =	sadd.s32 $0x7D0, s19  }
0x4f: {  	[tilespmem:s21], [sflag:$0x3] =	stream.indirect.gather [spmem:s3], $0x10, s16, s2, $0xb8;
	[tilespmem:$0x1FBD0] =	vst v63  }
0x50: {  	p2 =	seq.s32 @!p1 s20, $0x9;
	s25 =	sadd.s32 $0x2F20, s15;
	s22 =	sadd.s32 $0x1F8, s19  }
0x51: {  	[tilespmem:s25], [sflag:$0x2] =	stream.indirect.gather [spmem:s1], $0x10, s22, s29, $0xb8;
	[tilespmem:$0x1FBD0] =	vst v63  }
0x52: {  	p2 =	por p1, !p2;
	s26 =	sadd.s32 $0xAC20, s15;
	s19 =	sadd.s32 $0x9C8, s19  }
0x53: {  	[tilespmem:s26], [sflag:$0x3] =	stream.indirect.gather [spmem:s3], $0x10, s19, s29, $0xb8;
	[tilespmem:$0x1FBD0] =	vst v63  }
.Ltmp1:
0x54: {  	_ = 	snop;
	(pc) =	sbr.rel @!p2 .LBB2_6-.Ltmp1, $4  }
0x55: {  	s19 =	simm.s32 @!p1 $0x4  }
0x56: {  	_ =	swait.ge @!p1 [sflag:s19], $0x3E80  }
0x57: {  	[sflag:s19] =	ssyncset.done @!p1 $0x0  }
0x58: {  	[sflag:s19] =	ssyncadd.s32 @!p1 $0xFFFFC180;
	s19 =	simm.s32 @!p1 $0xA  }
0x59: {  	s19 =	sadd.s32 @!p1 $0x1, s20  }
0x5a: {  	s19 =	simm.s32 @p1 $0x1  }
0x5b: {  	s21 =	smul.u32 $0x3E8, s19;
	s22 =	sand.u32 $0x1, s19  }
0x5c: {  	s23 =	smul.u32 $0x3E8, s22  }
0x5d: {  	s22 =	smul.u32 $0xFA00, s22;
	s21 =	sadd.s32 s13, s21  }
0x5e: {  	s24 =	sshrl.u32 s21, $0x3  }
0x5f: {  	s21 =	sshll.u32 s21, $0x1;
	s22 =	sshrl.u32 s22, $0x2;
	s24 =	sadd.s32 s6, s24  }
0x60: {  	[tilespmem:s23], [sflag:$0x1] =	stream.linear.gather [hbm4b:s24+s5], $0x3E8, $0x38;
	[tilespmem:$0x1FBD0] =	vst v63  }
0x61: {  	s21 =	sand.u32 $0x1FFFFFF0, s21;
	s23 =	sadd.s32 $0x7D0, s23;
	s24 =	sadd.s32 $0x9C40, s24  }
0x62: {  	[tilespmem:s23], [sflag:$0x1] =	stream.linear.gather [hbm4b:s24+s5], $0x3E8, $0x38;
	[tilespmem:$0x1FBD0] =	vst v63  }
0x63: {  	s22 =	sadd.s32 $0x109A0, s22;
	s21 =	sadd.s32 s7, s21  }
0x64: {  	[tilespmem:s22], [sflag:$0x1] =	stream.linear.gather [hbm4b:s21+s5], $0x3E80, $0x38;
	[tilespmem:$0x1FBD0] =	vst v63  }
.LBB2_6:
0x65: {  	_ =	swait.ge [sflag:s30], $0x1F80  }
0x66: {  	[sflag:s30] =	ssyncset.done $0x0  }
0x67: {  	s18 =	smul.u32 $0xFA00, s18;
	[sflag:s30] =	ssyncadd.s32 $0xFFFFE080  }
0x68: {  	_ =	swait.ge [sflag:s31], $0x1F80  }
0x69: {  	s22 =	sshrl.u32 s18, $0x2;
	[sflag:s31] =	ssyncset.done $0x0  }
0x6a: {  	s23 =	sadd.s32 $0x109C0, s22;
	[sflag:s31] =	ssyncadd.s32 $0xFFFFE080  }
0x6b: {  	s24 =	sadd.s32 $0xFC0, s22;
	v1 =	vld [tilespmem:s23+$0xFFFFFFE0]  }
0x6c: {  	v2 =	vld [tilespmem:s24+$0xFFFFFFE0]  }
0x6d: {  	s25 =	sadd.s32 $0x8CC0, s22  }
0x6e: {  	v3 =	vld [tilespmem:s25+$0xFFFFFFE0];
	_ =	sdelay $0x2  }
0x6f: {  	v1 =	vadd.f32 v2, v1;
	_ =	sdelay $0x1  }
0x70: {  	v1 =	vadd.f32 v3, v1;
	_ =	sdelay $0x1  }
0x71: {  	v1 =	vmax.f32 v1, $0.0e+00  }
0x72: {  	[tilespmem:s23+$0xFFFFFFE0] =	vst v1;
	v1 =	vld [tilespmem:s23+$0xFFFFFFF0]  }
0x73: {  	v2 =	vld [tilespmem:s24+$0xFFFFFFF0];
	_ =	sdelay $0x1  }
0x74: {  	v3 =	vld [tilespmem:s25+$0xFFFFFFF0];
	_ =	sdelay $0x2  }
0x75: {  	v1 =	vadd.f32 v2, v1;
	_ =	sdelay $0x1  }
0x76: {  	v1 =	vadd.f32 v3, v1;
	_ =	sdelay $0x1  }
0x77: {  	v1 =	vmax.f32 v1, $0.0e+00  }
0x78: {  	[tilespmem:s23+$0xFFFFFFF0] =	vst v1;
	v1 =	vld [tilespmem:s23+$0x0]  }
0x79: {  	v2 =	vld [tilespmem:s24+$0x0];
	_ =	sdelay $0x1  }
0x7a: {  	v3 =	vld [tilespmem:s25+$0x0];
	_ =	sdelay $0x2  }
0x7b: {  	v1 =	vadd.f32 v2, v1;
	_ =	sdelay $0x1  }
0x7c: {  	v1 =	vadd.f32 v3, v1;
	_ =	sdelay $0x1  }
0x7d: {  	v1 =	vmax.f32 v1, $0.0e+00  }
0x7e: {  	[tilespmem:s23+$0x0] =	vst v1;
	v1 =	vld [tilespmem:s23+$0x10]  }
0x7f: {  	v2 =	vld [tilespmem:s24+$0x10];
	_ =	sdelay $0x1  }
0x80: {  	v3 =	vld [tilespmem:s25+$0x10];
	_ =	sdelay $0x2  }
0x81: {  	v1 =	vadd.f32 v2, v1;
	_ =	sdelay $0x1  }
0x82: {  	v1 =	vadd.f32 v3, v1;
	_ =	sdelay $0x1  }
0x83: {  	v1 =	vmax.f32 v1, $0.0e+00  }
0x84: {  	[tilespmem:s23+$0x10] =	vst v1;
	v1 =	vld [tilespmem:s23+$0x20]  }
0x85: {  	v2 =	vld [tilespmem:s24+$0x20];
	_ =	sdelay $0x1  }
0x86: {  	v3 =	vld [tilespmem:s25+$0x20];
	_ =	sdelay $0x2  }
0x87: {  	v1 =	vadd.f32 v2, v1;
	_ =	sdelay $0x1  }
0x88: {  	s26 =	smul.u32 $0x3E8, s20;
	v1 =	vadd.f32 v3, v1  }
0x89: {  	s20 =	sadd.s32 $0x109A0, s15  }
0x8a: {  	s21 =	sadd.s32 s13, s26;
	s26 =	simm.s32 $0x0;
	s18 =	sadd.s32 $0x50, s23;
	v1 =	vmax.f32 v1, $0.0e+00  }
.LBB2_7:
0x8b: {  	v2 =	vld [tilespmem:s18+$0xFFFFFFE0];
	[tilespmem:s23+$0x20] =	vst v1;
	s24 =	sadd.s32 $0x50, s24;
	s23 =	smov.u32 s18  }
0x8c: {  	s26 =	sadd.s32 $0x5, s26;
	s25 =	sadd.s32 $0x50, s25;
	v1 =	vld [tilespmem:s24+$0xFFFFFFE0]  }
0x8d: {  	p1 =	slt.u32 s26, $0x1EF;
	v3 =	vld [tilespmem:s25+$0xFFFFFFE0];
	_ =	sdelay $0x3  }
0x8e: {  	v1 =	vadd.f32 v1, v2;
	_ =	sdelay $0x1  }
0x8f: {  	v1 =	vadd.f32 v3, v1;
	_ =	sdelay $0x1  }
0x90: {  	v1 =	vmax.f32 v1, $0.0e+00  }
0x91: {  	[tilespmem:s18+$0xFFFFFFE0] =	vst v1;
	v1 =	vld [tilespmem:s18+$0xFFFFFFF0]  }
0x92: {  	v2 =	vld [tilespmem:s24+$0xFFFFFFF0];
	_ =	sdelay $0x1  }
0x93: {  	v3 =	vld [tilespmem:s25+$0xFFFFFFF0];
	_ =	sdelay $0x2  }
0x94: {  	v1 =	vadd.f32 v2, v1;
	_ =	sdelay $0x1  }
0x95: {  	v1 =	vadd.f32 v3, v1;
	_ =	sdelay $0x1  }
0x96: {  	v1 =	vmax.f32 v1, $0.0e+00  }
0x97: {  	[tilespmem:s18+$0xFFFFFFF0] =	vst v1;
	v1 =	vld [tilespmem:s18+$0x0]  }
0x98: {  	v2 =	vld [tilespmem:s24+$0x0];
	_ =	sdelay $0x1  }
0x99: {  	v3 =	vld [tilespmem:s25+$0x0];
	_ =	sdelay $0x2  }
0x9a: {  	v1 =	vadd.f32 v2, v1;
	_ =	sdelay $0x1  }
0x9b: {  	v1 =	vadd.f32 v3, v1;
	_ =	sdelay $0x1  }
0x9c: {  	v1 =	vmax.f32 v1, $0.0e+00  }
0x9d: {  	[tilespmem:s18+$0x0] =	vst v1;
	v1 =	vld [tilespmem:s18+$0x10]  }
0x9e: {  	v2 =	vld [tilespmem:s24+$0x10];
	_ =	sdelay $0x1  }
0x9f: {  	v3 =	vld [tilespmem:s25+$0x10];
	_ =	sdelay $0x2  }
0xa0: {  	v1 =	vadd.f32 v2, v1;
	_ =	sdelay $0x1  }
0xa1: {  	v1 =	vadd.f32 v3, v1;
	_ =	sdelay $0x1  }
0xa2: {  	v1 =	vmax.f32 v1, $0.0e+00  }
0xa3: {  	[tilespmem:s18+$0x10] =	vst v1;
	v1 =	vld [tilespmem:s18+$0x20]  }
0xa4: {  	v2 =	vld [tilespmem:s24+$0x20]  }
0xa5: {  	v3 =	vld [tilespmem:s25+$0x20];
	_ =	sdelay $0x3  }
.Ltmp2:
0xa6: {  	v1 =	vadd.f32 v2, v1;
	(pc) =	sbr.rel @p1 .LBB2_7-.Ltmp2, $3  }
0xa7: {  	_ = 	snop  }
0xa8: {  	v1 =	vadd.f32 v3, v1;
	_ =	sdelay $0x1  }
0xa9: {  	s18 =	sadd.s32 $0x50, s18;
	v1 =	vmax.f32 v1, $0.0e+00  }
0xaa: {  	[tilespmem:s23+$0x20] =	vst v1  }
0xab: {  	v1 =	vld [tilespmem:s15+$0x128E0]  }
0xac: {  	v2 =	vld [tilespmem:s15+$0x2EE0]  }
0xad: {  	v3 =	vld [tilespmem:s15+$0xABE0]  }
0xae: {  	v4 =	vld [tilespmem:s15+$0x128F0]  }
0xaf: {  	v5 =	vld [tilespmem:s15+$0x2EF0]  }
0xb0: {  	v6 =	vld [tilespmem:s15+$0xABF0]  }
0xb1: {  	v7 =	vld [tilespmem:s15+$0x12900]  }
0xb2: {  	v8 =	vld [tilespmem:s15+$0x2F00]  }
0xb3: {  	v9 =	vld [tilespmem:s15+$0x12910]  }
0xb4: {  	v10 =	vld [tilespmem:s15+$0x2F10]  }
0xb5: {  	v11 =	vld [tilespmem:s15+$0xAC00]  }
0xb6: {  	v1 =	vadd.f32 v2, v1;
	v2 =	vld [tilespmem:s15+$0xAC10]  }
0xb7: {  	v4 =	vadd.f32 v5, v4  }
0xb8: {  	v1 =	vadd.f32 v3, v1;
	v3 =	vadd.f32 v8, v7  }
0xb9: {  	v63 =	vadd.f32 v10, v9;
	v4 =	vadd.f32 v6, v4  }
0xba: {  	v3 =	vadd.f32 v11, v3;
	v1 =	vmax.f32 v1, $0.0e+00  }
0xbb: {  	[tilespmem:s15+$0x128E0] =	vst v1;
	v1 =	vadd.f32 v2, v63;
	v2 =	vmax.f32 v4, $0.0e+00  }
0xbc: {  	[tilespmem:s15+$0x128F0] =	vst v2;
	v2 =	vmax.f32 v3, $0.0e+00  }
0xbd: {  	[tilespmem:s15+$0x12900] =	vst v2;
	v1 =	vmax.f32 v1, $0.0e+00  }
0xbe: {  	[tilespmem:s15+$0x12910] =	vst v1  }
0xbf: {  	_ =	swait.ge [sflag:s30], $0x1F00  }
0xc0: {  	[sflag:s30] =	ssyncset.done $0x0  }
0xc1: {  	[sflag:s30] =	ssyncadd.s32 $0xFFFFE100  }
0xc2: {  	_ =	swait.ge [sflag:s31], $0x1F00  }
0xc3: {  	[sflag:s31] =	ssyncset.done $0x0  }
0xc4: {  	s23 =	sadd.s32 $0x12960, s22;
	[sflag:s31] =	ssyncadd.s32 $0xFFFFE100  }
0xc5: {  	s24 =	sadd.s32 $0x2F60, s22;
	v1 =	vld [tilespmem:s23+$0xFFFFFFC0]  }
0xc6: {  	v2 =	vld [tilespmem:s24+$0xFFFFFFC0]  }
0xc7: {  	s22 =	sadd.s32 $0xAC60, s22  }
0xc8: {  	v3 =	vld [tilespmem:s22+$0xFFFFFFC0];
	_ =	sdelay $0x2  }
0xc9: {  	v1 =	vadd.f32 v2, v1;
	_ =	sdelay $0x1  }
0xca: {  	v1 =	vadd.f32 v3, v1;
	_ =	sdelay $0x1  }
0xcb: {  	v1 =	vmax.f32 v1, $0.0e+00  }
0xcc: {  	[tilespmem:s23+$0xFFFFFFC0] =	vst v1;
	v1 =	vld [tilespmem:s23+$0xFFFFFFD0]  }
0xcd: {  	v2 =	vld [tilespmem:s24+$0xFFFFFFD0];
	_ =	sdelay $0x1  }
0xce: {  	v3 =	vld [tilespmem:s22+$0xFFFFFFD0];
	_ =	sdelay $0x2  }
0xcf: {  	v1 =	vadd.f32 v2, v1;
	_ =	sdelay $0x1  }
0xd0: {  	v1 =	vadd.f32 v3, v1;
	_ =	sdelay $0x1  }
0xd1: {  	v1 =	vmax.f32 v1, $0.0e+00  }
0xd2: {  	[tilespmem:s23+$0xFFFFFFD0] =	vst v1;
	v1 =	vld [tilespmem:s23+$0xFFFFFFE0]  }
0xd3: {  	v2 =	vld [tilespmem:s24+$0xFFFFFFE0];
	_ =	sdelay $0x1  }
0xd4: {  	v3 =	vld [tilespmem:s22+$0xFFFFFFE0];
	_ =	sdelay $0x2  }
0xd5: {  	v1 =	vadd.f32 v2, v1;
	_ =	sdelay $0x1  }
0xd6: {  	v1 =	vadd.f32 v3, v1;
	_ =	sdelay $0x1  }
0xd7: {  	v1 =	vmax.f32 v1, $0.0e+00  }
0xd8: {  	[tilespmem:s23+$0xFFFFFFE0] =	vst v1;
	v1 =	vld [tilespmem:s23+$0xFFFFFFF0]  }
0xd9: {  	v2 =	vld [tilespmem:s24+$0xFFFFFFF0];
	_ =	sdelay $0x1  }
0xda: {  	v3 =	vld [tilespmem:s22+$0xFFFFFFF0];
	_ =	sdelay $0x2  }
0xdb: {  	v1 =	vadd.f32 v2, v1;
	_ =	sdelay $0x1  }
0xdc: {  	v1 =	vadd.f32 v3, v1;
	_ =	sdelay $0x1  }
0xdd: {  	v1 =	vmax.f32 v1, $0.0e+00  }
0xde: {  	[tilespmem:s23+$0xFFFFFFF0] =	vst v1;
	v1 =	vld [tilespmem:s23+$0x0]  }
0xdf: {  	v2 =	vld [tilespmem:s24+$0x0];
	_ =	sdelay $0x1  }
0xe0: {  	v3 =	vld [tilespmem:s22+$0x0];
	_ =	sdelay $0x2  }
0xe1: {  	v1 =	vadd.f32 v2, v1;
	_ =	sdelay $0x1  }
0xe2: {  	v1 =	vadd.f32 v3, v1;
	_ =	sdelay $0x1  }
0xe3: {  	s25 =	simm.s32 $0x1F8;
	s18 =	sadd.s32 $0x50, s23;
	v1 =	vmax.f32 v1, $0.0e+00  }
.LBB2_9:
0xe4: {  	v2 =	vld [tilespmem:s18+$0xFFFFFFC0];
	[tilespmem:s23+$0x0] =	vst v1;
	s24 =	sadd.s32 $0x50, s24;
	s23 =	smov.u32 s18  }
0xe5: {  	s25 =	sadd.s32 $0x5, s25;
	s22 =	sadd.s32 $0x50, s22;
	v1 =	vld [tilespmem:s24+$0xFFFFFFC0]  }
0xe6: {  	p1 =	slt.u32 s25, $0x3E2;
	v3 =	vld [tilespmem:s22+$0xFFFFFFC0];
	_ =	sdelay $0x3  }
0xe7: {  	v1 =	vadd.f32 v1, v2;
	_ =	sdelay $0x1  }
0xe8: {  	v1 =	vadd.f32 v3, v1;
	_ =	sdelay $0x1  }
0xe9: {  	v1 =	vmax.f32 v1, $0.0e+00  }
0xea: {  	[tilespmem:s18+$0xFFFFFFC0] =	vst v1;
	v1 =	vld [tilespmem:s18+$0xFFFFFFD0]  }
0xeb: {  	v2 =	vld [tilespmem:s24+$0xFFFFFFD0];
	_ =	sdelay $0x1  }
0xec: {  	v3 =	vld [tilespmem:s22+$0xFFFFFFD0];
	_ =	sdelay $0x2  }
0xed: {  	v1 =	vadd.f32 v2, v1;
	_ =	sdelay $0x1  }
0xee: {  	v1 =	vadd.f32 v3, v1;
	_ =	sdelay $0x1  }
0xef: {  	v1 =	vmax.f32 v1, $0.0e+00  }
0xf0: {  	[tilespmem:s18+$0xFFFFFFD0] =	vst v1;
	v1 =	vld [tilespmem:s18+$0xFFFFFFE0]  }
0xf1: {  	v2 =	vld [tilespmem:s24+$0xFFFFFFE0];
	_ =	sdelay $0x1  }
0xf2: {  	v3 =	vld [tilespmem:s22+$0xFFFFFFE0];
	_ =	sdelay $0x2  }
0xf3: {  	v1 =	vadd.f32 v2, v1;
	_ =	sdelay $0x1  }
0xf4: {  	v1 =	vadd.f32 v3, v1;
	_ =	sdelay $0x1  }
0xf5: {  	v1 =	vmax.f32 v1, $0.0e+00  }
0xf6: {  	[tilespmem:s18+$0xFFFFFFE0] =	vst v1;
	v1 =	vld [tilespmem:s18+$0xFFFFFFF0]  }
0xf7: {  	v2 =	vld [tilespmem:s24+$0xFFFFFFF0];
	_ =	sdelay $0x1  }
0xf8: {  	v3 =	vld [tilespmem:s22+$0xFFFFFFF0];
	_ =	sdelay $0x2  }
0xf9: {  	v1 =	vadd.f32 v2, v1;
	_ =	sdelay $0x1  }
0xfa: {  	v1 =	vadd.f32 v3, v1;
	_ =	sdelay $0x1  }
0xfb: {  	v1 =	vmax.f32 v1, $0.0e+00  }
0xfc: {  	[tilespmem:s18+$0xFFFFFFF0] =	vst v1;
	v1 =	vld [tilespmem:s18+$0x0]  }
0xfd: {  	v2 =	vld [tilespmem:s24+$0x0]  }
0xfe: {  	v3 =	vld [tilespmem:s22+$0x0];
	_ =	sdelay $0x3  }
.Ltmp3:
0xff: {  	v1 =	vadd.f32 v2, v1;
	(pc) =	sbr.rel @p1 .LBB2_9-.Ltmp3, $3  }
0x100: {  	_ = 	snop  }
0x101: {  	v1 =	vadd.f32 v3, v1;
	_ =	sdelay $0x1  }
0x102: {  	s18 =	sadd.s32 $0x50, s18;
	v1 =	vmax.f32 v1, $0.0e+00  }
0x103: {  	[tilespmem:s23+$0x0] =	vst v1  }
0x104: {  	v1 =	vld [tilespmem:s15+$0x14810]  }
0x105: {  	v2 =	vld [tilespmem:s15+$0x4E10];
	_ =	sdelay $0x1  }
0x106: {  	v3 =	vld [tilespmem:s15+$0xCB10];
	_ =	sdelay $0x2  }
0x107: {  	v1 =	vadd.f32 v2, v1;
	_ =	sdelay $0x1  }
0x108: {  	v1 =	vadd.f32 v3, v1  }
0x109: {  	s18 =	sshll.u32 s21, $0x1  }
0x10a: {  	s18 =	sand.u32 $0x1FFFFFF0, s18;
	v1 =	vmax.f32 v1, $0.0e+00  }
0x10b: {  	p1 =	slt.u32 s19, $0xA;
	s26 =	sadd.s32 s8, s18;
	[tilespmem:s15+$0x14810] =	vst v1  }
0x10c: {  	[hbm4b:s26+s5] =	stream.linear.scatter [tilespmem:s20], [sflag:$0x4], $0x3E80, $0x38;
	[tilespmem:$0x1FBD0] =	vst v63  }
.Ltmp4:
0x10d: {  	_ = 	snop;
	(pc) =	sbr.rel @p1 .LBB2_4-.Ltmp4, $4  }
0x10e: {  	[spmem:s4] =	stream.indirect.scatter.add.f32 [tilespmem:s20], [sflag:$0x5], $0x10, s16, s9, $0xb8;
	[tilespmem:$0x1FBD0] =	vst v63  }
0x10f: {  	_ =	swait.ge [sflag:s28], $0x3E80  }
0x110: {  	[sflag:s28] =	ssyncset.done $0x0  }
0x111: {  	s20 =	smov.u32 s19;
	[sflag:s28] =	ssyncadd.s32 $0xFFFFC180  }
0x112: {  	_ =	swait.ge [sflag:s11], $0x3E80  }
0x113: {  	[sflag:s11] =	ssyncset.done $0x0  }
0x114: {  	[sflag:s11] =	ssyncadd.s32 $0xFFFFC180  }
0x115: {  	[bflag:$0x0] =	sbarrier.arrive $0xFFFF  }
0x116: {  	s15 =	sshrl.u32 s12, $0x3;
	s16 =	rddreg [dreg:$0x9]  }
0x117: {  	[hbm:s16], [sflag:s10] =	dma.local [spmem:s15], $0x4E0  }
0x118: {  	_ =	swait.ge [sflag:s28], $0x4E0  }
0x119: {  	[sflag:s28] =	ssyncset.done $0x0  }
0x11a: {  	s15 =	sshrl.u32 @!p0 s17, $0x3;
	s16 =	rddreg [dreg:$0xc];
	[sflag:s28] =	ssyncadd.s32 $0xFFFFFB20  }
0x11b: {  	[hbm:s16], [sflag:s10] =	dma.local @!p0 [spmem:s15], $0x20  }
0x11c: {  	s15 =	simm.s32 @!p0 $0x5  }
0x11d: {  	_ =	swait.ge @!p0 [sflag:s15], $0x20  }
0x11e: {  	s14 =	sadd.s32 $0x1, s14;
	s26 =	rddreg [dreg:$0xd]  }
0x11f: {  	p1 =	sne.s32 s14, s26  }
.Ltmp5:
0x120: {  	_ = 	snop;
	(pc) =	sbr.rel @p1 .LBB2_1-.Ltmp5, $3  }
0x121: {  	_ =	sdelay $0x1  }
0x122: {  	[sflag:s15] =	ssyncset.done @!p0 $0x0  }
0x123: {  	[sflag:s15] =	ssyncadd.s32 @!p0 $0xFFFFFFE0  }
0x124: {  	_ =	sfence.sel $0x180000  }
0x125: {  	[bflag:$0x0] =	sbarrier.arrive $0xFFFF  }
0x126: {  	_ =	strace $0x9000004A  }
0x127: {  	s0 =	stileid.u32;
	[bflag:$0x2] =	sbarrier.arrive $0xFFFF  }
0x128: {  	p0 =	sne.s32 s0, $0x0;
	s0 =	rddreg [dreg:$0x4]  }
0x129: {  	s0 =	sadd.s32 @!p0 $0x100000, s0  }
0x12a: {  	[sflag:s0] =	ssyncadd.tile.s32 @!p0 $0x1;
	_ =	shalt  }
.Lfunc_end2:
_tile_overlayer_lowered:
.L_overlay_start_2:
0x12b: {  	(tag) =	ssettag $0x2  }
0x12c: {  	s0 =	rddreg [dreg:$0x0];
	s2 =	stileid.u32  }
0x12d: {  	s1 =	rddreg [dreg:$0x1];
	p0 =	sne.s32 s2, $0x0  }
0x12e: {  	s3 =	rddreg [dreg:$0x2];
	[bflag:$0x3] =	sbarrier.arrive $0xFFFF;
	s2 =	simm.s32 @!p0 $0x1C05  }
0x12f: {  	[timem:s3], [sflag:s2] =	dma.local @!p0 [hbm:s0], s1  }
0x130: {  	s0 =	simm.s32 @!p0 $0x5  }
0x131: {  	_ =	swait.ge @!p0 [sflag:s0], s1  }
0x132: {  	s1 =	ssub.s32 @!p0 $0x0, s1;
	[sflag:s0] =	ssyncset.done @!p0 $0x0  }
0x133: {  	[sflag:s0] =	ssyncadd.s32 @!p0 s1  }
0x134: {  	[bflag:$0x3] =	sbarrier.arrive $0xFFFF  }
0x135: {  	_ =	shalt  }

// kernel: kernel.15.cloned.1.call-start
scs
__scs_entry_jumppad:
0x0: {  	(pc) =	sbr.rel $0x88, $3  }
0x1: {  	(tag) =	ssettag $0x0;
	lr =	simm.s32 $0x1  }
0x2: {  	[smem:$0x3F92] =	sst lr;
	_ =	strace $0xD0000000  }
0x3: {  	_ = 	snop  }
0x4: {  	_ = 	snop  }
0x5: {  	_ = 	snop  }
0x6: {  	_ = 	snop  }
0x7: {  	_ = 	snop  }
__scs_overlays_trampoline_lowered:
0x8: {  	[smem:$0x3FA1] =	sst s0  }
0x9: {  	[smem:$0x3FA2] =	sst s1  }
0xa: {  	[smem:$0x3FA3] =	sst s2  }
0xb: {  	[smem:$0x3FA4] =	sst s3  }
0xc: {  	[smem:$0x3FA5] =	sst s4  }
0xd: {  	[smem:$0x3FA6] =	sst s5  }
0xe: {  	[smem:$0x3FA7] =	sst s6  }
0xf: {  	[smem:$0x3FA8] =	sst s7  }
0x10: {  	[smem:$0x3FA9] =	sst s8  }
0x11: {  	[smem:$0x3FAA] =	sst s9;
	s0 =	simm.s32 @!p0 $0x0  }
0x12: {  	s1 =	sld [smem:$0x3F90];
	s0 =	simm.s32 @p0 $0x1  }
0x13: {  	[smem:$0x3FAB] =	sst s0;
	s0 =	simm.s32 @!p1 $0x0  }
0x14: {  	s2 =	sld [smem:$0x3F8F];
	s0 =	simm.s32 @p1 $0x1  }
0x15: {  	[smem:$0x3FAC] =	sst s0;
	s0 =	simm.s32 @!p2 $0x0  }
0x16: {  	s3 =	sld [smem:$0x3FDB];
	s0 =	simm.s32 @p2 $0x1  }
0x17: {  	s4 =	simm.s32 $0x1BF5;
	[smem:$0x3FAE] =	sst s0  }
0x18: {  	s0 =	sld [smem:$0x3F91];
	_ =	swait.ge [sflag:s4], $0x0  }
0x19: {  	s7 =	sld [smem:$0x3F92]  }
0x1a: {  	s8 =	sadd.s32 $0xFFFFE003, lr  }
0x1b: {  	s9 =	sadd.s32 $0xFFFFFEF7, lr;
	s5 =	simm.s32 $0xFFFFFFFF;
	p2 =	slt.u32 s8, $0xFFFFF086  }
0x1c: {  	p1 =	slt.u32 s9, $0xF7A;
	s5 =	simm.s32 @!p2 $0x0  }
0x1d: {  	s5 =	simm.s32 @p1 $0x1;
	p0 =	seq.s32 s7, s2  }
0x1e: {  	s7 =	smul.u32 @!p0 $0xF7A, s2;
	p2 =	seq.s32 @!p0 s5, $0x0  }
0x1f: {  	s9 =	smul.u32 $0xF7A, s1;
	s8 =	simm.s32 @!p0 $0x1BF5;
	p2 =	por !p2, p0  }
0x20: {  	[sflag:s8] =	ssyncset.s32 @!p0 $0xFFFFF086;
	s6 =	sadd.s32 @!p0 s3, s7;
	s7 =	simm.s32 @!p0 $0x108  }
0x21: {  	s3 =	sadd.s32 s3, s9;
	s6 =	sadd.s32 @!p0 $0x88, s6;
	s7 =	simm.s32 @p2 $0x1082  }
0x22: {  	[simem:s7], [sflag:s8] =	dma.local @!p0 [hbm:s6], $0xF7A  }
0x23: {  	s9 =	sor.u32 $0xD0000000, s2;
	s6 =	simm.s32 $0x108;
	_ =	swait.ge @!p0 [sflag:s8], $0x0  }
0x24: {  	s3 =	sadd.s32 $0x88, s3;
	s6 =	simm.s32 @!p1 $0x1082;
	[sflag:s4] =	ssyncset.s32 $0xFFFFF086  }
0x25: {  	[simem:s6], [sflag:s4] =	dma.local [hbm:s3], $0xF7A  }
0x26: {  	[smem:$0x3F92] =	sst s1;
	(tag) =	ssettag s2;
	_ =	strace s9  }
0x27: {  	s1 =	sld [smem:$0x3FA2]  }
0x28: {  	s2 =	sld [smem:$0x3FA3]  }
0x29: {  	s4 =	sld [smem:$0x3FA5]  }
0x2a: {  	p0 =	seq.s32 s5, $0x0;
	s5 =	sld [smem:$0x3FA6]  }
0x2b: {  	s6 =	sld [smem:$0x3FA7]  }
0x2c: {  	s7 =	sld [smem:$0x3FA8]  }
0x2d: {  	s3 =	simm.s32 $0x108;
	s8 =	sld [smem:$0x3FA9]  }
0x2e: {  	s3 =	simm.s32 @!p0 $0x1082;
	s9 =	sld [smem:$0x3FAA]  }
0x2f: {  	lr =	sadd.s32 s0, s3;
	s0 =	sld [smem:$0x3FA1]  }
0x30: {  	s3 =	sld [smem:$0x3FA4]  }
0x31: {  	[smem:$0x3FAD] =	sst s10  }
0x32: {  	s10 =	sld [smem:$0x3FAB];
	_ =	sdelay $0x3  }
0x33: {  	p0 =	seq.s32 s10, $0x1;
	s10 =	sld [smem:$0x3FAD];
	_ =	sdelay $0x3  }
0x34: {  	[smem:$0x3FAD] =	sst s10  }
0x35: {  	s10 =	sld [smem:$0x3FAC];
	_ =	sdelay $0x3  }
0x36: {  	p1 =	seq.s32 s10, $0x1;
	s10 =	sld [smem:$0x3FAD];
	_ =	sdelay $0x3  }
0x37: {  	[smem:$0x3FAD] =	sst s10  }
0x38: {  	s10 =	sld [smem:$0x3FAE]  }
0x39: {  	_ = 	snop;
	(pc) =	sbr.ind lr, $3  }
0x3a: {  	_ = 	snop  }
0x3b: {  	_ = 	snop  }
0x3c: {  	p2 =	seq.s32 s10, $0x1;
	s10 =	sld [smem:$0x3FAD]  }
0x3d: {  	_ =	shalt  }
0x3e: {  	_ =	shalt  }
0x3f: {  	_ =	shalt  }
0x40: {  	_ =	shalt  }
0x41: {  	_ =	shalt  }
0x42: {  	_ =	shalt  }
0x43: {  	_ =	shalt  }
0x44: {  	_ =	shalt  }
0x45: {  	_ =	shalt  }
0x46: {  	_ =	shalt  }
0x47: {  	_ =	shalt  }
0x48: {  	_ =	shalt  }
0x49: {  	_ =	shalt  }
0x4a: {  	_ =	shalt  }
0x4b: {  	_ =	shalt  }
0x4c: {  	_ =	shalt  }
0x4d: {  	_ =	shalt  }
0x4e: {  	_ =	shalt  }
0x4f: {  	_ =	shalt  }
0x50: {  	_ =	shalt  }
0x51: {  	_ =	shalt  }
0x52: {  	_ =	shalt  }
0x53: {  	_ =	shalt  }
0x54: {  	_ =	shalt  }
0x55: {  	_ =	shalt  }
0x56: {  	_ =	shalt  }
0x57: {  	_ =	shalt  }
0x58: {  	_ =	shalt  }
0x59: {  	_ =	shalt  }
0x5a: {  	_ =	shalt  }
0x5b: {  	_ =	shalt  }
0x5c: {  	_ =	shalt  }
0x5d: {  	_ =	shalt  }
0x5e: {  	_ =	shalt  }
0x5f: {  	_ =	shalt  }
0x60: {  	_ =	shalt  }
0x61: {  	_ =	shalt  }
0x62: {  	_ =	shalt  }
0x63: {  	_ =	shalt  }
0x64: {  	_ =	shalt  }
0x65: {  	_ =	shalt  }
0x66: {  	_ =	shalt  }
0x67: {  	_ =	shalt  }
0x68: {  	_ =	shalt  }
0x69: {  	_ =	shalt  }
0x6a: {  	_ =	shalt  }
0x6b: {  	_ =	shalt  }
0x6c: {  	_ =	shalt  }
0x6d: {  	_ =	shalt  }
0x6e: {  	_ =	shalt  }
0x6f: {  	_ =	shalt  }
0x70: {  	_ =	shalt  }
0x71: {  	_ =	shalt  }
0x72: {  	_ =	shalt  }
0x73: {  	_ =	shalt  }
0x74: {  	_ =	shalt  }
0x75: {  	_ =	shalt  }
0x76: {  	_ =	shalt  }
0x77: {  	_ =	shalt  }
0x78: {  	_ =	shalt  }
0x79: {  	_ =	shalt  }
0x7a: {  	_ =	shalt  }
0x7b: {  	_ =	shalt  }
0x7c: {  	_ =	shalt  }
0x7d: {  	_ =	shalt  }
0x7e: {  	_ =	shalt  }
0x7f: {  	_ =	shalt  }
0x80: {  	_ =	shalt  }
0x81: {  	_ =	shalt  }
0x82: {  	_ =	shalt  }
0x83: {  	_ =	shalt  }
0x84: {  	_ =	shalt  }
0x85: {  	_ =	shalt  }
0x86: {  	_ =	shalt  }
0x87: {  	_ =	shalt  }
.Lfunc_end0:
.L_simem_size_0:
called_computation.2_lowered:
.L_overlay_start_0:
0x88: {  	s2 =	sld [smem:$0x3FD9]  }
0x89: {  	s3 =	sld [smem:$0x3FFE];
	_ =	sdelay $0x1  }
0x8a: {  	s1 =	srdreg.scid  }
0x8b: {  	s0 =	sand.u32 $0x1, s1  }
0x8c: {  	s16 =	sshll.u32 s0, $0xA;
	s2 =	sadd.s32 s3, s2  }
0x8d: {  	s2 =	sadd.s32 s2, s16  }
0x8e: {  	[smem:$0x3FB9] =	sst s2  }
0x8f: {  	_ = 	snop  }
0x90: {  	(tm) =	ssettm $0x1  }
0x91: {  	s17 =	sld [smem:$0x3FFB];
	_ =	sdelay $0x3  }
0x92: {  	_ =	strace s17  }
0x93: {  	s2 =	sld [smem:$0x3FFC];
	_ =	sdelay $0x3  }
0x94: {  	_ =	strace s2  }
0x95: {  	s2 =	sld [smem:$0x3FFD];
	_ =	sdelay $0x3  }
0x96: {  	_ =	strace s2  }
0x97: {  	_ =	strace $0x8FFFFFFF  }
0x98: {  	s18 =	sld [smem:$0x3FDB];
	_ =	sdelay $0x1  }
0x99: {  	s19 =	simm.s32 $_scs_section_size  }
0x9a: {  	s4 =	simm.s32 $_size__tile_overlayer_lowered;
	s5 =	simm.s32 $_tile_overlayer_lowered  }
0x9b: {  	s22 =	simm.s32 $0x1BFF;
	s21 =	sshll.u32 s5, $0x1;
	s2 =	sadd.s32 s19, s18  }
0x9c: {  	s6 =	simm.s32 $0x0;
	s20 =	sshll.u32 s4, $0x1;
	s4 =	sadd.s32 s21, s2  }
0x9d: {  	[timem:s6], [sflag:s22] =	dma.local [hbm:s4], s20  }
0x9e: {  	_ =	swait.ge [sflag:s22], s20  }
0x9f: {  	s3 =	ssub.s32 $0x0, s20;
	[sflag:s22] =	ssyncset.done $0x0  }
0xa0: {  	[sflag:s22] =	ssyncadd.s32 s3;
	_ =	sdelay $0x1  }
0xa1: {  	s23 =	simm.s32 $0x1B8B  }
0xa2: {  	_ =	swait.ge [sflag:s23], $0x1  }
0xa3: {  	[sflag:s23] =	ssyncset.done $0x0  }
0xa4: {  	s25 =	simm.s32 $0x1B8E;
	s24 =	sld [smem:$0x3FFE];
	[sflag:s23] =	ssyncadd.s32 $0xFFFFFFFF  }
0xa5: {  	s26 =	simm.s32 $execute0_lowered;
	[smem:$0x3FD2] =	sst s25  }
0xa6: {  	s4 =	sshll.u32 s26, $0x1;
	_ =	strace $0x8000004C;
	[dreg:$0x1] =	wrdreg $0xFFFFFFFF  }
0xa7: {  	s28 =	simm.s32 $_size_execute0_lowered;
	s2 =	sadd.s32 s2, s4;
	[dreg:$0x0] =	wrdreg $0x0  }
0xa8: {  	s4 =	sshll.u32 s28, $0x1;
	[dreg:$0x2] =	wrdreg s2  }
0xa9: {  	[dreg:$0x3] =	wrdreg s4  }
0xaa: {  	[dreg:$0x4] =	wrdreg $0xC0  }
0xab: {  	_ =	task [dreg:s6], $0x5FFFF  }
0xac: {  	[dreg:$0x1] =	wrdreg $0xFFFFFFFF  }
0xad: {  	[dreg:$0x0] =	wrdreg $0x60  }
0xae: {  	[dreg:$0x2] =	wrdreg s24  }
0xaf: {  	[dreg:$0x3] =	wrdreg $0x1ADB00  }
0xb0: {  	[dreg:$0x4] =	wrdreg $0x1D4C00  }
0xb1: {  	[dreg:$0x5] =	wrdreg $0x186A00  }
0xb2: {  	[dreg:$0x6] =	wrdreg $0x9  }
0xb3: {  	_ =	task.clear_ibuf [dreg:s6], $0x7FFFF;
	_ =	strace $0x9000004C  }
0xb4: {  	s29 =	simm.s32 $0x9;
	_ =	strace $0x8000004E  }
0xb5: {  	_ =	swait.ge [sflag:s29], $0x1  }
0xb6: {  	[sflag:s29] =	ssyncadd.s32 $0xFFFFFFFF  }
0xb7: {  	_ =	strace $0x9000004E  }
0xb8: {  	_ =	sfence  }
0xb9: {  	s30 =	sld [smem:$0x0];
	_ =	sdelay $0x2  }
0xba: {  	s31 =	sshll.u32 s1, $0xD;
	s1 =	sshrl.u32 s1, $0x2  }
0xbb: {  	s3 =	sand.u32 $0x4000, s31;
	s1 =	sadd.s32 s1, s30  }
0xbc: {  	s0 =	sor.u32 s3, s0;
	s1 =	sshll.u32 s1, $0x11  }
0xbd: {  	s0 =	sor.u32 s1, s0  }
0xbe: {  	s0 =	sadd.s32 $0x8F2B, s0  }
0xbf: {  	[sflag:s0] =	ssyncadd.remote.s32 $0x1  }
0xc0: {  	_ =	sfence.sel $0xFFFF  }
0xc1: {  	[dreg:$0x0] =	wrdreg $0xFFFFFFFF;
	(pc) =	sbr.abs _section_cstart, $3  }
0xc2: {  	[dreg:$0x1] =	wrdreg $0xFFFFFFFF  }
0xc3: {  	_ =	task.clear_ibuf [dreg:s6], $0x2FFFF;
	_ =	strace $0x9FFFFFFF  }
0xc4: {  	(tm) =	ssettm $0x7FFFFFFF  }
0xc5: {  	_ =	shalt  }
tec
execute0_lowered:
.L_overlay_start_1:
0x0: {  	(tag) =	ssettag $0x1  }
0x1: {  	s0 =	rddreg [dreg:$0x0]  }
0x2: {  	s1 =	rddreg [dreg:$0x1]  }
0x3: {  	s3 =	rddreg [dreg:$0x2]  }
0x4: {  	s4 =	rddreg [dreg:$0x3]  }
0x5: {  	s5 =	simm.s32 $0x0;
	s21 =	stileid.u32;
	s8 =	srdreg.scid  }
0x6: {  	s28 =	simm.s32 $0x5;
	s29 =	simm.s32 $0x1F0;
	s30 =	simm.s32 $0x2  }
0x7: {  	s31 =	simm.s32 $0x3;
	[smem:$0x7FF] =	sst s5;
	s2 =	smul.u32 $0x2700, s21  }
0x8: {  	s6 =	sadd.s32 $0x5A00, s0;
	s7 =	sadd.s32 $0x117A00, s0;
	s11 =	sand.u32 $0x1, s8  }
0x9: {  	s8 =	sadd.s32 $0x23400, s0;
	s14 =	sadd.s32 $0xBF800, s0;
	s13 =	sshll.u32 s21, $0x1  }
0xa: {  	s23 =	sshll.u32 s21, $0x6;
	s17 =	sadd.s32 $0x1E200, s0;
	s20 =	sadd.s32 $0x27000, s3  }
0xb: {  	_ =	strace $0x8000004D;
	s10 =	ssub.s32 $0x2, s11;
	s16 =	sor.u32 s11, s13  }
0xc: {  	s25 =	smul.u32 $0x27100, s11;
	[dreg:$0x7] =	wrdreg s17;
	s9 =	sshrl.u32 s2, $0x3  }
0xd: {  	s12 =	sshrl.u32 s10, $0x1;
	s18 =	sadd.s32 s2, s1;
	s19 =	sadd.s32 s2, s3  }
0xe: {  	s13 =	smul.u32 $0x2710, s16;
	s9 =	sadd.s32 s9, s0;
	s15 =	ssub.s32 s10, s12  }
0xf: {  	s12 =	sadd.s32 s2, s4;
	s2 =	sadd.s32 s2, s25;
	s0 =	sadd.s32 $0x23200, s0  }
0x10: {  	s22 =	sshrl.u32 s25, $0x3;
	s25 =	sshrl.u32 s18, $0x3;
	[dreg:$0x8] =	wrdreg s0  }
0x11: {  	s16 =	smul.u32 $0x4E20, s16;
	s24 =	sadd.s32 $0x19400, s9;
	[dreg:$0xe] =	wrdreg s25  }
0x12: {  	s10 =	sor.u32 $0x1C05, s23;
	s9 =	sadd.s32 $0x1E400, s9;
	[dreg:$0x5] =	wrdreg s24  }
0x13: {  	s2 =	sshrl.u32 s2, $0x3;
	s23 =	sadd.s32 s7, s16;
	[dreg:$0x6] =	wrdreg s9  }
0x14: {  	p0 =	sne.s32 s21, $0xF;
	s2 =	sadd.s32 s14, s2;
	[dreg:$0xb] =	wrdreg s23  }
0x15: {  	s26 =	sshrl.u32 s13, $0x3;
	s24 =	smax.u32 s15, $0x1;
	[dreg:$0x9] =	wrdreg s2  }
0x16: {  	s0 =	sadd.s32 s6, s26;
	s26 =	sshrl.u32 s19, $0x3;
	[dreg:$0xd] =	wrdreg s24  }
0x17: {  	s11 =	sadd.s32 $0x27000, s1;
	s17 =	sadd.s32 $0x27000, s4;
	[dreg:$0xf] =	wrdreg s26  }
0x18: {  	s2 =	sadd.s32 s14, s22;
	[dreg:$0xa] =	wrdreg s0;
	s0 =	sadd.s32 $0x9C40, s0  }
0x19: {  	s9 =	simm.s32 $0x3E8;
	s2 =	sadd.s32 $0x4E00, s2;
	[dreg:$0x12] =	wrdreg s0  }
0x1a: {  	s14 =	simm.s32 $0x0;
	[dreg:$0xc] =	wrdreg s2;
	s2 =	sshrl.u32 @!p0 s11, $0x3  }
0x1b: {  	s0 =	simm.s32 $0x1;
	[dreg:$0x10] =	wrdreg s2;
	s2 =	sshrl.u32 @!p0 s20, $0x3  }
0x1c: {  	v0 =	vimm.f32 $0.0e+00;
	s11 =	simm.s32 $0x4;
	[dreg:$0x11] =	wrdreg s2;
	s2 =	simm.s32 $0x1F8  }
.LBB2_1:
0x1d: {  	s15 =	rddreg [dreg:$0x5]  }
0x1e: {  	s16 =	rddreg [dreg:$0xe]  }
0x1f: {  	[spmem:s16], [sflag:s10] =	dma.local [hbm:s15], $0x4E0  }
0x20: {  	_ =	swait.ge [sflag:s28], $0x4E0  }
0x21: {  	[sflag:s28] =	ssyncset.done $0x0;
	s25 =	rddreg [dreg:$0x6]  }
0x22: {  	s26 =	rddreg [dreg:$0xf];
	[sflag:s28] =	ssyncadd.s32 $0xFFFFFB20  }
0x23: {  	[spmem:s26], [sflag:s10] =	dma.local [hbm:s25], $0x4E0  }
0x24: {  	_ =	swait.ge [sflag:s28], $0x4E0  }
0x25: {  	[sflag:s28] =	ssyncset.done $0x0  }
0x26: {  	s15 =	simm.s32 $0x40;
	s16 =	simm.s32 $0x0;
	[sflag:s28] =	ssyncadd.s32 $0xFFFFFB20  }
.LBB2_2:
0x27: {  	p1 =	sne.s32 s15, $0x9FC0;
	[tilespmem:s16+$0xFA0] =	vst v0;
	s16 =	smov.u32 s15;
	s15 =	sadd.s32 $0x40, s15  }
.Ltmp0:
0x28: {  	(pc) =	sbr.rel @p1 .LBB2_2-.Ltmp0, $2  }
0x29: {  	_ =	sdelay $0x2  }
0x2a: {  	s16 =	sshra.s32 s16, $0x2  }
0x2b: {  	[tilespmem:s16+$0xFA0] =	vst v0;
	s15 =	simm.s32 $0xFA0  }
0x2c: {  	[spmem:s12] =	stream.linear.scatter [tilespmem:s15], [sflag:$0x5], $0x2700, $0x38;
	[tilespmem:$0x1FBD0] =	vst v63  }
0x2d: {  	_ =	swait.ge [sflag:s28], $0x2700  }
0x2e: {  	[sflag:s28] =	ssyncset.done $0x0;
	s15 =	rddreg [dreg:$0x7]  }
0x2f: {  	s16 =	rddreg [dreg:$0x10];
	[sflag:s28] =	ssyncadd.s32 $0xFFFFD900  }
0x30: {  	[spmem:s16], [sflag:s10] =	dma.local @!p0 [hbm:s15], $0x20  }
0x31: {  	s15 =	simm.s32 @!p0 $0x5  }
0x32: {  	_ =	swait.ge @!p0 [sflag:s15], $0x20  }
0x33: {  	[sflag:s15] =	ssyncset.done @!p0 $0x0;
	s16 =	rddreg [dreg:$0x8]  }
0x34: {  	s18 =	rddreg [dreg:$0x11];
	[sflag:s15] =	ssyncadd.s32 @!p0 $0xFFFFFFE0  }
0x35: {  	[spmem:s18], [sflag:s10] =	dma.local @!p0 [hbm:s16], $0x20  }
0x36: {  	_ =	swait.ge @!p0 [sflag:s15], $0x20  }
0x37: {  	[sflag:s15] =	ssyncset.done @!p0 $0x0  }
0x38: {  	s16 =	simm.s32 @!p0 $0xFA0;
	[sflag:s15] =	ssyncadd.s32 @!p0 $0xFFFFFFE0  }
0x39: {  	[spmem:s17] =	stream.linear.scatter @!p0 [tilespmem:s16], [sflag:$0x5], $0x100, $0x38;
	[tilespmem:$0x1FBD0] =	vst v63  }
0x3a: {  	_ =	swait.ge @!p0 [sflag:s15], $0x100  }
0x3b: {  	[sflag:s15] =	ssyncset.done @!p0 $0x0  }
0x3c: {  	[sflag:s15] =	ssyncadd.s32 @!p0 $0xFFFFFF00  }
0x3d: {  	[bflag:$0x0] =	sbarrier.arrive $0xFFFF  }
0x3e: {  	s20 =	simm.s32 $0x0;
	s22 =	rddreg [dreg:$0xa]  }
0x3f: {  	[tilespmem:s20], [sflag:$0x1] =	stream.linear.gather [hbm4b:s22+s20], $0x3E8, $0x38;
	[tilespmem:$0x1FBD0] =	vst v63  }
0x40: {  	s24 =	simm.s32 $0x7D0;
	s23 =	rddreg [dreg:$0x12]  }
0x41: {  	[tilespmem:s24], [sflag:$0x1] =	stream.linear.gather [hbm4b:s23+s20], $0x3E8, $0x38;
	[tilespmem:$0x1FBD0] =	vst v63  }
0x42: {  	s26 =	simm.s32 $0x109A0;
	s25 =	rddreg [dreg:$0xb]  }
0x43: {  	[tilespmem:s26], [sflag:$0x1] =	stream.linear.gather [hbm4b:s25+s20], $0x3E80, $0x38;
	[tilespmem:$0x1FBD0] =	vst v63  }
.LBB2_4:
0x44: {  	_ =	swait.ge [sflag:s0], $0x3E8  }
0x45: {  	[sflag:s0] =	ssyncset.done $0x0  }
0x46: {  	[sflag:s0] =	ssyncadd.s32 $0xFFFFFC18  }
0x47: {  	_ =	swait.ge [sflag:s0], $0x3E8  }
0x48: {  	[sflag:s0] =	ssyncset.done $0x0  }
0x49: {  	s18 =	sand.u32 $0x1, s20;
	[sflag:s0] =	ssyncadd.s32 $0xFFFFFC18  }
0x4a: {  	s15 =	smul.u32 $0x3E80, s18;
	_ =	swait.ge [sflag:s0], $0x3E80  }
0x4b: {  	s19 =	smul.u32 $0x3E8, s18;
	[sflag:s0] =	ssyncset.done $0x0  }
0x4c: {  	s16 =	sadd.s32 $0xFA0, s15;
	[sflag:s0] =	ssyncadd.s32 $0xFFFFC180  }
0x4d: {  	[tilespmem:s16], [sflag:$0x2] =	stream.indirect.gather [spmem:s1], $0x10, s19, s2, $0xb8;
	[tilespmem:$0x1FBD0] =	vst v63  }
0x4e: {  	p1 =	seq.s32 s20, $0x0;
	s21 =	sadd.s32 $0x8CA0, s15;
	s16 =	sadd.s32 $0x7D0, s19  }
0x4f: {  	[tilespmem:s21], [sflag:$0x3] =	stream.indirect.gather [spmem:s3], $0x10, s16, s2, $0xb8;
	[tilespmem:$0x1FBD0] =	vst v63  }
0x50: {  	p2 =	seq.s32 @!p1 s20, $0x9;
	s25 =	sadd.s32 $0x2F20, s15;
	s22 =	sadd.s32 $0x1F8, s19  }
0x51: {  	[tilespmem:s25], [sflag:$0x2] =	stream.indirect.gather [spmem:s1], $0x10, s22, s29, $0xb8;
	[tilespmem:$0x1FBD0] =	vst v63  }
0x52: {  	p2 =	por p1, !p2;
	s26 =	sadd.s32 $0xAC20, s15;
	s19 =	sadd.s32 $0x9C8, s19  }
0x53: {  	[tilespmem:s26], [sflag:$0x3] =	stream.indirect.gather [spmem:s3], $0x10, s19, s29, $0xb8;
	[tilespmem:$0x1FBD0] =	vst v63  }
.Ltmp1:
0x54: {  	_ = 	snop;
	(pc) =	sbr.rel @!p2 .LBB2_6-.Ltmp1, $4  }
0x55: {  	s19 =	simm.s32 @!p1 $0x4  }
0x56: {  	_ =	swait.ge @!p1 [sflag:s19], $0x3E80  }
0x57: {  	[sflag:s19] =	ssyncset.done @!p1 $0x0  }
0x58: {  	[sflag:s19] =	ssyncadd.s32 @!p1 $0xFFFFC180;
	s19 =	simm.s32 @!p1 $0xA  }
0x59: {  	s19 =	sadd.s32 @!p1 $0x1, s20  }
0x5a: {  	s19 =	simm.s32 @p1 $0x1  }
0x5b: {  	s21 =	smul.u32 $0x3E8, s19;
	s22 =	sand.u32 $0x1, s19  }
0x5c: {  	s23 =	smul.u32 $0x3E8, s22  }
0x5d: {  	s22 =	smul.u32 $0xFA00, s22;
	s21 =	sadd.s32 s13, s21  }
0x5e: {  	s24 =	sshrl.u32 s21, $0x3  }
0x5f: {  	s21 =	sshll.u32 s21, $0x1;
	s22 =	sshrl.u32 s22, $0x2;
	s24 =	sadd.s32 s6, s24  }
0x60: {  	[tilespmem:s23], [sflag:$0x1] =	stream.linear.gather [hbm4b:s24+s5], $0x3E8, $0x38;
	[tilespmem:$0x1FBD0] =	vst v63  }
0x61: {  	s21 =	sand.u32 $0x1FFFFFF0, s21;
	s23 =	sadd.s32 $0x7D0, s23;
	s24 =	sadd.s32 $0x9C40, s24  }
0x62: {  	[tilespmem:s23], [sflag:$0x1] =	stream.linear.gather [hbm4b:s24+s5], $0x3E8, $0x38;
	[tilespmem:$0x1FBD0] =	vst v63  }
0x63: {  	s22 =	sadd.s32 $0x109A0, s22;
	s21 =	sadd.s32 s7, s21  }
0x64: {  	[tilespmem:s22], [sflag:$0x1] =	stream.linear.gather [hbm4b:s21+s5], $0x3E80, $0x38;
	[tilespmem:$0x1FBD0] =	vst v63  }
.LBB2_6:
0x65: {  	_ =	swait.ge [sflag:s30], $0x1F80  }
0x66: {  	[sflag:s30] =	ssyncset.done $0x0  }
0x67: {  	s18 =	smul.u32 $0xFA00, s18;
	[sflag:s30] =	ssyncadd.s32 $0xFFFFE080  }
0x68: {  	_ =	swait.ge [sflag:s31], $0x1F80  }
0x69: {  	s22 =	sshrl.u32 s18, $0x2;
	[sflag:s31] =	ssyncset.done $0x0  }
0x6a: {  	s23 =	sadd.s32 $0x109C0, s22;
	[sflag:s31] =	ssyncadd.s32 $0xFFFFE080  }
0x6b: {  	s24 =	sadd.s32 $0xFC0, s22;
	v1 =	vld [tilespmem:s23+$0xFFFFFFE0]  }
0x6c: {  	v2 =	vld [tilespmem:s24+$0xFFFFFFE0]  }
0x6d: {  	s25 =	sadd.s32 $0x8CC0, s22  }
0x6e: {  	v3 =	vld [tilespmem:s25+$0xFFFFFFE0];
	_ =	sdelay $0x2  }
0x6f: {  	v1 =	vadd.f32 v2, v1;
	_ =	sdelay $0x1  }
0x70: {  	v1 =	vadd.f32 v3, v1;
	_ =	sdelay $0x1  }
0x71: {  	v1 =	vmax.f32 v1, $0.0e+00  }
0x72: {  	[tilespmem:s23+$0xFFFFFFE0] =	vst v1;
	v1 =	vld [tilespmem:s23+$0xFFFFFFF0]  }
0x73: {  	v2 =	vld [tilespmem:s24+$0xFFFFFFF0];
	_ =	sdelay $0x1  }
0x74: {  	v3 =	vld [tilespmem:s25+$0xFFFFFFF0];
	_ =	sdelay $0x2  }
0x75: {  	v1 =	vadd.f32 v2, v1;
	_ =	sdelay $0x1  }
0x76: {  	v1 =	vadd.f32 v3, v1;
	_ =	sdelay $0x1  }
0x77: {  	v1 =	vmax.f32 v1, $0.0e+00  }
0x78: {  	[tilespmem:s23+$0xFFFFFFF0] =	vst v1;
	v1 =	vld [tilespmem:s23+$0x0]  }
0x79: {  	v2 =	vld [tilespmem:s24+$0x0];
	_ =	sdelay $0x1  }
0x7a: {  	v3 =	vld [tilespmem:s25+$0x0];
	_ =	sdelay $0x2  }
0x7b: {  	v1 =	vadd.f32 v2, v1;
	_ =	sdelay $0x1  }
0x7c: {  	v1 =	vadd.f32 v3, v1;
	_ =	sdelay $0x1  }
0x7d: {  	v1 =	vmax.f32 v1, $0.0e+00  }
0x7e: {  	[tilespmem:s23+$0x0] =	vst v1;
	v1 =	vld [tilespmem:s23+$0x10]  }
0x7f: {  	v2 =	vld [tilespmem:s24+$0x10];
	_ =	sdelay $0x1  }
0x80: {  	v3 =	vld [tilespmem:s25+$0x10];
	_ =	sdelay $0x2  }
0x81: {  	v1 =	vadd.f32 v2, v1;
	_ =	sdelay $0x1  }
0x82: {  	v1 =	vadd.f32 v3, v1;
	_ =	sdelay $0x1  }
0x83: {  	v1 =	vmax.f32 v1, $0.0e+00  }
0x84: {  	[tilespmem:s23+$0x10] =	vst v1;
	v1 =	vld [tilespmem:s23+$0x20]  }
0x85: {  	v2 =	vld [tilespmem:s24+$0x20];
	_ =	sdelay $0x1  }
0x86: {  	v3 =	vld [tilespmem:s25+$0x20];
	_ =	sdelay $0x2  }
0x87: {  	v1 =	vadd.f32 v2, v1;
	_ =	sdelay $0x1  }
0x88: {  	s26 =	smul.u32 $0x3E8, s20;
	v1 =	vadd.f32 v3, v1  }
0x89: {  	s20 =	sadd.s32 $0x109A0, s15  }
0x8a: {  	s21 =	sadd.s32 s13, s26;
	s26 =	simm.s32 $0x0;
	s18 =	sadd.s32 $0x50, s23;
	v1 =	vmax.f32 v1, $0.0e+00  }
.LBB2_7:
0x8b: {  	v2 =	vld [tilespmem:s18+$0xFFFFFFE0];
	[tilespmem:s23+$0x20] =	vst v1;
	s24 =	sadd.s32 $0x50, s24;
	s23 =	smov.u32 s18  }
0x8c: {  	s26 =	sadd.s32 $0x5, s26;
	s25 =	sadd.s32 $0x50, s25;
	v1 =	vld [tilespmem:s24+$0xFFFFFFE0]  }
0x8d: {  	p1 =	slt.u32 s26, $0x1EF;
	v3 =	vld [tilespmem:s25+$0xFFFFFFE0];
	_ =	sdelay $0x3  }
0x8e: {  	v1 =	vadd.f32 v1, v2;
	_ =	sdelay $0x1  }
0x8f: {  	v1 =	vadd.f32 v3, v1;
	_ =	sdelay $0x1  }
0x90: {  	v1 =	vmax.f32 v1, $0.0e+00  }
0x91: {  	[tilespmem:s18+$0xFFFFFFE0] =	vst v1;
	v1 =	vld [tilespmem:s18+$0xFFFFFFF0]  }
0x92: {  	v2 =	vld [tilespmem:s24+$0xFFFFFFF0];
	_ =	sdelay $0x1  }
0x93: {  	v3 =	vld [tilespmem:s25+$0xFFFFFFF0];
	_ =	sdelay $0x2  }
0x94: {  	v1 =	vadd.f32 v2, v1;
	_ =	sdelay $0x1  }
0x95: {  	v1 =	vadd.f32 v3, v1;
	_ =	sdelay $0x1  }
0x96: {  	v1 =	vmax.f32 v1, $0.0e+00  }
0x97: {  	[tilespmem:s18+$0xFFFFFFF0] =	vst v1;
	v1 =	vld [tilespmem:s18+$0x0]  }
0x98: {  	v2 =	vld [tilespmem:s24+$0x0];
	_ =	sdelay $0x1  }
0x99: {  	v3 =	vld [tilespmem:s25+$0x0];
	_ =	sdelay $0x2  }
0x9a: {  	v1 =	vadd.f32 v2, v1;
	_ =	sdelay $0x1  }
0x9b: {  	v1 =	vadd.f32 v3, v1;
	_ =	sdelay $0x1  }
0x9c: {  	v1 =	vmax.f32 v1, $0.0e+00  }
0x9d: {  	[tilespmem:s18+$0x0] =	vst v1;
	v1 =	vld [tilespmem:s18+$0x10]  }
0x9e: {  	v2 =	vld [tilespmem:s24+$0x10];
	_ =	sdelay $0x1  }
0x9f: {  	v3 =	vld [tilespmem:s25+$0x10];
	_ =	sdelay $0x2  }
0xa0: {  	v1 =	vadd.f32 v2, v1;
	_ =	sdelay $0x1  }
0xa1: {  	v1 =	vadd.f32 v3, v1;
	_ =	sdelay $0x1  }
0xa2: {  	v1 =	vmax.f32 v1, $0.0e+00  }
0xa3: {  	[tilespmem:s18+$0x10] =	vst v1;
	v1 =	vld [tilespmem:s18+$0x20]  }
0xa4: {  	v2 =	vld [tilespmem:s24+$0x20]  }
0xa5: {  	v3 =	vld [tilespmem:s25+$0x20];
	_ =	sdelay $0x3  }
.Ltmp2:
0xa6: {  	v1 =	vadd.f32 v2, v1;
	(pc) =	sbr.rel @p1 .LBB2_7-.Ltmp2, $3  }
0xa7: {  	_ = 	snop  }
0xa8: {  	v1 =	vadd.f32 v3, v1;
	_ =	sdelay $0x1  }
0xa9: {  	s18 =	sadd.s32 $0x50, s18;
	v1 =	vmax.f32 v1, $0.0e+00  }
0xaa: {  	[tilespmem:s23+$0x20] =	vst v1  }
0xab: {  	v1 =	vld [tilespmem:s15+$0x128E0]  }
0xac: {  	v2 =	vld [tilespmem:s15+$0x2EE0]  }
0xad: {  	v3 =	vld [tilespmem:s15+$0xABE0]  }
0xae: {  	v4 =	vld [tilespmem:s15+$0x128F0]  }
0xaf: {  	v5 =	vld [tilespmem:s15+$0x2EF0]  }
0xb0: {  	v6 =	vld [tilespmem:s15+$0xABF0]  }
0xb1: {  	v7 =	vld [tilespmem:s15+$0x12900]  }
0xb2: {  	v8 =	vld [tilespmem:s15+$0x2F00]  }
0xb3: {  	v9 =	vld [tilespmem:s15+$0x12910]  }
0xb4: {  	v10 =	vld [tilespmem:s15+$0x2F10]  }
0xb5: {  	v11 =	vld [tilespmem:s15+$0xAC00]  }
0xb6: {  	v1 =	vadd.f32 v2, v1;
	v2 =	vld [tilespmem:s15+$0xAC10]  }
0xb7: {  	v4 =	vadd.f32 v5, v4  }
0xb8: {  	v1 =	vadd.f32 v3, v1;
	v3 =	vadd.f32 v8, v7  }
0xb9: {  	v63 =	vadd.f32 v10, v9;
	v4 =	vadd.f32 v6, v4  }
0xba: {  	v3 =	vadd.f32 v11, v3;
	v1 =	vmax.f32 v1, $0.0e+00  }
0xbb: {  	[tilespmem:s15+$0x128E0] =	vst v1;
	v1 =	vadd.f32 v2, v63;
	v2 =	vmax.f32 v4, $0.0e+00  }
0xbc: {  	[tilespmem:s15+$0x128F0] =	vst v2;
	v2 =	vmax.f32 v3, $0.0e+00  }
0xbd: {  	[tilespmem:s15+$0x12900] =	vst v2;
	v1 =	vmax.f32 v1, $0.0e+00  }
0xbe: {  	[tilespmem:s15+$0x12910] =	vst v1  }
0xbf: {  	_ =	swait.ge [sflag:s30], $0x1F00  }
0xc0: {  	[sflag:s30] =	ssyncset.done $0x0  }
0xc1: {  	[sflag:s30] =	ssyncadd.s32 $0xFFFFE100  }
0xc2: {  	_ =	swait.ge [sflag:s31], $0x1F00  }
0xc3: {  	[sflag:s31] =	ssyncset.done $0x0  }
0xc4: {  	s23 =	sadd.s32 $0x12960, s22;
	[sflag:s31] =	ssyncadd.s32 $0xFFFFE100  }
0xc5: {  	s24 =	sadd.s32 $0x2F60, s22;
	v1 =	vld [tilespmem:s23+$0xFFFFFFC0]  }
0xc6: {  	v2 =	vld [tilespmem:s24+$0xFFFFFFC0]  }
0xc7: {  	s22 =	sadd.s32 $0xAC60, s22  }
0xc8: {  	v3 =	vld [tilespmem:s22+$0xFFFFFFC0];
	_ =	sdelay $0x2  }
0xc9: {  	v1 =	vadd.f32 v2, v1;
	_ =	sdelay $0x1  }
0xca: {  	v1 =	vadd.f32 v3, v1;
	_ =	sdelay $0x1  }
0xcb: {  	v1 =	vmax.f32 v1, $0.0e+00  }
0xcc: {  	[tilespmem:s23+$0xFFFFFFC0] =	vst v1;
	v1 =	vld [tilespmem:s23+$0xFFFFFFD0]  }
0xcd: {  	v2 =	vld [tilespmem:s24+$0xFFFFFFD0];
	_ =	sdelay $0x1  }
0xce: {  	v3 =	vld [tilespmem:s22+$0xFFFFFFD0];
	_ =	sdelay $0x2  }
0xcf: {  	v1 =	vadd.f32 v2, v1;
	_ =	sdelay $0x1  }
0xd0: {  	v1 =	vadd.f32 v3, v1;
	_ =	sdelay $0x1  }
0xd1: {  	v1 =	vmax.f32 v1, $0.0e+00  }
0xd2: {  	[tilespmem:s23+$0xFFFFFFD0] =	vst v1;
	v1 =	vld [tilespmem:s23+$0xFFFFFFE0]  }
0xd3: {  	v2 =	vld [tilespmem:s24+$0xFFFFFFE0];
	_ =	sdelay $0x1  }
0xd4: {  	v3 =	vld [tilespmem:s22+$0xFFFFFFE0];
	_ =	sdelay $0x2  }
0xd5: {  	v1 =	vadd.f32 v2, v1;
	_ =	sdelay $0x1  }
0xd6: {  	v1 =	vadd.f32 v3, v1;
	_ =	sdelay $0x1  }
0xd7: {  	v1 =	vmax.f32 v1, $0.0e+00  }
0xd8: {  	[tilespmem:s23+$0xFFFFFFE0] =	vst v1;
	v1 =	vld [tilespmem:s23+$0xFFFFFFF0]  }
0xd9: {  	v2 =	vld [tilespmem:s24+$0xFFFFFFF0];
	_ =	sdelay $0x1  }
0xda: {  	v3 =	vld [tilespmem:s22+$0xFFFFFFF0];
	_ =	sdelay $0x2  }
0xdb: {  	v1 =	vadd.f32 v2, v1;
	_ =	sdelay $0x1  }
0xdc: {  	v1 =	vadd.f32 v3, v1;
	_ =	sdelay $0x1  }
0xdd: {  	v1 =	vmax.f32 v1, $0.0e+00  }
0xde: {  	[tilespmem:s23+$0xFFFFFFF0] =	vst v1;
	v1 =	vld [tilespmem:s23+$0x0]  }
0xdf: {  	v2 =	vld [tilespmem:s24+$0x0];
	_ =	sdelay $0x1  }
0xe0: {  	v3 =	vld [tilespmem:s22+$0x0];
	_ =	sdelay $0x2  }
0xe1: {  	v1 =	vadd.f32 v2, v1;
	_ =	sdelay $0x1  }
0xe2: {  	v1 =	vadd.f32 v3, v1;
	_ =	sdelay $0x1  }
0xe3: {  	s25 =	simm.s32 $0x1F8;
	s18 =	sadd.s32 $0x50, s23;
	v1 =	vmax.f32 v1, $0.0e+00  }
.LBB2_9:
0xe4: {  	v2 =	vld [tilespmem:s18+$0xFFFFFFC0];
	[tilespmem:s23+$0x0] =	vst v1;
	s24 =	sadd.s32 $0x50, s24;
	s23 =	smov.u32 s18  }
0xe5: {  	s25 =	sadd.s32 $0x5, s25;
	s22 =	sadd.s32 $0x50, s22;
	v1 =	vld [tilespmem:s24+$0xFFFFFFC0]  }
0xe6: {  	p1 =	slt.u32 s25, $0x3E2;
	v3 =	vld [tilespmem:s22+$0xFFFFFFC0];
	_ =	sdelay $0x3  }
0xe7: {  	v1 =	vadd.f32 v1, v2;
	_ =	sdelay $0x1  }
0xe8: {  	v1 =	vadd.f32 v3, v1;
	_ =	sdelay $0x1  }
0xe9: {  	v1 =	vmax.f32 v1, $0.0e+00  }
0xea: {  	[tilespmem:s18+$0xFFFFFFC0] =	vst v1;
	v1 =	vld [tilespmem:s18+$0xFFFFFFD0]  }
0xeb: {  	v2 =	vld [tilespmem:s24+$0xFFFFFFD0];
	_ =	sdelay $0x1  }
0xec: {  	v3 =	vld [tilespmem:s22+$0xFFFFFFD0];
	_ =	sdelay $0x2  }
0xed: {  	v1 =	vadd.f32 v2, v1;
	_ =	sdelay $0x1  }
0xee: {  	v1 =	vadd.f32 v3, v1;
	_ =	sdelay $0x1  }
0xef: {  	v1 =	vmax.f32 v1, $0.0e+00  }
0xf0: {  	[tilespmem:s18+$0xFFFFFFD0] =	vst v1;
	v1 =	vld [tilespmem:s18+$0xFFFFFFE0]  }
0xf1: {  	v2 =	vld [tilespmem:s24+$0xFFFFFFE0];
	_ =	sdelay $0x1  }
0xf2: {  	v3 =	vld [tilespmem:s22+$0xFFFFFFE0];
	_ =	sdelay $0x2  }
0xf3: {  	v1 =	vadd.f32 v2, v1;
	_ =	sdelay $0x1  }
0xf4: {  	v1 =	vadd.f32 v3, v1;
	_ =	sdelay $0x1  }
0xf5: {  	v1 =	vmax.f32 v1, $0.0e+00  }
0xf6: {  	[tilespmem:s18+$0xFFFFFFE0] =	vst v1;
	v1 =	vld [tilespmem:s18+$0xFFFFFFF0]  }
0xf7: {  	v2 =	vld [tilespmem:s24+$0xFFFFFFF0];
	_ =	sdelay $0x1  }
0xf8: {  	v3 =	vld [tilespmem:s22+$0xFFFFFFF0];
	_ =	sdelay $0x2  }
0xf9: {  	v1 =	vadd.f32 v2, v1;
	_ =	sdelay $0x1  }
0xfa: {  	v1 =	vadd.f32 v3, v1;
	_ =	sdelay $0x1  }
0xfb: {  	v1 =	vmax.f32 v1, $0.0e+00  }
0xfc: {  	[tilespmem:s18+$0xFFFFFFF0] =	vst v1;
	v1 =	vld [tilespmem:s18+$0x0]  }
0xfd: {  	v2 =	vld [tilespmem:s24+$0x0]  }
0xfe: {  	v3 =	vld [tilespmem:s22+$0x0];
	_ =	sdelay $0x3  }
.Ltmp3:
0xff: {  	v1 =	vadd.f32 v2, v1;
	(pc) =	sbr.rel @p1 .LBB2_9-.Ltmp3, $3  }
0x100: {  	_ = 	snop  }
0x101: {  	v1 =	vadd.f32 v3, v1;
	_ =	sdelay $0x1  }
0x102: {  	s18 =	sadd.s32 $0x50, s18;
	v1 =	vmax.f32 v1, $0.0e+00  }
0x103: {  	[tilespmem:s23+$0x0] =	vst v1  }
0x104: {  	v1 =	vld [tilespmem:s15+$0x14810]  }
0x105: {  	v2 =	vld [tilespmem:s15+$0x4E10];
	_ =	sdelay $0x1  }
0x106: {  	v3 =	vld [tilespmem:s15+$0xCB10];
	_ =	sdelay $0x2  }
0x107: {  	v1 =	vadd.f32 v2, v1;
	_ =	sdelay $0x1  }
0x108: {  	v1 =	vadd.f32 v3, v1  }
0x109: {  	s18 =	sshll.u32 s21, $0x1  }
0x10a: {  	s18 =	sand.u32 $0x1FFFFFF0, s18;
	v1 =	vmax.f32 v1, $0.0e+00  }
0x10b: {  	p1 =	slt.u32 s19, $0xA;
	s26 =	sadd.s32 s8, s18;
	[tilespmem:s15+$0x14810] =	vst v1  }
0x10c: {  	[hbm4b:s26+s5] =	stream.linear.scatter [tilespmem:s20], [sflag:$0x4], $0x3E80, $0x38;
	[tilespmem:$0x1FBD0] =	vst v63  }
.Ltmp4:
0x10d: {  	_ = 	snop;
	(pc) =	sbr.rel @p1 .LBB2_4-.Ltmp4, $4  }
0x10e: {  	[spmem:s4] =	stream.indirect.scatter.add.f32 [tilespmem:s20], [sflag:$0x5], $0x10, s16, s9, $0xb8;
	[tilespmem:$0x1FBD0] =	vst v63  }
0x10f: {  	_ =	swait.ge [sflag:s28], $0x3E80  }
0x110: {  	[sflag:s28] =	ssyncset.done $0x0  }
0x111: {  	s20 =	smov.u32 s19;
	[sflag:s28] =	ssyncadd.s32 $0xFFFFC180  }
0x112: {  	_ =	swait.ge [sflag:s11], $0x3E80  }
0x113: {  	[sflag:s11] =	ssyncset.done $0x0  }
0x114: {  	[sflag:s11] =	ssyncadd.s32 $0xFFFFC180  }
0x115: {  	[bflag:$0x0] =	sbarrier.arrive $0xFFFF  }
0x116: {  	s15 =	sshrl.u32 s12, $0x3;
	s16 =	rddreg [dreg:$0x9]  }
0x117: {  	[hbm:s16], [sflag:s10] =	dma.local [spmem:s15], $0x4E0  }
0x118: {  	_ =	swait.ge [sflag:s28], $0x4E0  }
0x119: {  	[sflag:s28] =	ssyncset.done $0x0  }
0x11a: {  	s15 =	sshrl.u32 @!p0 s17, $0x3;
	s16 =	rddreg [dreg:$0xc];
	[sflag:s28] =	ssyncadd.s32 $0xFFFFFB20  }
0x11b: {  	[hbm:s16], [sflag:s10] =	dma.local @!p0 [spmem:s15], $0x20  }
0x11c: {  	s15 =	simm.s32 @!p0 $0x5  }
0x11d: {  	_ =	swait.ge @!p0 [sflag:s15], $0x20  }
0x11e: {  	s14 =	sadd.s32 $0x1, s14;
	s26 =	rddreg [dreg:$0xd]  }
0x11f: {  	p1 =	sne.s32 s14, s26  }
.Ltmp5:
0x120: {  	_ = 	snop;
	(pc) =	sbr.rel @p1 .LBB2_1-.Ltmp5, $3  }
0x121: {  	_ =	sdelay $0x1  }
0x122: {  	[sflag:s15] =	ssyncset.done @!p0 $0x0  }
0x123: {  	[sflag:s15] =	ssyncadd.s32 @!p0 $0xFFFFFFE0  }
0x124: {  	_ =	sfence.sel $0x180000  }
0x125: {  	[bflag:$0x0] =	sbarrier.arrive $0xFFFF  }
0x126: {  	_ =	strace $0x9000004D  }
0x127: {  	s0 =	stileid.u32;
	[bflag:$0x2] =	sbarrier.arrive $0xFFFF  }
0x128: {  	p0 =	sne.s32 s0, $0x0;
	s0 =	rddreg [dreg:$0x4]  }
0x129: {  	s0 =	sadd.s32 @!p0 $0x100000, s0  }
0x12a: {  	[sflag:s0] =	ssyncadd.tile.s32 @!p0 $0x1;
	_ =	shalt  }
.Lfunc_end2:
_tile_overlayer_lowered:
.L_overlay_start_2:
0x12b: {  	(tag) =	ssettag $0x2  }
0x12c: {  	s0 =	rddreg [dreg:$0x0];
	s2 =	stileid.u32  }
0x12d: {  	s1 =	rddreg [dreg:$0x1];
	p0 =	sne.s32 s2, $0x0  }
0x12e: {  	s3 =	rddreg [dreg:$0x2];
	[bflag:$0x3] =	sbarrier.arrive $0xFFFF;
	s2 =	simm.s32 @!p0 $0x1C05  }
0x12f: {  	[timem:s3], [sflag:s2] =	dma.local @!p0 [hbm:s0], s1  }
0x130: {  	s0 =	simm.s32 @!p0 $0x5  }
0x131: {  	_ =	swait.ge @!p0 [sflag:s0], s1  }
0x132: {  	s1 =	ssub.s32 @!p0 $0x0, s1;
	[sflag:s0] =	ssyncset.done @!p0 $0x0  }
0x133: {  	[sflag:s0] =	ssyncadd.s32 @!p0 s1  }
0x134: {  	[bflag:$0x3] =	sbarrier.arrive $0xFFFF  }
0x135: {  	_ =	shalt  }

// kernel: kernel.9.cloned.1.call-start
scs
__scs_entry_jumppad:
0x0: {  	(pc) =	sbr.rel $0x88, $3  }
0x1: {  	(tag) =	ssettag $0x0;
	lr =	simm.s32 $0x1  }
0x2: {  	[smem:$0x3F92] =	sst lr;
	_ =	strace $0xD0000000  }
0x3: {  	_ = 	snop  }
0x4: {  	_ = 	snop  }
0x5: {  	_ = 	snop  }
0x6: {  	_ = 	snop  }
0x7: {  	_ = 	snop  }
__scs_overlays_trampoline_lowered:
0x8: {  	[smem:$0x3FA1] =	sst s0  }
0x9: {  	[smem:$0x3FA2] =	sst s1  }
0xa: {  	[smem:$0x3FA3] =	sst s2  }
0xb: {  	[smem:$0x3FA4] =	sst s3  }
0xc: {  	[smem:$0x3FA5] =	sst s4  }
0xd: {  	[smem:$0x3FA6] =	sst s5  }
0xe: {  	[smem:$0x3FA7] =	sst s6  }
0xf: {  	[smem:$0x3FA8] =	sst s7  }
0x10: {  	[smem:$0x3FA9] =	sst s8  }
0x11: {  	[smem:$0x3FAA] =	sst s9;
	s0 =	simm.s32 @!p0 $0x0  }
0x12: {  	s1 =	sld [smem:$0x3F90];
	s0 =	simm.s32 @p0 $0x1  }
0x13: {  	[smem:$0x3FAB] =	sst s0;
	s0 =	simm.s32 @!p1 $0x0  }
0x14: {  	s2 =	sld [smem:$0x3F8F];
	s0 =	simm.s32 @p1 $0x1  }
0x15: {  	[smem:$0x3FAC] =	sst s0;
	s0 =	simm.s32 @!p2 $0x0  }
0x16: {  	s3 =	sld [smem:$0x3FDB];
	s0 =	simm.s32 @p2 $0x1  }
0x17: {  	s4 =	simm.s32 $0x1BF5;
	[smem:$0x3FAE] =	sst s0  }
0x18: {  	s0 =	sld [smem:$0x3F91];
	_ =	swait.ge [sflag:s4], $0x0  }
0x19: {  	s7 =	sld [smem:$0x3F92]  }
0x1a: {  	s8 =	sadd.s32 $0xFFFFE003, lr  }
0x1b: {  	s9 =	sadd.s32 $0xFFFFFEF7, lr;
	s5 =	simm.s32 $0xFFFFFFFF;
	p2 =	slt.u32 s8, $0xFFFFF086  }
0x1c: {  	p1 =	slt.u32 s9, $0xF7A;
	s5 =	simm.s32 @!p2 $0x0  }
0x1d: {  	s5 =	simm.s32 @p1 $0x1;
	p0 =	seq.s32 s7, s2  }
0x1e: {  	s7 =	smul.u32 @!p0 $0xF7A, s2;
	p2 =	seq.s32 @!p0 s5, $0x0  }
0x1f: {  	s9 =	smul.u32 $0xF7A, s1;
	s8 =	simm.s32 @!p0 $0x1BF5;
	p2 =	por !p2, p0  }
0x20: {  	[sflag:s8] =	ssyncset.s32 @!p0 $0xFFFFF086;
	s6 =	sadd.s32 @!p0 s3, s7;
	s7 =	simm.s32 @!p0 $0x108  }
0x21: {  	s3 =	sadd.s32 s3, s9;
	s6 =	sadd.s32 @!p0 $0x88, s6;
	s7 =	simm.s32 @p2 $0x1082  }
0x22: {  	[simem:s7], [sflag:s8] =	dma.local @!p0 [hbm:s6], $0xF7A  }
0x23: {  	s9 =	sor.u32 $0xD0000000, s2;
	s6 =	simm.s32 $0x108;
	_ =	swait.ge @!p0 [sflag:s8], $0x0  }
0x24: {  	s3 =	sadd.s32 $0x88, s3;
	s6 =	simm.s32 @!p1 $0x1082;
	[sflag:s4] =	ssyncset.s32 $0xFFFFF086  }
0x25: {  	[simem:s6], [sflag:s4] =	dma.local [hbm:s3], $0xF7A  }
0x26: {  	[smem:$0x3F92] =	sst s1;
	(tag) =	ssettag s2;
	_ =	strace s9  }
0x27: {  	s1 =	sld [smem:$0x3FA2]  }
0x28: {  	s2 =	sld [smem:$0x3FA3]  }
0x29: {  	s4 =	sld [smem:$0x3FA5]  }
0x2a: {  	p0 =	seq.s32 s5, $0x0;
	s5 =	sld [smem:$0x3FA6]  }
0x2b: {  	s6 =	sld [smem:$0x3FA7]  }
0x2c: {  	s7 =	sld [smem:$0x3FA8]  }
0x2d: {  	s3 =	simm.s32 $0x108;
	s8 =	sld [smem:$0x3FA9]  }
0x2e: {  	s3 =	simm.s32 @!p0 $0x1082;
	s9 =	sld [smem:$0x3FAA]  }
0x2f: {  	lr =	sadd.s32 s0, s3;
	s0 =	sld [smem:$0x3FA1]  }
0x30: {  	s3 =	sld [smem:$0x3FA4]  }
0x31: {  	[smem:$0x3FAD] =	sst s10  }
0x32: {  	s10 =	sld [smem:$0x3FAB];
	_ =	sdelay $0x3  }
0x33: {  	p0 =	seq.s32 s10, $0x1;
	s10 =	sld [smem:$0x3FAD];
	_ =	sdelay $0x3  }
0x34: {  	[smem:$0x3FAD] =	sst s10  }
0x35: {  	s10 =	sld [smem:$0x3FAC];
	_ =	sdelay $0x3  }
0x36: {  	p1 =	seq.s32 s10, $0x1;
	s10 =	sld [smem:$0x3FAD];
	_ =	sdelay $0x3  }
0x37: {  	[smem:$0x3FAD] =	sst s10  }
0x38: {  	s10 =	sld [smem:$0x3FAE]  }
0x39: {  	_ = 	snop;
	(pc) =	sbr.ind lr, $3  }
0x3a: {  	_ = 	snop  }
0x3b: {  	_ = 	snop  }
0x3c: {  	p2 =	seq.s32 s10, $0x1;
	s10 =	sld [smem:$0x3FAD]  }
0x3d: {  	_ =	shalt  }
0x3e: {  	_ =	shalt  }
0x3f: {  	_ =	shalt  }
0x40: {  	_ =	shalt  }
0x41: {  	_ =	shalt  }
0x42: {  	_ =	shalt  }
0x43: {  	_ =	shalt  }
0x44: {  	_ =	shalt  }
0x45: {  	_ =	shalt  }
0x46: {  	_ =	shalt  }
0x47: {  	_ =	shalt  }
0x48: {  	_ =	shalt  }
0x49: {  	_ =	shalt  }
0x4a: {  	_ =	shalt  }
0x4b: {  	_ =	shalt  }
0x4c: {  	_ =	shalt  }
0x4d: {  	_ =	shalt  }
0x4e: {  	_ =	shalt  }
0x4f: {  	_ =	shalt  }
0x50: {  	_ =	shalt  }
0x51: {  	_ =	shalt  }
0x52: {  	_ =	shalt  }
0x53: {  	_ =	shalt  }
0x54: {  	_ =	shalt  }
0x55: {  	_ =	shalt  }
0x56: {  	_ =	shalt  }
0x57: {  	_ =	shalt  }
0x58: {  	_ =	shalt  }
0x59: {  	_ =	shalt  }
0x5a: {  	_ =	shalt  }
0x5b: {  	_ =	shalt  }
0x5c: {  	_ =	shalt  }
0x5d: {  	_ =	shalt  }
0x5e: {  	_ =	shalt  }
0x5f: {  	_ =	shalt  }
0x60: {  	_ =	shalt  }
0x61: {  	_ =	shalt  }
0x62: {  	_ =	shalt  }
0x63: {  	_ =	shalt  }
0x64: {  	_ =	shalt  }
0x65: {  	_ =	shalt  }
0x66: {  	_ =	shalt  }
0x67: {  	_ =	shalt  }
0x68: {  	_ =	shalt  }
0x69: {  	_ =	shalt  }
0x6a: {  	_ =	shalt  }
0x6b: {  	_ =	shalt  }
0x6c: {  	_ =	shalt  }
0x6d: {  	_ =	shalt  }
0x6e: {  	_ =	shalt  }
0x6f: {  	_ =	shalt  }
0x70: {  	_ =	shalt  }
0x71: {  	_ =	shalt  }
0x72: {  	_ =	shalt  }
0x73: {  	_ =	shalt  }
0x74: {  	_ =	shalt  }
0x75: {  	_ =	shalt  }
0x76: {  	_ =	shalt  }
0x77: {  	_ =	shalt  }
0x78: {  	_ =	shalt  }
0x79: {  	_ =	shalt  }
0x7a: {  	_ =	shalt  }
0x7b: {  	_ =	shalt  }
0x7c: {  	_ =	shalt  }
0x7d: {  	_ =	shalt  }
0x7e: {  	_ =	shalt  }
0x7f: {  	_ =	shalt  }
0x80: {  	_ =	shalt  }
0x81: {  	_ =	shalt  }
0x82: {  	_ =	shalt  }
0x83: {  	_ =	shalt  }
0x84: {  	_ =	shalt  }
0x85: {  	_ =	shalt  }
0x86: {  	_ =	shalt  }
0x87: {  	_ =	shalt  }
.Lfunc_end0:
.L_simem_size_0:
called_computation_lowered:
.L_overlay_start_0:
0x88: {  	s2 =	sld [smem:$0x3FD9]  }
0x89: {  	s3 =	sld [smem:$0x3FFE];
	_ =	sdelay $0x1  }
0x8a: {  	s1 =	srdreg.scid  }
0x8b: {  	s0 =	sand.u32 $0x1, s1  }
0x8c: {  	s16 =	sshll.u32 s0, $0xA;
	s2 =	sadd.s32 s3, s2  }
0x8d: {  	s2 =	sadd.s32 s2, s16  }
0x8e: {  	[smem:$0x3FB9] =	sst s2  }
0x8f: {  	_ = 	snop  }
0x90: {  	(tm) =	ssettm $0x1  }
0x91: {  	s17 =	sld [smem:$0x3FFB];
	_ =	sdelay $0x3  }
0x92: {  	_ =	strace s17  }
0x93: {  	s2 =	sld [smem:$0x3FFC];
	_ =	sdelay $0x3  }
0x94: {  	_ =	strace s2  }
0x95: {  	s2 =	sld [smem:$0x3FFD];
	_ =	sdelay $0x3  }
0x96: {  	_ =	strace s2  }
0x97: {  	_ =	strace $0x8FFFFFFF  }
0x98: {  	s18 =	sld [smem:$0x3FDB];
	_ =	sdelay $0x1  }
0x99: {  	s19 =	simm.s32 $_scs_section_size  }
0x9a: {  	s4 =	simm.s32 $_size__tile_overlayer_lowered;
	s5 =	simm.s32 $_tile_overlayer_lowered  }
0x9b: {  	s22 =	simm.s32 $0x1BFF;
	s21 =	sshll.u32 s5, $0x1;
	s2 =	sadd.s32 s19, s18  }
0x9c: {  	s6 =	simm.s32 $0x0;
	s20 =	sshll.u32 s4, $0x1;
	s4 =	sadd.s32 s21, s2  }
0x9d: {  	[timem:s6], [sflag:s22] =	dma.local [hbm:s4], s20  }
0x9e: {  	_ =	swait.ge [sflag:s22], s20  }
0x9f: {  	s3 =	ssub.s32 $0x0, s20;
	[sflag:s22] =	ssyncset.done $0x0  }
0xa0: {  	[sflag:s22] =	ssyncadd.s32 s3;
	_ =	sdelay $0x1  }
0xa1: {  	s23 =	simm.s32 $0x1B8B  }
0xa2: {  	_ =	swait.ge [sflag:s23], $0x1  }
0xa3: {  	[sflag:s23] =	ssyncset.done $0x0  }
0xa4: {  	s25 =	simm.s32 $0x1B8E;
	s24 =	sld [smem:$0x3FFE];
	[sflag:s23] =	ssyncadd.s32 $0xFFFFFFFF  }
0xa5: {  	s26 =	simm.s32 $execute0_lowered;
	[smem:$0x3FD2] =	sst s25  }
0xa6: {  	s4 =	sshll.u32 s26, $0x1;
	_ =	strace $0x80000046;
	[dreg:$0x1] =	wrdreg $0xFFFFFFFF  }
0xa7: {  	s28 =	simm.s32 $_size_execute0_lowered;
	s2 =	sadd.s32 s2, s4;
	[dreg:$0x0] =	wrdreg $0x0  }
0xa8: {  	s4 =	sshll.u32 s28, $0x1;
	[dreg:$0x2] =	wrdreg s2  }
0xa9: {  	[dreg:$0x3] =	wrdreg s4  }
0xaa: {  	[dreg:$0x4] =	wrdreg $0xC0  }
0xab: {  	_ =	task [dreg:s6], $0x5FFFF  }
0xac: {  	[dreg:$0x1] =	wrdreg $0xFFFFFFFF  }
0xad: {  	[dreg:$0x0] =	wrdreg $0x60  }
0xae: {  	[dreg:$0x2] =	wrdreg s24  }
0xaf: {  	[dreg:$0x3] =	wrdreg $0x1ADB00  }
0xb0: {  	[dreg:$0x4] =	wrdreg $0x1D4C00  }
0xb1: {  	[dreg:$0x5] =	wrdreg $0x186A00  }
0xb2: {  	[dreg:$0x6] =	wrdreg $0x9  }
0xb3: {  	_ =	task.clear_ibuf [dreg:s6], $0x7FFFF;
	_ =	strace $0x90000046  }
0xb4: {  	s29 =	simm.s32 $0x9;
	_ =	strace $0x80000048  }
0xb5: {  	_ =	swait.ge [sflag:s29], $0x1  }
0xb6: {  	[sflag:s29] =	ssyncadd.s32 $0xFFFFFFFF  }
0xb7: {  	_ =	strace $0x90000048  }
0xb8: {  	_ =	sfence  }
0xb9: {  	s30 =	sld [smem:$0x0];
	_ =	sdelay $0x2  }
0xba: {  	s31 =	sshll.u32 s1, $0xD;
	s1 =	sshrl.u32 s1, $0x2  }
0xbb: {  	s3 =	sand.u32 $0x4000, s31;
	s1 =	sadd.s32 s1, s30  }
0xbc: {  	s0 =	sor.u32 s3, s0;
	s1 =	sshll.u32 s1, $0x11  }
0xbd: {  	s0 =	sor.u32 s1, s0  }
0xbe: {  	s0 =	sadd.s32 $0x8F2B, s0  }
0xbf: {  	[sflag:s0] =	ssyncadd.remote.s32 $0x1  }
0xc0: {  	_ =	sfence.sel $0xFFFF  }
0xc1: {  	[dreg:$0x0] =	wrdreg $0xFFFFFFFF;
	(pc) =	sbr.abs _section_cstart, $3  }
0xc2: {  	[dreg:$0x1] =	wrdreg $0xFFFFFFFF  }
0xc3: {  	_ =	task.clear_ibuf [dreg:s6], $0x2FFFF;
	_ =	strace $0x9FFFFFFF  }
0xc4: {  	(tm) =	ssettm $0x7FFFFFFF  }
0xc5: {  	_ =	shalt  }
tec
execute0_lowered:
.L_overlay_start_1:
0x0: {  	(tag) =	ssettag $0x1  }
0x1: {  	s0 =	rddreg [dreg:$0x0]  }
0x2: {  	s1 =	rddreg [dreg:$0x1]  }
0x3: {  	s3 =	rddreg [dreg:$0x2]  }
0x4: {  	s4 =	rddreg [dreg:$0x3]  }
0x5: {  	s5 =	simm.s32 $0x0;
	s21 =	stileid.u32;
	s8 =	srdreg.scid  }
0x6: {  	s28 =	simm.s32 $0x5;
	s29 =	simm.s32 $0x1F0;
	s30 =	simm.s32 $0x2  }
0x7: {  	s31 =	simm.s32 $0x3;
	[smem:$0x7FF] =	sst s5;
	s2 =	smul.u32 $0x2700, s21  }
0x8: {  	s6 =	sadd.s32 $0x5A00, s0;
	s7 =	sadd.s32 $0x19400, s0;
	s11 =	sand.u32 $0x1, s8  }
0x9: {  	s8 =	sadd.s32 $0xC9600, s0;
	s14 =	sadd.s32 $0xBF800, s0;
	s13 =	sshll.u32 s21, $0x1  }
0xa: {  	s23 =	sshll.u32 s21, $0x6;
	s17 =	sadd.s32 $0xBA600, s0;
	s20 =	sadd.s32 $0x27000, s3  }
0xb: {  	_ =	strace $0x80000047;
	s10 =	ssub.s32 $0x2, s11;
	s16 =	sor.u32 s11, s13  }
0xc: {  	s25 =	smul.u32 $0x27100, s11;
	[dreg:$0x7] =	wrdreg s17;
	s9 =	sshrl.u32 s2, $0x3  }
0xd: {  	s12 =	sshrl.u32 s10, $0x1;
	s18 =	sadd.s32 s2, s1;
	s19 =	sadd.s32 s2, s3  }
0xe: {  	s13 =	smul.u32 $0x2710, s16;
	s9 =	sadd.s32 s9, s0;
	s15 =	ssub.s32 s10, s12  }
0xf: {  	s12 =	sadd.s32 s2, s4;
	s2 =	sadd.s32 s2, s25;
	s0 =	sadd.s32 $0xBF600, s0  }
0x10: {  	s22 =	sshrl.u32 s25, $0x3;
	s25 =	sshrl.u32 s18, $0x3;
	[dreg:$0x8] =	wrdreg s0  }
0x11: {  	s16 =	smul.u32 $0x4E20, s16;
	s24 =	sadd.s32 $0xB5800, s9;
	[dreg:$0xe] =	wrdreg s25  }
0x12: {  	s10 =	sor.u32 $0x1C05, s23;
	s9 =	sadd.s32 $0xBA800, s9;
	[dreg:$0x5] =	wrdreg s24  }
0x13: {  	s2 =	sshrl.u32 s2, $0x3;
	s23 =	sadd.s32 s7, s16;
	[dreg:$0x6] =	wrdreg s9  }
0x14: {  	p0 =	sne.s32 s21, $0xF;
	s2 =	sadd.s32 s14, s2;
	[dreg:$0xb] =	wrdreg s23  }
0x15: {  	s26 =	sshrl.u32 s13, $0x3;
	s24 =	smax.u32 s15, $0x1;
	[dreg:$0x9] =	wrdreg s2  }
0x16: {  	s0 =	sadd.s32 s6, s26;
	s26 =	sshrl.u32 s19, $0x3;
	[dreg:$0xd] =	wrdreg s24  }
0x17: {  	s11 =	sadd.s32 $0x27000, s1;
	s17 =	sadd.s32 $0x27000, s4;
	[dreg:$0xf] =	wrdreg s26  }
0x18: {  	s2 =	sadd.s32 s14, s22;
	[dreg:$0xa] =	wrdreg s0;
	s0 =	sadd.s32 $0x9C40, s0  }
0x19: {  	s9 =	simm.s32 $0x3E8;
	s2 =	sadd.s32 $0x4E00, s2;
	[dreg:$0x12] =	wrdreg s0  }
0x1a: {  	s14 =	simm.s32 $0x0;
	[dreg:$0xc] =	wrdreg s2;
	s2 =	sshrl.u32 @!p0 s11, $0x3  }
0x1b: {  	s0 =	simm.s32 $0x1;
	[dreg:$0x10] =	wrdreg s2;
	s2 =	sshrl.u32 @!p0 s20, $0x3  }
0x1c: {  	v0 =	vimm.f32 $0.0e+00;
	s11 =	simm.s32 $0x4;
	[dreg:$0x11] =	wrdreg s2;
	s2 =	simm.s32 $0x1F8  }
.LBB2_1:
0x1d: {  	s15 =	rddreg [dreg:$0x5]  }
0x1e: {  	s16 =	rddreg [dreg:$0xe]  }
0x1f: {  	[spmem:s16], [sflag:s10] =	dma.local [hbm:s15], $0x4E0  }
0x20: {  	_ =	swait.ge [sflag:s28], $0x4E0  }
0x21: {  	[sflag:s28] =	ssyncset.done $0x0;
	s25 =	rddreg [dreg:$0x6]  }
0x22: {  	s26 =	rddreg [dreg:$0xf];
	[sflag:s28] =	ssyncadd.s32 $0xFFFFFB20  }
0x23: {  	[spmem:s26], [sflag:s10] =	dma.local [hbm:s25], $0x4E0  }
0x24: {  	_ =	swait.ge [sflag:s28], $0x4E0  }
0x25: {  	[sflag:s28] =	ssyncset.done $0x0  }
0x26: {  	s15 =	simm.s32 $0x40;
	s16 =	simm.s32 $0x0;
	[sflag:s28] =	ssyncadd.s32 $0xFFFFFB20  }
.LBB2_2:
0x27: {  	p1 =	sne.s32 s15, $0x9FC0;
	[tilespmem:s16+$0xFA0] =	vst v0;
	s16 =	smov.u32 s15;
	s15 =	sadd.s32 $0x40, s15  }
.Ltmp0:
0x28: {  	(pc) =	sbr.rel @p1 .LBB2_2-.Ltmp0, $2  }
0x29: {  	_ =	sdelay $0x2  }
0x2a: {  	s16 =	sshra.s32 s16, $0x2  }
0x2b: {  	[tilespmem:s16+$0xFA0] =	vst v0;
	s15 =	simm.s32 $0xFA0  }
0x2c: {  	[spmem:s12] =	stream.linear.scatter [tilespmem:s15], [sflag:$0x5], $0x2700, $0x38;
	[tilespmem:$0x1FBD0] =	vst v63  }
0x2d: {  	_ =	swait.ge [sflag:s28], $0x2700  }
0x2e: {  	[sflag:s28] =	ssyncset.done $0x0;
	s15 =	rddreg [dreg:$0x7]  }
0x2f: {  	s16 =	rddreg [dreg:$0x10];
	[sflag:s28] =	ssyncadd.s32 $0xFFFFD900  }
0x30: {  	[spmem:s16], [sflag:s10] =	dma.local @!p0 [hbm:s15], $0x20  }
0x31: {  	s15 =	simm.s32 @!p0 $0x5  }
0x32: {  	_ =	swait.ge @!p0 [sflag:s15], $0x20  }
0x33: {  	[sflag:s15] =	ssyncset.done @!p0 $0x0;
	s16 =	rddreg [dreg:$0x8]  }
0x34: {  	s18 =	rddreg [dreg:$0x11];
	[sflag:s15] =	ssyncadd.s32 @!p0 $0xFFFFFFE0  }
0x35: {  	[spmem:s18], [sflag:s10] =	dma.local @!p0 [hbm:s16], $0x20  }
0x36: {  	_ =	swait.ge @!p0 [sflag:s15], $0x20  }
0x37: {  	[sflag:s15] =	ssyncset.done @!p0 $0x0  }
0x38: {  	s16 =	simm.s32 @!p0 $0xFA0;
	[sflag:s15] =	ssyncadd.s32 @!p0 $0xFFFFFFE0  }
0x39: {  	[spmem:s17] =	stream.linear.scatter @!p0 [tilespmem:s16], [sflag:$0x5], $0x100, $0x38;
	[tilespmem:$0x1FBD0] =	vst v63  }
0x3a: {  	_ =	swait.ge @!p0 [sflag:s15], $0x100  }
0x3b: {  	[sflag:s15] =	ssyncset.done @!p0 $0x0  }
0x3c: {  	[sflag:s15] =	ssyncadd.s32 @!p0 $0xFFFFFF00  }
0x3d: {  	[bflag:$0x0] =	sbarrier.arrive $0xFFFF  }
0x3e: {  	s20 =	simm.s32 $0x0;
	s22 =	rddreg [dreg:$0xa]  }
0x3f: {  	[tilespmem:s20], [sflag:$0x1] =	stream.linear.gather [hbm4b:s22+s20], $0x3E8, $0x38;
	[tilespmem:$0x1FBD0] =	vst v63  }
0x40: {  	s24 =	simm.s32 $0x7D0;
	s23 =	rddreg [dreg:$0x12]  }
0x41: {  	[tilespmem:s24], [sflag:$0x1] =	stream.linear.gather [hbm4b:s23+s20], $0x3E8, $0x38;
	[tilespmem:$0x1FBD0] =	vst v63  }
0x42: {  	s26 =	simm.s32 $0x109A0;
	s25 =	rddreg [dreg:$0xb]  }
0x43: {  	[tilespmem:s26], [sflag:$0x1] =	stream.linear.gather [hbm4b:s25+s20], $0x3E80, $0x38;
	[tilespmem:$0x1FBD0] =	vst v63  }
.LBB2_4:
0x44: {  	_ =	swait.ge [sflag:s0], $0x3E8  }
0x45: {  	[sflag:s0] =	ssyncset.done $0x0  }
0x46: {  	[sflag:s0] =	ssyncadd.s32 $0xFFFFFC18  }
0x47: {  	_ =	swait.ge [sflag:s0], $0x3E8  }
0x48: {  	[sflag:s0] =	ssyncset.done $0x0  }
0x49: {  	s18 =	sand.u32 $0x1, s20;
	[sflag:s0] =	ssyncadd.s32 $0xFFFFFC18  }
0x4a: {  	s15 =	smul.u32 $0x3E80, s18;
	_ =	swait.ge [sflag:s0], $0x3E80  }
0x4b: {  	s19 =	smul.u32 $0x3E8, s18;
	[sflag:s0] =	ssyncset.done $0x0  }
0x4c: {  	s16 =	sadd.s32 $0xFA0, s15;
	[sflag:s0] =	ssyncadd.s32 $0xFFFFC180  }
0x4d: {  	[tilespmem:s16], [sflag:$0x2] =	stream.indirect.gather [spmem:s1], $0x10, s19, s2, $0xb8;
	[tilespmem:$0x1FBD0] =	vst v63  }
0x4e: {  	p1 =	seq.s32 s20, $0x0;
	s21 =	sadd.s32 $0x8CA0, s15;
	s16 =	sadd.s32 $0x7D0, s19  }
0x4f: {  	[tilespmem:s21], [sflag:$0x3] =	stream.indirect.gather [spmem:s3], $0x10, s16, s2, $0xb8;
	[tilespmem:$0x1FBD0] =	vst v63  }
0x50: {  	p2 =	seq.s32 @!p1 s20, $0x9;
	s25 =	sadd.s32 $0x2F20, s15;
	s22 =	sadd.s32 $0x1F8, s19  }
0x51: {  	[tilespmem:s25], [sflag:$0x2] =	stream.indirect.gather [spmem:s1], $0x10, s22, s29, $0xb8;
	[tilespmem:$0x1FBD0] =	vst v63  }
0x52: {  	p2 =	por p1, !p2;
	s26 =	sadd.s32 $0xAC20, s15;
	s19 =	sadd.s32 $0x9C8, s19  }
0x53: {  	[tilespmem:s26], [sflag:$0x3] =	stream.indirect.gather [spmem:s3], $0x10, s19, s29, $0xb8;
	[tilespmem:$0x1FBD0] =	vst v63  }
.Ltmp1:
0x54: {  	_ = 	snop;
	(pc) =	sbr.rel @!p2 .LBB2_6-.Ltmp1, $4  }
0x55: {  	s19 =	simm.s32 @!p1 $0x4  }
0x56: {  	_ =	swait.ge @!p1 [sflag:s19], $0x3E80  }
0x57: {  	[sflag:s19] =	ssyncset.done @!p1 $0x0  }
0x58: {  	[sflag:s19] =	ssyncadd.s32 @!p1 $0xFFFFC180;
	s19 =	simm.s32 @!p1 $0xA  }
0x59: {  	s19 =	sadd.s32 @!p1 $0x1, s20  }
0x5a: {  	s19 =	simm.s32 @p1 $0x1  }
0x5b: {  	s21 =	smul.u32 $0x3E8, s19;
	s22 =	sand.u32 $0x1, s19  }
0x5c: {  	s23 =	smul.u32 $0x3E8, s22  }
0x5d: {  	s22 =	smul.u32 $0xFA00, s22;
	s21 =	sadd.s32 s13, s21  }
0x5e: {  	s24 =	sshrl.u32 s21, $0x3  }
0x5f: {  	s21 =	sshll.u32 s21, $0x1;
	s22 =	sshrl.u32 s22, $0x2;
	s24 =	sadd.s32 s6, s24  }
0x60: {  	[tilespmem:s23], [sflag:$0x1] =	stream.linear.gather [hbm4b:s24+s5], $0x3E8, $0x38;
	[tilespmem:$0x1FBD0] =	vst v63  }
0x61: {  	s21 =	sand.u32 $0x1FFFFFF0, s21;
	s23 =	sadd.s32 $0x7D0, s23;
	s24 =	sadd.s32 $0x9C40, s24  }
0x62: {  	[tilespmem:s23], [sflag:$0x1] =	stream.linear.gather [hbm4b:s24+s5], $0x3E8, $0x38;
	[tilespmem:$0x1FBD0] =	vst v63  }
0x63: {  	s22 =	sadd.s32 $0x109A0, s22;
	s21 =	sadd.s32 s7, s21  }
0x64: {  	[tilespmem:s22], [sflag:$0x1] =	stream.linear.gather [hbm4b:s21+s5], $0x3E80, $0x38;
	[tilespmem:$0x1FBD0] =	vst v63  }
.LBB2_6:
0x65: {  	_ =	swait.ge [sflag:s30], $0x1F80  }
0x66: {  	[sflag:s30] =	ssyncset.done $0x0  }
0x67: {  	s18 =	smul.u32 $0xFA00, s18;
	[sflag:s30] =	ssyncadd.s32 $0xFFFFE080  }
0x68: {  	_ =	swait.ge [sflag:s31], $0x1F80  }
0x69: {  	s22 =	sshrl.u32 s18, $0x2;
	[sflag:s31] =	ssyncset.done $0x0  }
0x6a: {  	s23 =	sadd.s32 $0x109C0, s22;
	[sflag:s31] =	ssyncadd.s32 $0xFFFFE080  }
0x6b: {  	s24 =	sadd.s32 $0xFC0, s22;
	v1 =	vld [tilespmem:s23+$0xFFFFFFE0]  }
0x6c: {  	v2 =	vld [tilespmem:s24+$0xFFFFFFE0]  }
0x6d: {  	s25 =	sadd.s32 $0x8CC0, s22  }
0x6e: {  	v3 =	vld [tilespmem:s25+$0xFFFFFFE0];
	_ =	sdelay $0x2  }
0x6f: {  	v1 =	vadd.f32 v2, v1;
	_ =	sdelay $0x1  }
0x70: {  	v1 =	vadd.f32 v3, v1;
	_ =	sdelay $0x1  }
0x71: {  	v1 =	vmax.f32 v1, $0.0e+00  }
0x72: {  	[tilespmem:s23+$0xFFFFFFE0] =	vst v1;
	v1 =	vld [tilespmem:s23+$0xFFFFFFF0]  }
0x73: {  	v2 =	vld [tilespmem:s24+$0xFFFFFFF0];
	_ =	sdelay $0x1  }
0x74: {  	v3 =	vld [tilespmem:s25+$0xFFFFFFF0];
	_ =	sdelay $0x2  }
0x75: {  	v1 =	vadd.f32 v2, v1;
	_ =	sdelay $0x1  }
0x76: {  	v1 =	vadd.f32 v3, v1;
	_ =	sdelay $0x1  }
0x77: {  	v1 =	vmax.f32 v1, $0.0e+00  }
0x78: {  	[tilespmem:s23+$0xFFFFFFF0] =	vst v1;
	v1 =	vld [tilespmem:s23+$0x0]  }
0x79: {  	v2 =	vld [tilespmem:s24+$0x0];
	_ =	sdelay $0x1  }
0x7a: {  	v3 =	vld [tilespmem:s25+$0x0];
	_ =	sdelay $0x2  }
0x7b: {  	v1 =	vadd.f32 v2, v1;
	_ =	sdelay $0x1  }
0x7c: {  	v1 =	vadd.f32 v3, v1;
	_ =	sdelay $0x1  }
0x7d: {  	v1 =	vmax.f32 v1, $0.0e+00  }
0x7e: {  	[tilespmem:s23+$0x0] =	vst v1;
	v1 =	vld [tilespmem:s23+$0x10]  }
0x7f: {  	v2 =	vld [tilespmem:s24+$0x10];
	_ =	sdelay $0x1  }
0x80: {  	v3 =	vld [tilespmem:s25+$0x10];
	_ =	sdelay $0x2  }
0x81: {  	v1 =	vadd.f32 v2, v1;
	_ =	sdelay $0x1  }
0x82: {  	v1 =	vadd.f32 v3, v1;
	_ =	sdelay $0x1  }
0x83: {  	v1 =	vmax.f32 v1, $0.0e+00  }
0x84: {  	[tilespmem:s23+$0x10] =	vst v1;
	v1 =	vld [tilespmem:s23+$0x20]  }
0x85: {  	v2 =	vld [tilespmem:s24+$0x20];
	_ =	sdelay $0x1  }
0x86: {  	v3 =	vld [tilespmem:s25+$0x20];
	_ =	sdelay $0x2  }
0x87: {  	v1 =	vadd.f32 v2, v1;
	_ =	sdelay $0x1  }
0x88: {  	s26 =	smul.u32 $0x3E8, s20;
	v1 =	vadd.f32 v3, v1  }
0x89: {  	s20 =	sadd.s32 $0x109A0, s15  }
0x8a: {  	s21 =	sadd.s32 s13, s26;
	s26 =	simm.s32 $0x0;
	s18 =	sadd.s32 $0x50, s23;
	v1 =	vmax.f32 v1, $0.0e+00  }
.LBB2_7:
0x8b: {  	v2 =	vld [tilespmem:s18+$0xFFFFFFE0];
	[tilespmem:s23+$0x20] =	vst v1;
	s24 =	sadd.s32 $0x50, s24;
	s23 =	smov.u32 s18  }
0x8c: {  	s26 =	sadd.s32 $0x5, s26;
	s25 =	sadd.s32 $0x50, s25;
	v1 =	vld [tilespmem:s24+$0xFFFFFFE0]  }
0x8d: {  	p1 =	slt.u32 s26, $0x1EF;
	v3 =	vld [tilespmem:s25+$0xFFFFFFE0];
	_ =	sdelay $0x3  }
0x8e: {  	v1 =	vadd.f32 v1, v2;
	_ =	sdelay $0x1  }
0x8f: {  	v1 =	vadd.f32 v3, v1;
	_ =	sdelay $0x1  }
0x90: {  	v1 =	vmax.f32 v1, $0.0e+00  }
0x91: {  	[tilespmem:s18+$0xFFFFFFE0] =	vst v1;
	v1 =	vld [tilespmem:s18+$0xFFFFFFF0]  }
0x92: {  	v2 =	vld [tilespmem:s24+$0xFFFFFFF0];
	_ =	sdelay $0x1  }
0x93: {  	v3 =	vld [tilespmem:s25+$0xFFFFFFF0];
	_ =	sdelay $0x2  }
0x94: {  	v1 =	vadd.f32 v2, v1;
	_ =	sdelay $0x1  }
0x95: {  	v1 =	vadd.f32 v3, v1;
	_ =	sdelay $0x1  }
0x96: {  	v1 =	vmax.f32 v1, $0.0e+00  }
0x97: {  	[tilespmem:s18+$0xFFFFFFF0] =	vst v1;
	v1 =	vld [tilespmem:s18+$0x0]  }
0x98: {  	v2 =	vld [tilespmem:s24+$0x0];
	_ =	sdelay $0x1  }
0x99: {  	v3 =	vld [tilespmem:s25+$0x0];
	_ =	sdelay $0x2  }
0x9a: {  	v1 =	vadd.f32 v2, v1;
	_ =	sdelay $0x1  }
0x9b: {  	v1 =	vadd.f32 v3, v1;
	_ =	sdelay $0x1  }
0x9c: {  	v1 =	vmax.f32 v1, $0.0e+00  }
0x9d: {  	[tilespmem:s18+$0x0] =	vst v1;
	v1 =	vld [tilespmem:s18+$0x10]  }
0x9e: {  	v2 =	vld [tilespmem:s24+$0x10];
	_ =	sdelay $0x1  }
0x9f: {  	v3 =	vld [tilespmem:s25+$0x10];
	_ =	sdelay $0x2  }
0xa0: {  	v1 =	vadd.f32 v2, v1;
	_ =	sdelay $0x1  }
0xa1: {  	v1 =	vadd.f32 v3, v1;
	_ =	sdelay $0x1  }
0xa2: {  	v1 =	vmax.f32 v1, $0.0e+00  }
0xa3: {  	[tilespmem:s18+$0x10] =	vst v1;
	v1 =	vld [tilespmem:s18+$0x20]  }
0xa4: {  	v2 =	vld [tilespmem:s24+$0x20]  }
0xa5: {  	v3 =	vld [tilespmem:s25+$0x20];
	_ =	sdelay $0x3  }
.Ltmp2:
0xa6: {  	v1 =	vadd.f32 v2, v1;
	(pc) =	sbr.rel @p1 .LBB2_7-.Ltmp2, $3  }
0xa7: {  	_ = 	snop  }
0xa8: {  	v1 =	vadd.f32 v3, v1;
	_ =	sdelay $0x1  }
0xa9: {  	s18 =	sadd.s32 $0x50, s18;
	v1 =	vmax.f32 v1, $0.0e+00  }
0xaa: {  	[tilespmem:s23+$0x20] =	vst v1  }
0xab: {  	v1 =	vld [tilespmem:s15+$0x128E0]  }
0xac: {  	v2 =	vld [tilespmem:s15+$0x2EE0]  }
0xad: {  	v3 =	vld [tilespmem:s15+$0xABE0]  }
0xae: {  	v4 =	vld [tilespmem:s15+$0x128F0]  }
0xaf: {  	v5 =	vld [tilespmem:s15+$0x2EF0]  }
0xb0: {  	v6 =	vld [tilespmem:s15+$0xABF0]  }
0xb1: {  	v7 =	vld [tilespmem:s15+$0x12900]  }
0xb2: {  	v8 =	vld [tilespmem:s15+$0x2F00]  }
0xb3: {  	v9 =	vld [tilespmem:s15+$0x12910]  }
0xb4: {  	v10 =	vld [tilespmem:s15+$0x2F10]  }
0xb5: {  	v11 =	vld [tilespmem:s15+$0xAC00]  }
0xb6: {  	v1 =	vadd.f32 v2, v1;
	v2 =	vld [tilespmem:s15+$0xAC10]  }
0xb7: {  	v4 =	vadd.f32 v5, v4  }
0xb8: {  	v1 =	vadd.f32 v3, v1;
	v3 =	vadd.f32 v8, v7  }
0xb9: {  	v63 =	vadd.f32 v10, v9;
	v4 =	vadd.f32 v6, v4  }
0xba: {  	v3 =	vadd.f32 v11, v3;
	v1 =	vmax.f32 v1, $0.0e+00  }
0xbb: {  	[tilespmem:s15+$0x128E0] =	vst v1;
	v1 =	vadd.f32 v2, v63;
	v2 =	vmax.f32 v4, $0.0e+00  }
0xbc: {  	[tilespmem:s15+$0x128F0] =	vst v2;
	v2 =	vmax.f32 v3, $0.0e+00  }
0xbd: {  	[tilespmem:s15+$0x12900] =	vst v2;
	v1 =	vmax.f32 v1, $0.0e+00  }
0xbe: {  	[tilespmem:s15+$0x12910] =	vst v1  }
0xbf: {  	_ =	swait.ge [sflag:s30], $0x1F00  }
0xc0: {  	[sflag:s30] =	ssyncset.done $0x0  }
0xc1: {  	[sflag:s30] =	ssyncadd.s32 $0xFFFFE100  }
0xc2: {  	_ =	swait.ge [sflag:s31], $0x1F00  }
0xc3: {  	[sflag:s31] =	ssyncset.done $0x0  }
0xc4: {  	s23 =	sadd.s32 $0x12960, s22;
	[sflag:s31] =	ssyncadd.s32 $0xFFFFE100  }
0xc5: {  	s24 =	sadd.s32 $0x2F60, s22;
	v1 =	vld [tilespmem:s23+$0xFFFFFFC0]  }
0xc6: {  	v2 =	vld [tilespmem:s24+$0xFFFFFFC0]  }
0xc7: {  	s22 =	sadd.s32 $0xAC60, s22  }
0xc8: {  	v3 =	vld [tilespmem:s22+$0xFFFFFFC0];
	_ =	sdelay $0x2  }
0xc9: {  	v1 =	vadd.f32 v2, v1;
	_ =	sdelay $0x1  }
0xca: {  	v1 =	vadd.f32 v3, v1;
	_ =	sdelay $0x1  }
0xcb: {  	v1 =	vmax.f32 v1, $0.0e+00  }
0xcc: {  	[tilespmem:s23+$0xFFFFFFC0] =	vst v1;
	v1 =	vld [tilespmem:s23+$0xFFFFFFD0]  }
0xcd: {  	v2 =	vld [tilespmem:s24+$0xFFFFFFD0];
	_ =	sdelay $0x1  }
0xce: {  	v3 =	vld [tilespmem:s22+$0xFFFFFFD0];
	_ =	sdelay $0x2  }
0xcf: {  	v1 =	vadd.f32 v2, v1;
	_ =	sdelay $0x1  }
0xd0: {  	v1 =	vadd.f32 v3, v1;
	_ =	sdelay $0x1  }
0xd1: {  	v1 =	vmax.f32 v1, $0.0e+00  }
0xd2: {  	[tilespmem:s23+$0xFFFFFFD0] =	vst v1;
	v1 =	vld [tilespmem:s23+$0xFFFFFFE0]  }
0xd3: {  	v2 =	vld [tilespmem:s24+$0xFFFFFFE0];
	_ =	sdelay $0x1  }
0xd4: {  	v3 =	vld [tilespmem:s22+$0xFFFFFFE0];
	_ =	sdelay $0x2  }
0xd5: {  	v1 =	vadd.f32 v2, v1;
	_ =	sdelay $0x1  }
0xd6: {  	v1 =	vadd.f32 v3, v1;
	_ =	sdelay $0x1  }
0xd7: {  	v1 =	vmax.f32 v1, $0.0e+00  }
0xd8: {  	[tilespmem:s23+$0xFFFFFFE0] =	vst v1;
	v1 =	vld [tilespmem:s23+$0xFFFFFFF0]  }
0xd9: {  	v2 =	vld [tilespmem:s24+$0xFFFFFFF0];
	_ =	sdelay $0x1  }
0xda: {  	v3 =	vld [tilespmem:s22+$0xFFFFFFF0];
	_ =	sdelay $0x2  }
0xdb: {  	v1 =	vadd.f32 v2, v1;
	_ =	sdelay $0x1  }
0xdc: {  	v1 =	vadd.f32 v3, v1;
	_ =	sdelay $0x1  }
0xdd: {  	v1 =	vmax.f32 v1, $0.0e+00  }
0xde: {  	[tilespmem:s23+$0xFFFFFFF0] =	vst v1;
	v1 =	vld [tilespmem:s23+$0x0]  }
0xdf: {  	v2 =	vld [tilespmem:s24+$0x0];
	_ =	sdelay $0x1  }
0xe0: {  	v3 =	vld [tilespmem:s22+$0x0];
	_ =	sdelay $0x2  }
0xe1: {  	v1 =	vadd.f32 v2, v1;
	_ =	sdelay $0x1  }
0xe2: {  	v1 =	vadd.f32 v3, v1;
	_ =	sdelay $0x1  }
0xe3: {  	s25 =	simm.s32 $0x1F8;
	s18 =	sadd.s32 $0x50, s23;
	v1 =	vmax.f32 v1, $0.0e+00  }
.LBB2_9:
0xe4: {  	v2 =	vld [tilespmem:s18+$0xFFFFFFC0];
	[tilespmem:s23+$0x0] =	vst v1;
	s24 =	sadd.s32 $0x50, s24;
	s23 =	smov.u32 s18  }
0xe5: {  	s25 =	sadd.s32 $0x5, s25;
	s22 =	sadd.s32 $0x50, s22;
	v1 =	vld [tilespmem:s24+$0xFFFFFFC0]  }
0xe6: {  	p1 =	slt.u32 s25, $0x3E2;
	v3 =	vld [tilespmem:s22+$0xFFFFFFC0];
	_ =	sdelay $0x3  }
0xe7: {  	v1 =	vadd.f32 v1, v2;
	_ =	sdelay $0x1  }
0xe8: {  	v1 =	vadd.f32 v3, v1;
	_ =	sdelay $0x1  }
0xe9: {  	v1 =	vmax.f32 v1, $0.0e+00  }
0xea: {  	[tilespmem:s18+$0xFFFFFFC0] =	vst v1;
	v1 =	vld [tilespmem:s18+$0xFFFFFFD0]  }
0xeb: {  	v2 =	vld [tilespmem:s24+$0xFFFFFFD0];
	_ =	sdelay $0x1  }
0xec: {  	v3 =	vld [tilespmem:s22+$0xFFFFFFD0];
	_ =	sdelay $0x2  }
0xed: {  	v1 =	vadd.f32 v2, v1;
	_ =	sdelay $0x1  }
0xee: {  	v1 =	vadd.f32 v3, v1;
	_ =	sdelay $0x1  }
0xef: {  	v1 =	vmax.f32 v1, $0.0e+00  }
0xf0: {  	[tilespmem:s18+$0xFFFFFFD0] =	vst v1;
	v1 =	vld [tilespmem:s18+$0xFFFFFFE0]  }
0xf1: {  	v2 =	vld [tilespmem:s24+$0xFFFFFFE0];
	_ =	sdelay $0x1  }
0xf2: {  	v3 =	vld [tilespmem:s22+$0xFFFFFFE0];
	_ =	sdelay $0x2  }
0xf3: {  	v1 =	vadd.f32 v2, v1;
	_ =	sdelay $0x1  }
0xf4: {  	v1 =	vadd.f32 v3, v1;
	_ =	sdelay $0x1  }
0xf5: {  	v1 =	vmax.f32 v1, $0.0e+00  }
0xf6: {  	[tilespmem:s18+$0xFFFFFFE0] =	vst v1;
	v1 =	vld [tilespmem:s18+$0xFFFFFFF0]  }
0xf7: {  	v2 =	vld [tilespmem:s24+$0xFFFFFFF0];
	_ =	sdelay $0x1  }
0xf8: {  	v3 =	vld [tilespmem:s22+$0xFFFFFFF0];
	_ =	sdelay $0x2  }
0xf9: {  	v1 =	vadd.f32 v2, v1;
	_ =	sdelay $0x1  }
0xfa: {  	v1 =	vadd.f32 v3, v1;
	_ =	sdelay $0x1  }
0xfb: {  	v1 =	vmax.f32 v1, $0.0e+00  }
0xfc: {  	[tilespmem:s18+$0xFFFFFFF0] =	vst v1;
	v1 =	vld [tilespmem:s18+$0x0]  }
0xfd: {  	v2 =	vld [tilespmem:s24+$0x0]  }
0xfe: {  	v3 =	vld [tilespmem:s22+$0x0];
	_ =	sdelay $0x3  }
.Ltmp3:
0xff: {  	v1 =	vadd.f32 v2, v1;
	(pc) =	sbr.rel @p1 .LBB2_9-.Ltmp3, $3  }
0x100: {  	_ = 	snop  }
0x101: {  	v1 =	vadd.f32 v3, v1;
	_ =	sdelay $0x1  }
0x102: {  	s18 =	sadd.s32 $0x50, s18;
	v1 =	vmax.f32 v1, $0.0e+00  }
0x103: {  	[tilespmem:s23+$0x0] =	vst v1  }
0x104: {  	v1 =	vld [tilespmem:s15+$0x14810]  }
0x105: {  	v2 =	vld [tilespmem:s15+$0x4E10];
	_ =	sdelay $0x1  }
0x106: {  	v3 =	vld [tilespmem:s15+$0xCB10];
	_ =	sdelay $0x2  }
0x107: {  	v1 =	vadd.f32 v2, v1;
	_ =	sdelay $0x1  }
0x108: {  	v1 =	vadd.f32 v3, v1  }
0x109: {  	s18 =	sshll.u32 s21, $0x1  }
0x10a: {  	s18 =	sand.u32 $0x1FFFFFF0, s18;
	v1 =	vmax.f32 v1, $0.0e+00  }
0x10b: {  	p1 =	slt.u32 s19, $0xA;
	s26 =	sadd.s32 s8, s18;
	[tilespmem:s15+$0x14810] =	vst v1  }
0x10c: {  	[hbm4b:s26+s5] =	stream.linear.scatter [tilespmem:s20], [sflag:$0x4], $0x3E80, $0x38;
	[tilespmem:$0x1FBD0] =	vst v63  }
.Ltmp4:
0x10d: {  	_ = 	snop;
	(pc) =	sbr.rel @p1 .LBB2_4-.Ltmp4, $4  }
0x10e: {  	[spmem:s4] =	stream.indirect.scatter.add.f32 [tilespmem:s20], [sflag:$0x5], $0x10, s16, s9, $0xb8;
	[tilespmem:$0x1FBD0] =	vst v63  }
0x10f: {  	_ =	swait.ge [sflag:s28], $0x3E80  }
0x110: {  	[sflag:s28] =	ssyncset.done $0x0  }
0x111: {  	s20 =	smov.u32 s19;
	[sflag:s28] =	ssyncadd.s32 $0xFFFFC180  }
0x112: {  	_ =	swait.ge [sflag:s11], $0x3E80  }
0x113: {  	[sflag:s11] =	ssyncset.done $0x0  }
0x114: {  	[sflag:s11] =	ssyncadd.s32 $0xFFFFC180  }
0x115: {  	[bflag:$0x0] =	sbarrier.arrive $0xFFFF  }
0x116: {  	s15 =	sshrl.u32 s12, $0x3;
	s16 =	rddreg [dreg:$0x9]  }
0x117: {  	[hbm:s16], [sflag:s10] =	dma.local [spmem:s15], $0x4E0  }
0x118: {  	_ =	swait.ge [sflag:s28], $0x4E0  }
0x119: {  	[sflag:s28] =	ssyncset.done $0x0  }
0x11a: {  	s15 =	sshrl.u32 @!p0 s17, $0x3;
	s16 =	rddreg [dreg:$0xc];
	[sflag:s28] =	ssyncadd.s32 $0xFFFFFB20  }
0x11b: {  	[hbm:s16], [sflag:s10] =	dma.local @!p0 [spmem:s15], $0x20  }
0x11c: {  	s15 =	simm.s32 @!p0 $0x5  }
0x11d: {  	_ =	swait.ge @!p0 [sflag:s15], $0x20  }
0x11e: {  	s14 =	sadd.s32 $0x1, s14;
	s26 =	rddreg [dreg:$0xd]  }
0x11f: {  	p1 =	sne.s32 s14, s26  }
.Ltmp5:
0x120: {  	_ = 	snop;
	(pc) =	sbr.rel @p1 .LBB2_1-.Ltmp5, $3  }
0x121: {  	_ =	sdelay $0x1  }
0x122: {  	[sflag:s15] =	ssyncset.done @!p0 $0x0  }
0x123: {  	[sflag:s15] =	ssyncadd.s32 @!p0 $0xFFFFFFE0  }
0x124: {  	_ =	sfence.sel $0x180000  }
0x125: {  	[bflag:$0x0] =	sbarrier.arrive $0xFFFF  }
0x126: {  	_ =	strace $0x90000047  }
0x127: {  	s0 =	stileid.u32;
	[bflag:$0x2] =	sbarrier.arrive $0xFFFF  }
0x128: {  	p0 =	sne.s32 s0, $0x0;
	s0 =	rddreg [dreg:$0x4]  }
0x129: {  	s0 =	sadd.s32 @!p0 $0x100000, s0  }
0x12a: {  	[sflag:s0] =	ssyncadd.tile.s32 @!p0 $0x1;
	_ =	shalt  }
.Lfunc_end2:
_tile_overlayer_lowered:
.L_overlay_start_2:
0x12b: {  	(tag) =	ssettag $0x2  }
0x12c: {  	s0 =	rddreg [dreg:$0x0];
	s2 =	stileid.u32  }
0x12d: {  	s1 =	rddreg [dreg:$0x1];
	p0 =	sne.s32 s2, $0x0  }
0x12e: {  	s3 =	rddreg [dreg:$0x2];
	[bflag:$0x3] =	sbarrier.arrive $0xFFFF;
	s2 =	simm.s32 @!p0 $0x1C05  }
0x12f: {  	[timem:s3], [sflag:s2] =	dma.local @!p0 [hbm:s0], s1  }
0x130: {  	s0 =	simm.s32 @!p0 $0x5  }
0x131: {  	_ =	swait.ge @!p0 [sflag:s0], s1  }
0x132: {  	s1 =	ssub.s32 @!p0 $0x0, s1;
	[sflag:s0] =	ssyncset.done @!p0 $0x0  }
0x133: {  	[sflag:s0] =	ssyncadd.s32 @!p0 s1  }
0x134: {  	[bflag:$0x3] =	sbarrier.arrive $0xFFFF  }
0x135: {  	_ =	shalt  }

</sc_bundles>
